<compile_context>
chip_gen: v7x
topology: tpu7x:2x2x1
jax: 0.10.2.dev20260603
libtpu: 0.0.44.dev20260713+nightly
codegen_flags: <defaults>
</compile_context>

<pallas_src>
import functools

import jax
import jax.numpy as jnp
from jax import lax
from jax.experimental import pallas as pl
from jax.experimental.pallas import tpu as pltpu
from jax.experimental.pallas import tpu_sc as plsc

N = 100000
S = 50000
D = 128
NW = 32
CHUNK = 128
CPW = 13
SP = NW * CPW * CHUNK
PAD = SP - S
NROW = SP // 128
BR = 512
INT_MIN = -2147483648


NBUF = 2


def _sc_gather_body(idx_hbm, feat_hbm, emb_hbm, g_hbm, psum_hbm,
                    idx_v, fbufs, ebufs, acc_v, fs0, fs1, es0, es1):
    fsems = (fs0, fs1)
    esems = (es0, es1)
    wid = lax.axis_index("s") * 2 + lax.axis_index("c")
    pltpu.sync_copy(idx_hbm.at[wid], idx_v)

    def start_gather(c):
        b = c % NBUF
        f = pltpu.async_copy(feat_hbm.at[idx_v.at[c]], fbufs.at[b],
                             fsems[b])
        e = pltpu.async_copy(emb_hbm.at[idx_v.at[c]], ebufs.at[b],
                             esems[b])
        return (f, e)

    gathers = {0: start_gather(0)}
    acc = tuple(jnp.zeros((16,), jnp.float32) for _ in range(8))
    for c in range(CPW):
        b = c % NBUF
        f, e = gathers.pop(c)
        f.wait()
        e.wait()
        if c + 1 < CPW:
            gathers[c + 1] = start_gather(c + 1)
        pltpu.sync_copy(fbufs.at[b], g_hbm.at[wid * CPW + c])

        def row_body(i, a):
            return tuple(a[j] + ebufs[b, i, pl.ds(j * 16, 16)]
                         for j in range(8))

        acc = lax.fori_loop(0, CHUNK, row_body, acc)
    for j in range(8):
        acc_v[pl.ds(j * 16, 16)] = acc[j]
    pltpu.sync_copy(acc_v, psum_hbm.at[wid])


_sc_gather = functools.partial(
    pl.kernel,
    out_type=[
        jax.ShapeDtypeStruct((NW * CPW, CHUNK, D), jnp.float32),
        jax.ShapeDtypeStruct((NW, D), jnp.float32),
    ],
    mesh=plsc.VectorSubcoreMesh(core_axis_name="c", subcore_axis_name="s"),
    scratch_types=[
        pltpu.VMEM((CPW, CHUNK), jnp.int32),
        pltpu.VMEM((NBUF, CHUNK, D), jnp.float32),
        pltpu.VMEM((NBUF, CHUNK, D), jnp.float32),
        pltpu.VMEM((D,), jnp.float32),
    ] + [pltpu.SemaphoreType.DMA] * 4,
)(_sc_gather_body)


def _leaky(x):
    return jnp.where(x >= 0, x, x * jnp.float32(0.01))


def _dotb(a, b):
    return jnp.dot(a.astype(jnp.bfloat16), b.astype(jnp.bfloat16),
                   preferred_element_type=jnp.float32)


def _prep_body(tgt, psum, emb0, feat_t, emb_t, w1, w2, a_w1, a_b1, a_w2t,
               a_b2, a_w3t, a_b3, e_tar_t, e_add_t, e_wl_t, e_ws_t,
               e_b1, wl, ws, add_feat_o, c1_o):
    f32 = jnp.float32
    sub_emb = (jnp.sum(psum[...], axis=0, keepdims=True)
               - f32(PAD) * emb0[0]) * f32(1.0 / S)
    ft = feat_t[0]
    tmp = jnp.maximum(_dotb(ft, w1[...]), 0.0)
    tarfeat = _dotb(tmp, w2[...])
    aw1 = a_w1[...]
    h = a_b1[...]
    h = h + _dotb(sub_emb, aw1[:, 0:128].T)
    h = h + _dotb(emb_t[0], aw1[:, 128:256].T)
    h = h + _dotb(tarfeat, aw1[:, 256:384].T)
    h = h + _dotb(wl[...], aw1[:, 384:512].T)
    h = h + _dotb(ws[...], aw1[:, 512:640].T)
    h = _leaky(h)
    h = _leaky(_dotb(h, a_w2t[...]) + a_b2[...])
    add_feat = _dotb(h, a_w3t[...]) + a_b3[...]
    add_feat_o[...] = add_feat
    inj = jax.nn.sigmoid(add_feat)
    tar_xw = _dotb(_dotb(ft, w1[...]), w2[...])
    add_xw = _dotb(_dotb(inj, w1[...]), w2[...])
    c1_o[...] = (e_b1[...] + _dotb(tar_xw, e_tar_t[...])
                 + _dotb(add_xw, e_add_t[...]) + _dotb(wl[...], e_wl_t[...])
                 + _dotb(ws[...], e_ws_t[...]))


def _prep_call(tgt, psum, node_emb, feat, w1, w2, a_w1, a_b1, a_w2t, a_b2,
               a_w3t, a_b3, e_tar_t, e_add_t, e_wl_t, e_ws_t,
               e_b1, wl, ws):
    node_emb3 = node_emb.reshape(N, 1, D)
    feat3 = feat.reshape(N, 1, D)
    whole = lambda shp: pl.BlockSpec(shp, lambda i, t: (0,) * len(shp))
    tgt_row = pl.BlockSpec((1, 1, D), lambda i, t: (t[0], 0, 0))
    grid_spec = pltpu.PrefetchScalarGridSpec(
        num_scalar_prefetch=1,
        grid=(1,),
        in_specs=[
            whole((NW, D)),
            pl.BlockSpec((1, 1, D), lambda i, t: (0, 0, 0)),
            tgt_row,
            tgt_row,
            whole((D, 64)),
            whole((64, D)),
            whole((D, 640)),
            whole((1, D)),
            whole((D, 512)),
            whole((1, 512)),
            whole((512, D)),
            whole((1, D)),
            whole((D, 512)),
            whole((D, 512)),
            whole((D, 512)),
            whole((D, 512)),
            whole((1, 512)),
            whole((1, D)),
            whole((1, D)),
        ],
        out_specs=[
            whole((1, D)),
            whole((1, 512)),
        ],
    )
    return pl.pallas_call(
        _prep_body,
        grid_spec=grid_spec,
        out_shape=[
            jax.ShapeDtypeStruct((1, D), jnp.float32),
            jax.ShapeDtypeStruct((1, 512), jnp.float32),
        ],
    )(tgt, psum, node_emb3, feat3, node_emb3, w1, w2, a_w1, a_b1, a_w2t, a_b2,
      a_w3t, a_b3, e_tar_t, e_add_t, e_wl_t, e_ws_t, e_b1, wl, ws)


def _mlp_body(g, adj, w1, w2, e_sub_t, c1, ecol, ew2t, eb2, ew3t, eb3, out):
    f32 = jnp.float32
    bf = jnp.bfloat16
    sub_a = _dotb(g[...], w1[...])
    sub_xw = _dotb(sub_a, w2[...])
    adj_term = adj[...].astype(bf).astype(f32) * ecol[...].astype(bf).astype(f32)
    h1 = _dotb(sub_xw, e_sub_t[...]) + adj_term + c1[...]
    h1 = _leaky(h1)
    h2 = _leaky(_dotb(h1, ew2t[...]) + eb2[...])
    out[...] = _dotb(h2, ew3t[...]) + eb3[...]


def _mlp_call(g2, adjp, w1, w2, e_sub_t, c1, ecol, ew2t, eb2, ew3t, eb3):
    row = lambda shp: pl.BlockSpec(shp, lambda i: (i, 0))
    whole = lambda shp: pl.BlockSpec(shp, lambda i: (0,) * len(shp))
    return pl.pallas_call(
        _mlp_body,
        grid=(SP // BR,),
        in_specs=[
            row((BR, D)),
            row((BR, 1)),
            whole((D, 64)),
            whole((64, D)),
            whole((D, 512)),
            whole((1, 512)),
            whole((1, 512)),
            whole((512, 32)),
            whole((1, 32)),
            whole((32, 1)),
            whole((1, 1)),
        ],
        out_specs=row((BR, 1)),
        out_shape=jax.ShapeDtypeStruct((SP, 1), jnp.float32),
    )(g2, adjp, w1, w2, e_sub_t, c1, ecol, ew2t, eb2, ew3t, eb3)


def _select_body(xin, score):
    i32 = jnp.int32
    f32 = jnp.float32
    r = lax.broadcasted_iota(i32, (NROW, 128), 0)
    c = lax.broadcasted_iota(i32, (NROW, 128), 1)
    flat = r * 128 + c
    x = jnp.where(flat < S, xin[...], f32(-3e38))
    imin = jnp.int32(INT_MIN)
    bi = lax.bitcast_convert_type(x, i32)
    key = jnp.where(bi >= 0, bi, jnp.bitwise_xor(jnp.bitwise_not(bi), imin))

    def bit_body(i, cand):
        bit = lax.shift_left(jnp.int32(1), jnp.int32(31) - i)
        trial = jnp.bitwise_or(cand, bit)
        thr = jnp.bitwise_xor(trial, imin)
        cnt = jnp.sum((key >= thr).astype(i32))
        return jnp.where(cnt >= 128, trial, cand)

    cand = lax.fori_loop(0, 32, bit_body, jnp.int32(0))
    thr = jnp.bitwise_xor(cand, imin)
    gt = key > thr
    eq = key == thr
    need = jnp.float32(128) - jnp.sum(gt.astype(i32)).astype(f32)
    eqf = eq.astype(f32)
    rr = lax.broadcasted_iota(i32, (128, 128), 0)
    cc = lax.broadcasted_iota(i32, (128, 128), 1)
    tri = (rr < cc).astype(f32)
    in_row = jnp.dot(eqf, tri, preferred_element_type=f32)
    rowtot = jnp.sum(eqf, axis=1, keepdims=True)
    r2 = lax.broadcasted_iota(i32, (NROW, NROW), 0)
    c2 = lax.broadcasted_iota(i32, (NROW, NROW), 1)
    ltri = (c2 < r2).astype(f32)
    row_off = jnp.dot(ltri, rowtot, preferred_element_type=f32)
    rank = row_off + in_row
    sel = jnp.logical_or(gt, jnp.logical_and(eq, rank < need))
    score[...] = jnp.where(sel, f32(1.0), f32(0.0))


_select_call = pl.pallas_call(
    _select_body,
    out_shape=jax.ShapeDtypeStruct((NROW, 128), jnp.float32),
)


def kernel(target, sub_graph_nodes, budget, feat, nor_adj_tensor, node_emb,
           wlabel, wsec, train_flag, weight1, weight2, a_w1, a_b1, a_w2, a_b2,
           a_w3, a_b3, e_w1, e_b1, e_w2, e_b2, e_w3, e_b3):
    idx = sub_graph_nodes.astype(jnp.int32)
    idxp = jnp.concatenate([idx, jnp.zeros((PAD,), jnp.int32)])
    idxp = idxp.reshape(NW, CPW, CHUNK)

    g3, psum = _sc_gather(idxp, feat, node_emb)

    add_feat2, c1 = _prep_call(
        target.astype(jnp.int32).reshape(1), psum, node_emb, feat,
        weight1, weight2, a_w1, a_b1[None, :], a_w2.T, a_b2[None, :],
        a_w3.T, a_b3[None, :],
        e_w1[:, 0:128].T, e_w1[:, 256:384].T,
        e_w1[:, 385:513].T, e_w1[:, 513:641].T, e_b1[None, :],
        wlabel[None, :], wsec[None, :])

    adjp = jnp.pad(nor_adj_tensor, ((0, PAD), (0, 0)))
    outv = _mlp_call(g3.reshape(SP, D), adjp, weight1, weight2,
                     e_w1[:, 128:256].T, c1,
                     e_w1[:, 384:385].T, e_w2.T, e_b2[None, :],
                     e_w3.T, e_b3[None, :])

    score2 = _select_call(outv.reshape(NROW, 128))
    scale = jnp.asarray(budget, jnp.float32) / jnp.float32(128)
    score = score2.reshape(SP)[:S] * scale
    return add_feat2.reshape(D), score, sub_graph_nodes.reshape(1, S)

# --- scband reference (transcript-rebuilt; emitter-appended) ---
"""Pipeline reference for scband-ratgnn-26663156973810 (READ-ONLY COPY).

The authoritative reference and input builder live on the scoring server;
editing this copy changes nothing except your own understanding.
"""

import jax, jax.numpy as jnp
import numpy as np

N = 100000
S = 50000
D = 128
LD = 128
HID = 64
BUDGET = 128
FEAT_MAX = 1.0
FEAT_MIN = 0.0


def _mlp(x, w1, b1, w2, b2, w3, b3):
    h = jax.nn.leaky_relu(x @ w1.T + b1, negative_slope=0.01)
    h = jax.nn.leaky_relu(h @ w2.T + b2, negative_slope=0.01)
    return h @ w3.T + b3


def _kaiming(key, out_d, in_d):
    return jax.random.normal(key, (out_d, in_d), dtype=jnp.float32) * np.float32(np.sqrt(2.0 / in_d))


def setup_inputs(seed: int = 0):
    key = jax.random.key(seed)
    ks = jax.random.split(key, 24)
    inp = {}
    inp["target"] = jax.random.randint(ks[0], (1,), 0, N)
    inp["sub_graph_nodes"] = jax.random.randint(ks[1], (S,), 0, N)
    inp["budget"] = BUDGET
    inp["feat"] = jax.random.normal(ks[2], (N, D), dtype=jnp.float32)
    inp["nor_adj_tensor"] = jax.random.uniform(ks[3], (S, 1), dtype=jnp.float32)
    inp["node_emb"] = jax.random.normal(ks[4], (N, D), dtype=jnp.float32)
    inp["wlabel"] = jax.random.uniform(ks[5], (LD,), dtype=jnp.float32)
    inp["wsec"] = jax.random.uniform(ks[6], (LD,), dtype=jnp.float32)
    inp["train_flag"] = 1
    inp["weight1"] = jax.random.normal(ks[7], (D, HID), dtype=jnp.float32) * 0.1
    inp["weight2"] = jax.random.normal(ks[8], (HID, LD), dtype=jnp.float32) * 0.1
    a_in = 3 * LD + 2 * D
    inp["a_w1"] = _kaiming(ks[9], 128, a_in)
    inp["a_b1"] = jnp.zeros((128,), jnp.float32)
    inp["a_w2"] = _kaiming(ks[10], 512, 128)
    inp["a_b2"] = jnp.zeros((512,), jnp.float32)
    inp["a_w3"] = _kaiming(ks[11], D, 512)
    inp["a_b3"] = jnp.zeros((D,), jnp.float32)
    e_in = 3 * LD + 2 * D + 1
    inp["e_w1"] = _kaiming(ks[12], 512, e_in)
    inp["e_b1"] = jnp.zeros((512,), jnp.float32)
    inp["e_w2"] = _kaiming(ks[13], 32, 512)
    inp["e_b2"] = jnp.zeros((32,), jnp.float32)
    inp["e_w3"] = _kaiming(ks[14], 1, 32)
    inp["e_b3"] = jnp.zeros((1,), jnp.float32)
    return inp


def reference(target, sub_graph_nodes, budget, feat, nor_adj_tensor, node_emb, wlabel, wsec, train_flag, weight1, weight2, a_w1, a_b1, a_w2, a_b2, a_w3, a_b3, e_w1, e_b1, e_w2, e_b2, e_w3, e_b3):
    wl = wlabel[None, :]
    ws = wsec[None, :]
    # AttrGeneration.pool_func
    sub_graph_emb = jnp.take(node_emb, sub_graph_nodes, axis=0).mean(0)
    tmp_emb = jax.nn.relu(jnp.take(feat, target, axis=0) @ weight1)
    tarfeat_emb = tmp_emb @ weight2
    graph_emb = jnp.concatenate([sub_graph_emb[None, :], jnp.take(node_emb, target, axis=0), tarfeat_emb, wl, ws], axis=1)
    add_feat = _mlp(graph_emb, a_w1, a_b1, a_w2, a_b2, a_w3, a_b3)[0]
    inj_feat = (FEAT_MAX - FEAT_MIN) * jax.nn.sigmoid(add_feat) + FEAT_MIN
    new_feat = jnp.concatenate([feat, inj_feat[None, :]], axis=0)
    # EdgeGeneration.concat (adj_tensor has shape [S, 1] -> used directly)
    sub_xw = (jnp.take(new_feat, sub_graph_nodes, axis=0) @ weight1) @ weight2
    tar_xw = (jnp.take(new_feat, target, axis=0) @ weight1) @ weight2
    add_xw = (new_feat[-1][None, :] @ weight1) @ weight2
    n_sub = sub_graph_nodes.shape[0]
    concat_output = jnp.concatenate([
        jnp.broadcast_to(tar_xw, (n_sub, LD)),
        sub_xw,
        jnp.broadcast_to(add_xw, (n_sub, LD)),
        nor_adj_tensor,
        jnp.broadcast_to(wl, (n_sub, LD)),
        jnp.broadcast_to(ws, (n_sub, LD)),
    ], axis=1)
    output = _mlp(concat_output, e_w1, e_b1, e_w2, e_b2, e_w3, e_b3)[:, 0]
    # st_topk (train_flag=True path)
    soft = jax.nn.softmax(output, axis=-1)
    _, idx = jax.lax.top_k(soft, BUDGET)
    one_val = jnp.asarray(budget, output.dtype) / BUDGET
    hard = jnp.zeros_like(output).at[idx].set(one_val)
    score = hard - jax.lax.stop_gradient(soft) + soft
    masked_score_idx = sub_graph_nodes.reshape(-1)[None, :]
    return (add_feat, score, masked_score_idx)

if __name__ == "__main__":
    import jax
    _d = setup_inputs()
    print(jax.jit(kernel)(*tuple(_d.values())))

</pallas_src>

<mosaic_0001>
#map = affine_map<(d0, d1) -> (0, 0, 0)>
#map1 = affine_map<(d0, d1) -> (0, 0)>
module attributes {stable_mosaic.version = 14 : i64} {
  func.func @_sc_gather_body(%arg0: i32, %arg1: i32, %arg2: memref<32x13x128xi32, #tpu.memory_space<hbm>>, %arg3: memref<100000x128xf32, #tpu.memory_space<hbm>>, %arg4: memref<100000x128xf32, #tpu.memory_space<hbm>>, %arg5: memref<416x128x128xf32, #tpu.memory_space<hbm>>, %arg6: memref<32x128xf32, #tpu.memory_space<hbm>>, %arg7: memref<13x128xi32, #tpu.memory_space<vmem>>, %arg8: memref<2x128x128xf32, #tpu.memory_space<vmem>>, %arg9: memref<2x128x128xf32, #tpu.memory_space<vmem>>, %arg10: memref<128xf32, #tpu.memory_space<vmem>>, %arg11: memref<!tpu.dma_semaphore, #tpu.memory_space<semaphore_mem>>, %arg12: memref<!tpu.dma_semaphore, #tpu.memory_space<semaphore_mem>>, %arg13: memref<!tpu.dma_semaphore, #tpu.memory_space<semaphore_mem>>, %arg14: memref<!tpu.dma_semaphore, #tpu.memory_space<semaphore_mem>>) attributes {dimension_semantics = [#tpu.dimension_semantics<core_parallel>, #tpu.dimension_semantics<subcore_parallel>], iteration_bounds = array<i64: 2, 16>, scalar_prefetch = 0 : i64, scratch_operands = 8 : i64, tpu.core_type = #tpu.core_type<sc_vector_subcore>, window_params = [{transform_indices = #map}, {transform_indices = #map1}, {transform_indices = #map1}, {transform_indices = #map}, {transform_indices = #map1}]} {
    %mul3A = arith.constant 2 : i32
    %mul3A_0 = arith.muli %arg1, %mul3A : i32
    %add3A = arith.addi %mul3A_0, %arg0 : i32
    "tpu.region"() ({
      %run_scoped3A_810 = tpu.sem_alloc : memref<!tpu.dma_semaphore, #tpu.memory_space<semaphore_mem>>
      %dma_start3A_811 = arith.constant 0 : i32
      %dma_start3A_812 = arith.constant 0 : i32
      %dma_start3A_813 = tpu.memref_slice %arg2[%add3A, %dma_start3A_811, %dma_start3A_812] : memref<32x13x128xi32, #tpu.memory_space<hbm>> -> memref<1x13x128xi32, #tpu.memory_space<hbm>>
      %dma_start3A_814 = tpu.memref_squeeze %dma_start3A_813 : memref<1x13x128xi32, #tpu.memory_space<hbm>> -> memref<13x128xi32, #tpu.memory_space<hbm>>
      %dma_start3A_815 = arith.constant 0 : i32
      %dma_start3A_816 = arith.constant 0 : i32
      %dma_start3A_817 = tpu.memref_slice %arg2[%add3A, %dma_start3A_815, %dma_start3A_816] : memref<32x13x128xi32, #tpu.memory_space<hbm>> -> memref<1x13x128xi32, #tpu.memory_space<hbm>>
      %dma_start3A_818 = tpu.memref_squeeze %dma_start3A_817 : memref<1x13x128xi32, #tpu.memory_space<hbm>> -> memref<13x128xi32, #tpu.memory_space<hbm>>
      tpu.enqueue_dma source(%dma_start3A_818 : memref<13x128xi32, #tpu.memory_space<hbm>>) target(%arg7 : memref<13x128xi32, #tpu.memory_space<vmem>>) target_semaphore(%run_scoped3A_810 : memref<!tpu.dma_semaphore, #tpu.memory_space<semaphore_mem>>)
      %dma_wait3A_819 = arith.constant 0 : i32
      %dma_wait3A_820 = arith.constant 0 : i32
      %dma_wait3A_821 = tpu.memref_slice %arg2[%add3A, %dma_wait3A_819, %dma_wait3A_820] : memref<32x13x128xi32, #tpu.memory_space<hbm>> -> memref<1x13x128xi32, #tpu.memory_space<hbm>>
      %dma_wait3A_822 = tpu.memref_squeeze %dma_wait3A_821 : memref<1x13x128xi32, #tpu.memory_space<hbm>> -> memref<13x128xi32, #tpu.memory_space<hbm>>
      %dma_wait3A_823 = arith.constant 0 : i32
      %dma_wait3A_824 = arith.constant 0 : i32
      %dma_wait3A_825 = tpu.memref_slice %arg2[%add3A, %dma_wait3A_823, %dma_wait3A_824] : memref<32x13x128xi32, #tpu.memory_space<hbm>> -> memref<1x13x128xi32, #tpu.memory_space<hbm>>
      %dma_wait3A_826 = tpu.memref_squeeze %dma_wait3A_825 : memref<1x13x128xi32, #tpu.memory_space<hbm>> -> memref<13x128xi32, #tpu.memory_space<hbm>>
      tpu.wait_dma2 semaphore(%run_scoped3A_810 : memref<!tpu.dma_semaphore, #tpu.memory_space<semaphore_mem>>) src(%dma_wait3A_826 : memref<13x128xi32, #tpu.memory_space<hbm>>) dst(%arg7 : memref<13x128xi32, #tpu.memory_space<vmem>>)
      tpu.yield
    }) : () -> ()
    %dma_start3A = arith.constant 0 : i32
    %dma_start3A_1 = arith.constant 0 : i32
    %dma_start3A_2 = arith.constant 0 : i32
    %dma_start3A_3 = arith.constant 0 : i32
    %dma_start3A_4 = tpu.memref_slice %arg8[%dma_start3A_1, %dma_start3A_2, %dma_start3A_3] : memref<2x128x128xf32, #tpu.memory_space<vmem>> -> memref<1x128x128xf32, #tpu.memory_space<vmem>>
    %dma_start3A_5 = tpu.memref_squeeze %dma_start3A_4 : memref<1x128x128xf32, #tpu.memory_space<vmem>> -> memref<128x128xf32, #tpu.memory_space<vmem>>
    %dma_start3A_6 = arith.constant 0 : i32
    %dma_start3A_7 = tpu.memref_slice %arg7[%dma_start3A, %dma_start3A_6] : memref<13x128xi32, #tpu.memory_space<vmem>> -> memref<1x128xi32, #tpu.memory_space<vmem>>
    %dma_start3A_8 = tpu.memref_squeeze %dma_start3A_7 : memref<1x128xi32, #tpu.memory_space<vmem>> -> memref<128xi32, #tpu.memory_space<vmem>>
    %dma_start3A_9 = arith.constant 0 : i32
    %dma_start3A_10 = arith.constant 0 : i32
    %dma_start3A_11 = tpu.memref_slice %arg3[%dma_start3A_9, %dma_start3A_10] : memref<100000x128xf32, #tpu.memory_space<hbm>> -> memref<100000x128xf32, #tpu.memory_space<hbm>>
    tpu.enqueue_indirect_dma source(%dma_start3A_11 : memref<100000x128xf32, #tpu.memory_space<hbm>>) target(%dma_start3A_5 : memref<128x128xf32, #tpu.memory_space<vmem>>) offsets(%dma_start3A_8 : memref<128xi32, #tpu.memory_space<vmem>>) semaphore(%arg11 : memref<!tpu.dma_semaphore, #tpu.memory_space<semaphore_mem>>)
    %dma_start3A_12 = arith.constant 0 : i32
    %dma_start3A_13 = arith.constant 0 : i32
    %dma_start3A_14 = arith.constant 0 : i32
    %dma_start3A_15 = arith.constant 0 : i32
    %dma_start3A_16 = tpu.memref_slice %arg9[%dma_start3A_13, %dma_start3A_14, %dma_start3A_15] : memref<2x128x128xf32, #tpu.memory_space<vmem>> -> memref<1x128x128xf32, #tpu.memory_space<vmem>>
    %dma_start3A_17 = tpu.memref_squeeze %dma_start3A_16 : memref<1x128x128xf32, #tpu.memory_space<vmem>> -> memref<128x128xf32, #tpu.memory_space<vmem>>
    %dma_start3A_18 = arith.constant 0 : i32
    %dma_start3A_19 = tpu.memref_slice %arg7[%dma_start3A_12, %dma_start3A_18] : memref<13x128xi32, #tpu.memory_space<vmem>> -> memref<1x128xi32, #tpu.memory_space<vmem>>
    %dma_start3A_20 = tpu.memref_squeeze %dma_start3A_19 : memref<1x128xi32, #tpu.memory_space<vmem>> -> memref<128xi32, #tpu.memory_space<vmem>>
    %dma_start3A_21 = arith.constant 0 : i32
    %dma_start3A_22 = arith.constant 0 : i32
    %dma_start3A_23 = tpu.memref_slice %arg4[%dma_start3A_21, %dma_start3A_22] : memref<100000x128xf32, #tpu.memory_space<hbm>> -> memref<100000x128xf32, #tpu.memory_space<hbm>>
    tpu.enqueue_indirect_dma source(%dma_start3A_23 : memref<100000x128xf32, #tpu.memory_space<hbm>>) target(%dma_start3A_17 : memref<128x128xf32, #tpu.memory_space<vmem>>) offsets(%dma_start3A_20 : memref<128xi32, #tpu.memory_space<vmem>>) semaphore(%arg13 : memref<!tpu.dma_semaphore, #tpu.memory_space<semaphore_mem>>)
    %broadcast_in_dim3A = arith.constant 0.000000e+00 : f32
    %broadcast_in_dim3A_24 = vector.broadcast %broadcast_in_dim3A : f32 to vector<16xf32>
    %broadcast_in_dim3A_25 = arith.constant 0.000000e+00 : f32
    %broadcast_in_dim3A_26 = vector.broadcast %broadcast_in_dim3A_25 : f32 to vector<16xf32>
    %broadcast_in_dim3A_27 = arith.constant 0.000000e+00 : f32
    %broadcast_in_dim3A_28 = vector.broadcast %broadcast_in_dim3A_27 : f32 to vector<16xf32>
    %broadcast_in_dim3A_29 = arith.constant 0.000000e+00 : f32
    %broadcast_in_dim3A_30 = vector.broadcast %broadcast_in_dim3A_29 : f32 to vector<16xf32>
    %broadcast_in_dim3A_31 = arith.constant 0.000000e+00 : f32
    %broadcast_in_dim3A_32 = vector.broadcast %broadcast_in_dim3A_31 : f32 to vector<16xf32>
    %broadcast_in_dim3A_33 = arith.constant 0.000000e+00 : f32
    %broadcast_in_dim3A_34 = vector.broadcast %broadcast_in_dim3A_33 : f32 to vector<16xf32>
    %broadcast_in_dim3A_35 = arith.constant 0.000000e+00 : f32
    %broadcast_in_dim3A_36 = vector.broadcast %broadcast_in_dim3A_35 : f32 to vector<16xf32>
    %broadcast_in_dim3A_37 = arith.constant 0.000000e+00 : f32
    %broadcast_in_dim3A_38 = vector.broadcast %broadcast_in_dim3A_37 : f32 to vector<16xf32>
    %dma_wait3A = arith.constant 0 : i32
    %dma_wait3A_39 = arith.constant 0 : i32
    %dma_wait3A_40 = arith.constant 0 : i32
    %dma_wait3A_41 = arith.constant 0 : i32
    %dma_wait3A_42 = tpu.memref_slice %arg8[%dma_wait3A_39, %dma_wait3A_40, %dma_wait3A_41] : memref<2x128x128xf32, #tpu.memory_space<vmem>> -> memref<1x128x128xf32, #tpu.memory_space<vmem>>
    %dma_wait3A_43 = tpu.memref_squeeze %dma_wait3A_42 : memref<1x128x128xf32, #tpu.memory_space<vmem>> -> memref<128x128xf32, #tpu.memory_space<vmem>>
    %dma_wait3A_44 = arith.constant 0 : i32
    %dma_wait3A_45 = tpu.memref_slice %arg7[%dma_wait3A, %dma_wait3A_44] : memref<13x128xi32, #tpu.memory_space<vmem>> -> memref<1x128xi32, #tpu.memory_space<vmem>>
    %dma_wait3A_46 = tpu.memref_squeeze %dma_wait3A_45 : memref<1x128xi32, #tpu.memory_space<vmem>> -> memref<128xi32, #tpu.memory_space<vmem>>
    %dma_wait3A_47 = arith.constant 0 : i32
    %dma_wait3A_48 = arith.constant 0 : i32
    %dma_wait3A_49 = tpu.memref_slice %arg3[%dma_wait3A_47, %dma_wait3A_48] : memref<100000x128xf32, #tpu.memory_space<hbm>> -> memref<100000x128xf32, #tpu.memory_space<hbm>>
    tpu.wait_indirect_dma semaphore(%arg11 : memref<!tpu.dma_semaphore, #tpu.memory_space<semaphore_mem>>) src(%dma_wait3A_49 : memref<100000x128xf32, #tpu.memory_space<hbm>>) dst(%dma_wait3A_43 : memref<128x128xf32, #tpu.memory_space<vmem>>)
    %dma_wait3A_50 = arith.constant 0 : i32
    %dma_wait3A_51 = arith.constant 0 : i32
    %dma_wait3A_52 = arith.constant 0 : i32
    %dma_wait3A_53 = arith.constant 0 : i32
    %dma_wait3A_54 = tpu.memref_slice %arg9[%dma_wait3A_51, %dma_wait3A_52, %dma_wait3A_53] : memref<2x128x128xf32, #tpu.memory_space<vmem>> -> memref<1x128x128xf32, #tpu.memory_space<vmem>>
    %dma_wait3A_55 = tpu.memref_squeeze %dma_wait3A_54 : memref<1x128x128xf32, #tpu.memory_space<vmem>> -> memref<128x128xf32, #tpu.memory_space<vmem>>
    %dma_wait3A_56 = arith.constant 0 : i32
    %dma_wait3A_57 = tpu.memref_slice %arg7[%dma_wait3A_50, %dma_wait3A_56] : memref<13x128xi32, #tpu.memory_space<vmem>> -> memref<1x128xi32, #tpu.memory_space<vmem>>
    %dma_wait3A_58 = tpu.memref_squeeze %dma_wait3A_57 : memref<1x128xi32, #tpu.memory_space<vmem>> -> memref<128xi32, #tpu.memory_space<vmem>>
    %dma_wait3A_59 = arith.constant 0 : i32
    %dma_wait3A_60 = arith.constant 0 : i32
    %dma_wait3A_61 = tpu.memref_slice %arg4[%dma_wait3A_59, %dma_wait3A_60] : memref<100000x128xf32, #tpu.memory_space<hbm>> -> memref<100000x128xf32, #tpu.memory_space<hbm>>
    tpu.wait_indirect_dma semaphore(%arg13 : memref<!tpu.dma_semaphore, #tpu.memory_space<semaphore_mem>>) src(%dma_wait3A_61 : memref<100000x128xf32, #tpu.memory_space<hbm>>) dst(%dma_wait3A_55 : memref<128x128xf32, #tpu.memory_space<vmem>>)
    %dma_start3A_62 = arith.constant 1 : i32
    %dma_start3A_63 = arith.constant 1 : i32
    %dma_start3A_64 = arith.constant 0 : i32
    %dma_start3A_65 = arith.constant 0 : i32
    %dma_start3A_66 = tpu.memref_slice %arg8[%dma_start3A_63, %dma_start3A_64, %dma_start3A_65] : memref<2x128x128xf32, #tpu.memory_space<vmem>> -> memref<1x128x128xf32, #tpu.memory_space<vmem>>
    %dma_start3A_67 = tpu.memref_squeeze %dma_start3A_66 : memref<1x128x128xf32, #tpu.memory_space<vmem>> -> memref<128x128xf32, #tpu.memory_space<vmem>>
    %dma_start3A_68 = arith.constant 0 : i32
    %dma_start3A_69 = tpu.memref_slice %arg7[%dma_start3A_62, %dma_start3A_68] : memref<13x128xi32, #tpu.memory_space<vmem>> -> memref<1x128xi32, #tpu.memory_space<vmem>>
    %dma_start3A_70 = tpu.memref_squeeze %dma_start3A_69 : memref<1x128xi32, #tpu.memory_space<vmem>> -> memref<128xi32, #tpu.memory_space<vmem>>
    %dma_start3A_71 = arith.constant 0 : i32
    %dma_start3A_72 = arith.constant 0 : i32
    %dma_start3A_73 = tpu.memref_slice %arg3[%dma_start3A_71, %dma_start3A_72] : memref<100000x128xf32, #tpu.memory_space<hbm>> -> memref<100000x128xf32, #tpu.memory_space<hbm>>
    tpu.enqueue_indirect_dma source(%dma_start3A_73 : memref<100000x128xf32, #tpu.memory_space<hbm>>) target(%dma_start3A_67 : memref<128x128xf32, #tpu.memory_space<vmem>>) offsets(%dma_start3A_70 : memref<128xi32, #tpu.memory_space<vmem>>) semaphore(%arg12 : memref<!tpu.dma_semaphore, #tpu.memory_space<semaphore_mem>>)
    %dma_start3A_74 = arith.constant 1 : i32
    %dma_start3A_75 = arith.constant 1 : i32
    %dma_start3A_76 = arith.constant 0 : i32
    %dma_start3A_77 = arith.constant 0 : i32
    %dma_start3A_78 = tpu.memref_slice %arg9[%dma_start3A_75, %dma_start3A_76, %dma_start3A_77] : memref<2x128x128xf32, #tpu.memory_space<vmem>> -> memref<1x128x128xf32, #tpu.memory_space<vmem>>
    %dma_start3A_79 = tpu.memref_squeeze %dma_start3A_78 : memref<1x128x128xf32, #tpu.memory_space<vmem>> -> memref<128x128xf32, #tpu.memory_space<vmem>>
    %dma_start3A_80 = arith.constant 0 : i32
    %dma_start3A_81 = tpu.memref_slice %arg7[%dma_start3A_74, %dma_start3A_80] : memref<13x128xi32, #tpu.memory_space<vmem>> -> memref<1x128xi32, #tpu.memory_space<vmem>>
    %dma_start3A_82 = tpu.memref_squeeze %dma_start3A_81 : memref<1x128xi32, #tpu.memory_space<vmem>> -> memref<128xi32, #tpu.memory_space<vmem>>
    %dma_start3A_83 = arith.constant 0 : i32
    %dma_start3A_84 = arith.constant 0 : i32
    %dma_start3A_85 = tpu.memref_slice %arg4[%dma_start3A_83, %dma_start3A_84] : memref<100000x128xf32, #tpu.memory_space<hbm>> -> memref<100000x128xf32, #tpu.memory_space<hbm>>
    tpu.enqueue_indirect_dma source(%dma_start3A_85 : memref<100000x128xf32, #tpu.memory_space<hbm>>) target(%dma_start3A_79 : memref<128x128xf32, #tpu.memory_space<vmem>>) offsets(%dma_start3A_82 : memref<128xi32, #tpu.memory_space<vmem>>) semaphore(%arg14 : memref<!tpu.dma_semaphore, #tpu.memory_space<semaphore_mem>>)
    %mul3A_86 = arith.constant 13 : i32
    %mul3A_87 = arith.muli %add3A, %mul3A_86 : i32
    %add3A_88 = arith.constant 0 : i32
    %add3A_89 = arith.addi %mul3A_87, %add3A_88 : i32
    %run_scoped3A = arith.constant 0 : i32
    "tpu.region"() ({
      %run_scoped3A_810 = tpu.sem_alloc : memref<!tpu.dma_semaphore, #tpu.memory_space<semaphore_mem>>
      %dma_start3A_811 = arith.constant 0 : i32
      %dma_start3A_812 = arith.constant 0 : i32
      %dma_start3A_813 = tpu.memref_slice %arg8[%run_scoped3A, %dma_start3A_811, %dma_start3A_812] : memref<2x128x128xf32, #tpu.memory_space<vmem>> -> memref<1x128x128xf32, #tpu.memory_space<vmem>>
      %dma_start3A_814 = tpu.memref_squeeze %dma_start3A_813 : memref<1x128x128xf32, #tpu.memory_space<vmem>> -> memref<128x128xf32, #tpu.memory_space<vmem>>
      %dma_start3A_815 = arith.constant 0 : i32
      %dma_start3A_816 = arith.constant 0 : i32
      %dma_start3A_817 = tpu.memref_slice %arg5[%add3A_89, %dma_start3A_815, %dma_start3A_816] : memref<416x128x128xf32, #tpu.memory_space<hbm>> -> memref<1x128x128xf32, #tpu.memory_space<hbm>>
      %dma_start3A_818 = tpu.memref_squeeze %dma_start3A_817 : memref<1x128x128xf32, #tpu.memory_space<hbm>> -> memref<128x128xf32, #tpu.memory_space<hbm>>
      %dma_start3A_819 = arith.constant 0 : i32
      %dma_start3A_820 = arith.constant 0 : i32
      %dma_start3A_821 = tpu.memref_slice %arg5[%add3A_89, %dma_start3A_819, %dma_start3A_820] : memref<416x128x128xf32, #tpu.memory_space<hbm>> -> memref<1x128x128xf32, #tpu.memory_space<hbm>>
      %dma_start3A_822 = tpu.memref_squeeze %dma_start3A_821 : memref<1x128x128xf32, #tpu.memory_space<hbm>> -> memref<128x128xf32, #tpu.memory_space<hbm>>
      %dma_start3A_823 = arith.constant 0 : i32
      %dma_start3A_824 = arith.constant 0 : i32
      %dma_start3A_825 = tpu.memref_slice %arg8[%run_scoped3A, %dma_start3A_823, %dma_start3A_824] : memref<2x128x128xf32, #tpu.memory_space<vmem>> -> memref<1x128x128xf32, #tpu.memory_space<vmem>>
      %dma_start3A_826 = tpu.memref_squeeze %dma_start3A_825 : memref<1x128x128xf32, #tpu.memory_space<vmem>> -> memref<128x128xf32, #tpu.memory_space<vmem>>
      tpu.enqueue_dma source(%dma_start3A_826 : memref<128x128xf32, #tpu.memory_space<vmem>>) target(%dma_start3A_822 : memref<128x128xf32, #tpu.memory_space<hbm>>) target_semaphore(%run_scoped3A_810 : memref<!tpu.dma_semaphore, #tpu.memory_space<semaphore_mem>>)
      %dma_wait3A_827 = arith.constant 0 : i32
      %dma_wait3A_828 = arith.constant 0 : i32
      %dma_wait3A_829 = tpu.memref_slice %arg8[%run_scoped3A, %dma_wait3A_827, %dma_wait3A_828] : memref<2x128x128xf32, #tpu.memory_space<vmem>> -> memref<1x128x128xf32, #tpu.memory_space<vmem>>
      %dma_wait3A_830 = tpu.memref_squeeze %dma_wait3A_829 : memref<1x128x128xf32, #tpu.memory_space<vmem>> -> memref<128x128xf32, #tpu.memory_space<vmem>>
      %dma_wait3A_831 = arith.constant 0 : i32
      %dma_wait3A_832 = arith.constant 0 : i32
      %dma_wait3A_833 = tpu.memref_slice %arg5[%add3A_89, %dma_wait3A_831, %dma_wait3A_832] : memref<416x128x128xf32, #tpu.memory_space<hbm>> -> memref<1x128x128xf32, #tpu.memory_space<hbm>>
      %dma_wait3A_834 = tpu.memref_squeeze %dma_wait3A_833 : memref<1x128x128xf32, #tpu.memory_space<hbm>> -> memref<128x128xf32, #tpu.memory_space<hbm>>
      %dma_wait3A_835 = arith.constant 0 : i32
      %dma_wait3A_836 = arith.constant 0 : i32
      %dma_wait3A_837 = tpu.memref_slice %arg5[%add3A_89, %dma_wait3A_835, %dma_wait3A_836] : memref<416x128x128xf32, #tpu.memory_space<hbm>> -> memref<1x128x128xf32, #tpu.memory_space<hbm>>
      %dma_wait3A_838 = tpu.memref_squeeze %dma_wait3A_837 : memref<1x128x128xf32, #tpu.memory_space<hbm>> -> memref<128x128xf32, #tpu.memory_space<hbm>>
      %dma_wait3A_839 = arith.constant 0 : i32
      %dma_wait3A_840 = arith.constant 0 : i32
      %dma_wait3A_841 = tpu.memref_slice %arg8[%run_scoped3A, %dma_wait3A_839, %dma_wait3A_840] : memref<2x128x128xf32, #tpu.memory_space<vmem>> -> memref<1x128x128xf32, #tpu.memory_space<vmem>>
      %dma_wait3A_842 = tpu.memref_squeeze %dma_wait3A_841 : memref<1x128x128xf32, #tpu.memory_space<vmem>> -> memref<128x128xf32, #tpu.memory_space<vmem>>
      tpu.wait_dma2 semaphore(%run_scoped3A_810 : memref<!tpu.dma_semaphore, #tpu.memory_space<semaphore_mem>>) src(%dma_wait3A_842 : memref<128x128xf32, #tpu.memory_space<vmem>>) dst(%dma_wait3A_838 : memref<128x128xf32, #tpu.memory_space<hbm>>)
      tpu.yield
    }) : () -> ()
    %scan3A = arith.constant 0 : i32
    %scan3A_90 = arith.constant 128 : i32
    %scan3A_91 = arith.addi %scan3A, %scan3A_90 : i32
    %scan3A_92 = arith.constant 1 : i32
    %scan3A_93:8 = scf.for %scan3A_810 = %scan3A to %scan3A_91 step %scan3A_92 iter_args(%scan3A_811 = %broadcast_in_dim3A_24, %scan3A_812 = %broadcast_in_dim3A_26, %scan3A_813 = %broadcast_in_dim3A_28, %scan3A_814 = %broadcast_in_dim3A_30, %scan3A_815 = %broadcast_in_dim3A_32, %scan3A_816 = %broadcast_in_dim3A_34, %scan3A_817 = %broadcast_in_dim3A_36, %scan3A_818 = %broadcast_in_dim3A_38) -> (vector<16xf32>, vector<16xf32>, vector<16xf32>, vector<16xf32>, vector<16xf32>, vector<16xf32>, vector<16xf32>, vector<16xf32>)  : i32 {
      %get3A = arith.constant 0 : i32
      %get3A_819 = arith.index_cast %get3A : i32 to index
      %get3A_820 = arith.index_cast %scan3A_810 : i32 to index
      %get3A_821 = arith.constant 0 : index
      %get3A_822 = tpu.vector_load %arg9[%get3A_819, %get3A_820, %get3A_821] {strides = array<i32>} : memref<2x128x128xf32, #tpu.memory_space<vmem>>, vector<1x1x16xf32>,
      %get3A_823 = vector.shape_cast %get3A_822 : vector<1x1x16xf32> to vector<16xf32>
      %add3A_824 = arith.addf %scan3A_811, %get3A_823 : vector<16xf32>
      %get3A_825 = arith.constant 0 : i32
      %get3A_826 = arith.index_cast %get3A_825 : i32 to index
      %get3A_827 = arith.index_cast %scan3A_810 : i32 to index
      %get3A_828 = arith.constant 16 : index
      %get3A_829 = tpu.vector_load %arg9[%get3A_826, %get3A_827, %get3A_828] {strides = array<i32>} : memref<2x128x128xf32, #tpu.memory_space<vmem>>, vector<1x1x16xf32>,
      %get3A_830 = vector.shape_cast %get3A_829 : vector<1x1x16xf32> to vector<16xf32>
      %add3A_831 = arith.addf %scan3A_812, %get3A_830 : vector<16xf32>
      %get3A_832 = arith.constant 0 : i32
      %get3A_833 = arith.index_cast %get3A_832 : i32 to index
      %get3A_834 = arith.index_cast %scan3A_810 : i32 to index
      %get3A_835 = arith.constant 32 : index
      %get3A_836 = tpu.vector_load %arg9[%get3A_833, %get3A_834, %get3A_835] {strides = array<i32>} : memref<2x128x128xf32, #tpu.memory_space<vmem>>, vector<1x1x16xf32>,
      %get3A_837 = vector.shape_cast %get3A_836 : vector<1x1x16xf32> to vector<16xf32>
      %add3A_838 = arith.addf %scan3A_813, %get3A_837 : vector<16xf32>
      %get3A_839 = arith.constant 0 : i32
      %get3A_840 = arith.index_cast %get3A_839 : i32 to index
      %get3A_841 = arith.index_cast %scan3A_810 : i32 to index
      %get3A_842 = arith.constant 48 : index
      %get3A_843 = tpu.vector_load %arg9[%get3A_840, %get3A_841, %get3A_842] {strides = array<i32>} : memref<2x128x128xf32, #tpu.memory_space<vmem>>, vector<1x1x16xf32>,
      %get3A_844 = vector.shape_cast %get3A_843 : vector<1x1x16xf32> to vector<16xf32>
      %add3A_845 = arith.addf %scan3A_814, %get3A_844 : vector<16xf32>
      %get3A_846 = arith.constant 0 : i32
      %get3A_847 = arith.index_cast %get3A_846 : i32 to index
      %get3A_848 = arith.index_cast %scan3A_810 : i32 to index
      %get3A_849 = arith.constant 64 : index
      %get3A_850 = tpu.vector_load %arg9[%get3A_847, %get3A_848, %get3A_849] {strides = array<i32>} : memref<2x128x128xf32, #tpu.memory_space<vmem>>, vector<1x1x16xf32>,
      %get3A_851 = vector.shape_cast %get3A_850 : vector<1x1x16xf32> to vector<16xf32>
      %add3A_852 = arith.addf %scan3A_815, %get3A_851 : vector<16xf32>
      %get3A_853 = arith.constant 0 : i32
      %get3A_854 = arith.index_cast %get3A_853 : i32 to index
      %get3A_855 = arith.index_cast %scan3A_810 : i32 to index
      %get3A_856 = arith.constant 80 : index
      %get3A_857 = tpu.vector_load %arg9[%get3A_854, %get3A_855, %get3A_856] {strides = array<i32>} : memref<2x128x128xf32, #tpu.memory_space<vmem>>, vector<1x1x16xf32>,
      %get3A_858 = vector.shape_cast %get3A_857 : vector<1x1x16xf32> to vector<16xf32>
      %add3A_859 = arith.addf %scan3A_816, %get3A_858 : vector<16xf32>
      %get3A_860 = arith.constant 0 : i32
      %get3A_861 = arith.index_cast %get3A_860 : i32 to index
      %get3A_862 = arith.index_cast %scan3A_810 : i32 to index
      %get3A_863 = arith.constant 96 : index
      %get3A_864 = tpu.vector_load %arg9[%get3A_861, %get3A_862, %get3A_863] {strides = array<i32>} : memref<2x128x128xf32, #tpu.memory_space<vmem>>, vector<1x1x16xf32>,
      %get3A_865 = vector.shape_cast %get3A_864 : vector<1x1x16xf32> to vector<16xf32>
      %add3A_866 = arith.addf %scan3A_817, %get3A_865 : vector<16xf32>
      %get3A_867 = arith.constant 0 : i32
      %get3A_868 = arith.index_cast %get3A_867 : i32 to index
      %get3A_869 = arith.index_cast %scan3A_810 : i32 to index
      %get3A_870 = arith.constant 112 : index
      %get3A_871 = tpu.vector_load %arg9[%get3A_868, %get3A_869, %get3A_870] {strides = array<i32>} : memref<2x128x128xf32, #tpu.memory_space<vmem>>, vector<1x1x16xf32>,
      %get3A_872 = vector.shape_cast %get3A_871 : vector<1x1x16xf32> to vector<16xf32>
      %add3A_873 = arith.addf %scan3A_818, %get3A_872 : vector<16xf32>
      scf.yield %add3A_824, %add3A_831, %add3A_838, %add3A_845, %add3A_852, %add3A_859, %add3A_866, %add3A_873 : vector<16xf32>, vector<16xf32>, vector<16xf32>, vector<16xf32>, vector<16xf32>, vector<16xf32>, vector<16xf32>, vector<16xf32>
    }
    %scan3A_94 = arith.constant 128 : i32
    %dma_wait3A_95 = arith.constant 1 : i32
    %dma_wait3A_96 = arith.constant 1 : i32
    %dma_wait3A_97 = arith.constant 0 : i32
    %dma_wait3A_98 = arith.constant 0 : i32
    %dma_wait3A_99 = tpu.memref_slice %arg8[%dma_wait3A_96, %dma_wait3A_97, %dma_wait3A_98] : memref<2x128x128xf32, #tpu.memory_space<vmem>> -> memref<1x128x128xf32, #tpu.memory_space<vmem>>
    %dma_wait3A_100 = tpu.memref_squeeze %dma_wait3A_99 : memref<1x128x128xf32, #tpu.memory_space<vmem>> -> memref<128x128xf32, #tpu.memory_space<vmem>>
    %dma_wait3A_101 = arith.constant 0 : i32
    %dma_wait3A_102 = tpu.memref_slice %arg7[%dma_wait3A_95, %dma_wait3A_101] : memref<13x128xi32, #tpu.memory_space<vmem>> -> memref<1x128xi32, #tpu.memory_space<vmem>>
    %dma_wait3A_103 = tpu.memref_squeeze %dma_wait3A_102 : memref<1x128xi32, #tpu.memory_space<vmem>> -> memref<128xi32, #tpu.memory_space<vmem>>
    %dma_wait3A_104 = arith.constant 0 : i32
    %dma_wait3A_105 = arith.constant 0 : i32
    %dma_wait3A_106 = tpu.memref_slice %arg3[%dma_wait3A_104, %dma_wait3A_105] : memref<100000x128xf32, #tpu.memory_space<hbm>> -> memref<100000x128xf32, #tpu.memory_space<hbm>>
    tpu.wait_indirect_dma semaphore(%arg12 : memref<!tpu.dma_semaphore, #tpu.memory_space<semaphore_mem>>) src(%dma_wait3A_106 : memref<100000x128xf32, #tpu.memory_space<hbm>>) dst(%dma_wait3A_100 : memref<128x128xf32, #tpu.memory_space<vmem>>)
    %dma_wait3A_107 = arith.constant 1 : i32
    %dma_wait3A_108 = arith.constant 1 : i32
    %dma_wait3A_109 = arith.constant 0 : i32
    %dma_wait3A_110 = arith.constant 0 : i32
    %dma_wait3A_111 = tpu.memref_slice %arg9[%dma_wait3A_108, %dma_wait3A_109, %dma_wait3A_110] : memref<2x128x128xf32, #tpu.memory_space<vmem>> -> memref<1x128x128xf32, #tpu.memory_space<vmem>>
    %dma_wait3A_112 = tpu.memref_squeeze %dma_wait3A_111 : memref<1x128x128xf32, #tpu.memory_space<vmem>> -> memref<128x128xf32, #tpu.memory_space<vmem>>
    %dma_wait3A_113 = arith.constant 0 : i32
    %dma_wait3A_114 = tpu.memref_slice %arg7[%dma_wait3A_107, %dma_wait3A_113] : memref<13x128xi32, #tpu.memory_space<vmem>> -> memref<1x128xi32, #tpu.memory_space<vmem>>
    %dma_wait3A_115 = tpu.memref_squeeze %dma_wait3A_114 : memref<1x128xi32, #tpu.memory_space<vmem>> -> memref<128xi32, #tpu.memory_space<vmem>>
    %dma_wait3A_116 = arith.constant 0 : i32
    %dma_wait3A_117 = arith.constant 0 : i32
    %dma_wait3A_118 = tpu.memref_slice %arg4[%dma_wait3A_116, %dma_wait3A_117] : memref<100000x128xf32, #tpu.memory_space<hbm>> -> memref<100000x128xf32, #tpu.memory_space<hbm>>
    tpu.wait_indirect_dma semaphore(%arg14 : memref<!tpu.dma_semaphore, #tpu.memory_space<semaphore_mem>>) src(%dma_wait3A_118 : memref<100000x128xf32, #tpu.memory_space<hbm>>) dst(%dma_wait3A_112 : memref<128x128xf32, #tpu.memory_space<vmem>>)
    %dma_start3A_119 = arith.constant 2 : i32
    %dma_start3A_120 = arith.constant 0 : i32
    %dma_start3A_121 = arith.constant 0 : i32
    %dma_start3A_122 = arith.constant 0 : i32
    %dma_start3A_123 = tpu.memref_slice %arg8[%dma_start3A_120, %dma_start3A_121, %dma_start3A_122] : memref<2x128x128xf32, #tpu.memory_space<vmem>> -> memref<1x128x128xf32, #tpu.memory_space<vmem>>
    %dma_start3A_124 = tpu.memref_squeeze %dma_start3A_123 : memref<1x128x128xf32, #tpu.memory_space<vmem>> -> memref<128x128xf32, #tpu.memory_space<vmem>>
    %dma_start3A_125 = arith.constant 0 : i32
    %dma_start3A_126 = tpu.memref_slice %arg7[%dma_start3A_119, %dma_start3A_125] : memref<13x128xi32, #tpu.memory_space<vmem>> -> memref<1x128xi32, #tpu.memory_space<vmem>>
    %dma_start3A_127 = tpu.memref_squeeze %dma_start3A_126 : memref<1x128xi32, #tpu.memory_space<vmem>> -> memref<128xi32, #tpu.memory_space<vmem>>
    %dma_start3A_128 = arith.constant 0 : i32
    %dma_start3A_129 = arith.constant 0 : i32
    %dma_start3A_130 = tpu.memref_slice %arg3[%dma_start3A_128, %dma_start3A_129] : memref<100000x128xf32, #tpu.memory_space<hbm>> -> memref<100000x128xf32, #tpu.memory_space<hbm>>
    tpu.enqueue_indirect_dma source(%dma_start3A_130 : memref<100000x128xf32, #tpu.memory_space<hbm>>) target(%dma_start3A_124 : memref<128x128xf32, #tpu.memory_space<vmem>>) offsets(%dma_start3A_127 : memref<128xi32, #tpu.memory_space<vmem>>) semaphore(%arg11 : memref<!tpu.dma_semaphore, #tpu.memory_space<semaphore_mem>>)
    %dma_start3A_131 = arith.constant 2 : i32
    %dma_start3A_132 = arith.constant 0 : i32
    %dma_start3A_133 = arith.constant 0 : i32
    %dma_start3A_134 = arith.constant 0 : i32
    %dma_start3A_135 = tpu.memref_slice %arg9[%dma_start3A_132, %dma_start3A_133, %dma_start3A_134] : memref<2x128x128xf32, #tpu.memory_space<vmem>> -> memref<1x128x128xf32, #tpu.memory_space<vmem>>
    %dma_start3A_136 = tpu.memref_squeeze %dma_start3A_135 : memref<1x128x128xf32, #tpu.memory_space<vmem>> -> memref<128x128xf32, #tpu.memory_space<vmem>>
    %dma_start3A_137 = arith.constant 0 : i32
    %dma_start3A_138 = tpu.memref_slice %arg7[%dma_start3A_131, %dma_start3A_137] : memref<13x128xi32, #tpu.memory_space<vmem>> -> memref<1x128xi32, #tpu.memory_space<vmem>>
    %dma_start3A_139 = tpu.memref_squeeze %dma_start3A_138 : memref<1x128xi32, #tpu.memory_space<vmem>> -> memref<128xi32, #tpu.memory_space<vmem>>
    %dma_start3A_140 = arith.constant 0 : i32
    %dma_start3A_141 = arith.constant 0 : i32
    %dma_start3A_142 = tpu.memref_slice %arg4[%dma_start3A_140, %dma_start3A_141] : memref<100000x128xf32, #tpu.memory_space<hbm>> -> memref<100000x128xf32, #tpu.memory_space<hbm>>
    tpu.enqueue_indirect_dma source(%dma_start3A_142 : memref<100000x128xf32, #tpu.memory_space<hbm>>) target(%dma_start3A_136 : memref<128x128xf32, #tpu.memory_space<vmem>>) offsets(%dma_start3A_139 : memref<128xi32, #tpu.memory_space<vmem>>) semaphore(%arg13 : memref<!tpu.dma_semaphore, #tpu.memory_space<semaphore_mem>>)
    %mul3A_143 = arith.constant 13 : i32
    %mul3A_144 = arith.muli %add3A, %mul3A_143 : i32
    %add3A_145 = arith.constant 1 : i32
    %add3A_146 = arith.addi %mul3A_144, %add3A_145 : i32
    %run_scoped3A_147 = arith.constant 1 : i32
    "tpu.region"() ({
      %run_scoped3A_810 = tpu.sem_alloc : memref<!tpu.dma_semaphore, #tpu.memory_space<semaphore_mem>>
      %dma_start3A_811 = arith.constant 0 : i32
      %dma_start3A_812 = arith.constant 0 : i32
      %dma_start3A_813 = tpu.memref_slice %arg8[%run_scoped3A_147, %dma_start3A_811, %dma_start3A_812] : memref<2x128x128xf32, #tpu.memory_space<vmem>> -> memref<1x128x128xf32, #tpu.memory_space<vmem>>
      %dma_start3A_814 = tpu.memref_squeeze %dma_start3A_813 : memref<1x128x128xf32, #tpu.memory_space<vmem>> -> memref<128x128xf32, #tpu.memory_space<vmem>>
      %dma_start3A_815 = arith.constant 0 : i32
      %dma_start3A_816 = arith.constant 0 : i32
      %dma_start3A_817 = tpu.memref_slice %arg5[%add3A_146, %dma_start3A_815, %dma_start3A_816] : memref<416x128x128xf32, #tpu.memory_space<hbm>> -> memref<1x128x128xf32, #tpu.memory_space<hbm>>
      %dma_start3A_818 = tpu.memref_squeeze %dma_start3A_817 : memref<1x128x128xf32, #tpu.memory_space<hbm>> -> memref<128x128xf32, #tpu.memory_space<hbm>>
      %dma_start3A_819 = arith.constant 0 : i32
      %dma_start3A_820 = arith.constant 0 : i32
      %dma_start3A_821 = tpu.memref_slice %arg5[%add3A_146, %dma_start3A_819, %dma_start3A_820] : memref<416x128x128xf32, #tpu.memory_space<hbm>> -> memref<1x128x128xf32, #tpu.memory_space<hbm>>
      %dma_start3A_822 = tpu.memref_squeeze %dma_start3A_821 : memref<1x128x128xf32, #tpu.memory_space<hbm>> -> memref<128x128xf32, #tpu.memory_space<hbm>>
      %dma_start3A_823 = arith.constant 0 : i32
      %dma_start3A_824 = arith.constant 0 : i32
      %dma_start3A_825 = tpu.memref_slice %arg8[%run_scoped3A_147, %dma_start3A_823, %dma_start3A_824] : memref<2x128x128xf32, #tpu.memory_space<vmem>> -> memref<1x128x128xf32, #tpu.memory_space<vmem>>
      %dma_start3A_826 = tpu.memref_squeeze %dma_start3A_825 : memref<1x128x128xf32, #tpu.memory_space<vmem>> -> memref<128x128xf32, #tpu.memory_space<vmem>>
      tpu.enqueue_dma source(%dma_start3A_826 : memref<128x128xf32, #tpu.memory_space<vmem>>) target(%dma_start3A_822 : memref<128x128xf32, #tpu.memory_space<hbm>>) target_semaphore(%run_scoped3A_810 : memref<!tpu.dma_semaphore, #tpu.memory_space<semaphore_mem>>)
      %dma_wait3A_827 = arith.constant 0 : i32
      %dma_wait3A_828 = arith.constant 0 : i32
      %dma_wait3A_829 = tpu.memref_slice %arg8[%run_scoped3A_147, %dma_wait3A_827, %dma_wait3A_828] : memref<2x128x128xf32, #tpu.memory_space<vmem>> -> memref<1x128x128xf32, #tpu.memory_space<vmem>>
      %dma_wait3A_830 = tpu.memref_squeeze %dma_wait3A_829 : memref<1x128x128xf32, #tpu.memory_space<vmem>> -> memref<128x128xf32, #tpu.memory_space<vmem>>
      %dma_wait3A_831 = arith.constant 0 : i32
      %dma_wait3A_832 = arith.constant 0 : i32
      %dma_wait3A_833 = tpu.memref_slice %arg5[%add3A_146, %dma_wait3A_831, %dma_wait3A_832] : memref<416x128x128xf32, #tpu.memory_space<hbm>> -> memref<1x128x128xf32, #tpu.memory_space<hbm>>
      %dma_wait3A_834 = tpu.memref_squeeze %dma_wait3A_833 : memref<1x128x128xf32, #tpu.memory_space<hbm>> -> memref<128x128xf32, #tpu.memory_space<hbm>>
      %dma_wait3A_835 = arith.constant 0 : i32
      %dma_wait3A_836 = arith.constant 0 : i32
      %dma_wait3A_837 = tpu.memref_slice %arg5[%add3A_146, %dma_wait3A_835, %dma_wait3A_836] : memref<416x128x128xf32, #tpu.memory_space<hbm>> -> memref<1x128x128xf32, #tpu.memory_space<hbm>>
      %dma_wait3A_838 = tpu.memref_squeeze %dma_wait3A_837 : memref<1x128x128xf32, #tpu.memory_space<hbm>> -> memref<128x128xf32, #tpu.memory_space<hbm>>
      %dma_wait3A_839 = arith.constant 0 : i32
      %dma_wait3A_840 = arith.constant 0 : i32
      %dma_wait3A_841 = tpu.memref_slice %arg8[%run_scoped3A_147, %dma_wait3A_839, %dma_wait3A_840] : memref<2x128x128xf32, #tpu.memory_space<vmem>> -> memref<1x128x128xf32, #tpu.memory_space<vmem>>
      %dma_wait3A_842 = tpu.memref_squeeze %dma_wait3A_841 : memref<1x128x128xf32, #tpu.memory_space<vmem>> -> memref<128x128xf32, #tpu.memory_space<vmem>>
      tpu.wait_dma2 semaphore(%run_scoped3A_810 : memref<!tpu.dma_semaphore, #tpu.memory_space<semaphore_mem>>) src(%dma_wait3A_842 : memref<128x128xf32, #tpu.memory_space<vmem>>) dst(%dma_wait3A_838 : memref<128x128xf32, #tpu.memory_space<hbm>>)
      tpu.yield
    }) : () -> ()
    %scan3A_148 = arith.constant 0 : i32
    %scan3A_149 = arith.constant 128 : i32
    %scan3A_150 = arith.addi %scan3A_148, %scan3A_149 : i32
    %scan3A_151 = arith.constant 1 : i32
    %scan3A_152:8 = scf.for %scan3A_810 = %scan3A_148 to %scan3A_150 step %scan3A_151 iter_args(%scan3A_811 = %scan3A_93#0, %scan3A_812 = %scan3A_93#1, %scan3A_813 = %scan3A_93#2, %scan3A_814 = %scan3A_93#3, %scan3A_815 = %scan3A_93#4, %scan3A_816 = %scan3A_93#5, %scan3A_817 = %scan3A_93#6, %scan3A_818 = %scan3A_93#7) -> (vector<16xf32>, vector<16xf32>, vector<16xf32>, vector<16xf32>, vector<16xf32>, vector<16xf32>, vector<16xf32>, vector<16xf32>)  : i32 {
      %get3A = arith.constant 1 : i32
      %get3A_819 = arith.index_cast %get3A : i32 to index
      %get3A_820 = arith.index_cast %scan3A_810 : i32 to index
      %get3A_821 = arith.constant 0 : index
      %get3A_822 = tpu.vector_load %arg9[%get3A_819, %get3A_820, %get3A_821] {strides = array<i32>} : memref<2x128x128xf32, #tpu.memory_space<vmem>>, vector<1x1x16xf32>,
      %get3A_823 = vector.shape_cast %get3A_822 : vector<1x1x16xf32> to vector<16xf32>
      %add3A_824 = arith.addf %scan3A_811, %get3A_823 : vector<16xf32>
      %get3A_825 = arith.constant 1 : i32
      %get3A_826 = arith.index_cast %get3A_825 : i32 to index
      %get3A_827 = arith.index_cast %scan3A_810 : i32 to index
      %get3A_828 = arith.constant 16 : index
      %get3A_829 = tpu.vector_load %arg9[%get3A_826, %get3A_827, %get3A_828] {strides = array<i32>} : memref<2x128x128xf32, #tpu.memory_space<vmem>>, vector<1x1x16xf32>,
      %get3A_830 = vector.shape_cast %get3A_829 : vector<1x1x16xf32> to vector<16xf32>
      %add3A_831 = arith.addf %scan3A_812, %get3A_830 : vector<16xf32>
      %get3A_832 = arith.constant 1 : i32
      %get3A_833 = arith.index_cast %get3A_832 : i32 to index
      %get3A_834 = arith.index_cast %scan3A_810 : i32 to index
      %get3A_835 = arith.constant 32 : index
      %get3A_836 = tpu.vector_load %arg9[%get3A_833, %get3A_834, %get3A_835] {strides = array<i32>} : memref<2x128x128xf32, #tpu.memory_space<vmem>>, vector<1x1x16xf32>,
      %get3A_837 = vector.shape_cast %get3A_836 : vector<1x1x16xf32> to vector<16xf32>
      %add3A_838 = arith.addf %scan3A_813, %get3A_837 : vector<16xf32>
      %get3A_839 = arith.constant 1 : i32
      %get3A_840 = arith.index_cast %get3A_839 : i32 to index
      %get3A_841 = arith.index_cast %scan3A_810 : i32 to index
      %get3A_842 = arith.constant 48 : index
      %get3A_843 = tpu.vector_load %arg9[%get3A_840, %get3A_841, %get3A_842] {strides = array<i32>} : memref<2x128x128xf32, #tpu.memory_space<vmem>>, vector<1x1x16xf32>,
      %get3A_844 = vector.shape_cast %get3A_843 : vector<1x1x16xf32> to vector<16xf32>
      %add3A_845 = arith.addf %scan3A_814, %get3A_844 : vector<16xf32>
      %get3A_846 = arith.constant 1 : i32
      %get3A_847 = arith.index_cast %get3A_846 : i32 to index
      %get3A_848 = arith.index_cast %scan3A_810 : i32 to index
      %get3A_849 = arith.constant 64 : index
      %get3A_850 = tpu.vector_load %arg9[%get3A_847, %get3A_848, %get3A_849] {strides = array<i32>} : memref<2x128x128xf32, #tpu.memory_space<vmem>>, vector<1x1x16xf32>,
      %get3A_851 = vector.shape_cast %get3A_850 : vector<1x1x16xf32> to vector<16xf32>
      %add3A_852 = arith.addf %scan3A_815, %get3A_851 : vector<16xf32>
      %get3A_853 = arith.constant 1 : i32
      %get3A_854 = arith.index_cast %get3A_853 : i32 to index
      %get3A_855 = arith.index_cast %scan3A_810 : i32 to index
      %get3A_856 = arith.constant 80 : index
      %get3A_857 = tpu.vector_load %arg9[%get3A_854, %get3A_855, %get3A_856] {strides = array<i32>} : memref<2x128x128xf32, #tpu.memory_space<vmem>>, vector<1x1x16xf32>,
      %get3A_858 = vector.shape_cast %get3A_857 : vector<1x1x16xf32> to vector<16xf32>
      %add3A_859 = arith.addf %scan3A_816, %get3A_858 : vector<16xf32>
      %get3A_860 = arith.constant 1 : i32
      %get3A_861 = arith.index_cast %get3A_860 : i32 to index
      %get3A_862 = arith.index_cast %scan3A_810 : i32 to index
      %get3A_863 = arith.constant 96 : index
      %get3A_864 = tpu.vector_load %arg9[%get3A_861, %get3A_862, %get3A_863] {strides = array<i32>} : memref<2x128x128xf32, #tpu.memory_space<vmem>>, vector<1x1x16xf32>,
      %get3A_865 = vector.shape_cast %get3A_864 : vector<1x1x16xf32> to vector<16xf32>
      %add3A_866 = arith.addf %scan3A_817, %get3A_865 : vector<16xf32>
      %get3A_867 = arith.constant 1 : i32
      %get3A_868 = arith.index_cast %get3A_867 : i32 to index
      %get3A_869 = arith.index_cast %scan3A_810 : i32 to index
      %get3A_870 = arith.constant 112 : index
      %get3A_871 = tpu.vector_load %arg9[%get3A_868, %get3A_869, %get3A_870] {strides = array<i32>} : memref<2x128x128xf32, #tpu.memory_space<vmem>>, vector<1x1x16xf32>,
      %get3A_872 = vector.shape_cast %get3A_871 : vector<1x1x16xf32> to vector<16xf32>
      %add3A_873 = arith.addf %scan3A_818, %get3A_872 : vector<16xf32>
      scf.yield %add3A_824, %add3A_831, %add3A_838, %add3A_845, %add3A_852, %add3A_859, %add3A_866, %add3A_873 : vector<16xf32>, vector<16xf32>, vector<16xf32>, vector<16xf32>, vector<16xf32>, vector<16xf32>, vector<16xf32>, vector<16xf32>
    }
    %scan3A_153 = arith.constant 128 : i32
    %dma_wait3A_154 = arith.constant 2 : i32
    %dma_wait3A_155 = arith.constant 0 : i32
    %dma_wait3A_156 = arith.constant 0 : i32
    %dma_wait3A_157 = arith.constant 0 : i32
    %dma_wait3A_158 = tpu.memref_slice %arg8[%dma_wait3A_155, %dma_wait3A_156, %dma_wait3A_157] : memref<2x128x128xf32, #tpu.memory_space<vmem>> -> memref<1x128x128xf32, #tpu.memory_space<vmem>>
    %dma_wait3A_159 = tpu.memref_squeeze %dma_wait3A_158 : memref<1x128x128xf32, #tpu.memory_space<vmem>> -> memref<128x128xf32, #tpu.memory_space<vmem>>
    %dma_wait3A_160 = arith.constant 0 : i32
    %dma_wait3A_161 = tpu.memref_slice %arg7[%dma_wait3A_154, %dma_wait3A_160] : memref<13x128xi32, #tpu.memory_space<vmem>> -> memref<1x128xi32, #tpu.memory_space<vmem>>
    %dma_wait3A_162 = tpu.memref_squeeze %dma_wait3A_161 : memref<1x128xi32, #tpu.memory_space<vmem>> -> memref<128xi32, #tpu.memory_space<vmem>>
    %dma_wait3A_163 = arith.constant 0 : i32
    %dma_wait3A_164 = arith.constant 0 : i32
    %dma_wait3A_165 = tpu.memref_slice %arg3[%dma_wait3A_163, %dma_wait3A_164] : memref<100000x128xf32, #tpu.memory_space<hbm>> -> memref<100000x128xf32, #tpu.memory_space<hbm>>
    tpu.wait_indirect_dma semaphore(%arg11 : memref<!tpu.dma_semaphore, #tpu.memory_space<semaphore_mem>>) src(%dma_wait3A_165 : memref<100000x128xf32, #tpu.memory_space<hbm>>) dst(%dma_wait3A_159 : memref<128x128xf32, #tpu.memory_space<vmem>>)
    %dma_wait3A_166 = arith.constant 2 : i32
    %dma_wait3A_167 = arith.constant 0 : i32
    %dma_wait3A_168 = arith.constant 0 : i32
    %dma_wait3A_169 = arith.constant 0 : i32
    %dma_wait3A_170 = tpu.memref_slice %arg9[%dma_wait3A_167, %dma_wait3A_168, %dma_wait3A_169] : memref<2x128x128xf32, #tpu.memory_space<vmem>> -> memref<1x128x128xf32, #tpu.memory_space<vmem>>
    %dma_wait3A_171 = tpu.memref_squeeze %dma_wait3A_170 : memref<1x128x128xf32, #tpu.memory_space<vmem>> -> memref<128x128xf32, #tpu.memory_space<vmem>>
    %dma_wait3A_172 = arith.constant 0 : i32
    %dma_wait3A_173 = tpu.memref_slice %arg7[%dma_wait3A_166, %dma_wait3A_172] : memref<13x128xi32, #tpu.memory_space<vmem>> -> memref<1x128xi32, #tpu.memory_space<vmem>>
    %dma_wait3A_174 = tpu.memref_squeeze %dma_wait3A_173 : memref<1x128xi32, #tpu.memory_space<vmem>> -> memref<128xi32, #tpu.memory_space<vmem>>
    %dma_wait3A_175 = arith.constant 0 : i32
    %dma_wait3A_176 = arith.constant 0 : i32
    %dma_wait3A_177 = tpu.memref_slice %arg4[%dma_wait3A_175, %dma_wait3A_176] : memref<100000x128xf32, #tpu.memory_space<hbm>> -> memref<100000x128xf32, #tpu.memory_space<hbm>>
    tpu.wait_indirect_dma semaphore(%arg13 : memref<!tpu.dma_semaphore, #tpu.memory_space<semaphore_mem>>) src(%dma_wait3A_177 : memref<100000x128xf32, #tpu.memory_space<hbm>>) dst(%dma_wait3A_171 : memref<128x128xf32, #tpu.memory_space<vmem>>)
    %dma_start3A_178 = arith.constant 3 : i32
    %dma_start3A_179 = arith.constant 1 : i32
    %dma_start3A_180 = arith.constant 0 : i32
    %dma_start3A_181 = arith.constant 0 : i32
    %dma_start3A_182 = tpu.memref_slice %arg8[%dma_start3A_179, %dma_start3A_180, %dma_start3A_181] : memref<2x128x128xf32, #tpu.memory_space<vmem>> -> memref<1x128x128xf32, #tpu.memory_space<vmem>>
    %dma_start3A_183 = tpu.memref_squeeze %dma_start3A_182 : memref<1x128x128xf32, #tpu.memory_space<vmem>> -> memref<128x128xf32, #tpu.memory_space<vmem>>
    %dma_start3A_184 = arith.constant 0 : i32
    %dma_start3A_185 = tpu.memref_slice %arg7[%dma_start3A_178, %dma_start3A_184] : memref<13x128xi32, #tpu.memory_space<vmem>> -> memref<1x128xi32, #tpu.memory_space<vmem>>
    %dma_start3A_186 = tpu.memref_squeeze %dma_start3A_185 : memref<1x128xi32, #tpu.memory_space<vmem>> -> memref<128xi32, #tpu.memory_space<vmem>>
    %dma_start3A_187 = arith.constant 0 : i32
    %dma_start3A_188 = arith.constant 0 : i32
    %dma_start3A_189 = tpu.memref_slice %arg3[%dma_start3A_187, %dma_start3A_188] : memref<100000x128xf32, #tpu.memory_space<hbm>> -> memref<100000x128xf32, #tpu.memory_space<hbm>>
    tpu.enqueue_indirect_dma source(%dma_start3A_189 : memref<100000x128xf32, #tpu.memory_space<hbm>>) target(%dma_start3A_183 : memref<128x128xf32, #tpu.memory_space<vmem>>) offsets(%dma_start3A_186 : memref<128xi32, #tpu.memory_space<vmem>>) semaphore(%arg12 : memref<!tpu.dma_semaphore, #tpu.memory_space<semaphore_mem>>)
    %dma_start3A_190 = arith.constant 3 : i32
    %dma_start3A_191 = arith.constant 1 : i32
    %dma_start3A_192 = arith.constant 0 : i32
    %dma_start3A_193 = arith.constant 0 : i32
    %dma_start3A_194 = tpu.memref_slice %arg9[%dma_start3A_191, %dma_start3A_192, %dma_start3A_193] : memref<2x128x128xf32, #tpu.memory_space<vmem>> -> memref<1x128x128xf32, #tpu.memory_space<vmem>>
    %dma_start3A_195 = tpu.memref_squeeze %dma_start3A_194 : memref<1x128x128xf32, #tpu.memory_space<vmem>> -> memref<128x128xf32, #tpu.memory_space<vmem>>
    %dma_start3A_196 = arith.constant 0 : i32
    %dma_start3A_197 = tpu.memref_slice %arg7[%dma_start3A_190, %dma_start3A_196] : memref<13x128xi32, #tpu.memory_space<vmem>> -> memref<1x128xi32, #tpu.memory_space<vmem>>
    %dma_start3A_198 = tpu.memref_squeeze %dma_start3A_197 : memref<1x128xi32, #tpu.memory_space<vmem>> -> memref<128xi32, #tpu.memory_space<vmem>>
    %dma_start3A_199 = arith.constant 0 : i32
    %dma_start3A_200 = arith.constant 0 : i32
    %dma_start3A_201 = tpu.memref_slice %arg4[%dma_start3A_199, %dma_start3A_200] : memref<100000x128xf32, #tpu.memory_space<hbm>> -> memref<100000x128xf32, #tpu.memory_space<hbm>>
    tpu.enqueue_indirect_dma source(%dma_start3A_201 : memref<100000x128xf32, #tpu.memory_space<hbm>>) target(%dma_start3A_195 : memref<128x128xf32, #tpu.memory_space<vmem>>) offsets(%dma_start3A_198 : memref<128xi32, #tpu.memory_space<vmem>>) semaphore(%arg14 : memref<!tpu.dma_semaphore, #tpu.memory_space<semaphore_mem>>)
    %mul3A_202 = arith.constant 13 : i32
    %mul3A_203 = arith.muli %add3A, %mul3A_202 : i32
    %add3A_204 = arith.constant 2 : i32
    %add3A_205 = arith.addi %mul3A_203, %add3A_204 : i32
    %run_scoped3A_206 = arith.constant 0 : i32
    "tpu.region"() ({
      %run_scoped3A_810 = tpu.sem_alloc : memref<!tpu.dma_semaphore, #tpu.memory_space<semaphore_mem>>
      %dma_start3A_811 = arith.constant 0 : i32
      %dma_start3A_812 = arith.constant 0 : i32
      %dma_start3A_813 = tpu.memref_slice %arg8[%run_scoped3A_206, %dma_start3A_811, %dma_start3A_812] : memref<2x128x128xf32, #tpu.memory_space<vmem>> -> memref<1x128x128xf32, #tpu.memory_space<vmem>>
      %dma_start3A_814 = tpu.memref_squeeze %dma_start3A_813 : memref<1x128x128xf32, #tpu.memory_space<vmem>> -> memref<128x128xf32, #tpu.memory_space<vmem>>
      %dma_start3A_815 = arith.constant 0 : i32
      %dma_start3A_816 = arith.constant 0 : i32
      %dma_start3A_817 = tpu.memref_slice %arg5[%add3A_205, %dma_start3A_815, %dma_start3A_816] : memref<416x128x128xf32, #tpu.memory_space<hbm>> -> memref<1x128x128xf32, #tpu.memory_space<hbm>>
      %dma_start3A_818 = tpu.memref_squeeze %dma_start3A_817 : memref<1x128x128xf32, #tpu.memory_space<hbm>> -> memref<128x128xf32, #tpu.memory_space<hbm>>
      %dma_start3A_819 = arith.constant 0 : i32
      %dma_start3A_820 = arith.constant 0 : i32
      %dma_start3A_821 = tpu.memref_slice %arg5[%add3A_205, %dma_start3A_819, %dma_start3A_820] : memref<416x128x128xf32, #tpu.memory_space<hbm>> -> memref<1x128x128xf32, #tpu.memory_space<hbm>>
      %dma_start3A_822 = tpu.memref_squeeze %dma_start3A_821 : memref<1x128x128xf32, #tpu.memory_space<hbm>> -> memref<128x128xf32, #tpu.memory_space<hbm>>
      %dma_start3A_823 = arith.constant 0 : i32
      %dma_start3A_824 = arith.constant 0 : i32
      %dma_start3A_825 = tpu.memref_slice %arg8[%run_scoped3A_206, %dma_start3A_823, %dma_start3A_824] : memref<2x128x128xf32, #tpu.memory_space<vmem>> -> memref<1x128x128xf32, #tpu.memory_space<vmem>>
      %dma_start3A_826 = tpu.memref_squeeze %dma_start3A_825 : memref<1x128x128xf32, #tpu.memory_space<vmem>> -> memref<128x128xf32, #tpu.memory_space<vmem>>
      tpu.enqueue_dma source(%dma_start3A_826 : memref<128x128xf32, #tpu.memory_space<vmem>>) target(%dma_start3A_822 : memref<128x128xf32, #tpu.memory_space<hbm>>) target_semaphore(%run_scoped3A_810 : memref<!tpu.dma_semaphore, #tpu.memory_space<semaphore_mem>>)
      %dma_wait3A_827 = arith.constant 0 : i32
      %dma_wait3A_828 = arith.constant 0 : i32
      %dma_wait3A_829 = tpu.memref_slice %arg8[%run_scoped3A_206, %dma_wait3A_827, %dma_wait3A_828] : memref<2x128x128xf32, #tpu.memory_space<vmem>> -> memref<1x128x128xf32, #tpu.memory_space<vmem>>
      %dma_wait3A_830 = tpu.memref_squeeze %dma_wait3A_829 : memref<1x128x128xf32, #tpu.memory_space<vmem>> -> memref<128x128xf32, #tpu.memory_space<vmem>>
      %dma_wait3A_831 = arith.constant 0 : i32
      %dma_wait3A_832 = arith.constant 0 : i32
      %dma_wait3A_833 = tpu.memref_slice %arg5[%add3A_205, %dma_wait3A_831, %dma_wait3A_832] : memref<416x128x128xf32, #tpu.memory_space<hbm>> -> memref<1x128x128xf32, #tpu.memory_space<hbm>>
      %dma_wait3A_834 = tpu.memref_squeeze %dma_wait3A_833 : memref<1x128x128xf32, #tpu.memory_space<hbm>> -> memref<128x128xf32, #tpu.memory_space<hbm>>
      %dma_wait3A_835 = arith.constant 0 : i32
      %dma_wait3A_836 = arith.constant 0 : i32
      %dma_wait3A_837 = tpu.memref_slice %arg5[%add3A_205, %dma_wait3A_835, %dma_wait3A_836] : memref<416x128x128xf32, #tpu.memory_space<hbm>> -> memref<1x128x128xf32, #tpu.memory_space<hbm>>
      %dma_wait3A_838 = tpu.memref_squeeze %dma_wait3A_837 : memref<1x128x128xf32, #tpu.memory_space<hbm>> -> memref<128x128xf32, #tpu.memory_space<hbm>>
      %dma_wait3A_839 = arith.constant 0 : i32
      %dma_wait3A_840 = arith.constant 0 : i32
      %dma_wait3A_841 = tpu.memref_slice %arg8[%run_scoped3A_206, %dma_wait3A_839, %dma_wait3A_840] : memref<2x128x128xf32, #tpu.memory_space<vmem>> -> memref<1x128x128xf32, #tpu.memory_space<vmem>>
      %dma_wait3A_842 = tpu.memref_squeeze %dma_wait3A_841 : memref<1x128x128xf32, #tpu.memory_space<vmem>> -> memref<128x128xf32, #tpu.memory_space<vmem>>
      tpu.wait_dma2 semaphore(%run_scoped3A_810 : memref<!tpu.dma_semaphore, #tpu.memory_space<semaphore_mem>>) src(%dma_wait3A_842 : memref<128x128xf32, #tpu.memory_space<vmem>>) dst(%dma_wait3A_838 : memref<128x128xf32, #tpu.memory_space<hbm>>)
      tpu.yield
    }) : () -> ()
    %scan3A_207 = arith.constant 0 : i32
    %scan3A_208 = arith.constant 128 : i32
    %scan3A_209 = arith.addi %scan3A_207, %scan3A_208 : i32
    %scan3A_210 = arith.constant 1 : i32
    %scan3A_211:8 = scf.for %scan3A_810 = %scan3A_207 to %scan3A_209 step %scan3A_210 iter_args(%scan3A_811 = %scan3A_152#0, %scan3A_812 = %scan3A_152#1, %scan3A_813 = %scan3A_152#2, %scan3A_814 = %scan3A_152#3, %scan3A_815 = %scan3A_152#4, %scan3A_816 = %scan3A_152#5, %scan3A_817 = %scan3A_152#6, %scan3A_818 = %scan3A_152#7) -> (vector<16xf32>, vector<16xf32>, vector<16xf32>, vector<16xf32>, vector<16xf32>, vector<16xf32>, vector<16xf32>, vector<16xf32>)  : i32 {
      %get3A = arith.constant 0 : i32
      %get3A_819 = arith.index_cast %get3A : i32 to index
      %get3A_820 = arith.index_cast %scan3A_810 : i32 to index
      %get3A_821 = arith.constant 0 : index
      %get3A_822 = tpu.vector_load %arg9[%get3A_819, %get3A_820, %get3A_821] {strides = array<i32>} : memref<2x128x128xf32, #tpu.memory_space<vmem>>, vector<1x1x16xf32>,
      %get3A_823 = vector.shape_cast %get3A_822 : vector<1x1x16xf32> to vector<16xf32>
      %add3A_824 = arith.addf %scan3A_811, %get3A_823 : vector<16xf32>
      %get3A_825 = arith.constant 0 : i32
      %get3A_826 = arith.index_cast %get3A_825 : i32 to index
      %get3A_827 = arith.index_cast %scan3A_810 : i32 to index
      %get3A_828 = arith.constant 16 : index
      %get3A_829 = tpu.vector_load %arg9[%get3A_826, %get3A_827, %get3A_828] {strides = array<i32>} : memref<2x128x128xf32, #tpu.memory_space<vmem>>, vector<1x1x16xf32>,
      %get3A_830 = vector.shape_cast %get3A_829 : vector<1x1x16xf32> to vector<16xf32>
      %add3A_831 = arith.addf %scan3A_812, %get3A_830 : vector<16xf32>
      %get3A_832 = arith.constant 0 : i32
      %get3A_833 = arith.index_cast %get3A_832 : i32 to index
      %get3A_834 = arith.index_cast %scan3A_810 : i32 to index
      %get3A_835 = arith.constant 32 : index
      %get3A_836 = tpu.vector_load %arg9[%get3A_833, %get3A_834, %get3A_835] {strides = array<i32>} : memref<2x128x128xf32, #tpu.memory_space<vmem>>, vector<1x1x16xf32>,
      %get3A_837 = vector.shape_cast %get3A_836 : vector<1x1x16xf32> to vector<16xf32>
      %add3A_838 = arith.addf %scan3A_813, %get3A_837 : vector<16xf32>
      %get3A_839 = arith.constant 0 : i32
      %get3A_840 = arith.index_cast %get3A_839 : i32 to index
      %get3A_841 = arith.index_cast %scan3A_810 : i32 to index
      %get3A_842 = arith.constant 48 : index
      %get3A_843 = tpu.vector_load %arg9[%get3A_840, %get3A_841, %get3A_842] {strides = array<i32>} : memref<2x128x128xf32, #tpu.memory_space<vmem>>, vector<1x1x16xf32>,
      %get3A_844 = vector.shape_cast %get3A_843 : vector<1x1x16xf32> to vector<16xf32>
      %add3A_845 = arith.addf %scan3A_814, %get3A_844 : vector<16xf32>
      %get3A_846 = arith.constant 0 : i32
      %get3A_847 = arith.index_cast %get3A_846 : i32 to index
      %get3A_848 = arith.index_cast %scan3A_810 : i32 to index
      %get3A_849 = arith.constant 64 : index
      %get3A_850 = tpu.vector_load %arg9[%get3A_847, %get3A_848, %get3A_849] {strides = array<i32>} : memref<2x128x128xf32, #tpu.memory_space<vmem>>, vector<1x1x16xf32>,
      %get3A_851 = vector.shape_cast %get3A_850 : vector<1x1x16xf32> to vector<16xf32>
      %add3A_852 = arith.addf %scan3A_815, %get3A_851 : vector<16xf32>
      %get3A_853 = arith.constant 0 : i32
      %get3A_854 = arith.index_cast %get3A_853 : i32 to index
      %get3A_855 = arith.index_cast %scan3A_810 : i32 to index
      %get3A_856 = arith.constant 80 : index
      %get3A_857 = tpu.vector_load %arg9[%get3A_854, %get3A_855, %get3A_856] {strides = array<i32>} : memref<2x128x128xf32, #tpu.memory_space<vmem>>, vector<1x1x16xf32>,
      %get3A_858 = vector.shape_cast %get3A_857 : vector<1x1x16xf32> to vector<16xf32>
      %add3A_859 = arith.addf %scan3A_816, %get3A_858 : vector<16xf32>
      %get3A_860 = arith.constant 0 : i32
      %get3A_861 = arith.index_cast %get3A_860 : i32 to index
      %get3A_862 = arith.index_cast %scan3A_810 : i32 to index
      %get3A_863 = arith.constant 96 : index
      %get3A_864 = tpu.vector_load %arg9[%get3A_861, %get3A_862, %get3A_863] {strides = array<i32>} : memref<2x128x128xf32, #tpu.memory_space<vmem>>, vector<1x1x16xf32>,
      %get3A_865 = vector.shape_cast %get3A_864 : vector<1x1x16xf32> to vector<16xf32>
      %add3A_866 = arith.addf %scan3A_817, %get3A_865 : vector<16xf32>
      %get3A_867 = arith.constant 0 : i32
      %get3A_868 = arith.index_cast %get3A_867 : i32 to index
      %get3A_869 = arith.index_cast %scan3A_810 : i32 to index
      %get3A_870 = arith.constant 112 : index
      %get3A_871 = tpu.vector_load %arg9[%get3A_868, %get3A_869, %get3A_870] {strides = array<i32>} : memref<2x128x128xf32, #tpu.memory_space<vmem>>, vector<1x1x16xf32>,
      %get3A_872 = vector.shape_cast %get3A_871 : vector<1x1x16xf32> to vector<16xf32>
      %add3A_873 = arith.addf %scan3A_818, %get3A_872 : vector<16xf32>
      scf.yield %add3A_824, %add3A_831, %add3A_838, %add3A_845, %add3A_852, %add3A_859, %add3A_866, %add3A_873 : vector<16xf32>, vector<16xf32>, vector<16xf32>, vector<16xf32>, vector<16xf32>, vector<16xf32>, vector<16xf32>, vector<16xf32>
    }
    %scan3A_212 = arith.constant 128 : i32
    %dma_wait3A_213 = arith.constant 3 : i32
    %dma_wait3A_214 = arith.constant 1 : i32
    %dma_wait3A_215 = arith.constant 0 : i32
    %dma_wait3A_216 = arith.constant 0 : i32
    %dma_wait3A_217 = tpu.memref_slice %arg8[%dma_wait3A_214, %dma_wait3A_215, %dma_wait3A_216] : memref<2x128x128xf32, #tpu.memory_space<vmem>> -> memref<1x128x128xf32, #tpu.memory_space<vmem>>
    %dma_wait3A_218 = tpu.memref_squeeze %dma_wait3A_217 : memref<1x128x128xf32, #tpu.memory_space<vmem>> -> memref<128x128xf32, #tpu.memory_space<vmem>>
    %dma_wait3A_219 = arith.constant 0 : i32
    %dma_wait3A_220 = tpu.memref_slice %arg7[%dma_wait3A_213, %dma_wait3A_219] : memref<13x128xi32, #tpu.memory_space<vmem>> -> memref<1x128xi32, #tpu.memory_space<vmem>>
    %dma_wait3A_221 = tpu.memref_squeeze %dma_wait3A_220 : memref<1x128xi32, #tpu.memory_space<vmem>> -> memref<128xi32, #tpu.memory_space<vmem>>
    %dma_wait3A_222 = arith.constant 0 : i32
    %dma_wait3A_223 = arith.constant 0 : i32
    %dma_wait3A_224 = tpu.memref_slice %arg3[%dma_wait3A_222, %dma_wait3A_223] : memref<100000x128xf32, #tpu.memory_space<hbm>> -> memref<100000x128xf32, #tpu.memory_space<hbm>>
    tpu.wait_indirect_dma semaphore(%arg12 : memref<!tpu.dma_semaphore, #tpu.memory_space<semaphore_mem>>) src(%dma_wait3A_224 : memref<100000x128xf32, #tpu.memory_space<hbm>>) dst(%dma_wait3A_218 : memref<128x128xf32, #tpu.memory_space<vmem>>)
    %dma_wait3A_225 = arith.constant 3 : i32
    %dma_wait3A_226 = arith.constant 1 : i32
    %dma_wait3A_227 = arith.constant 0 : i32
    %dma_wait3A_228 = arith.constant 0 : i32
    %dma_wait3A_229 = tpu.memref_slice %arg9[%dma_wait3A_226, %dma_wait3A_227, %dma_wait3A_228] : memref<2x128x128xf32, #tpu.memory_space<vmem>> -> memref<1x128x128xf32, #tpu.memory_space<vmem>>
    %dma_wait3A_230 = tpu.memref_squeeze %dma_wait3A_229 : memref<1x128x128xf32, #tpu.memory_space<vmem>> -> memref<128x128xf32, #tpu.memory_space<vmem>>
    %dma_wait3A_231 = arith.constant 0 : i32
    %dma_wait3A_232 = tpu.memref_slice %arg7[%dma_wait3A_225, %dma_wait3A_231] : memref<13x128xi32, #tpu.memory_space<vmem>> -> memref<1x128xi32, #tpu.memory_space<vmem>>
    %dma_wait3A_233 = tpu.memref_squeeze %dma_wait3A_232 : memref<1x128xi32, #tpu.memory_space<vmem>> -> memref<128xi32, #tpu.memory_space<vmem>>
    %dma_wait3A_234 = arith.constant 0 : i32
    %dma_wait3A_235 = arith.constant 0 : i32
    %dma_wait3A_236 = tpu.memref_slice %arg4[%dma_wait3A_234, %dma_wait3A_235] : memref<100000x128xf32, #tpu.memory_space<hbm>> -> memref<100000x128xf32, #tpu.memory_space<hbm>>
    tpu.wait_indirect_dma semaphore(%arg14 : memref<!tpu.dma_semaphore, #tpu.memory_space<semaphore_mem>>) src(%dma_wait3A_236 : memref<100000x128xf32, #tpu.memory_space<hbm>>) dst(%dma_wait3A_230 : memref<128x128xf32, #tpu.memory_space<vmem>>)
    %dma_start3A_237 = arith.constant 4 : i32
    %dma_start3A_238 = arith.constant 0 : i32
    %dma_start3A_239 = arith.constant 0 : i32
    %dma_start3A_240 = arith.constant 0 : i32
    %dma_start3A_241 = tpu.memref_slice %arg8[%dma_start3A_238, %dma_start3A_239, %dma_start3A_240] : memref<2x128x128xf32, #tpu.memory_space<vmem>> -> memref<1x128x128xf32, #tpu.memory_space<vmem>>
    %dma_start3A_242 = tpu.memref_squeeze %dma_start3A_241 : memref<1x128x128xf32, #tpu.memory_space<vmem>> -> memref<128x128xf32, #tpu.memory_space<vmem>>
    %dma_start3A_243 = arith.constant 0 : i32
    %dma_start3A_244 = tpu.memref_slice %arg7[%dma_start3A_237, %dma_start3A_243] : memref<13x128xi32, #tpu.memory_space<vmem>> -> memref<1x128xi32, #tpu.memory_space<vmem>>
    %dma_start3A_245 = tpu.memref_squeeze %dma_start3A_244 : memref<1x128xi32, #tpu.memory_space<vmem>> -> memref<128xi32, #tpu.memory_space<vmem>>
    %dma_start3A_246 = arith.constant 0 : i32
    %dma_start3A_247 = arith.constant 0 : i32
    %dma_start3A_248 = tpu.memref_slice %arg3[%dma_start3A_246, %dma_start3A_247] : memref<100000x128xf32, #tpu.memory_space<hbm>> -> memref<100000x128xf32, #tpu.memory_space<hbm>>
    tpu.enqueue_indirect_dma source(%dma_start3A_248 : memref<100000x128xf32, #tpu.memory_space<hbm>>) target(%dma_start3A_242 : memref<128x128xf32, #tpu.memory_space<vmem>>) offsets(%dma_start3A_245 : memref<128xi32, #tpu.memory_space<vmem>>) semaphore(%arg11 : memref<!tpu.dma_semaphore, #tpu.memory_space<semaphore_mem>>)
    %dma_start3A_249 = arith.constant 4 : i32
    %dma_start3A_250 = arith.constant 0 : i32
    %dma_start3A_251 = arith.constant 0 : i32
    %dma_start3A_252 = arith.constant 0 : i32
    %dma_start3A_253 = tpu.memref_slice %arg9[%dma_start3A_250, %dma_start3A_251, %dma_start3A_252] : memref<2x128x128xf32, #tpu.memory_space<vmem>> -> memref<1x128x128xf32, #tpu.memory_space<vmem>>
    %dma_start3A_254 = tpu.memref_squeeze %dma_start3A_253 : memref<1x128x128xf32, #tpu.memory_space<vmem>> -> memref<128x128xf32, #tpu.memory_space<vmem>>
    %dma_start3A_255 = arith.constant 0 : i32
    %dma_start3A_256 = tpu.memref_slice %arg7[%dma_start3A_249, %dma_start3A_255] : memref<13x128xi32, #tpu.memory_space<vmem>> -> memref<1x128xi32, #tpu.memory_space<vmem>>
    %dma_start3A_257 = tpu.memref_squeeze %dma_start3A_256 : memref<1x128xi32, #tpu.memory_space<vmem>> -> memref<128xi32, #tpu.memory_space<vmem>>
    %dma_start3A_258 = arith.constant 0 : i32
    %dma_start3A_259 = arith.constant 0 : i32
    %dma_start3A_260 = tpu.memref_slice %arg4[%dma_start3A_258, %dma_start3A_259] : memref<100000x128xf32, #tpu.memory_space<hbm>> -> memref<100000x128xf32, #tpu.memory_space<hbm>>
    tpu.enqueue_indirect_dma source(%dma_start3A_260 : memref<100000x128xf32, #tpu.memory_space<hbm>>) target(%dma_start3A_254 : memref<128x128xf32, #tpu.memory_space<vmem>>) offsets(%dma_start3A_257 : memref<128xi32, #tpu.memory_space<vmem>>) semaphore(%arg13 : memref<!tpu.dma_semaphore, #tpu.memory_space<semaphore_mem>>)
    %mul3A_261 = arith.constant 13 : i32
    %mul3A_262 = arith.muli %add3A, %mul3A_261 : i32
    %add3A_263 = arith.constant 3 : i32
    %add3A_264 = arith.addi %mul3A_262, %add3A_263 : i32
    %run_scoped3A_265 = arith.constant 1 : i32
    "tpu.region"() ({
      %run_scoped3A_810 = tpu.sem_alloc : memref<!tpu.dma_semaphore, #tpu.memory_space<semaphore_mem>>
      %dma_start3A_811 = arith.constant 0 : i32
      %dma_start3A_812 = arith.constant 0 : i32
      %dma_start3A_813 = tpu.memref_slice %arg8[%run_scoped3A_265, %dma_start3A_811, %dma_start3A_812] : memref<2x128x128xf32, #tpu.memory_space<vmem>> -> memref<1x128x128xf32, #tpu.memory_space<vmem>>
      %dma_start3A_814 = tpu.memref_squeeze %dma_start3A_813 : memref<1x128x128xf32, #tpu.memory_space<vmem>> -> memref<128x128xf32, #tpu.memory_space<vmem>>
      %dma_start3A_815 = arith.constant 0 : i32
      %dma_start3A_816 = arith.constant 0 : i32
      %dma_start3A_817 = tpu.memref_slice %arg5[%add3A_264, %dma_start3A_815, %dma_start3A_816] : memref<416x128x128xf32, #tpu.memory_space<hbm>> -> memref<1x128x128xf32, #tpu.memory_space<hbm>>
      %dma_start3A_818 = tpu.memref_squeeze %dma_start3A_817 : memref<1x128x128xf32, #tpu.memory_space<hbm>> -> memref<128x128xf32, #tpu.memory_space<hbm>>
      %dma_start3A_819 = arith.constant 0 : i32
      %dma_start3A_820 = arith.constant 0 : i32
      %dma_start3A_821 = tpu.memref_slice %arg5[%add3A_264, %dma_start3A_819, %dma_start3A_820] : memref<416x128x128xf32, #tpu.memory_space<hbm>> -> memref<1x128x128xf32, #tpu.memory_space<hbm>>
      %dma_start3A_822 = tpu.memref_squeeze %dma_start3A_821 : memref<1x128x128xf32, #tpu.memory_space<hbm>> -> memref<128x128xf32, #tpu.memory_space<hbm>>
      %dma_start3A_823 = arith.constant 0 : i32
      %dma_start3A_824 = arith.constant 0 : i32
      %dma_start3A_825 = tpu.memref_slice %arg8[%run_scoped3A_265, %dma_start3A_823, %dma_start3A_824] : memref<2x128x128xf32, #tpu.memory_space<vmem>> -> memref<1x128x128xf32, #tpu.memory_space<vmem>>
      %dma_start3A_826 = tpu.memref_squeeze %dma_start3A_825 : memref<1x128x128xf32, #tpu.memory_space<vmem>> -> memref<128x128xf32, #tpu.memory_space<vmem>>
      tpu.enqueue_dma source(%dma_start3A_826 : memref<128x128xf32, #tpu.memory_space<vmem>>) target(%dma_start3A_822 : memref<128x128xf32, #tpu.memory_space<hbm>>) target_semaphore(%run_scoped3A_810 : memref<!tpu.dma_semaphore, #tpu.memory_space<semaphore_mem>>)
      %dma_wait3A_827 = arith.constant 0 : i32
      %dma_wait3A_828 = arith.constant 0 : i32
      %dma_wait3A_829 = tpu.memref_slice %arg8[%run_scoped3A_265, %dma_wait3A_827, %dma_wait3A_828] : memref<2x128x128xf32, #tpu.memory_space<vmem>> -> memref<1x128x128xf32, #tpu.memory_space<vmem>>
      %dma_wait3A_830 = tpu.memref_squeeze %dma_wait3A_829 : memref<1x128x128xf32, #tpu.memory_space<vmem>> -> memref<128x128xf32, #tpu.memory_space<vmem>>
      %dma_wait3A_831 = arith.constant 0 : i32
      %dma_wait3A_832 = arith.constant 0 : i32
      %dma_wait3A_833 = tpu.memref_slice %arg5[%add3A_264, %dma_wait3A_831, %dma_wait3A_832] : memref<416x128x128xf32, #tpu.memory_space<hbm>> -> memref<1x128x128xf32, #tpu.memory_space<hbm>>
      %dma_wait3A_834 = tpu.memref_squeeze %dma_wait3A_833 : memref<1x128x128xf32, #tpu.memory_space<hbm>> -> memref<128x128xf32, #tpu.memory_space<hbm>>
      %dma_wait3A_835 = arith.constant 0 : i32
      %dma_wait3A_836 = arith.constant 0 : i32
      %dma_wait3A_837 = tpu.memref_slice %arg5[%add3A_264, %dma_wait3A_835, %dma_wait3A_836] : memref<416x128x128xf32, #tpu.memory_space<hbm>> -> memref<1x128x128xf32, #tpu.memory_space<hbm>>
      %dma_wait3A_838 = tpu.memref_squeeze %dma_wait3A_837 : memref<1x128x128xf32, #tpu.memory_space<hbm>> -> memref<128x128xf32, #tpu.memory_space<hbm>>
      %dma_wait3A_839 = arith.constant 0 : i32
      %dma_wait3A_840 = arith.constant 0 : i32
      %dma_wait3A_841 = tpu.memref_slice %arg8[%run_scoped3A_265, %dma_wait3A_839, %dma_wait3A_840] : memref<2x128x128xf32, #tpu.memory_space<vmem>> -> memref<1x128x128xf32, #tpu.memory_space<vmem>>
      %dma_wait3A_842 = tpu.memref_squeeze %dma_wait3A_841 : memref<1x128x128xf32, #tpu.memory_space<vmem>> -> memref<128x128xf32, #tpu.memory_space<vmem>>
      tpu.wait_dma2 semaphore(%run_scoped3A_810 : memref<!tpu.dma_semaphore, #tpu.memory_space<semaphore_mem>>) src(%dma_wait3A_842 : memref<128x128xf32, #tpu.memory_space<vmem>>) dst(%dma_wait3A_838 : memref<128x128xf32, #tpu.memory_space<hbm>>)
      tpu.yield
    }) : () -> ()
    %scan3A_266 = arith.constant 0 : i32
    %scan3A_267 = arith.constant 128 : i32
    %scan3A_268 = arith.addi %scan3A_266, %scan3A_267 : i32
    %scan3A_269 = arith.constant 1 : i32
    %scan3A_270:8 = scf.for %scan3A_810 = %scan3A_266 to %scan3A_268 step %scan3A_269 iter_args(%scan3A_811 = %scan3A_211#0, %scan3A_812 = %scan3A_211#1, %scan3A_813 = %scan3A_211#2, %scan3A_814 = %scan3A_211#3, %scan3A_815 = %scan3A_211#4, %scan3A_816 = %scan3A_211#5, %scan3A_817 = %scan3A_211#6, %scan3A_818 = %scan3A_211#7) -> (vector<16xf32>, vector<16xf32>, vector<16xf32>, vector<16xf32>, vector<16xf32>, vector<16xf32>, vector<16xf32>, vector<16xf32>)  : i32 {
      %get3A = arith.constant 1 : i32
      %get3A_819 = arith.index_cast %get3A : i32 to index
      %get3A_820 = arith.index_cast %scan3A_810 : i32 to index
      %get3A_821 = arith.constant 0 : index
      %get3A_822 = tpu.vector_load %arg9[%get3A_819, %get3A_820, %get3A_821] {strides = array<i32>} : memref<2x128x128xf32, #tpu.memory_space<vmem>>, vector<1x1x16xf32>,
      %get3A_823 = vector.shape_cast %get3A_822 : vector<1x1x16xf32> to vector<16xf32>
      %add3A_824 = arith.addf %scan3A_811, %get3A_823 : vector<16xf32>
      %get3A_825 = arith.constant 1 : i32
      %get3A_826 = arith.index_cast %get3A_825 : i32 to index
      %get3A_827 = arith.index_cast %scan3A_810 : i32 to index
      %get3A_828 = arith.constant 16 : index
      %get3A_829 = tpu.vector_load %arg9[%get3A_826, %get3A_827, %get3A_828] {strides = array<i32>} : memref<2x128x128xf32, #tpu.memory_space<vmem>>, vector<1x1x16xf32>,
      %get3A_830 = vector.shape_cast %get3A_829 : vector<1x1x16xf32> to vector<16xf32>
      %add3A_831 = arith.addf %scan3A_812, %get3A_830 : vector<16xf32>
      %get3A_832 = arith.constant 1 : i32
      %get3A_833 = arith.index_cast %get3A_832 : i32 to index
      %get3A_834 = arith.index_cast %scan3A_810 : i32 to index
      %get3A_835 = arith.constant 32 : index
      %get3A_836 = tpu.vector_load %arg9[%get3A_833, %get3A_834, %get3A_835] {strides = array<i32>} : memref<2x128x128xf32, #tpu.memory_space<vmem>>, vector<1x1x16xf32>,
      %get3A_837 = vector.shape_cast %get3A_836 : vector<1x1x16xf32> to vector<16xf32>
      %add3A_838 = arith.addf %scan3A_813, %get3A_837 : vector<16xf32>
      %get3A_839 = arith.constant 1 : i32
      %get3A_840 = arith.index_cast %get3A_839 : i32 to index
      %get3A_841 = arith.index_cast %scan3A_810 : i32 to index
      %get3A_842 = arith.constant 48 : index
      %get3A_843 = tpu.vector_load %arg9[%get3A_840, %get3A_841, %get3A_842] {strides = array<i32>} : memref<2x128x128xf32, #tpu.memory_space<vmem>>, vector<1x1x16xf32>,
      %get3A_844 = vector.shape_cast %get3A_843 : vector<1x1x16xf32> to vector<16xf32>
      %add3A_845 = arith.addf %scan3A_814, %get3A_844 : vector<16xf32>
      %get3A_846 = arith.constant 1 : i32
      %get3A_847 = arith.index_cast %get3A_846 : i32 to index
      %get3A_848 = arith.index_cast %scan3A_810 : i32 to index
      %get3A_849 = arith.constant 64 : index
      %get3A_850 = tpu.vector_load %arg9[%get3A_847, %get3A_848, %get3A_849] {strides = array<i32>} : memref<2x128x128xf32, #tpu.memory_space<vmem>>, vector<1x1x16xf32>,
      %get3A_851 = vector.shape_cast %get3A_850 : vector<1x1x16xf32> to vector<16xf32>
      %add3A_852 = arith.addf %scan3A_815, %get3A_851 : vector<16xf32>
      %get3A_853 = arith.constant 1 : i32
      %get3A_854 = arith.index_cast %get3A_853 : i32 to index
      %get3A_855 = arith.index_cast %scan3A_810 : i32 to index
      %get3A_856 = arith.constant 80 : index
      %get3A_857 = tpu.vector_load %arg9[%get3A_854, %get3A_855, %get3A_856] {strides = array<i32>} : memref<2x128x128xf32, #tpu.memory_space<vmem>>, vector<1x1x16xf32>,
      %get3A_858 = vector.shape_cast %get3A_857 : vector<1x1x16xf32> to vector<16xf32>
      %add3A_859 = arith.addf %scan3A_816, %get3A_858 : vector<16xf32>
      %get3A_860 = arith.constant 1 : i32
      %get3A_861 = arith.index_cast %get3A_860 : i32 to index
      %get3A_862 = arith.index_cast %scan3A_810 : i32 to index
      %get3A_863 = arith.constant 96 : index
      %get3A_864 = tpu.vector_load %arg9[%get3A_861, %get3A_862, %get3A_863] {strides = array<i32>} : memref<2x128x128xf32, #tpu.memory_space<vmem>>, vector<1x1x16xf32>,
      %get3A_865 = vector.shape_cast %get3A_864 : vector<1x1x16xf32> to vector<16xf32>
      %add3A_866 = arith.addf %scan3A_817, %get3A_865 : vector<16xf32>
      %get3A_867 = arith.constant 1 : i32
      %get3A_868 = arith.index_cast %get3A_867 : i32 to index
      %get3A_869 = arith.index_cast %scan3A_810 : i32 to index
      %get3A_870 = arith.constant 112 : index
      %get3A_871 = tpu.vector_load %arg9[%get3A_868, %get3A_869, %get3A_870] {strides = array<i32>} : memref<2x128x128xf32, #tpu.memory_space<vmem>>, vector<1x1x16xf32>,
      %get3A_872 = vector.shape_cast %get3A_871 : vector<1x1x16xf32> to vector<16xf32>
      %add3A_873 = arith.addf %scan3A_818, %get3A_872 : vector<16xf32>
      scf.yield %add3A_824, %add3A_831, %add3A_838, %add3A_845, %add3A_852, %add3A_859, %add3A_866, %add3A_873 : vector<16xf32>, vector<16xf32>, vector<16xf32>, vector<16xf32>, vector<16xf32>, vector<16xf32>, vector<16xf32>, vector<16xf32>
    }
    %scan3A_271 = arith.constant 128 : i32
    %dma_wait3A_272 = arith.constant 4 : i32
    %dma_wait3A_273 = arith.constant 0 : i32
    %dma_wait3A_274 = arith.constant 0 : i32
    %dma_wait3A_275 = arith.constant 0 : i32
    %dma_wait3A_276 = tpu.memref_slice %arg8[%dma_wait3A_273, %dma_wait3A_274, %dma_wait3A_275] : memref<2x128x128xf32, #tpu.memory_space<vmem>> -> memref<1x128x128xf32, #tpu.memory_space<vmem>>
    %dma_wait3A_277 = tpu.memref_squeeze %dma_wait3A_276 : memref<1x128x128xf32, #tpu.memory_space<vmem>> -> memref<128x128xf32, #tpu.memory_space<vmem>>
    %dma_wait3A_278 = arith.constant 0 : i32
    %dma_wait3A_279 = tpu.memref_slice %arg7[%dma_wait3A_272, %dma_wait3A_278] : memref<13x128xi32, #tpu.memory_space<vmem>> -> memref<1x128xi32, #tpu.memory_space<vmem>>
    %dma_wait3A_280 = tpu.memref_squeeze %dma_wait3A_279 : memref<1x128xi32, #tpu.memory_space<vmem>> -> memref<128xi32, #tpu.memory_space<vmem>>
    %dma_wait3A_281 = arith.constant 0 : i32
    %dma_wait3A_282 = arith.constant 0 : i32
    %dma_wait3A_283 = tpu.memref_slice %arg3[%dma_wait3A_281, %dma_wait3A_282] : memref<100000x128xf32, #tpu.memory_space<hbm>> -> memref<100000x128xf32, #tpu.memory_space<hbm>>
    tpu.wait_indirect_dma semaphore(%arg11 : memref<!tpu.dma_semaphore, #tpu.memory_space<semaphore_mem>>) src(%dma_wait3A_283 : memref<100000x128xf32, #tpu.memory_space<hbm>>) dst(%dma_wait3A_277 : memref<128x128xf32, #tpu.memory_space<vmem>>)
    %dma_wait3A_284 = arith.constant 4 : i32
    %dma_wait3A_285 = arith.constant 0 : i32
    %dma_wait3A_286 = arith.constant 0 : i32
    %dma_wait3A_287 = arith.constant 0 : i32
    %dma_wait3A_288 = tpu.memref_slice %arg9[%dma_wait3A_285, %dma_wait3A_286, %dma_wait3A_287] : memref<2x128x128xf32, #tpu.memory_space<vmem>> -> memref<1x128x128xf32, #tpu.memory_space<vmem>>
    %dma_wait3A_289 = tpu.memref_squeeze %dma_wait3A_288 : memref<1x128x128xf32, #tpu.memory_space<vmem>> -> memref<128x128xf32, #tpu.memory_space<vmem>>
    %dma_wait3A_290 = arith.constant 0 : i32
    %dma_wait3A_291 = tpu.memref_slice %arg7[%dma_wait3A_284, %dma_wait3A_290] : memref<13x128xi32, #tpu.memory_space<vmem>> -> memref<1x128xi32, #tpu.memory_space<vmem>>
    %dma_wait3A_292 = tpu.memref_squeeze %dma_wait3A_291 : memref<1x128xi32, #tpu.memory_space<vmem>> -> memref<128xi32, #tpu.memory_space<vmem>>
    %dma_wait3A_293 = arith.constant 0 : i32
    %dma_wait3A_294 = arith.constant 0 : i32
    %dma_wait3A_295 = tpu.memref_slice %arg4[%dma_wait3A_293, %dma_wait3A_294] : memref<100000x128xf32, #tpu.memory_space<hbm>> -> memref<100000x128xf32, #tpu.memory_space<hbm>>
    tpu.wait_indirect_dma semaphore(%arg13 : memref<!tpu.dma_semaphore, #tpu.memory_space<semaphore_mem>>) src(%dma_wait3A_295 : memref<100000x128xf32, #tpu.memory_space<hbm>>) dst(%dma_wait3A_289 : memref<128x128xf32, #tpu.memory_space<vmem>>)
    %dma_start3A_296 = arith.constant 5 : i32
    %dma_start3A_297 = arith.constant 1 : i32
    %dma_start3A_298 = arith.constant 0 : i32
    %dma_start3A_299 = arith.constant 0 : i32
    %dma_start3A_300 = tpu.memref_slice %arg8[%dma_start3A_297, %dma_start3A_298, %dma_start3A_299] : memref<2x128x128xf32, #tpu.memory_space<vmem>> -> memref<1x128x128xf32, #tpu.memory_space<vmem>>
    %dma_start3A_301 = tpu.memref_squeeze %dma_start3A_300 : memref<1x128x128xf32, #tpu.memory_space<vmem>> -> memref<128x128xf32, #tpu.memory_space<vmem>>
    %dma_start3A_302 = arith.constant 0 : i32
    %dma_start3A_303 = tpu.memref_slice %arg7[%dma_start3A_296, %dma_start3A_302] : memref<13x128xi32, #tpu.memory_space<vmem>> -> memref<1x128xi32, #tpu.memory_space<vmem>>
    %dma_start3A_304 = tpu.memref_squeeze %dma_start3A_303 : memref<1x128xi32, #tpu.memory_space<vmem>> -> memref<128xi32, #tpu.memory_space<vmem>>
    %dma_start3A_305 = arith.constant 0 : i32
    %dma_start3A_306 = arith.constant 0 : i32
    %dma_start3A_307 = tpu.memref_slice %arg3[%dma_start3A_305, %dma_start3A_306] : memref<100000x128xf32, #tpu.memory_space<hbm>> -> memref<100000x128xf32, #tpu.memory_space<hbm>>
    tpu.enqueue_indirect_dma source(%dma_start3A_307 : memref<100000x128xf32, #tpu.memory_space<hbm>>) target(%dma_start3A_301 : memref<128x128xf32, #tpu.memory_space<vmem>>) offsets(%dma_start3A_304 : memref<128xi32, #tpu.memory_space<vmem>>) semaphore(%arg12 : memref<!tpu.dma_semaphore, #tpu.memory_space<semaphore_mem>>)
    %dma_start3A_308 = arith.constant 5 : i32
    %dma_start3A_309 = arith.constant 1 : i32
    %dma_start3A_310 = arith.constant 0 : i32
    %dma_start3A_311 = arith.constant 0 : i32
    %dma_start3A_312 = tpu.memref_slice %arg9[%dma_start3A_309, %dma_start3A_310, %dma_start3A_311] : memref<2x128x128xf32, #tpu.memory_space<vmem>> -> memref<1x128x128xf32, #tpu.memory_space<vmem>>
    %dma_start3A_313 = tpu.memref_squeeze %dma_start3A_312 : memref<1x128x128xf32, #tpu.memory_space<vmem>> -> memref<128x128xf32, #tpu.memory_space<vmem>>
    %dma_start3A_314 = arith.constant 0 : i32
    %dma_start3A_315 = tpu.memref_slice %arg7[%dma_start3A_308, %dma_start3A_314] : memref<13x128xi32, #tpu.memory_space<vmem>> -> memref<1x128xi32, #tpu.memory_space<vmem>>
    %dma_start3A_316 = tpu.memref_squeeze %dma_start3A_315 : memref<1x128xi32, #tpu.memory_space<vmem>> -> memref<128xi32, #tpu.memory_space<vmem>>
    %dma_start3A_317 = arith.constant 0 : i32
    %dma_start3A_318 = arith.constant 0 : i32
    %dma_start3A_319 = tpu.memref_slice %arg4[%dma_start3A_317, %dma_start3A_318] : memref<100000x128xf32, #tpu.memory_space<hbm>> -> memref<100000x128xf32, #tpu.memory_space<hbm>>
    tpu.enqueue_indirect_dma source(%dma_start3A_319 : memref<100000x128xf32, #tpu.memory_space<hbm>>) target(%dma_start3A_313 : memref<128x128xf32, #tpu.memory_space<vmem>>) offsets(%dma_start3A_316 : memref<128xi32, #tpu.memory_space<vmem>>) semaphore(%arg14 : memref<!tpu.dma_semaphore, #tpu.memory_space<semaphore_mem>>)
    %mul3A_320 = arith.constant 13 : i32
    %mul3A_321 = arith.muli %add3A, %mul3A_320 : i32
    %add3A_322 = arith.constant 4 : i32
    %add3A_323 = arith.addi %mul3A_321, %add3A_322 : i32
    %run_scoped3A_324 = arith.constant 0 : i32
    "tpu.region"() ({
      %run_scoped3A_810 = tpu.sem_alloc : memref<!tpu.dma_semaphore, #tpu.memory_space<semaphore_mem>>
      %dma_start3A_811 = arith.constant 0 : i32
      %dma_start3A_812 = arith.constant 0 : i32
      %dma_start3A_813 = tpu.memref_slice %arg8[%run_scoped3A_324, %dma_start3A_811, %dma_start3A_812] : memref<2x128x128xf32, #tpu.memory_space<vmem>> -> memref<1x128x128xf32, #tpu.memory_space<vmem>>
      %dma_start3A_814 = tpu.memref_squeeze %dma_start3A_813 : memref<1x128x128xf32, #tpu.memory_space<vmem>> -> memref<128x128xf32, #tpu.memory_space<vmem>>
      %dma_start3A_815 = arith.constant 0 : i32
      %dma_start3A_816 = arith.constant 0 : i32
      %dma_start3A_817 = tpu.memref_slice %arg5[%add3A_323, %dma_start3A_815, %dma_start3A_816] : memref<416x128x128xf32, #tpu.memory_space<hbm>> -> memref<1x128x128xf32, #tpu.memory_space<hbm>>
      %dma_start3A_818 = tpu.memref_squeeze %dma_start3A_817 : memref<1x128x128xf32, #tpu.memory_space<hbm>> -> memref<128x128xf32, #tpu.memory_space<hbm>>
      %dma_start3A_819 = arith.constant 0 : i32
      %dma_start3A_820 = arith.constant 0 : i32
      %dma_start3A_821 = tpu.memref_slice %arg5[%add3A_323, %dma_start3A_819, %dma_start3A_820] : memref<416x128x128xf32, #tpu.memory_space<hbm>> -> memref<1x128x128xf32, #tpu.memory_space<hbm>>
      %dma_start3A_822 = tpu.memref_squeeze %dma_start3A_821 : memref<1x128x128xf32, #tpu.memory_space<hbm>> -> memref<128x128xf32, #tpu.memory_space<hbm>>
      %dma_start3A_823 = arith.constant 0 : i32
      %dma_start3A_824 = arith.constant 0 : i32
      %dma_start3A_825 = tpu.memref_slice %arg8[%run_scoped3A_324, %dma_start3A_823, %dma_start3A_824] : memref<2x128x128xf32, #tpu.memory_space<vmem>> -> memref<1x128x128xf32, #tpu.memory_space<vmem>>
      %dma_start3A_826 = tpu.memref_squeeze %dma_start3A_825 : memref<1x128x128xf32, #tpu.memory_space<vmem>> -> memref<128x128xf32, #tpu.memory_space<vmem>>
      tpu.enqueue_dma source(%dma_start3A_826 : memref<128x128xf32, #tpu.memory_space<vmem>>) target(%dma_start3A_822 : memref<128x128xf32, #tpu.memory_space<hbm>>) target_semaphore(%run_scoped3A_810 : memref<!tpu.dma_semaphore, #tpu.memory_space<semaphore_mem>>)
      %dma_wait3A_827 = arith.constant 0 : i32
      %dma_wait3A_828 = arith.constant 0 : i32
      %dma_wait3A_829 = tpu.memref_slice %arg8[%run_scoped3A_324, %dma_wait3A_827, %dma_wait3A_828] : memref<2x128x128xf32, #tpu.memory_space<vmem>> -> memref<1x128x128xf32, #tpu.memory_space<vmem>>
      %dma_wait3A_830 = tpu.memref_squeeze %dma_wait3A_829 : memref<1x128x128xf32, #tpu.memory_space<vmem>> -> memref<128x128xf32, #tpu.memory_space<vmem>>
      %dma_wait3A_831 = arith.constant 0 : i32
      %dma_wait3A_832 = arith.constant 0 : i32
      %dma_wait3A_833 = tpu.memref_slice %arg5[%add3A_323, %dma_wait3A_831, %dma_wait3A_832] : memref<416x128x128xf32, #tpu.memory_space<hbm>> -> memref<1x128x128xf32, #tpu.memory_space<hbm>>
      %dma_wait3A_834 = tpu.memref_squeeze %dma_wait3A_833 : memref<1x128x128xf32, #tpu.memory_space<hbm>> -> memref<128x128xf32, #tpu.memory_space<hbm>>
      %dma_wait3A_835 = arith.constant 0 : i32
      %dma_wait3A_836 = arith.constant 0 : i32
      %dma_wait3A_837 = tpu.memref_slice %arg5[%add3A_323, %dma_wait3A_835, %dma_wait3A_836] : memref<416x128x128xf32, #tpu.memory_space<hbm>> -> memref<1x128x128xf32, #tpu.memory_space<hbm>>
      %dma_wait3A_838 = tpu.memref_squeeze %dma_wait3A_837 : memref<1x128x128xf32, #tpu.memory_space<hbm>> -> memref<128x128xf32, #tpu.memory_space<hbm>>
      %dma_wait3A_839 = arith.constant 0 : i32
      %dma_wait3A_840 = arith.constant 0 : i32
      %dma_wait3A_841 = tpu.memref_slice %arg8[%run_scoped3A_324, %dma_wait3A_839, %dma_wait3A_840] : memref<2x128x128xf32, #tpu.memory_space<vmem>> -> memref<1x128x128xf32, #tpu.memory_space<vmem>>
      %dma_wait3A_842 = tpu.memref_squeeze %dma_wait3A_841 : memref<1x128x128xf32, #tpu.memory_space<vmem>> -> memref<128x128xf32, #tpu.memory_space<vmem>>
      tpu.wait_dma2 semaphore(%run_scoped3A_810 : memref<!tpu.dma_semaphore, #tpu.memory_space<semaphore_mem>>) src(%dma_wait3A_842 : memref<128x128xf32, #tpu.memory_space<vmem>>) dst(%dma_wait3A_838 : memref<128x128xf32, #tpu.memory_space<hbm>>)
      tpu.yield
    }) : () -> ()
    %scan3A_325 = arith.constant 0 : i32
    %scan3A_326 = arith.constant 128 : i32
    %scan3A_327 = arith.addi %scan3A_325, %scan3A_326 : i32
    %scan3A_328 = arith.constant 1 : i32
    %scan3A_329:8 = scf.for %scan3A_810 = %scan3A_325 to %scan3A_327 step %scan3A_328 iter_args(%scan3A_811 = %scan3A_270#0, %scan3A_812 = %scan3A_270#1, %scan3A_813 = %scan3A_270#2, %scan3A_814 = %scan3A_270#3, %scan3A_815 = %scan3A_270#4, %scan3A_816 = %scan3A_270#5, %scan3A_817 = %scan3A_270#6, %scan3A_818 = %scan3A_270#7) -> (vector<16xf32>, vector<16xf32>, vector<16xf32>, vector<16xf32>, vector<16xf32>, vector<16xf32>, vector<16xf32>, vector<16xf32>)  : i32 {
      %get3A = arith.constant 0 : i32
      %get3A_819 = arith.index_cast %get3A : i32 to index
      %get3A_820 = arith.index_cast %scan3A_810 : i32 to index
      %get3A_821 = arith.constant 0 : index
      %get3A_822 = tpu.vector_load %arg9[%get3A_819, %get3A_820, %get3A_821] {strides = array<i32>} : memref<2x128x128xf32, #tpu.memory_space<vmem>>, vector<1x1x16xf32>,
      %get3A_823 = vector.shape_cast %get3A_822 : vector<1x1x16xf32> to vector<16xf32>
      %add3A_824 = arith.addf %scan3A_811, %get3A_823 : vector<16xf32>
      %get3A_825 = arith.constant 0 : i32
      %get3A_826 = arith.index_cast %get3A_825 : i32 to index
      %get3A_827 = arith.index_cast %scan3A_810 : i32 to index
      %get3A_828 = arith.constant 16 : index
      %get3A_829 = tpu.vector_load %arg9[%get3A_826, %get3A_827, %get3A_828] {strides = array<i32>} : memref<2x128x128xf32, #tpu.memory_space<vmem>>, vector<1x1x16xf32>,
      %get3A_830 = vector.shape_cast %get3A_829 : vector<1x1x16xf32> to vector<16xf32>
      %add3A_831 = arith.addf %scan3A_812, %get3A_830 : vector<16xf32>
      %get3A_832 = arith.constant 0 : i32
      %get3A_833 = arith.index_cast %get3A_832 : i32 to index
      %get3A_834 = arith.index_cast %scan3A_810 : i32 to index
      %get3A_835 = arith.constant 32 : index
      %get3A_836 = tpu.vector_load %arg9[%get3A_833, %get3A_834, %get3A_835] {strides = array<i32>} : memref<2x128x128xf32, #tpu.memory_space<vmem>>, vector<1x1x16xf32>,
      %get3A_837 = vector.shape_cast %get3A_836 : vector<1x1x16xf32> to vector<16xf32>
      %add3A_838 = arith.addf %scan3A_813, %get3A_837 : vector<16xf32>
      %get3A_839 = arith.constant 0 : i32
      %get3A_840 = arith.index_cast %get3A_839 : i32 to index
      %get3A_841 = arith.index_cast %scan3A_810 : i32 to index
      %get3A_842 = arith.constant 48 : index
      %get3A_843 = tpu.vector_load %arg9[%get3A_840, %get3A_841, %get3A_842] {strides = array<i32>} : memref<2x128x128xf32, #tpu.memory_space<vmem>>, vector<1x1x16xf32>,
      %get3A_844 = vector.shape_cast %get3A_843 : vector<1x1x16xf32> to vector<16xf32>
      %add3A_845 = arith.addf %scan3A_814, %get3A_844 : vector<16xf32>
      %get3A_846 = arith.constant 0 : i32
      %get3A_847 = arith.index_cast %get3A_846 : i32 to index
      %get3A_848 = arith.index_cast %scan3A_810 : i32 to index
      %get3A_849 = arith.constant 64 : index
      %get3A_850 = tpu.vector_load %arg9[%get3A_847, %get3A_848, %get3A_849] {strides = array<i32>} : memref<2x128x128xf32, #tpu.memory_space<vmem>>, vector<1x1x16xf32>,
      %get3A_851 = vector.shape_cast %get3A_850 : vector<1x1x16xf32> to vector<16xf32>
      %add3A_852 = arith.addf %scan3A_815, %get3A_851 : vector<16xf32>
      %get3A_853 = arith.constant 0 : i32
      %get3A_854 = arith.index_cast %get3A_853 : i32 to index
      %get3A_855 = arith.index_cast %scan3A_810 : i32 to index
      %get3A_856 = arith.constant 80 : index
      %get3A_857 = tpu.vector_load %arg9[%get3A_854, %get3A_855, %get3A_856] {strides = array<i32>} : memref<2x128x128xf32, #tpu.memory_space<vmem>>, vector<1x1x16xf32>,
      %get3A_858 = vector.shape_cast %get3A_857 : vector<1x1x16xf32> to vector<16xf32>
      %add3A_859 = arith.addf %scan3A_816, %get3A_858 : vector<16xf32>
      %get3A_860 = arith.constant 0 : i32
      %get3A_861 = arith.index_cast %get3A_860 : i32 to index
      %get3A_862 = arith.index_cast %scan3A_810 : i32 to index
      %get3A_863 = arith.constant 96 : index
      %get3A_864 = tpu.vector_load %arg9[%get3A_861, %get3A_862, %get3A_863] {strides = array<i32>} : memref<2x128x128xf32, #tpu.memory_space<vmem>>, vector<1x1x16xf32>,
      %get3A_865 = vector.shape_cast %get3A_864 : vector<1x1x16xf32> to vector<16xf32>
      %add3A_866 = arith.addf %scan3A_817, %get3A_865 : vector<16xf32>
      %get3A_867 = arith.constant 0 : i32
      %get3A_868 = arith.index_cast %get3A_867 : i32 to index
      %get3A_869 = arith.index_cast %scan3A_810 : i32 to index
      %get3A_870 = arith.constant 112 : index
      %get3A_871 = tpu.vector_load %arg9[%get3A_868, %get3A_869, %get3A_870] {strides = array<i32>} : memref<2x128x128xf32, #tpu.memory_space<vmem>>, vector<1x1x16xf32>,
      %get3A_872 = vector.shape_cast %get3A_871 : vector<1x1x16xf32> to vector<16xf32>
      %add3A_873 = arith.addf %scan3A_818, %get3A_872 : vector<16xf32>
      scf.yield %add3A_824, %add3A_831, %add3A_838, %add3A_845, %add3A_852, %add3A_859, %add3A_866, %add3A_873 : vector<16xf32>, vector<16xf32>, vector<16xf32>, vector<16xf32>, vector<16xf32>, vector<16xf32>, vector<16xf32>, vector<16xf32>
    }
    %scan3A_330 = arith.constant 128 : i32
    %dma_wait3A_331 = arith.constant 5 : i32
    %dma_wait3A_332 = arith.constant 1 : i32
    %dma_wait3A_333 = arith.constant 0 : i32
    %dma_wait3A_334 = arith.constant 0 : i32
    %dma_wait3A_335 = tpu.memref_slice %arg8[%dma_wait3A_332, %dma_wait3A_333, %dma_wait3A_334] : memref<2x128x128xf32, #tpu.memory_space<vmem>> -> memref<1x128x128xf32, #tpu.memory_space<vmem>>
    %dma_wait3A_336 = tpu.memref_squeeze %dma_wait3A_335 : memref<1x128x128xf32, #tpu.memory_space<vmem>> -> memref<128x128xf32, #tpu.memory_space<vmem>>
    %dma_wait3A_337 = arith.constant 0 : i32
    %dma_wait3A_338 = tpu.memref_slice %arg7[%dma_wait3A_331, %dma_wait3A_337] : memref<13x128xi32, #tpu.memory_space<vmem>> -> memref<1x128xi32, #tpu.memory_space<vmem>>
    %dma_wait3A_339 = tpu.memref_squeeze %dma_wait3A_338 : memref<1x128xi32, #tpu.memory_space<vmem>> -> memref<128xi32, #tpu.memory_space<vmem>>
    %dma_wait3A_340 = arith.constant 0 : i32
    %dma_wait3A_341 = arith.constant 0 : i32
    %dma_wait3A_342 = tpu.memref_slice %arg3[%dma_wait3A_340, %dma_wait3A_341] : memref<100000x128xf32, #tpu.memory_space<hbm>> -> memref<100000x128xf32, #tpu.memory_space<hbm>>
    tpu.wait_indirect_dma semaphore(%arg12 : memref<!tpu.dma_semaphore, #tpu.memory_space<semaphore_mem>>) src(%dma_wait3A_342 : memref<100000x128xf32, #tpu.memory_space<hbm>>) dst(%dma_wait3A_336 : memref<128x128xf32, #tpu.memory_space<vmem>>)
    %dma_wait3A_343 = arith.constant 5 : i32
    %dma_wait3A_344 = arith.constant 1 : i32
    %dma_wait3A_345 = arith.constant 0 : i32
    %dma_wait3A_346 = arith.constant 0 : i32
    %dma_wait3A_347 = tpu.memref_slice %arg9[%dma_wait3A_344, %dma_wait3A_345, %dma_wait3A_346] : memref<2x128x128xf32, #tpu.memory_space<vmem>> -> memref<1x128x128xf32, #tpu.memory_space<vmem>>
    %dma_wait3A_348 = tpu.memref_squeeze %dma_wait3A_347 : memref<1x128x128xf32, #tpu.memory_space<vmem>> -> memref<128x128xf32, #tpu.memory_space<vmem>>
    %dma_wait3A_349 = arith.constant 0 : i32
    %dma_wait3A_350 = tpu.memref_slice %arg7[%dma_wait3A_343, %dma_wait3A_349] : memref<13x128xi32, #tpu.memory_space<vmem>> -> memref<1x128xi32, #tpu.memory_space<vmem>>
    %dma_wait3A_351 = tpu.memref_squeeze %dma_wait3A_350 : memref<1x128xi32, #tpu.memory_space<vmem>> -> memref<128xi32, #tpu.memory_space<vmem>>
    %dma_wait3A_352 = arith.constant 0 : i32
    %dma_wait3A_353 = arith.constant 0 : i32
    %dma_wait3A_354 = tpu.memref_slice %arg4[%dma_wait3A_352, %dma_wait3A_353] : memref<100000x128xf32, #tpu.memory_space<hbm>> -> memref<100000x128xf32, #tpu.memory_space<hbm>>
    tpu.wait_indirect_dma semaphore(%arg14 : memref<!tpu.dma_semaphore, #tpu.memory_space<semaphore_mem>>) src(%dma_wait3A_354 : memref<100000x128xf32, #tpu.memory_space<hbm>>) dst(%dma_wait3A_348 : memref<128x128xf32, #tpu.memory_space<vmem>>)
    %dma_start3A_355 = arith.constant 6 : i32
    %dma_start3A_356 = arith.constant 0 : i32
    %dma_start3A_357 = arith.constant 0 : i32
    %dma_start3A_358 = arith.constant 0 : i32
    %dma_start3A_359 = tpu.memref_slice %arg8[%dma_start3A_356, %dma_start3A_357, %dma_start3A_358] : memref<2x128x128xf32, #tpu.memory_space<vmem>> -> memref<1x128x128xf32, #tpu.memory_space<vmem>>
    %dma_start3A_360 = tpu.memref_squeeze %dma_start3A_359 : memref<1x128x128xf32, #tpu.memory_space<vmem>> -> memref<128x128xf32, #tpu.memory_space<vmem>>
    %dma_start3A_361 = arith.constant 0 : i32
    %dma_start3A_362 = tpu.memref_slice %arg7[%dma_start3A_355, %dma_start3A_361] : memref<13x128xi32, #tpu.memory_space<vmem>> -> memref<1x128xi32, #tpu.memory_space<vmem>>
    %dma_start3A_363 = tpu.memref_squeeze %dma_start3A_362 : memref<1x128xi32, #tpu.memory_space<vmem>> -> memref<128xi32, #tpu.memory_space<vmem>>
    %dma_start3A_364 = arith.constant 0 : i32
    %dma_start3A_365 = arith.constant 0 : i32
    %dma_start3A_366 = tpu.memref_slice %arg3[%dma_start3A_364, %dma_start3A_365] : memref<100000x128xf32, #tpu.memory_space<hbm>> -> memref<100000x128xf32, #tpu.memory_space<hbm>>
    tpu.enqueue_indirect_dma source(%dma_start3A_366 : memref<100000x128xf32, #tpu.memory_space<hbm>>) target(%dma_start3A_360 : memref<128x128xf32, #tpu.memory_space<vmem>>) offsets(%dma_start3A_363 : memref<128xi32, #tpu.memory_space<vmem>>) semaphore(%arg11 : memref<!tpu.dma_semaphore, #tpu.memory_space<semaphore_mem>>)
    %dma_start3A_367 = arith.constant 6 : i32
    %dma_start3A_368 = arith.constant 0 : i32
    %dma_start3A_369 = arith.constant 0 : i32
    %dma_start3A_370 = arith.constant 0 : i32
    %dma_start3A_371 = tpu.memref_slice %arg9[%dma_start3A_368, %dma_start3A_369, %dma_start3A_370] : memref<2x128x128xf32, #tpu.memory_space<vmem>> -> memref<1x128x128xf32, #tpu.memory_space<vmem>>
    %dma_start3A_372 = tpu.memref_squeeze %dma_start3A_371 : memref<1x128x128xf32, #tpu.memory_space<vmem>> -> memref<128x128xf32, #tpu.memory_space<vmem>>
    %dma_start3A_373 = arith.constant 0 : i32
    %dma_start3A_374 = tpu.memref_slice %arg7[%dma_start3A_367, %dma_start3A_373] : memref<13x128xi32, #tpu.memory_space<vmem>> -> memref<1x128xi32, #tpu.memory_space<vmem>>
    %dma_start3A_375 = tpu.memref_squeeze %dma_start3A_374 : memref<1x128xi32, #tpu.memory_space<vmem>> -> memref<128xi32, #tpu.memory_space<vmem>>
    %dma_start3A_376 = arith.constant 0 : i32
    %dma_start3A_377 = arith.constant 0 : i32
    %dma_start3A_378 = tpu.memref_slice %arg4[%dma_start3A_376, %dma_start3A_377] : memref<100000x128xf32, #tpu.memory_space<hbm>> -> memref<100000x128xf32, #tpu.memory_space<hbm>>
    tpu.enqueue_indirect_dma source(%dma_start3A_378 : memref<100000x128xf32, #tpu.memory_space<hbm>>) target(%dma_start3A_372 : memref<128x128xf32, #tpu.memory_space<vmem>>) offsets(%dma_start3A_375 : memref<128xi32, #tpu.memory_space<vmem>>) semaphore(%arg13 : memref<!tpu.dma_semaphore, #tpu.memory_space<semaphore_mem>>)
    %mul3A_379 = arith.constant 13 : i32
    %mul3A_380 = arith.muli %add3A, %mul3A_379 : i32
    %add3A_381 = arith.constant 5 : i32
    %add3A_382 = arith.addi %mul3A_380, %add3A_381 : i32
    %run_scoped3A_383 = arith.constant 1 : i32
    "tpu.region"() ({
      %run_scoped3A_810 = tpu.sem_alloc : memref<!tpu.dma_semaphore, #tpu.memory_space<semaphore_mem>>
      %dma_start3A_811 = arith.constant 0 : i32
      %dma_start3A_812 = arith.constant 0 : i32
      %dma_start3A_813 = tpu.memref_slice %arg8[%run_scoped3A_383, %dma_start3A_811, %dma_start3A_812] : memref<2x128x128xf32, #tpu.memory_space<vmem>> -> memref<1x128x128xf32, #tpu.memory_space<vmem>>
      %dma_start3A_814 = tpu.memref_squeeze %dma_start3A_813 : memref<1x128x128xf32, #tpu.memory_space<vmem>> -> memref<128x128xf32, #tpu.memory_space<vmem>>
      %dma_start3A_815 = arith.constant 0 : i32
      %dma_start3A_816 = arith.constant 0 : i32
      %dma_start3A_817 = tpu.memref_slice %arg5[%add3A_382, %dma_start3A_815, %dma_start3A_816] : memref<416x128x128xf32, #tpu.memory_space<hbm>> -> memref<1x128x128xf32, #tpu.memory_space<hbm>>
      %dma_start3A_818 = tpu.memref_squeeze %dma_start3A_817 : memref<1x128x128xf32, #tpu.memory_space<hbm>> -> memref<128x128xf32, #tpu.memory_space<hbm>>
      %dma_start3A_819 = arith.constant 0 : i32
      %dma_start3A_820 = arith.constant 0 : i32
      %dma_start3A_821 = tpu.memref_slice %arg5[%add3A_382, %dma_start3A_819, %dma_start3A_820] : memref<416x128x128xf32, #tpu.memory_space<hbm>> -> memref<1x128x128xf32, #tpu.memory_space<hbm>>
      %dma_start3A_822 = tpu.memref_squeeze %dma_start3A_821 : memref<1x128x128xf32, #tpu.memory_space<hbm>> -> memref<128x128xf32, #tpu.memory_space<hbm>>
      %dma_start3A_823 = arith.constant 0 : i32
      %dma_start3A_824 = arith.constant 0 : i32
      %dma_start3A_825 = tpu.memref_slice %arg8[%run_scoped3A_383, %dma_start3A_823, %dma_start3A_824] : memref<2x128x128xf32, #tpu.memory_space<vmem>> -> memref<1x128x128xf32, #tpu.memory_space<vmem>>
      %dma_start3A_826 = tpu.memref_squeeze %dma_start3A_825 : memref<1x128x128xf32, #tpu.memory_space<vmem>> -> memref<128x128xf32, #tpu.memory_space<vmem>>
      tpu.enqueue_dma source(%dma_start3A_826 : memref<128x128xf32, #tpu.memory_space<vmem>>) target(%dma_start3A_822 : memref<128x128xf32, #tpu.memory_space<hbm>>) target_semaphore(%run_scoped3A_810 : memref<!tpu.dma_semaphore, #tpu.memory_space<semaphore_mem>>)
      %dma_wait3A_827 = arith.constant 0 : i32
      %dma_wait3A_828 = arith.constant 0 : i32
      %dma_wait3A_829 = tpu.memref_slice %arg8[%run_scoped3A_383, %dma_wait3A_827, %dma_wait3A_828] : memref<2x128x128xf32, #tpu.memory_space<vmem>> -> memref<1x128x128xf32, #tpu.memory_space<vmem>>
      %dma_wait3A_830 = tpu.memref_squeeze %dma_wait3A_829 : memref<1x128x128xf32, #tpu.memory_space<vmem>> -> memref<128x128xf32, #tpu.memory_space<vmem>>
      %dma_wait3A_831 = arith.constant 0 : i32
      %dma_wait3A_832 = arith.constant 0 : i32
      %dma_wait3A_833 = tpu.memref_slice %arg5[%add3A_382, %dma_wait3A_831, %dma_wait3A_832] : memref<416x128x128xf32, #tpu.memory_space<hbm>> -> memref<1x128x128xf32, #tpu.memory_space<hbm>>
      %dma_wait3A_834 = tpu.memref_squeeze %dma_wait3A_833 : memref<1x128x128xf32, #tpu.memory_space<hbm>> -> memref<128x128xf32, #tpu.memory_space<hbm>>
      %dma_wait3A_835 = arith.constant 0 : i32
      %dma_wait3A_836 = arith.constant 0 : i32
      %dma_wait3A_837 = tpu.memref_slice %arg5[%add3A_382, %dma_wait3A_835, %dma_wait3A_836] : memref<416x128x128xf32, #tpu.memory_space<hbm>> -> memref<1x128x128xf32, #tpu.memory_space<hbm>>
      %dma_wait3A_838 = tpu.memref_squeeze %dma_wait3A_837 : memref<1x128x128xf32, #tpu.memory_space<hbm>> -> memref<128x128xf32, #tpu.memory_space<hbm>>
      %dma_wait3A_839 = arith.constant 0 : i32
      %dma_wait3A_840 = arith.constant 0 : i32
      %dma_wait3A_841 = tpu.memref_slice %arg8[%run_scoped3A_383, %dma_wait3A_839, %dma_wait3A_840] : memref<2x128x128xf32, #tpu.memory_space<vmem>> -> memref<1x128x128xf32, #tpu.memory_space<vmem>>
      %dma_wait3A_842 = tpu.memref_squeeze %dma_wait3A_841 : memref<1x128x128xf32, #tpu.memory_space<vmem>> -> memref<128x128xf32, #tpu.memory_space<vmem>>
      tpu.wait_dma2 semaphore(%run_scoped3A_810 : memref<!tpu.dma_semaphore, #tpu.memory_space<semaphore_mem>>) src(%dma_wait3A_842 : memref<128x128xf32, #tpu.memory_space<vmem>>) dst(%dma_wait3A_838 : memref<128x128xf32, #tpu.memory_space<hbm>>)
      tpu.yield
    }) : () -> ()
    %scan3A_384 = arith.constant 0 : i32
    %scan3A_385 = arith.constant 128 : i32
    %scan3A_386 = arith.addi %scan3A_384, %scan3A_385 : i32
    %scan3A_387 = arith.constant 1 : i32
    %scan3A_388:8 = scf.for %scan3A_810 = %scan3A_384 to %scan3A_386 step %scan3A_387 iter_args(%scan3A_811 = %scan3A_329#0, %scan3A_812 = %scan3A_329#1, %scan3A_813 = %scan3A_329#2, %scan3A_814 = %scan3A_329#3, %scan3A_815 = %scan3A_329#4, %scan3A_816 = %scan3A_329#5, %scan3A_817 = %scan3A_329#6, %scan3A_818 = %scan3A_329#7) -> (vector<16xf32>, vector<16xf32>, vector<16xf32>, vector<16xf32>, vector<16xf32>, vector<16xf32>, vector<16xf32>, vector<16xf32>)  : i32 {
      %get3A = arith.constant 1 : i32
      %get3A_819 = arith.index_cast %get3A : i32 to index
      %get3A_820 = arith.index_cast %scan3A_810 : i32 to index
      %get3A_821 = arith.constant 0 : index
      %get3A_822 = tpu.vector_load %arg9[%get3A_819, %get3A_820, %get3A_821] {strides = array<i32>} : memref<2x128x128xf32, #tpu.memory_space<vmem>>, vector<1x1x16xf32>,
      %get3A_823 = vector.shape_cast %get3A_822 : vector<1x1x16xf32> to vector<16xf32>
      %add3A_824 = arith.addf %scan3A_811, %get3A_823 : vector<16xf32>
      %get3A_825 = arith.constant 1 : i32
      %get3A_826 = arith.index_cast %get3A_825 : i32 to index
      %get3A_827 = arith.index_cast %scan3A_810 : i32 to index
      %get3A_828 = arith.constant 16 : index
      %get3A_829 = tpu.vector_load %arg9[%get3A_826, %get3A_827, %get3A_828] {strides = array<i32>} : memref<2x128x128xf32, #tpu.memory_space<vmem>>, vector<1x1x16xf32>,
      %get3A_830 = vector.shape_cast %get3A_829 : vector<1x1x16xf32> to vector<16xf32>
      %add3A_831 = arith.addf %scan3A_812, %get3A_830 : vector<16xf32>
      %get3A_832 = arith.constant 1 : i32
      %get3A_833 = arith.index_cast %get3A_832 : i32 to index
      %get3A_834 = arith.index_cast %scan3A_810 : i32 to index
      %get3A_835 = arith.constant 32 : index
      %get3A_836 = tpu.vector_load %arg9[%get3A_833, %get3A_834, %get3A_835] {strides = array<i32>} : memref<2x128x128xf32, #tpu.memory_space<vmem>>, vector<1x1x16xf32>,
      %get3A_837 = vector.shape_cast %get3A_836 : vector<1x1x16xf32> to vector<16xf32>
      %add3A_838 = arith.addf %scan3A_813, %get3A_837 : vector<16xf32>
      %get3A_839 = arith.constant 1 : i32
      %get3A_840 = arith.index_cast %get3A_839 : i32 to index
      %get3A_841 = arith.index_cast %scan3A_810 : i32 to index
      %get3A_842 = arith.constant 48 : index
      %get3A_843 = tpu.vector_load %arg9[%get3A_840, %get3A_841, %get3A_842] {strides = array<i32>} : memref<2x128x128xf32, #tpu.memory_space<vmem>>, vector<1x1x16xf32>,
      %get3A_844 = vector.shape_cast %get3A_843 : vector<1x1x16xf32> to vector<16xf32>
      %add3A_845 = arith.addf %scan3A_814, %get3A_844 : vector<16xf32>
      %get3A_846 = arith.constant 1 : i32
      %get3A_847 = arith.index_cast %get3A_846 : i32 to index
      %get3A_848 = arith.index_cast %scan3A_810 : i32 to index
      %get3A_849 = arith.constant 64 : index
      %get3A_850 = tpu.vector_load %arg9[%get3A_847, %get3A_848, %get3A_849] {strides = array<i32>} : memref<2x128x128xf32, #tpu.memory_space<vmem>>, vector<1x1x16xf32>,
      %get3A_851 = vector.shape_cast %get3A_850 : vector<1x1x16xf32> to vector<16xf32>
      %add3A_852 = arith.addf %scan3A_815, %get3A_851 : vector<16xf32>
      %get3A_853 = arith.constant 1 : i32
      %get3A_854 = arith.index_cast %get3A_853 : i32 to index
      %get3A_855 = arith.index_cast %scan3A_810 : i32 to index
      %get3A_856 = arith.constant 80 : index
      %get3A_857 = tpu.vector_load %arg9[%get3A_854, %get3A_855, %get3A_856] {strides = array<i32>} : memref<2x128x128xf32, #tpu.memory_space<vmem>>, vector<1x1x16xf32>,
      %get3A_858 = vector.shape_cast %get3A_857 : vector<1x1x16xf32> to vector<16xf32>
      %add3A_859 = arith.addf %scan3A_816, %get3A_858 : vector<16xf32>
      %get3A_860 = arith.constant 1 : i32
      %get3A_861 = arith.index_cast %get3A_860 : i32 to index
      %get3A_862 = arith.index_cast %scan3A_810 : i32 to index
      %get3A_863 = arith.constant 96 : index
      %get3A_864 = tpu.vector_load %arg9[%get3A_861, %get3A_862, %get3A_863] {strides = array<i32>} : memref<2x128x128xf32, #tpu.memory_space<vmem>>, vector<1x1x16xf32>,
      %get3A_865 = vector.shape_cast %get3A_864 : vector<1x1x16xf32> to vector<16xf32>
      %add3A_866 = arith.addf %scan3A_817, %get3A_865 : vector<16xf32>
      %get3A_867 = arith.constant 1 : i32
      %get3A_868 = arith.index_cast %get3A_867 : i32 to index
      %get3A_869 = arith.index_cast %scan3A_810 : i32 to index
      %get3A_870 = arith.constant 112 : index
      %get3A_871 = tpu.vector_load %arg9[%get3A_868, %get3A_869, %get3A_870] {strides = array<i32>} : memref<2x128x128xf32, #tpu.memory_space<vmem>>, vector<1x1x16xf32>,
      %get3A_872 = vector.shape_cast %get3A_871 : vector<1x1x16xf32> to vector<16xf32>
      %add3A_873 = arith.addf %scan3A_818, %get3A_872 : vector<16xf32>
      scf.yield %add3A_824, %add3A_831, %add3A_838, %add3A_845, %add3A_852, %add3A_859, %add3A_866, %add3A_873 : vector<16xf32>, vector<16xf32>, vector<16xf32>, vector<16xf32>, vector<16xf32>, vector<16xf32>, vector<16xf32>, vector<16xf32>
    }
    %scan3A_389 = arith.constant 128 : i32
    %dma_wait3A_390 = arith.constant 6 : i32
    %dma_wait3A_391 = arith.constant 0 : i32
    %dma_wait3A_392 = arith.constant 0 : i32
    %dma_wait3A_393 = arith.constant 0 : i32
    %dma_wait3A_394 = tpu.memref_slice %arg8[%dma_wait3A_391, %dma_wait3A_392, %dma_wait3A_393] : memref<2x128x128xf32, #tpu.memory_space<vmem>> -> memref<1x128x128xf32, #tpu.memory_space<vmem>>
    %dma_wait3A_395 = tpu.memref_squeeze %dma_wait3A_394 : memref<1x128x128xf32, #tpu.memory_space<vmem>> -> memref<128x128xf32, #tpu.memory_space<vmem>>
    %dma_wait3A_396 = arith.constant 0 : i32
    %dma_wait3A_397 = tpu.memref_slice %arg7[%dma_wait3A_390, %dma_wait3A_396] : memref<13x128xi32, #tpu.memory_space<vmem>> -> memref<1x128xi32, #tpu.memory_space<vmem>>
    %dma_wait3A_398 = tpu.memref_squeeze %dma_wait3A_397 : memref<1x128xi32, #tpu.memory_space<vmem>> -> memref<128xi32, #tpu.memory_space<vmem>>
    %dma_wait3A_399 = arith.constant 0 : i32
    %dma_wait3A_400 = arith.constant 0 : i32
    %dma_wait3A_401 = tpu.memref_slice %arg3[%dma_wait3A_399, %dma_wait3A_400] : memref<100000x128xf32, #tpu.memory_space<hbm>> -> memref<100000x128xf32, #tpu.memory_space<hbm>>
    tpu.wait_indirect_dma semaphore(%arg11 : memref<!tpu.dma_semaphore, #tpu.memory_space<semaphore_mem>>) src(%dma_wait3A_401 : memref<100000x128xf32, #tpu.memory_space<hbm>>) dst(%dma_wait3A_395 : memref<128x128xf32, #tpu.memory_space<vmem>>)
    %dma_wait3A_402 = arith.constant 6 : i32
    %dma_wait3A_403 = arith.constant 0 : i32
    %dma_wait3A_404 = arith.constant 0 : i32
    %dma_wait3A_405 = arith.constant 0 : i32
    %dma_wait3A_406 = tpu.memref_slice %arg9[%dma_wait3A_403, %dma_wait3A_404, %dma_wait3A_405] : memref<2x128x128xf32, #tpu.memory_space<vmem>> -> memref<1x128x128xf32, #tpu.memory_space<vmem>>
    %dma_wait3A_407 = tpu.memref_squeeze %dma_wait3A_406 : memref<1x128x128xf32, #tpu.memory_space<vmem>> -> memref<128x128xf32, #tpu.memory_space<vmem>>
    %dma_wait3A_408 = arith.constant 0 : i32
    %dma_wait3A_409 = tpu.memref_slice %arg7[%dma_wait3A_402, %dma_wait3A_408] : memref<13x128xi32, #tpu.memory_space<vmem>> -> memref<1x128xi32, #tpu.memory_space<vmem>>
    %dma_wait3A_410 = tpu.memref_squeeze %dma_wait3A_409 : memref<1x128xi32, #tpu.memory_space<vmem>> -> memref<128xi32, #tpu.memory_space<vmem>>
    %dma_wait3A_411 = arith.constant 0 : i32
    %dma_wait3A_412 = arith.constant 0 : i32
    %dma_wait3A_413 = tpu.memref_slice %arg4[%dma_wait3A_411, %dma_wait3A_412] : memref<100000x128xf32, #tpu.memory_space<hbm>> -> memref<100000x128xf32, #tpu.memory_space<hbm>>
    tpu.wait_indirect_dma semaphore(%arg13 : memref<!tpu.dma_semaphore, #tpu.memory_space<semaphore_mem>>) src(%dma_wait3A_413 : memref<100000x128xf32, #tpu.memory_space<hbm>>) dst(%dma_wait3A_407 : memref<128x128xf32, #tpu.memory_space<vmem>>)
    %dma_start3A_414 = arith.constant 7 : i32
    %dma_start3A_415 = arith.constant 1 : i32
    %dma_start3A_416 = arith.constant 0 : i32
    %dma_start3A_417 = arith.constant 0 : i32
    %dma_start3A_418 = tpu.memref_slice %arg8[%dma_start3A_415, %dma_start3A_416, %dma_start3A_417] : memref<2x128x128xf32, #tpu.memory_space<vmem>> -> memref<1x128x128xf32, #tpu.memory_space<vmem>>
    %dma_start3A_419 = tpu.memref_squeeze %dma_start3A_418 : memref<1x128x128xf32, #tpu.memory_space<vmem>> -> memref<128x128xf32, #tpu.memory_space<vmem>>
    %dma_start3A_420 = arith.constant 0 : i32
    %dma_start3A_421 = tpu.memref_slice %arg7[%dma_start3A_414, %dma_start3A_420] : memref<13x128xi32, #tpu.memory_space<vmem>> -> memref<1x128xi32, #tpu.memory_space<vmem>>
    %dma_start3A_422 = tpu.memref_squeeze %dma_start3A_421 : memref<1x128xi32, #tpu.memory_space<vmem>> -> memref<128xi32, #tpu.memory_space<vmem>>
    %dma_start3A_423 = arith.constant 0 : i32
    %dma_start3A_424 = arith.constant 0 : i32
    %dma_start3A_425 = tpu.memref_slice %arg3[%dma_start3A_423, %dma_start3A_424] : memref<100000x128xf32, #tpu.memory_space<hbm>> -> memref<100000x128xf32, #tpu.memory_space<hbm>>
    tpu.enqueue_indirect_dma source(%dma_start3A_425 : memref<100000x128xf32, #tpu.memory_space<hbm>>) target(%dma_start3A_419 : memref<128x128xf32, #tpu.memory_space<vmem>>) offsets(%dma_start3A_422 : memref<128xi32, #tpu.memory_space<vmem>>) semaphore(%arg12 : memref<!tpu.dma_semaphore, #tpu.memory_space<semaphore_mem>>)
    %dma_start3A_426 = arith.constant 7 : i32
    %dma_start3A_427 = arith.constant 1 : i32
    %dma_start3A_428 = arith.constant 0 : i32
    %dma_start3A_429 = arith.constant 0 : i32
    %dma_start3A_430 = tpu.memref_slice %arg9[%dma_start3A_427, %dma_start3A_428, %dma_start3A_429] : memref<2x128x128xf32, #tpu.memory_space<vmem>> -> memref<1x128x128xf32, #tpu.memory_space<vmem>>
    %dma_start3A_431 = tpu.memref_squeeze %dma_start3A_430 : memref<1x128x128xf32, #tpu.memory_space<vmem>> -> memref<128x128xf32, #tpu.memory_space<vmem>>
    %dma_start3A_432 = arith.constant 0 : i32
    %dma_start3A_433 = tpu.memref_slice %arg7[%dma_start3A_426, %dma_start3A_432] : memref<13x128xi32, #tpu.memory_space<vmem>> -> memref<1x128xi32, #tpu.memory_space<vmem>>
    %dma_start3A_434 = tpu.memref_squeeze %dma_start3A_433 : memref<1x128xi32, #tpu.memory_space<vmem>> -> memref<128xi32, #tpu.memory_space<vmem>>
    %dma_start3A_435 = arith.constant 0 : i32
    %dma_start3A_436 = arith.constant 0 : i32
    %dma_start3A_437 = tpu.memref_slice %arg4[%dma_start3A_435, %dma_start3A_436] : memref<100000x128xf32, #tpu.memory_space<hbm>> -> memref<100000x128xf32, #tpu.memory_space<hbm>>
    tpu.enqueue_indirect_dma source(%dma_start3A_437 : memref<100000x128xf32, #tpu.memory_space<hbm>>) target(%dma_start3A_431 : memref<128x128xf32, #tpu.memory_space<vmem>>) offsets(%dma_start3A_434 : memref<128xi32, #tpu.memory_space<vmem>>) semaphore(%arg14 : memref<!tpu.dma_semaphore, #tpu.memory_space<semaphore_mem>>)
    %mul3A_438 = arith.constant 13 : i32
    %mul3A_439 = arith.muli %add3A, %mul3A_438 : i32
    %add3A_440 = arith.constant 6 : i32
    %add3A_441 = arith.addi %mul3A_439, %add3A_440 : i32
    %run_scoped3A_442 = arith.constant 0 : i32
    "tpu.region"() ({
      %run_scoped3A_810 = tpu.sem_alloc : memref<!tpu.dma_semaphore, #tpu.memory_space<semaphore_mem>>
      %dma_start3A_811 = arith.constant 0 : i32
      %dma_start3A_812 = arith.constant 0 : i32
      %dma_start3A_813 = tpu.memref_slice %arg8[%run_scoped3A_442, %dma_start3A_811, %dma_start3A_812] : memref<2x128x128xf32, #tpu.memory_space<vmem>> -> memref<1x128x128xf32, #tpu.memory_space<vmem>>
      %dma_start3A_814 = tpu.memref_squeeze %dma_start3A_813 : memref<1x128x128xf32, #tpu.memory_space<vmem>> -> memref<128x128xf32, #tpu.memory_space<vmem>>
      %dma_start3A_815 = arith.constant 0 : i32
      %dma_start3A_816 = arith.constant 0 : i32
      %dma_start3A_817 = tpu.memref_slice %arg5[%add3A_441, %dma_start3A_815, %dma_start3A_816] : memref<416x128x128xf32, #tpu.memory_space<hbm>> -> memref<1x128x128xf32, #tpu.memory_space<hbm>>
      %dma_start3A_818 = tpu.memref_squeeze %dma_start3A_817 : memref<1x128x128xf32, #tpu.memory_space<hbm>> -> memref<128x128xf32, #tpu.memory_space<hbm>>
      %dma_start3A_819 = arith.constant 0 : i32
      %dma_start3A_820 = arith.constant 0 : i32
      %dma_start3A_821 = tpu.memref_slice %arg5[%add3A_441, %dma_start3A_819, %dma_start3A_820] : memref<416x128x128xf32, #tpu.memory_space<hbm>> -> memref<1x128x128xf32, #tpu.memory_space<hbm>>
      %dma_start3A_822 = tpu.memref_squeeze %dma_start3A_821 : memref<1x128x128xf32, #tpu.memory_space<hbm>> -> memref<128x128xf32, #tpu.memory_space<hbm>>
      %dma_start3A_823 = arith.constant 0 : i32
      %dma_start3A_824 = arith.constant 0 : i32
      %dma_start3A_825 = tpu.memref_slice %arg8[%run_scoped3A_442, %dma_start3A_823, %dma_start3A_824] : memref<2x128x128xf32, #tpu.memory_space<vmem>> -> memref<1x128x128xf32, #tpu.memory_space<vmem>>
      %dma_start3A_826 = tpu.memref_squeeze %dma_start3A_825 : memref<1x128x128xf32, #tpu.memory_space<vmem>> -> memref<128x128xf32, #tpu.memory_space<vmem>>
      tpu.enqueue_dma source(%dma_start3A_826 : memref<128x128xf32, #tpu.memory_space<vmem>>) target(%dma_start3A_822 : memref<128x128xf32, #tpu.memory_space<hbm>>) target_semaphore(%run_scoped3A_810 : memref<!tpu.dma_semaphore, #tpu.memory_space<semaphore_mem>>)
      %dma_wait3A_827 = arith.constant 0 : i32
      %dma_wait3A_828 = arith.constant 0 : i32
      %dma_wait3A_829 = tpu.memref_slice %arg8[%run_scoped3A_442, %dma_wait3A_827, %dma_wait3A_828] : memref<2x128x128xf32, #tpu.memory_space<vmem>> -> memref<1x128x128xf32, #tpu.memory_space<vmem>>
      %dma_wait3A_830 = tpu.memref_squeeze %dma_wait3A_829 : memref<1x128x128xf32, #tpu.memory_space<vmem>> -> memref<128x128xf32, #tpu.memory_space<vmem>>
      %dma_wait3A_831 = arith.constant 0 : i32
      %dma_wait3A_832 = arith.constant 0 : i32
      %dma_wait3A_833 = tpu.memref_slice %arg5[%add3A_441, %dma_wait3A_831, %dma_wait3A_832] : memref<416x128x128xf32, #tpu.memory_space<hbm>> -> memref<1x128x128xf32, #tpu.memory_space<hbm>>
      %dma_wait3A_834 = tpu.memref_squeeze %dma_wait3A_833 : memref<1x128x128xf32, #tpu.memory_space<hbm>> -> memref<128x128xf32, #tpu.memory_space<hbm>>
      %dma_wait3A_835 = arith.constant 0 : i32
      %dma_wait3A_836 = arith.constant 0 : i32
      %dma_wait3A_837 = tpu.memref_slice %arg5[%add3A_441, %dma_wait3A_835, %dma_wait3A_836] : memref<416x128x128xf32, #tpu.memory_space<hbm>> -> memref<1x128x128xf32, #tpu.memory_space<hbm>>
      %dma_wait3A_838 = tpu.memref_squeeze %dma_wait3A_837 : memref<1x128x128xf32, #tpu.memory_space<hbm>> -> memref<128x128xf32, #tpu.memory_space<hbm>>
      %dma_wait3A_839 = arith.constant 0 : i32
      %dma_wait3A_840 = arith.constant 0 : i32
      %dma_wait3A_841 = tpu.memref_slice %arg8[%run_scoped3A_442, %dma_wait3A_839, %dma_wait3A_840] : memref<2x128x128xf32, #tpu.memory_space<vmem>> -> memref<1x128x128xf32, #tpu.memory_space<vmem>>
      %dma_wait3A_842 = tpu.memref_squeeze %dma_wait3A_841 : memref<1x128x128xf32, #tpu.memory_space<vmem>> -> memref<128x128xf32, #tpu.memory_space<vmem>>
      tpu.wait_dma2 semaphore(%run_scoped3A_810 : memref<!tpu.dma_semaphore, #tpu.memory_space<semaphore_mem>>) src(%dma_wait3A_842 : memref<128x128xf32, #tpu.memory_space<vmem>>) dst(%dma_wait3A_838 : memref<128x128xf32, #tpu.memory_space<hbm>>)
      tpu.yield
    }) : () -> ()
    %scan3A_443 = arith.constant 0 : i32
    %scan3A_444 = arith.constant 128 : i32
    %scan3A_445 = arith.addi %scan3A_443, %scan3A_444 : i32
    %scan3A_446 = arith.constant 1 : i32
    %scan3A_447:8 = scf.for %scan3A_810 = %scan3A_443 to %scan3A_445 step %scan3A_446 iter_args(%scan3A_811 = %scan3A_388#0, %scan3A_812 = %scan3A_388#1, %scan3A_813 = %scan3A_388#2, %scan3A_814 = %scan3A_388#3, %scan3A_815 = %scan3A_388#4, %scan3A_816 = %scan3A_388#5, %scan3A_817 = %scan3A_388#6, %scan3A_818 = %scan3A_388#7) -> (vector<16xf32>, vector<16xf32>, vector<16xf32>, vector<16xf32>, vector<16xf32>, vector<16xf32>, vector<16xf32>, vector<16xf32>)  : i32 {
      %get3A = arith.constant 0 : i32
      %get3A_819 = arith.index_cast %get3A : i32 to index
      %get3A_820 = arith.index_cast %scan3A_810 : i32 to index
      %get3A_821 = arith.constant 0 : index
      %get3A_822 = tpu.vector_load %arg9[%get3A_819, %get3A_820, %get3A_821] {strides = array<i32>} : memref<2x128x128xf32, #tpu.memory_space<vmem>>, vector<1x1x16xf32>,
      %get3A_823 = vector.shape_cast %get3A_822 : vector<1x1x16xf32> to vector<16xf32>
      %add3A_824 = arith.addf %scan3A_811, %get3A_823 : vector<16xf32>
      %get3A_825 = arith.constant 0 : i32
      %get3A_826 = arith.index_cast %get3A_825 : i32 to index
      %get3A_827 = arith.index_cast %scan3A_810 : i32 to index
      %get3A_828 = arith.constant 16 : index
      %get3A_829 = tpu.vector_load %arg9[%get3A_826, %get3A_827, %get3A_828] {strides = array<i32>} : memref<2x128x128xf32, #tpu.memory_space<vmem>>, vector<1x1x16xf32>,
      %get3A_830 = vector.shape_cast %get3A_829 : vector<1x1x16xf32> to vector<16xf32>
      %add3A_831 = arith.addf %scan3A_812, %get3A_830 : vector<16xf32>
      %get3A_832 = arith.constant 0 : i32
      %get3A_833 = arith.index_cast %get3A_832 : i32 to index
      %get3A_834 = arith.index_cast %scan3A_810 : i32 to index
      %get3A_835 = arith.constant 32 : index
      %get3A_836 = tpu.vector_load %arg9[%get3A_833, %get3A_834, %get3A_835] {strides = array<i32>} : memref<2x128x128xf32, #tpu.memory_space<vmem>>, vector<1x1x16xf32>,
      %get3A_837 = vector.shape_cast %get3A_836 : vector<1x1x16xf32> to vector<16xf32>
      %add3A_838 = arith.addf %scan3A_813, %get3A_837 : vector<16xf32>
      %get3A_839 = arith.constant 0 : i32
      %get3A_840 = arith.index_cast %get3A_839 : i32 to index
      %get3A_841 = arith.index_cast %scan3A_810 : i32 to index
      %get3A_842 = arith.constant 48 : index
      %get3A_843 = tpu.vector_load %arg9[%get3A_840, %get3A_841, %get3A_842] {strides = array<i32>} : memref<2x128x128xf32, #tpu.memory_space<vmem>>, vector<1x1x16xf32>,
      %get3A_844 = vector.shape_cast %get3A_843 : vector<1x1x16xf32> to vector<16xf32>
      %add3A_845 = arith.addf %scan3A_814, %get3A_844 : vector<16xf32>
      %get3A_846 = arith.constant 0 : i32
      %get3A_847 = arith.index_cast %get3A_846 : i32 to index
      %get3A_848 = arith.index_cast %scan3A_810 : i32 to index
      %get3A_849 = arith.constant 64 : index
      %get3A_850 = tpu.vector_load %arg9[%get3A_847, %get3A_848, %get3A_849] {strides = array<i32>} : memref<2x128x128xf32, #tpu.memory_space<vmem>>, vector<1x1x16xf32>,
      %get3A_851 = vector.shape_cast %get3A_850 : vector<1x1x16xf32> to vector<16xf32>
      %add3A_852 = arith.addf %scan3A_815, %get3A_851 : vector<16xf32>
      %get3A_853 = arith.constant 0 : i32
      %get3A_854 = arith.index_cast %get3A_853 : i32 to index
      %get3A_855 = arith.index_cast %scan3A_810 : i32 to index
      %get3A_856 = arith.constant 80 : index
      %get3A_857 = tpu.vector_load %arg9[%get3A_854, %get3A_855, %get3A_856] {strides = array<i32>} : memref<2x128x128xf32, #tpu.memory_space<vmem>>, vector<1x1x16xf32>,
      %get3A_858 = vector.shape_cast %get3A_857 : vector<1x1x16xf32> to vector<16xf32>
      %add3A_859 = arith.addf %scan3A_816, %get3A_858 : vector<16xf32>
      %get3A_860 = arith.constant 0 : i32
      %get3A_861 = arith.index_cast %get3A_860 : i32 to index
      %get3A_862 = arith.index_cast %scan3A_810 : i32 to index
      %get3A_863 = arith.constant 96 : index
      %get3A_864 = tpu.vector_load %arg9[%get3A_861, %get3A_862, %get3A_863] {strides = array<i32>} : memref<2x128x128xf32, #tpu.memory_space<vmem>>, vector<1x1x16xf32>,
      %get3A_865 = vector.shape_cast %get3A_864 : vector<1x1x16xf32> to vector<16xf32>
      %add3A_866 = arith.addf %scan3A_817, %get3A_865 : vector<16xf32>
      %get3A_867 = arith.constant 0 : i32
      %get3A_868 = arith.index_cast %get3A_867 : i32 to index
      %get3A_869 = arith.index_cast %scan3A_810 : i32 to index
      %get3A_870 = arith.constant 112 : index
      %get3A_871 = tpu.vector_load %arg9[%get3A_868, %get3A_869, %get3A_870] {strides = array<i32>} : memref<2x128x128xf32, #tpu.memory_space<vmem>>, vector<1x1x16xf32>,
      %get3A_872 = vector.shape_cast %get3A_871 : vector<1x1x16xf32> to vector<16xf32>
      %add3A_873 = arith.addf %scan3A_818, %get3A_872 : vector<16xf32>
      scf.yield %add3A_824, %add3A_831, %add3A_838, %add3A_845, %add3A_852, %add3A_859, %add3A_866, %add3A_873 : vector<16xf32>, vector<16xf32>, vector<16xf32>, vector<16xf32>, vector<16xf32>, vector<16xf32>, vector<16xf32>, vector<16xf32>
    }
    %scan3A_448 = arith.constant 128 : i32
    %dma_wait3A_449 = arith.constant 7 : i32
    %dma_wait3A_450 = arith.constant 1 : i32
    %dma_wait3A_451 = arith.constant 0 : i32
    %dma_wait3A_452 = arith.constant 0 : i32
    %dma_wait3A_453 = tpu.memref_slice %arg8[%dma_wait3A_450, %dma_wait3A_451, %dma_wait3A_452] : memref<2x128x128xf32, #tpu.memory_space<vmem>> -> memref<1x128x128xf32, #tpu.memory_space<vmem>>
    %dma_wait3A_454 = tpu.memref_squeeze %dma_wait3A_453 : memref<1x128x128xf32, #tpu.memory_space<vmem>> -> memref<128x128xf32, #tpu.memory_space<vmem>>
    %dma_wait3A_455 = arith.constant 0 : i32
    %dma_wait3A_456 = tpu.memref_slice %arg7[%dma_wait3A_449, %dma_wait3A_455] : memref<13x128xi32, #tpu.memory_space<vmem>> -> memref<1x128xi32, #tpu.memory_space<vmem>>
    %dma_wait3A_457 = tpu.memref_squeeze %dma_wait3A_456 : memref<1x128xi32, #tpu.memory_space<vmem>> -> memref<128xi32, #tpu.memory_space<vmem>>
    %dma_wait3A_458 = arith.constant 0 : i32
    %dma_wait3A_459 = arith.constant 0 : i32
    %dma_wait3A_460 = tpu.memref_slice %arg3[%dma_wait3A_458, %dma_wait3A_459] : memref<100000x128xf32, #tpu.memory_space<hbm>> -> memref<100000x128xf32, #tpu.memory_space<hbm>>
    tpu.wait_indirect_dma semaphore(%arg12 : memref<!tpu.dma_semaphore, #tpu.memory_space<semaphore_mem>>) src(%dma_wait3A_460 : memref<100000x128xf32, #tpu.memory_space<hbm>>) dst(%dma_wait3A_454 : memref<128x128xf32, #tpu.memory_space<vmem>>)
    %dma_wait3A_461 = arith.constant 7 : i32
    %dma_wait3A_462 = arith.constant 1 : i32
    %dma_wait3A_463 = arith.constant 0 : i32
    %dma_wait3A_464 = arith.constant 0 : i32
    %dma_wait3A_465 = tpu.memref_slice %arg9[%dma_wait3A_462, %dma_wait3A_463, %dma_wait3A_464] : memref<2x128x128xf32, #tpu.memory_space<vmem>> -> memref<1x128x128xf32, #tpu.memory_space<vmem>>
    %dma_wait3A_466 = tpu.memref_squeeze %dma_wait3A_465 : memref<1x128x128xf32, #tpu.memory_space<vmem>> -> memref<128x128xf32, #tpu.memory_space<vmem>>
    %dma_wait3A_467 = arith.constant 0 : i32
    %dma_wait3A_468 = tpu.memref_slice %arg7[%dma_wait3A_461, %dma_wait3A_467] : memref<13x128xi32, #tpu.memory_space<vmem>> -> memref<1x128xi32, #tpu.memory_space<vmem>>
    %dma_wait3A_469 = tpu.memref_squeeze %dma_wait3A_468 : memref<1x128xi32, #tpu.memory_space<vmem>> -> memref<128xi32, #tpu.memory_space<vmem>>
    %dma_wait3A_470 = arith.constant 0 : i32
    %dma_wait3A_471 = arith.constant 0 : i32
    %dma_wait3A_472 = tpu.memref_slice %arg4[%dma_wait3A_470, %dma_wait3A_471] : memref<100000x128xf32, #tpu.memory_space<hbm>> -> memref<100000x128xf32, #tpu.memory_space<hbm>>
    tpu.wait_indirect_dma semaphore(%arg14 : memref<!tpu.dma_semaphore, #tpu.memory_space<semaphore_mem>>) src(%dma_wait3A_472 : memref<100000x128xf32, #tpu.memory_space<hbm>>) dst(%dma_wait3A_466 : memref<128x128xf32, #tpu.memory_space<vmem>>)
    %dma_start3A_473 = arith.constant 8 : i32
    %dma_start3A_474 = arith.constant 0 : i32
    %dma_start3A_475 = arith.constant 0 : i32
    %dma_start3A_476 = arith.constant 0 : i32
    %dma_start3A_477 = tpu.memref_slice %arg8[%dma_start3A_474, %dma_start3A_475, %dma_start3A_476] : memref<2x128x128xf32, #tpu.memory_space<vmem>> -> memref<1x128x128xf32, #tpu.memory_space<vmem>>
    %dma_start3A_478 = tpu.memref_squeeze %dma_start3A_477 : memref<1x128x128xf32, #tpu.memory_space<vmem>> -> memref<128x128xf32, #tpu.memory_space<vmem>>
    %dma_start3A_479 = arith.constant 0 : i32
    %dma_start3A_480 = tpu.memref_slice %arg7[%dma_start3A_473, %dma_start3A_479] : memref<13x128xi32, #tpu.memory_space<vmem>> -> memref<1x128xi32, #tpu.memory_space<vmem>>
    %dma_start3A_481 = tpu.memref_squeeze %dma_start3A_480 : memref<1x128xi32, #tpu.memory_space<vmem>> -> memref<128xi32, #tpu.memory_space<vmem>>
    %dma_start3A_482 = arith.constant 0 : i32
    %dma_start3A_483 = arith.constant 0 : i32
    %dma_start3A_484 = tpu.memref_slice %arg3[%dma_start3A_482, %dma_start3A_483] : memref<100000x128xf32, #tpu.memory_space<hbm>> -> memref<100000x128xf32, #tpu.memory_space<hbm>>
    tpu.enqueue_indirect_dma source(%dma_start3A_484 : memref<100000x128xf32, #tpu.memory_space<hbm>>) target(%dma_start3A_478 : memref<128x128xf32, #tpu.memory_space<vmem>>) offsets(%dma_start3A_481 : memref<128xi32, #tpu.memory_space<vmem>>) semaphore(%arg11 : memref<!tpu.dma_semaphore, #tpu.memory_space<semaphore_mem>>)
    %dma_start3A_485 = arith.constant 8 : i32
    %dma_start3A_486 = arith.constant 0 : i32
    %dma_start3A_487 = arith.constant 0 : i32
    %dma_start3A_488 = arith.constant 0 : i32
    %dma_start3A_489 = tpu.memref_slice %arg9[%dma_start3A_486, %dma_start3A_487, %dma_start3A_488] : memref<2x128x128xf32, #tpu.memory_space<vmem>> -> memref<1x128x128xf32, #tpu.memory_space<vmem>>
    %dma_start3A_490 = tpu.memref_squeeze %dma_start3A_489 : memref<1x128x128xf32, #tpu.memory_space<vmem>> -> memref<128x128xf32, #tpu.memory_space<vmem>>
    %dma_start3A_491 = arith.constant 0 : i32
    %dma_start3A_492 = tpu.memref_slice %arg7[%dma_start3A_485, %dma_start3A_491] : memref<13x128xi32, #tpu.memory_space<vmem>> -> memref<1x128xi32, #tpu.memory_space<vmem>>
    %dma_start3A_493 = tpu.memref_squeeze %dma_start3A_492 : memref<1x128xi32, #tpu.memory_space<vmem>> -> memref<128xi32, #tpu.memory_space<vmem>>
    %dma_start3A_494 = arith.constant 0 : i32
    %dma_start3A_495 = arith.constant 0 : i32
    %dma_start3A_496 = tpu.memref_slice %arg4[%dma_start3A_494, %dma_start3A_495] : memref<100000x128xf32, #tpu.memory_space<hbm>> -> memref<100000x128xf32, #tpu.memory_space<hbm>>
    tpu.enqueue_indirect_dma source(%dma_start3A_496 : memref<100000x128xf32, #tpu.memory_space<hbm>>) target(%dma_start3A_490 : memref<128x128xf32, #tpu.memory_space<vmem>>) offsets(%dma_start3A_493 : memref<128xi32, #tpu.memory_space<vmem>>) semaphore(%arg13 : memref<!tpu.dma_semaphore, #tpu.memory_space<semaphore_mem>>)
    %mul3A_497 = arith.constant 13 : i32
    %mul3A_498 = arith.muli %add3A, %mul3A_497 : i32
    %add3A_499 = arith.constant 7 : i32
    %add3A_500 = arith.addi %mul3A_498, %add3A_499 : i32
    %run_scoped3A_501 = arith.constant 1 : i32
    "tpu.region"() ({
      %run_scoped3A_810 = tpu.sem_alloc : memref<!tpu.dma_semaphore, #tpu.memory_space<semaphore_mem>>
      %dma_start3A_811 = arith.constant 0 : i32
      %dma_start3A_812 = arith.constant 0 : i32
      %dma_start3A_813 = tpu.memref_slice %arg8[%run_scoped3A_501, %dma_start3A_811, %dma_start3A_812] : memref<2x128x128xf32, #tpu.memory_space<vmem>> -> memref<1x128x128xf32, #tpu.memory_space<vmem>>
      %dma_start3A_814 = tpu.memref_squeeze %dma_start3A_813 : memref<1x128x128xf32, #tpu.memory_space<vmem>> -> memref<128x128xf32, #tpu.memory_space<vmem>>
      %dma_start3A_815 = arith.constant 0 : i32
      %dma_start3A_816 = arith.constant 0 : i32
      %dma_start3A_817 = tpu.memref_slice %arg5[%add3A_500, %dma_start3A_815, %dma_start3A_816] : memref<416x128x128xf32, #tpu.memory_space<hbm>> -> memref<1x128x128xf32, #tpu.memory_space<hbm>>
      %dma_start3A_818 = tpu.memref_squeeze %dma_start3A_817 : memref<1x128x128xf32, #tpu.memory_space<hbm>> -> memref<128x128xf32, #tpu.memory_space<hbm>>
      %dma_start3A_819 = arith.constant 0 : i32
      %dma_start3A_820 = arith.constant 0 : i32
      %dma_start3A_821 = tpu.memref_slice %arg5[%add3A_500, %dma_start3A_819, %dma_start3A_820] : memref<416x128x128xf32, #tpu.memory_space<hbm>> -> memref<1x128x128xf32, #tpu.memory_space<hbm>>
      %dma_start3A_822 = tpu.memref_squeeze %dma_start3A_821 : memref<1x128x128xf32, #tpu.memory_space<hbm>> -> memref<128x128xf32, #tpu.memory_space<hbm>>
      %dma_start3A_823 = arith.constant 0 : i32
      %dma_start3A_824 = arith.constant 0 : i32
      %dma_start3A_825 = tpu.memref_slice %arg8[%run_scoped3A_501, %dma_start3A_823, %dma_start3A_824] : memref<2x128x128xf32, #tpu.memory_space<vmem>> -> memref<1x128x128xf32, #tpu.memory_space<vmem>>
      %dma_start3A_826 = tpu.memref_squeeze %dma_start3A_825 : memref<1x128x128xf32, #tpu.memory_space<vmem>> -> memref<128x128xf32, #tpu.memory_space<vmem>>
      tpu.enqueue_dma source(%dma_start3A_826 : memref<128x128xf32, #tpu.memory_space<vmem>>) target(%dma_start3A_822 : memref<128x128xf32, #tpu.memory_space<hbm>>) target_semaphore(%run_scoped3A_810 : memref<!tpu.dma_semaphore, #tpu.memory_space<semaphore_mem>>)
      %dma_wait3A_827 = arith.constant 0 : i32
      %dma_wait3A_828 = arith.constant 0 : i32
      %dma_wait3A_829 = tpu.memref_slice %arg8[%run_scoped3A_501, %dma_wait3A_827, %dma_wait3A_828] : memref<2x128x128xf32, #tpu.memory_space<vmem>> -> memref<1x128x128xf32, #tpu.memory_space<vmem>>
      %dma_wait3A_830 = tpu.memref_squeeze %dma_wait3A_829 : memref<1x128x128xf32, #tpu.memory_space<vmem>> -> memref<128x128xf32, #tpu.memory_space<vmem>>
      %dma_wait3A_831 = arith.constant 0 : i32
      %dma_wait3A_832 = arith.constant 0 : i32
      %dma_wait3A_833 = tpu.memref_slice %arg5[%add3A_500, %dma_wait3A_831, %dma_wait3A_832] : memref<416x128x128xf32, #tpu.memory_space<hbm>> -> memref<1x128x128xf32, #tpu.memory_space<hbm>>
      %dma_wait3A_834 = tpu.memref_squeeze %dma_wait3A_833 : memref<1x128x128xf32, #tpu.memory_space<hbm>> -> memref<128x128xf32, #tpu.memory_space<hbm>>
      %dma_wait3A_835 = arith.constant 0 : i32
      %dma_wait3A_836 = arith.constant 0 : i32
      %dma_wait3A_837 = tpu.memref_slice %arg5[%add3A_500, %dma_wait3A_835, %dma_wait3A_836] : memref<416x128x128xf32, #tpu.memory_space<hbm>> -> memref<1x128x128xf32, #tpu.memory_space<hbm>>
      %dma_wait3A_838 = tpu.memref_squeeze %dma_wait3A_837 : memref<1x128x128xf32, #tpu.memory_space<hbm>> -> memref<128x128xf32, #tpu.memory_space<hbm>>
      %dma_wait3A_839 = arith.constant 0 : i32
      %dma_wait3A_840 = arith.constant 0 : i32
      %dma_wait3A_841 = tpu.memref_slice %arg8[%run_scoped3A_501, %dma_wait3A_839, %dma_wait3A_840] : memref<2x128x128xf32, #tpu.memory_space<vmem>> -> memref<1x128x128xf32, #tpu.memory_space<vmem>>
      %dma_wait3A_842 = tpu.memref_squeeze %dma_wait3A_841 : memref<1x128x128xf32, #tpu.memory_space<vmem>> -> memref<128x128xf32, #tpu.memory_space<vmem>>
      tpu.wait_dma2 semaphore(%run_scoped3A_810 : memref<!tpu.dma_semaphore, #tpu.memory_space<semaphore_mem>>) src(%dma_wait3A_842 : memref<128x128xf32, #tpu.memory_space<vmem>>) dst(%dma_wait3A_838 : memref<128x128xf32, #tpu.memory_space<hbm>>)
      tpu.yield
    }) : () -> ()
    %scan3A_502 = arith.constant 0 : i32
    %scan3A_503 = arith.constant 128 : i32
    %scan3A_504 = arith.addi %scan3A_502, %scan3A_503 : i32
    %scan3A_505 = arith.constant 1 : i32
    %scan3A_506:8 = scf.for %scan3A_810 = %scan3A_502 to %scan3A_504 step %scan3A_505 iter_args(%scan3A_811 = %scan3A_447#0, %scan3A_812 = %scan3A_447#1, %scan3A_813 = %scan3A_447#2, %scan3A_814 = %scan3A_447#3, %scan3A_815 = %scan3A_447#4, %scan3A_816 = %scan3A_447#5, %scan3A_817 = %scan3A_447#6, %scan3A_818 = %scan3A_447#7) -> (vector<16xf32>, vector<16xf32>, vector<16xf32>, vector<16xf32>, vector<16xf32>, vector<16xf32>, vector<16xf32>, vector<16xf32>)  : i32 {
      %get3A = arith.constant 1 : i32
      %get3A_819 = arith.index_cast %get3A : i32 to index
      %get3A_820 = arith.index_cast %scan3A_810 : i32 to index
      %get3A_821 = arith.constant 0 : index
      %get3A_822 = tpu.vector_load %arg9[%get3A_819, %get3A_820, %get3A_821] {strides = array<i32>} : memref<2x128x128xf32, #tpu.memory_space<vmem>>, vector<1x1x16xf32>,
      %get3A_823 = vector.shape_cast %get3A_822 : vector<1x1x16xf32> to vector<16xf32>
      %add3A_824 = arith.addf %scan3A_811, %get3A_823 : vector<16xf32>
      %get3A_825 = arith.constant 1 : i32
      %get3A_826 = arith.index_cast %get3A_825 : i32 to index
      %get3A_827 = arith.index_cast %scan3A_810 : i32 to index
      %get3A_828 = arith.constant 16 : index
      %get3A_829 = tpu.vector_load %arg9[%get3A_826, %get3A_827, %get3A_828] {strides = array<i32>} : memref<2x128x128xf32, #tpu.memory_space<vmem>>, vector<1x1x16xf32>,
      %get3A_830 = vector.shape_cast %get3A_829 : vector<1x1x16xf32> to vector<16xf32>
      %add3A_831 = arith.addf %scan3A_812, %get3A_830 : vector<16xf32>
      %get3A_832 = arith.constant 1 : i32
      %get3A_833 = arith.index_cast %get3A_832 : i32 to index
      %get3A_834 = arith.index_cast %scan3A_810 : i32 to index
      %get3A_835 = arith.constant 32 : index
      %get3A_836 = tpu.vector_load %arg9[%get3A_833, %get3A_834, %get3A_835] {strides = array<i32>} : memref<2x128x128xf32, #tpu.memory_space<vmem>>, vector<1x1x16xf32>,
      %get3A_837 = vector.shape_cast %get3A_836 : vector<1x1x16xf32> to vector<16xf32>
      %add3A_838 = arith.addf %scan3A_813, %get3A_837 : vector<16xf32>
      %get3A_839 = arith.constant 1 : i32
      %get3A_840 = arith.index_cast %get3A_839 : i32 to index
      %get3A_841 = arith.index_cast %scan3A_810 : i32 to index
      %get3A_842 = arith.constant 48 : index
      %get3A_843 = tpu.vector_load %arg9[%get3A_840, %get3A_841, %get3A_842] {strides = array<i32>} : memref<2x128x128xf32, #tpu.memory_space<vmem>>, vector<1x1x16xf32>,
      %get3A_844 = vector.shape_cast %get3A_843 : vector<1x1x16xf32> to vector<16xf32>
      %add3A_845 = arith.addf %scan3A_814, %get3A_844 : vector<16xf32>
      %get3A_846 = arith.constant 1 : i32
      %get3A_847 = arith.index_cast %get3A_846 : i32 to index
      %get3A_848 = arith.index_cast %scan3A_810 : i32 to index
      %get3A_849 = arith.constant 64 : index
      %get3A_850 = tpu.vector_load %arg9[%get3A_847, %get3A_848, %get3A_849] {strides = array<i32>} : memref<2x128x128xf32, #tpu.memory_space<vmem>>, vector<1x1x16xf32>,
      %get3A_851 = vector.shape_cast %get3A_850 : vector<1x1x16xf32> to vector<16xf32>
      %add3A_852 = arith.addf %scan3A_815, %get3A_851 : vector<16xf32>
      %get3A_853 = arith.constant 1 : i32
      %get3A_854 = arith.index_cast %get3A_853 : i32 to index
      %get3A_855 = arith.index_cast %scan3A_810 : i32 to index
      %get3A_856 = arith.constant 80 : index
      %get3A_857 = tpu.vector_load %arg9[%get3A_854, %get3A_855, %get3A_856] {strides = array<i32>} : memref<2x128x128xf32, #tpu.memory_space<vmem>>, vector<1x1x16xf32>,
      %get3A_858 = vector.shape_cast %get3A_857 : vector<1x1x16xf32> to vector<16xf32>
      %add3A_859 = arith.addf %scan3A_816, %get3A_858 : vector<16xf32>
      %get3A_860 = arith.constant 1 : i32
      %get3A_861 = arith.index_cast %get3A_860 : i32 to index
      %get3A_862 = arith.index_cast %scan3A_810 : i32 to index
      %get3A_863 = arith.constant 96 : index
      %get3A_864 = tpu.vector_load %arg9[%get3A_861, %get3A_862, %get3A_863] {strides = array<i32>} : memref<2x128x128xf32, #tpu.memory_space<vmem>>, vector<1x1x16xf32>,
      %get3A_865 = vector.shape_cast %get3A_864 : vector<1x1x16xf32> to vector<16xf32>
      %add3A_866 = arith.addf %scan3A_817, %get3A_865 : vector<16xf32>
      %get3A_867 = arith.constant 1 : i32
      %get3A_868 = arith.index_cast %get3A_867 : i32 to index
      %get3A_869 = arith.index_cast %scan3A_810 : i32 to index
      %get3A_870 = arith.constant 112 : index
      %get3A_871 = tpu.vector_load %arg9[%get3A_868, %get3A_869, %get3A_870] {strides = array<i32>} : memref<2x128x128xf32, #tpu.memory_space<vmem>>, vector<1x1x16xf32>,
      %get3A_872 = vector.shape_cast %get3A_871 : vector<1x1x16xf32> to vector<16xf32>
      %add3A_873 = arith.addf %scan3A_818, %get3A_872 : vector<16xf32>
      scf.yield %add3A_824, %add3A_831, %add3A_838, %add3A_845, %add3A_852, %add3A_859, %add3A_866, %add3A_873 : vector<16xf32>, vector<16xf32>, vector<16xf32>, vector<16xf32>, vector<16xf32>, vector<16xf32>, vector<16xf32>, vector<16xf32>
    }
    %scan3A_507 = arith.constant 128 : i32
    %dma_wait3A_508 = arith.constant 8 : i32
    %dma_wait3A_509 = arith.constant 0 : i32
    %dma_wait3A_510 = arith.constant 0 : i32
    %dma_wait3A_511 = arith.constant 0 : i32
    %dma_wait3A_512 = tpu.memref_slice %arg8[%dma_wait3A_509, %dma_wait3A_510, %dma_wait3A_511] : memref<2x128x128xf32, #tpu.memory_space<vmem>> -> memref<1x128x128xf32, #tpu.memory_space<vmem>>
    %dma_wait3A_513 = tpu.memref_squeeze %dma_wait3A_512 : memref<1x128x128xf32, #tpu.memory_space<vmem>> -> memref<128x128xf32, #tpu.memory_space<vmem>>
    %dma_wait3A_514 = arith.constant 0 : i32
    %dma_wait3A_515 = tpu.memref_slice %arg7[%dma_wait3A_508, %dma_wait3A_514] : memref<13x128xi32, #tpu.memory_space<vmem>> -> memref<1x128xi32, #tpu.memory_space<vmem>>
    %dma_wait3A_516 = tpu.memref_squeeze %dma_wait3A_515 : memref<1x128xi32, #tpu.memory_space<vmem>> -> memref<128xi32, #tpu.memory_space<vmem>>
    %dma_wait3A_517 = arith.constant 0 : i32
    %dma_wait3A_518 = arith.constant 0 : i32
    %dma_wait3A_519 = tpu.memref_slice %arg3[%dma_wait3A_517, %dma_wait3A_518] : memref<100000x128xf32, #tpu.memory_space<hbm>> -> memref<100000x128xf32, #tpu.memory_space<hbm>>
    tpu.wait_indirect_dma semaphore(%arg11 : memref<!tpu.dma_semaphore, #tpu.memory_space<semaphore_mem>>) src(%dma_wait3A_519 : memref<100000x128xf32, #tpu.memory_space<hbm>>) dst(%dma_wait3A_513 : memref<128x128xf32, #tpu.memory_space<vmem>>)
    %dma_wait3A_520 = arith.constant 8 : i32
    %dma_wait3A_521 = arith.constant 0 : i32
    %dma_wait3A_522 = arith.constant 0 : i32
    %dma_wait3A_523 = arith.constant 0 : i32
    %dma_wait3A_524 = tpu.memref_slice %arg9[%dma_wait3A_521, %dma_wait3A_522, %dma_wait3A_523] : memref<2x128x128xf32, #tpu.memory_space<vmem>> -> memref<1x128x128xf32, #tpu.memory_space<vmem>>
    %dma_wait3A_525 = tpu.memref_squeeze %dma_wait3A_524 : memref<1x128x128xf32, #tpu.memory_space<vmem>> -> memref<128x128xf32, #tpu.memory_space<vmem>>
    %dma_wait3A_526 = arith.constant 0 : i32
    %dma_wait3A_527 = tpu.memref_slice %arg7[%dma_wait3A_520, %dma_wait3A_526] : memref<13x128xi32, #tpu.memory_space<vmem>> -> memref<1x128xi32, #tpu.memory_space<vmem>>
    %dma_wait3A_528 = tpu.memref_squeeze %dma_wait3A_527 : memref<1x128xi32, #tpu.memory_space<vmem>> -> memref<128xi32, #tpu.memory_space<vmem>>
    %dma_wait3A_529 = arith.constant 0 : i32
    %dma_wait3A_530 = arith.constant 0 : i32
    %dma_wait3A_531 = tpu.memref_slice %arg4[%dma_wait3A_529, %dma_wait3A_530] : memref<100000x128xf32, #tpu.memory_space<hbm>> -> memref<100000x128xf32, #tpu.memory_space<hbm>>
    tpu.wait_indirect_dma semaphore(%arg13 : memref<!tpu.dma_semaphore, #tpu.memory_space<semaphore_mem>>) src(%dma_wait3A_531 : memref<100000x128xf32, #tpu.memory_space<hbm>>) dst(%dma_wait3A_525 : memref<128x128xf32, #tpu.memory_space<vmem>>)
    %dma_start3A_532 = arith.constant 9 : i32
    %dma_start3A_533 = arith.constant 1 : i32
    %dma_start3A_534 = arith.constant 0 : i32
    %dma_start3A_535 = arith.constant 0 : i32
    %dma_start3A_536 = tpu.memref_slice %arg8[%dma_start3A_533, %dma_start3A_534, %dma_start3A_535] : memref<2x128x128xf32, #tpu.memory_space<vmem>> -> memref<1x128x128xf32, #tpu.memory_space<vmem>>
    %dma_start3A_537 = tpu.memref_squeeze %dma_start3A_536 : memref<1x128x128xf32, #tpu.memory_space<vmem>> -> memref<128x128xf32, #tpu.memory_space<vmem>>
    %dma_start3A_538 = arith.constant 0 : i32
    %dma_start3A_539 = tpu.memref_slice %arg7[%dma_start3A_532, %dma_start3A_538] : memref<13x128xi32, #tpu.memory_space<vmem>> -> memref<1x128xi32, #tpu.memory_space<vmem>>
    %dma_start3A_540 = tpu.memref_squeeze %dma_start3A_539 : memref<1x128xi32, #tpu.memory_space<vmem>> -> memref<128xi32, #tpu.memory_space<vmem>>
    %dma_start3A_541 = arith.constant 0 : i32
    %dma_start3A_542 = arith.constant 0 : i32
    %dma_start3A_543 = tpu.memref_slice %arg3[%dma_start3A_541, %dma_start3A_542] : memref<100000x128xf32, #tpu.memory_space<hbm>> -> memref<100000x128xf32, #tpu.memory_space<hbm>>
    tpu.enqueue_indirect_dma source(%dma_start3A_543 : memref<100000x128xf32, #tpu.memory_space<hbm>>) target(%dma_start3A_537 : memref<128x128xf32, #tpu.memory_space<vmem>>) offsets(%dma_start3A_540 : memref<128xi32, #tpu.memory_space<vmem>>) semaphore(%arg12 : memref<!tpu.dma_semaphore, #tpu.memory_space<semaphore_mem>>)
    %dma_start3A_544 = arith.constant 9 : i32
    %dma_start3A_545 = arith.constant 1 : i32
    %dma_start3A_546 = arith.constant 0 : i32
    %dma_start3A_547 = arith.constant 0 : i32
    %dma_start3A_548 = tpu.memref_slice %arg9[%dma_start3A_545, %dma_start3A_546, %dma_start3A_547] : memref<2x128x128xf32, #tpu.memory_space<vmem>> -> memref<1x128x128xf32, #tpu.memory_space<vmem>>
    %dma_start3A_549 = tpu.memref_squeeze %dma_start3A_548 : memref<1x128x128xf32, #tpu.memory_space<vmem>> -> memref<128x128xf32, #tpu.memory_space<vmem>>
    %dma_start3A_550 = arith.constant 0 : i32
    %dma_start3A_551 = tpu.memref_slice %arg7[%dma_start3A_544, %dma_start3A_550] : memref<13x128xi32, #tpu.memory_space<vmem>> -> memref<1x128xi32, #tpu.memory_space<vmem>>
    %dma_start3A_552 = tpu.memref_squeeze %dma_start3A_551 : memref<1x128xi32, #tpu.memory_space<vmem>> -> memref<128xi32, #tpu.memory_space<vmem>>
    %dma_start3A_553 = arith.constant 0 : i32
    %dma_start3A_554 = arith.constant 0 : i32
    %dma_start3A_555 = tpu.memref_slice %arg4[%dma_start3A_553, %dma_start3A_554] : memref<100000x128xf32, #tpu.memory_space<hbm>> -> memref<100000x128xf32, #tpu.memory_space<hbm>>
    tpu.enqueue_indirect_dma source(%dma_start3A_555 : memref<100000x128xf32, #tpu.memory_space<hbm>>) target(%dma_start3A_549 : memref<128x128xf32, #tpu.memory_space<vmem>>) offsets(%dma_start3A_552 : memref<128xi32, #tpu.memory_space<vmem>>) semaphore(%arg14 : memref<!tpu.dma_semaphore, #tpu.memory_space<semaphore_mem>>)
    %mul3A_556 = arith.constant 13 : i32
    %mul3A_557 = arith.muli %add3A, %mul3A_556 : i32
    %add3A_558 = arith.constant 8 : i32
    %add3A_559 = arith.addi %mul3A_557, %add3A_558 : i32
    %run_scoped3A_560 = arith.constant 0 : i32
    "tpu.region"() ({
      %run_scoped3A_810 = tpu.sem_alloc : memref<!tpu.dma_semaphore, #tpu.memory_space<semaphore_mem>>
      %dma_start3A_811 = arith.constant 0 : i32
      %dma_start3A_812 = arith.constant 0 : i32
      %dma_start3A_813 = tpu.memref_slice %arg8[%run_scoped3A_560, %dma_start3A_811, %dma_start3A_812] : memref<2x128x128xf32, #tpu.memory_space<vmem>> -> memref<1x128x128xf32, #tpu.memory_space<vmem>>
      %dma_start3A_814 = tpu.memref_squeeze %dma_start3A_813 : memref<1x128x128xf32, #tpu.memory_space<vmem>> -> memref<128x128xf32, #tpu.memory_space<vmem>>
      %dma_start3A_815 = arith.constant 0 : i32
      %dma_start3A_816 = arith.constant 0 : i32
      %dma_start3A_817 = tpu.memref_slice %arg5[%add3A_559, %dma_start3A_815, %dma_start3A_816] : memref<416x128x128xf32, #tpu.memory_space<hbm>> -> memref<1x128x128xf32, #tpu.memory_space<hbm>>
      %dma_start3A_818 = tpu.memref_squeeze %dma_start3A_817 : memref<1x128x128xf32, #tpu.memory_space<hbm>> -> memref<128x128xf32, #tpu.memory_space<hbm>>
      %dma_start3A_819 = arith.constant 0 : i32
      %dma_start3A_820 = arith.constant 0 : i32
      %dma_start3A_821 = tpu.memref_slice %arg5[%add3A_559, %dma_start3A_819, %dma_start3A_820] : memref<416x128x128xf32, #tpu.memory_space<hbm>> -> memref<1x128x128xf32, #tpu.memory_space<hbm>>
      %dma_start3A_822 = tpu.memref_squeeze %dma_start3A_821 : memref<1x128x128xf32, #tpu.memory_space<hbm>> -> memref<128x128xf32, #tpu.memory_space<hbm>>
      %dma_start3A_823 = arith.constant 0 : i32
      %dma_start3A_824 = arith.constant 0 : i32
      %dma_start3A_825 = tpu.memref_slice %arg8[%run_scoped3A_560, %dma_start3A_823, %dma_start3A_824] : memref<2x128x128xf32, #tpu.memory_space<vmem>> -> memref<1x128x128xf32, #tpu.memory_space<vmem>>
      %dma_start3A_826 = tpu.memref_squeeze %dma_start3A_825 : memref<1x128x128xf32, #tpu.memory_space<vmem>> -> memref<128x128xf32, #tpu.memory_space<vmem>>
      tpu.enqueue_dma source(%dma_start3A_826 : memref<128x128xf32, #tpu.memory_space<vmem>>) target(%dma_start3A_822 : memref<128x128xf32, #tpu.memory_space<hbm>>) target_semaphore(%run_scoped3A_810 : memref<!tpu.dma_semaphore, #tpu.memory_space<semaphore_mem>>)
      %dma_wait3A_827 = arith.constant 0 : i32
      %dma_wait3A_828 = arith.constant 0 : i32
      %dma_wait3A_829 = tpu.memref_slice %arg8[%run_scoped3A_560, %dma_wait3A_827, %dma_wait3A_828] : memref<2x128x128xf32, #tpu.memory_space<vmem>> -> memref<1x128x128xf32, #tpu.memory_space<vmem>>
      %dma_wait3A_830 = tpu.memref_squeeze %dma_wait3A_829 : memref<1x128x128xf32, #tpu.memory_space<vmem>> -> memref<128x128xf32, #tpu.memory_space<vmem>>
      %dma_wait3A_831 = arith.constant 0 : i32
      %dma_wait3A_832 = arith.constant 0 : i32
      %dma_wait3A_833 = tpu.memref_slice %arg5[%add3A_559, %dma_wait3A_831, %dma_wait3A_832] : memref<416x128x128xf32, #tpu.memory_space<hbm>> -> memref<1x128x128xf32, #tpu.memory_space<hbm>>
      %dma_wait3A_834 = tpu.memref_squeeze %dma_wait3A_833 : memref<1x128x128xf32, #tpu.memory_space<hbm>> -> memref<128x128xf32, #tpu.memory_space<hbm>>
      %dma_wait3A_835 = arith.constant 0 : i32
      %dma_wait3A_836 = arith.constant 0 : i32
      %dma_wait3A_837 = tpu.memref_slice %arg5[%add3A_559, %dma_wait3A_835, %dma_wait3A_836] : memref<416x128x128xf32, #tpu.memory_space<hbm>> -> memref<1x128x128xf32, #tpu.memory_space<hbm>>
      %dma_wait3A_838 = tpu.memref_squeeze %dma_wait3A_837 : memref<1x128x128xf32, #tpu.memory_space<hbm>> -> memref<128x128xf32, #tpu.memory_space<hbm>>
      %dma_wait3A_839 = arith.constant 0 : i32
      %dma_wait3A_840 = arith.constant 0 : i32
      %dma_wait3A_841 = tpu.memref_slice %arg8[%run_scoped3A_560, %dma_wait3A_839, %dma_wait3A_840] : memref<2x128x128xf32, #tpu.memory_space<vmem>> -> memref<1x128x128xf32, #tpu.memory_space<vmem>>
      %dma_wait3A_842 = tpu.memref_squeeze %dma_wait3A_841 : memref<1x128x128xf32, #tpu.memory_space<vmem>> -> memref<128x128xf32, #tpu.memory_space<vmem>>
      tpu.wait_dma2 semaphore(%run_scoped3A_810 : memref<!tpu.dma_semaphore, #tpu.memory_space<semaphore_mem>>) src(%dma_wait3A_842 : memref<128x128xf32, #tpu.memory_space<vmem>>) dst(%dma_wait3A_838 : memref<128x128xf32, #tpu.memory_space<hbm>>)
      tpu.yield
    }) : () -> ()
    %scan3A_561 = arith.constant 0 : i32
    %scan3A_562 = arith.constant 128 : i32
    %scan3A_563 = arith.addi %scan3A_561, %scan3A_562 : i32
    %scan3A_564 = arith.constant 1 : i32
    %scan3A_565:8 = scf.for %scan3A_810 = %scan3A_561 to %scan3A_563 step %scan3A_564 iter_args(%scan3A_811 = %scan3A_506#0, %scan3A_812 = %scan3A_506#1, %scan3A_813 = %scan3A_506#2, %scan3A_814 = %scan3A_506#3, %scan3A_815 = %scan3A_506#4, %scan3A_816 = %scan3A_506#5, %scan3A_817 = %scan3A_506#6, %scan3A_818 = %scan3A_506#7) -> (vector<16xf32>, vector<16xf32>, vector<16xf32>, vector<16xf32>, vector<16xf32>, vector<16xf32>, vector<16xf32>, vector<16xf32>)  : i32 {
      %get3A = arith.constant 0 : i32
      %get3A_819 = arith.index_cast %get3A : i32 to index
      %get3A_820 = arith.index_cast %scan3A_810 : i32 to index
      %get3A_821 = arith.constant 0 : index
      %get3A_822 = tpu.vector_load %arg9[%get3A_819, %get3A_820, %get3A_821] {strides = array<i32>} : memref<2x128x128xf32, #tpu.memory_space<vmem>>, vector<1x1x16xf32>,
      %get3A_823 = vector.shape_cast %get3A_822 : vector<1x1x16xf32> to vector<16xf32>
      %add3A_824 = arith.addf %scan3A_811, %get3A_823 : vector<16xf32>
      %get3A_825 = arith.constant 0 : i32
      %get3A_826 = arith.index_cast %get3A_825 : i32 to index
      %get3A_827 = arith.index_cast %scan3A_810 : i32 to index
      %get3A_828 = arith.constant 16 : index
      %get3A_829 = tpu.vector_load %arg9[%get3A_826, %get3A_827, %get3A_828] {strides = array<i32>} : memref<2x128x128xf32, #tpu.memory_space<vmem>>, vector<1x1x16xf32>,
      %get3A_830 = vector.shape_cast %get3A_829 : vector<1x1x16xf32> to vector<16xf32>
      %add3A_831 = arith.addf %scan3A_812, %get3A_830 : vector<16xf32>
      %get3A_832 = arith.constant 0 : i32
      %get3A_833 = arith.index_cast %get3A_832 : i32 to index
      %get3A_834 = arith.index_cast %scan3A_810 : i32 to index
      %get3A_835 = arith.constant 32 : index
      %get3A_836 = tpu.vector_load %arg9[%get3A_833, %get3A_834, %get3A_835] {strides = array<i32>} : memref<2x128x128xf32, #tpu.memory_space<vmem>>, vector<1x1x16xf32>,
      %get3A_837 = vector.shape_cast %get3A_836 : vector<1x1x16xf32> to vector<16xf32>
      %add3A_838 = arith.addf %scan3A_813, %get3A_837 : vector<16xf32>
      %get3A_839 = arith.constant 0 : i32
      %get3A_840 = arith.index_cast %get3A_839 : i32 to index
      %get3A_841 = arith.index_cast %scan3A_810 : i32 to index
      %get3A_842 = arith.constant 48 : index
      %get3A_843 = tpu.vector_load %arg9[%get3A_840, %get3A_841, %get3A_842] {strides = array<i32>} : memref<2x128x128xf32, #tpu.memory_space<vmem>>, vector<1x1x16xf32>,
      %get3A_844 = vector.shape_cast %get3A_843 : vector<1x1x16xf32> to vector<16xf32>
      %add3A_845 = arith.addf %scan3A_814, %get3A_844 : vector<16xf32>
      %get3A_846 = arith.constant 0 : i32
      %get3A_847 = arith.index_cast %get3A_846 : i32 to index
      %get3A_848 = arith.index_cast %scan3A_810 : i32 to index
      %get3A_849 = arith.constant 64 : index
      %get3A_850 = tpu.vector_load %arg9[%get3A_847, %get3A_848, %get3A_849] {strides = array<i32>} : memref<2x128x128xf32, #tpu.memory_space<vmem>>, vector<1x1x16xf32>,
      %get3A_851 = vector.shape_cast %get3A_850 : vector<1x1x16xf32> to vector<16xf32>
      %add3A_852 = arith.addf %scan3A_815, %get3A_851 : vector<16xf32>
      %get3A_853 = arith.constant 0 : i32
      %get3A_854 = arith.index_cast %get3A_853 : i32 to index
      %get3A_855 = arith.index_cast %scan3A_810 : i32 to index
      %get3A_856 = arith.constant 80 : index
      %get3A_857 = tpu.vector_load %arg9[%get3A_854, %get3A_855, %get3A_856] {strides = array<i32>} : memref<2x128x128xf32, #tpu.memory_space<vmem>>, vector<1x1x16xf32>,
      %get3A_858 = vector.shape_cast %get3A_857 : vector<1x1x16xf32> to vector<16xf32>
      %add3A_859 = arith.addf %scan3A_816, %get3A_858 : vector<16xf32>
      %get3A_860 = arith.constant 0 : i32
      %get3A_861 = arith.index_cast %get3A_860 : i32 to index
      %get3A_862 = arith.index_cast %scan3A_810 : i32 to index
      %get3A_863 = arith.constant 96 : index
      %get3A_864 = tpu.vector_load %arg9[%get3A_861, %get3A_862, %get3A_863] {strides = array<i32>} : memref<2x128x128xf32, #tpu.memory_space<vmem>>, vector<1x1x16xf32>,
      %get3A_865 = vector.shape_cast %get3A_864 : vector<1x1x16xf32> to vector<16xf32>
      %add3A_866 = arith.addf %scan3A_817, %get3A_865 : vector<16xf32>
      %get3A_867 = arith.constant 0 : i32
      %get3A_868 = arith.index_cast %get3A_867 : i32 to index
      %get3A_869 = arith.index_cast %scan3A_810 : i32 to index
      %get3A_870 = arith.constant 112 : index
      %get3A_871 = tpu.vector_load %arg9[%get3A_868, %get3A_869, %get3A_870] {strides = array<i32>} : memref<2x128x128xf32, #tpu.memory_space<vmem>>, vector<1x1x16xf32>,
      %get3A_872 = vector.shape_cast %get3A_871 : vector<1x1x16xf32> to vector<16xf32>
      %add3A_873 = arith.addf %scan3A_818, %get3A_872 : vector<16xf32>
      scf.yield %add3A_824, %add3A_831, %add3A_838, %add3A_845, %add3A_852, %add3A_859, %add3A_866, %add3A_873 : vector<16xf32>, vector<16xf32>, vector<16xf32>, vector<16xf32>, vector<16xf32>, vector<16xf32>, vector<16xf32>, vector<16xf32>
    }
    %scan3A_566 = arith.constant 128 : i32
    %dma_wait3A_567 = arith.constant 9 : i32
    %dma_wait3A_568 = arith.constant 1 : i32
    %dma_wait3A_569 = arith.constant 0 : i32
    %dma_wait3A_570 = arith.constant 0 : i32
    %dma_wait3A_571 = tpu.memref_slice %arg8[%dma_wait3A_568, %dma_wait3A_569, %dma_wait3A_570] : memref<2x128x128xf32, #tpu.memory_space<vmem>> -> memref<1x128x128xf32, #tpu.memory_space<vmem>>
    %dma_wait3A_572 = tpu.memref_squeeze %dma_wait3A_571 : memref<1x128x128xf32, #tpu.memory_space<vmem>> -> memref<128x128xf32, #tpu.memory_space<vmem>>
    %dma_wait3A_573 = arith.constant 0 : i32
    %dma_wait3A_574 = tpu.memref_slice %arg7[%dma_wait3A_567, %dma_wait3A_573] : memref<13x128xi32, #tpu.memory_space<vmem>> -> memref<1x128xi32, #tpu.memory_space<vmem>>
    %dma_wait3A_575 = tpu.memref_squeeze %dma_wait3A_574 : memref<1x128xi32, #tpu.memory_space<vmem>> -> memref<128xi32, #tpu.memory_space<vmem>>
    %dma_wait3A_576 = arith.constant 0 : i32
    %dma_wait3A_577 = arith.constant 0 : i32
    %dma_wait3A_578 = tpu.memref_slice %arg3[%dma_wait3A_576, %dma_wait3A_577] : memref<100000x128xf32, #tpu.memory_space<hbm>> -> memref<100000x128xf32, #tpu.memory_space<hbm>>
    tpu.wait_indirect_dma semaphore(%arg12 : memref<!tpu.dma_semaphore, #tpu.memory_space<semaphore_mem>>) src(%dma_wait3A_578 : memref<100000x128xf32, #tpu.memory_space<hbm>>) dst(%dma_wait3A_572 : memref<128x128xf32, #tpu.memory_space<vmem>>)
    %dma_wait3A_579 = arith.constant 9 : i32
    %dma_wait3A_580 = arith.constant 1 : i32
    %dma_wait3A_581 = arith.constant 0 : i32
    %dma_wait3A_582 = arith.constant 0 : i32
    %dma_wait3A_583 = tpu.memref_slice %arg9[%dma_wait3A_580, %dma_wait3A_581, %dma_wait3A_582] : memref<2x128x128xf32, #tpu.memory_space<vmem>> -> memref<1x128x128xf32, #tpu.memory_space<vmem>>
    %dma_wait3A_584 = tpu.memref_squeeze %dma_wait3A_583 : memref<1x128x128xf32, #tpu.memory_space<vmem>> -> memref<128x128xf32, #tpu.memory_space<vmem>>
    %dma_wait3A_585 = arith.constant 0 : i32
    %dma_wait3A_586 = tpu.memref_slice %arg7[%dma_wait3A_579, %dma_wait3A_585] : memref<13x128xi32, #tpu.memory_space<vmem>> -> memref<1x128xi32, #tpu.memory_space<vmem>>
    %dma_wait3A_587 = tpu.memref_squeeze %dma_wait3A_586 : memref<1x128xi32, #tpu.memory_space<vmem>> -> memref<128xi32, #tpu.memory_space<vmem>>
    %dma_wait3A_588 = arith.constant 0 : i32
    %dma_wait3A_589 = arith.constant 0 : i32
    %dma_wait3A_590 = tpu.memref_slice %arg4[%dma_wait3A_588, %dma_wait3A_589] : memref<100000x128xf32, #tpu.memory_space<hbm>> -> memref<100000x128xf32, #tpu.memory_space<hbm>>
    tpu.wait_indirect_dma semaphore(%arg14 : memref<!tpu.dma_semaphore, #tpu.memory_space<semaphore_mem>>) src(%dma_wait3A_590 : memref<100000x128xf32, #tpu.memory_space<hbm>>) dst(%dma_wait3A_584 : memref<128x128xf32, #tpu.memory_space<vmem>>)
    %dma_start3A_591 = arith.constant 10 : i32
    %dma_start3A_592 = arith.constant 0 : i32
    %dma_start3A_593 = arith.constant 0 : i32
    %dma_start3A_594 = arith.constant 0 : i32
    %dma_start3A_595 = tpu.memref_slice %arg8[%dma_start3A_592, %dma_start3A_593, %dma_start3A_594] : memref<2x128x128xf32, #tpu.memory_space<vmem>> -> memref<1x128x128xf32, #tpu.memory_space<vmem>>
    %dma_start3A_596 = tpu.memref_squeeze %dma_start3A_595 : memref<1x128x128xf32, #tpu.memory_space<vmem>> -> memref<128x128xf32, #tpu.memory_space<vmem>>
    %dma_start3A_597 = arith.constant 0 : i32
    %dma_start3A_598 = tpu.memref_slice %arg7[%dma_start3A_591, %dma_start3A_597] : memref<13x128xi32, #tpu.memory_space<vmem>> -> memref<1x128xi32, #tpu.memory_space<vmem>>
    %dma_start3A_599 = tpu.memref_squeeze %dma_start3A_598 : memref<1x128xi32, #tpu.memory_space<vmem>> -> memref<128xi32, #tpu.memory_space<vmem>>
    %dma_start3A_600 = arith.constant 0 : i32
    %dma_start3A_601 = arith.constant 0 : i32
    %dma_start3A_602 = tpu.memref_slice %arg3[%dma_start3A_600, %dma_start3A_601] : memref<100000x128xf32, #tpu.memory_space<hbm>> -> memref<100000x128xf32, #tpu.memory_space<hbm>>
    tpu.enqueue_indirect_dma source(%dma_start3A_602 : memref<100000x128xf32, #tpu.memory_space<hbm>>) target(%dma_start3A_596 : memref<128x128xf32, #tpu.memory_space<vmem>>) offsets(%dma_start3A_599 : memref<128xi32, #tpu.memory_space<vmem>>) semaphore(%arg11 : memref<!tpu.dma_semaphore, #tpu.memory_space<semaphore_mem>>)
    %dma_start3A_603 = arith.constant 10 : i32
    %dma_start3A_604 = arith.constant 0 : i32
    %dma_start3A_605 = arith.constant 0 : i32
    %dma_start3A_606 = arith.constant 0 : i32
    %dma_start3A_607 = tpu.memref_slice %arg9[%dma_start3A_604, %dma_start3A_605, %dma_start3A_606] : memref<2x128x128xf32, #tpu.memory_space<vmem>> -> memref<1x128x128xf32, #tpu.memory_space<vmem>>
    %dma_start3A_608 = tpu.memref_squeeze %dma_start3A_607 : memref<1x128x128xf32, #tpu.memory_space<vmem>> -> memref<128x128xf32, #tpu.memory_space<vmem>>
    %dma_start3A_609 = arith.constant 0 : i32
    %dma_start3A_610 = tpu.memref_slice %arg7[%dma_start3A_603, %dma_start3A_609] : memref<13x128xi32, #tpu.memory_space<vmem>> -> memref<1x128xi32, #tpu.memory_space<vmem>>
    %dma_start3A_611 = tpu.memref_squeeze %dma_start3A_610 : memref<1x128xi32, #tpu.memory_space<vmem>> -> memref<128xi32, #tpu.memory_space<vmem>>
    %dma_start3A_612 = arith.constant 0 : i32
    %dma_start3A_613 = arith.constant 0 : i32
    %dma_start3A_614 = tpu.memref_slice %arg4[%dma_start3A_612, %dma_start3A_613] : memref<100000x128xf32, #tpu.memory_space<hbm>> -> memref<100000x128xf32, #tpu.memory_space<hbm>>
    tpu.enqueue_indirect_dma source(%dma_start3A_614 : memref<100000x128xf32, #tpu.memory_space<hbm>>) target(%dma_start3A_608 : memref<128x128xf32, #tpu.memory_space<vmem>>) offsets(%dma_start3A_611 : memref<128xi32, #tpu.memory_space<vmem>>) semaphore(%arg13 : memref<!tpu.dma_semaphore, #tpu.memory_space<semaphore_mem>>)
    %mul3A_615 = arith.constant 13 : i32
    %mul3A_616 = arith.muli %add3A, %mul3A_615 : i32
    %add3A_617 = arith.constant 9 : i32
    %add3A_618 = arith.addi %mul3A_616, %add3A_617 : i32
    %run_scoped3A_619 = arith.constant 1 : i32
    "tpu.region"() ({
      %run_scoped3A_810 = tpu.sem_alloc : memref<!tpu.dma_semaphore, #tpu.memory_space<semaphore_mem>>
      %dma_start3A_811 = arith.constant 0 : i32
      %dma_start3A_812 = arith.constant 0 : i32
      %dma_start3A_813 = tpu.memref_slice %arg8[%run_scoped3A_619, %dma_start3A_811, %dma_start3A_812] : memref<2x128x128xf32, #tpu.memory_space<vmem>> -> memref<1x128x128xf32, #tpu.memory_space<vmem>>
      %dma_start3A_814 = tpu.memref_squeeze %dma_start3A_813 : memref<1x128x128xf32, #tpu.memory_space<vmem>> -> memref<128x128xf32, #tpu.memory_space<vmem>>
      %dma_start3A_815 = arith.constant 0 : i32
      %dma_start3A_816 = arith.constant 0 : i32
      %dma_start3A_817 = tpu.memref_slice %arg5[%add3A_618, %dma_start3A_815, %dma_start3A_816] : memref<416x128x128xf32, #tpu.memory_space<hbm>> -> memref<1x128x128xf32, #tpu.memory_space<hbm>>
      %dma_start3A_818 = tpu.memref_squeeze %dma_start3A_817 : memref<1x128x128xf32, #tpu.memory_space<hbm>> -> memref<128x128xf32, #tpu.memory_space<hbm>>
      %dma_start3A_819 = arith.constant 0 : i32
      %dma_start3A_820 = arith.constant 0 : i32
      %dma_start3A_821 = tpu.memref_slice %arg5[%add3A_618, %dma_start3A_819, %dma_start3A_820] : memref<416x128x128xf32, #tpu.memory_space<hbm>> -> memref<1x128x128xf32, #tpu.memory_space<hbm>>
      %dma_start3A_822 = tpu.memref_squeeze %dma_start3A_821 : memref<1x128x128xf32, #tpu.memory_space<hbm>> -> memref<128x128xf32, #tpu.memory_space<hbm>>
      %dma_start3A_823 = arith.constant 0 : i32
      %dma_start3A_824 = arith.constant 0 : i32
      %dma_start3A_825 = tpu.memref_slice %arg8[%run_scoped3A_619, %dma_start3A_823, %dma_start3A_824] : memref<2x128x128xf32, #tpu.memory_space<vmem>> -> memref<1x128x128xf32, #tpu.memory_space<vmem>>
      %dma_start3A_826 = tpu.memref_squeeze %dma_start3A_825 : memref<1x128x128xf32, #tpu.memory_space<vmem>> -> memref<128x128xf32, #tpu.memory_space<vmem>>
      tpu.enqueue_dma source(%dma_start3A_826 : memref<128x128xf32, #tpu.memory_space<vmem>>) target(%dma_start3A_822 : memref<128x128xf32, #tpu.memory_space<hbm>>) target_semaphore(%run_scoped3A_810 : memref<!tpu.dma_semaphore, #tpu.memory_space<semaphore_mem>>)
      %dma_wait3A_827 = arith.constant 0 : i32
      %dma_wait3A_828 = arith.constant 0 : i32
      %dma_wait3A_829 = tpu.memref_slice %arg8[%run_scoped3A_619, %dma_wait3A_827, %dma_wait3A_828] : memref<2x128x128xf32, #tpu.memory_space<vmem>> -> memref<1x128x128xf32, #tpu.memory_space<vmem>>
      %dma_wait3A_830 = tpu.memref_squeeze %dma_wait3A_829 : memref<1x128x128xf32, #tpu.memory_space<vmem>> -> memref<128x128xf32, #tpu.memory_space<vmem>>
      %dma_wait3A_831 = arith.constant 0 : i32
      %dma_wait3A_832 = arith.constant 0 : i32
      %dma_wait3A_833 = tpu.memref_slice %arg5[%add3A_618, %dma_wait3A_831, %dma_wait3A_832] : memref<416x128x128xf32, #tpu.memory_space<hbm>> -> memref<1x128x128xf32, #tpu.memory_space<hbm>>
      %dma_wait3A_834 = tpu.memref_squeeze %dma_wait3A_833 : memref<1x128x128xf32, #tpu.memory_space<hbm>> -> memref<128x128xf32, #tpu.memory_space<hbm>>
      %dma_wait3A_835 = arith.constant 0 : i32
      %dma_wait3A_836 = arith.constant 0 : i32
      %dma_wait3A_837 = tpu.memref_slice %arg5[%add3A_618, %dma_wait3A_835, %dma_wait3A_836] : memref<416x128x128xf32, #tpu.memory_space<hbm>> -> memref<1x128x128xf32, #tpu.memory_space<hbm>>
      %dma_wait3A_838 = tpu.memref_squeeze %dma_wait3A_837 : memref<1x128x128xf32, #tpu.memory_space<hbm>> -> memref<128x128xf32, #tpu.memory_space<hbm>>
      %dma_wait3A_839 = arith.constant 0 : i32
      %dma_wait3A_840 = arith.constant 0 : i32
      %dma_wait3A_841 = tpu.memref_slice %arg8[%run_scoped3A_619, %dma_wait3A_839, %dma_wait3A_840] : memref<2x128x128xf32, #tpu.memory_space<vmem>> -> memref<1x128x128xf32, #tpu.memory_space<vmem>>
      %dma_wait3A_842 = tpu.memref_squeeze %dma_wait3A_841 : memref<1x128x128xf32, #tpu.memory_space<vmem>> -> memref<128x128xf32, #tpu.memory_space<vmem>>
      tpu.wait_dma2 semaphore(%run_scoped3A_810 : memref<!tpu.dma_semaphore, #tpu.memory_space<semaphore_mem>>) src(%dma_wait3A_842 : memref<128x128xf32, #tpu.memory_space<vmem>>) dst(%dma_wait3A_838 : memref<128x128xf32, #tpu.memory_space<hbm>>)
      tpu.yield
    }) : () -> ()
    %scan3A_620 = arith.constant 0 : i32
    %scan3A_621 = arith.constant 128 : i32
    %scan3A_622 = arith.addi %scan3A_620, %scan3A_621 : i32
    %scan3A_623 = arith.constant 1 : i32
    %scan3A_624:8 = scf.for %scan3A_810 = %scan3A_620 to %scan3A_622 step %scan3A_623 iter_args(%scan3A_811 = %scan3A_565#0, %scan3A_812 = %scan3A_565#1, %scan3A_813 = %scan3A_565#2, %scan3A_814 = %scan3A_565#3, %scan3A_815 = %scan3A_565#4, %scan3A_816 = %scan3A_565#5, %scan3A_817 = %scan3A_565#6, %scan3A_818 = %scan3A_565#7) -> (vector<16xf32>, vector<16xf32>, vector<16xf32>, vector<16xf32>, vector<16xf32>, vector<16xf32>, vector<16xf32>, vector<16xf32>)  : i32 {
      %get3A = arith.constant 1 : i32
      %get3A_819 = arith.index_cast %get3A : i32 to index
      %get3A_820 = arith.index_cast %scan3A_810 : i32 to index
      %get3A_821 = arith.constant 0 : index
      %get3A_822 = tpu.vector_load %arg9[%get3A_819, %get3A_820, %get3A_821] {strides = array<i32>} : memref<2x128x128xf32, #tpu.memory_space<vmem>>, vector<1x1x16xf32>,
      %get3A_823 = vector.shape_cast %get3A_822 : vector<1x1x16xf32> to vector<16xf32>
      %add3A_824 = arith.addf %scan3A_811, %get3A_823 : vector<16xf32>
      %get3A_825 = arith.constant 1 : i32
      %get3A_826 = arith.index_cast %get3A_825 : i32 to index
      %get3A_827 = arith.index_cast %scan3A_810 : i32 to index
      %get3A_828 = arith.constant 16 : index
      %get3A_829 = tpu.vector_load %arg9[%get3A_826, %get3A_827, %get3A_828] {strides = array<i32>} : memref<2x128x128xf32, #tpu.memory_space<vmem>>, vector<1x1x16xf32>,
      %get3A_830 = vector.shape_cast %get3A_829 : vector<1x1x16xf32> to vector<16xf32>
      %add3A_831 = arith.addf %scan3A_812, %get3A_830 : vector<16xf32>
      %get3A_832 = arith.constant 1 : i32
      %get3A_833 = arith.index_cast %get3A_832 : i32 to index
      %get3A_834 = arith.index_cast %scan3A_810 : i32 to index
      %get3A_835 = arith.constant 32 : index
      %get3A_836 = tpu.vector_load %arg9[%get3A_833, %get3A_834, %get3A_835] {strides = array<i32>} : memref<2x128x128xf32, #tpu.memory_space<vmem>>, vector<1x1x16xf32>,
      %get3A_837 = vector.shape_cast %get3A_836 : vector<1x1x16xf32> to vector<16xf32>
      %add3A_838 = arith.addf %scan3A_813, %get3A_837 : vector<16xf32>
      %get3A_839 = arith.constant 1 : i32
      %get3A_840 = arith.index_cast %get3A_839 : i32 to index
      %get3A_841 = arith.index_cast %scan3A_810 : i32 to index
      %get3A_842 = arith.constant 48 : index
      %get3A_843 = tpu.vector_load %arg9[%get3A_840, %get3A_841, %get3A_842] {strides = array<i32>} : memref<2x128x128xf32, #tpu.memory_space<vmem>>, vector<1x1x16xf32>,
      %get3A_844 = vector.shape_cast %get3A_843 : vector<1x1x16xf32> to vector<16xf32>
      %add3A_845 = arith.addf %scan3A_814, %get3A_844 : vector<16xf32>
      %get3A_846 = arith.constant 1 : i32
      %get3A_847 = arith.index_cast %get3A_846 : i32 to index
      %get3A_848 = arith.index_cast %scan3A_810 : i32 to index
      %get3A_849 = arith.constant 64 : index
      %get3A_850 = tpu.vector_load %arg9[%get3A_847, %get3A_848, %get3A_849] {strides = array<i32>} : memref<2x128x128xf32, #tpu.memory_space<vmem>>, vector<1x1x16xf32>,
      %get3A_851 = vector.shape_cast %get3A_850 : vector<1x1x16xf32> to vector<16xf32>
      %add3A_852 = arith.addf %scan3A_815, %get3A_851 : vector<16xf32>
      %get3A_853 = arith.constant 1 : i32
      %get3A_854 = arith.index_cast %get3A_853 : i32 to index
      %get3A_855 = arith.index_cast %scan3A_810 : i32 to index
      %get3A_856 = arith.constant 80 : index
      %get3A_857 = tpu.vector_load %arg9[%get3A_854, %get3A_855, %get3A_856] {strides = array<i32>} : memref<2x128x128xf32, #tpu.memory_space<vmem>>, vector<1x1x16xf32>,
      %get3A_858 = vector.shape_cast %get3A_857 : vector<1x1x16xf32> to vector<16xf32>
      %add3A_859 = arith.addf %scan3A_816, %get3A_858 : vector<16xf32>
      %get3A_860 = arith.constant 1 : i32
      %get3A_861 = arith.index_cast %get3A_860 : i32 to index
      %get3A_862 = arith.index_cast %scan3A_810 : i32 to index
      %get3A_863 = arith.constant 96 : index
      %get3A_864 = tpu.vector_load %arg9[%get3A_861, %get3A_862, %get3A_863] {strides = array<i32>} : memref<2x128x128xf32, #tpu.memory_space<vmem>>, vector<1x1x16xf32>,
      %get3A_865 = vector.shape_cast %get3A_864 : vector<1x1x16xf32> to vector<16xf32>
      %add3A_866 = arith.addf %scan3A_817, %get3A_865 : vector<16xf32>
      %get3A_867 = arith.constant 1 : i32
      %get3A_868 = arith.index_cast %get3A_867 : i32 to index
      %get3A_869 = arith.index_cast %scan3A_810 : i32 to index
      %get3A_870 = arith.constant 112 : index
      %get3A_871 = tpu.vector_load %arg9[%get3A_868, %get3A_869, %get3A_870] {strides = array<i32>} : memref<2x128x128xf32, #tpu.memory_space<vmem>>, vector<1x1x16xf32>,
      %get3A_872 = vector.shape_cast %get3A_871 : vector<1x1x16xf32> to vector<16xf32>
      %add3A_873 = arith.addf %scan3A_818, %get3A_872 : vector<16xf32>
      scf.yield %add3A_824, %add3A_831, %add3A_838, %add3A_845, %add3A_852, %add3A_859, %add3A_866, %add3A_873 : vector<16xf32>, vector<16xf32>, vector<16xf32>, vector<16xf32>, vector<16xf32>, vector<16xf32>, vector<16xf32>, vector<16xf32>
    }
    %scan3A_625 = arith.constant 128 : i32
    %dma_wait3A_626 = arith.constant 10 : i32
    %dma_wait3A_627 = arith.constant 0 : i32
    %dma_wait3A_628 = arith.constant 0 : i32
    %dma_wait3A_629 = arith.constant 0 : i32
    %dma_wait3A_630 = tpu.memref_slice %arg8[%dma_wait3A_627, %dma_wait3A_628, %dma_wait3A_629] : memref<2x128x128xf32, #tpu.memory_space<vmem>> -> memref<1x128x128xf32, #tpu.memory_space<vmem>>
    %dma_wait3A_631 = tpu.memref_squeeze %dma_wait3A_630 : memref<1x128x128xf32, #tpu.memory_space<vmem>> -> memref<128x128xf32, #tpu.memory_space<vmem>>
    %dma_wait3A_632 = arith.constant 0 : i32
    %dma_wait3A_633 = tpu.memref_slice %arg7[%dma_wait3A_626, %dma_wait3A_632] : memref<13x128xi32, #tpu.memory_space<vmem>> -> memref<1x128xi32, #tpu.memory_space<vmem>>
    %dma_wait3A_634 = tpu.memref_squeeze %dma_wait3A_633 : memref<1x128xi32, #tpu.memory_space<vmem>> -> memref<128xi32, #tpu.memory_space<vmem>>
    %dma_wait3A_635 = arith.constant 0 : i32
    %dma_wait3A_636 = arith.constant 0 : i32
    %dma_wait3A_637 = tpu.memref_slice %arg3[%dma_wait3A_635, %dma_wait3A_636] : memref<100000x128xf32, #tpu.memory_space<hbm>> -> memref<100000x128xf32, #tpu.memory_space<hbm>>
    tpu.wait_indirect_dma semaphore(%arg11 : memref<!tpu.dma_semaphore, #tpu.memory_space<semaphore_mem>>) src(%dma_wait3A_637 : memref<100000x128xf32, #tpu.memory_space<hbm>>) dst(%dma_wait3A_631 : memref<128x128xf32, #tpu.memory_space<vmem>>)
    %dma_wait3A_638 = arith.constant 10 : i32
    %dma_wait3A_639 = arith.constant 0 : i32
    %dma_wait3A_640 = arith.constant 0 : i32
    %dma_wait3A_641 = arith.constant 0 : i32
    %dma_wait3A_642 = tpu.memref_slice %arg9[%dma_wait3A_639, %dma_wait3A_640, %dma_wait3A_641] : memref<2x128x128xf32, #tpu.memory_space<vmem>> -> memref<1x128x128xf32, #tpu.memory_space<vmem>>
    %dma_wait3A_643 = tpu.memref_squeeze %dma_wait3A_642 : memref<1x128x128xf32, #tpu.memory_space<vmem>> -> memref<128x128xf32, #tpu.memory_space<vmem>>
    %dma_wait3A_644 = arith.constant 0 : i32
    %dma_wait3A_645 = tpu.memref_slice %arg7[%dma_wait3A_638, %dma_wait3A_644] : memref<13x128xi32, #tpu.memory_space<vmem>> -> memref<1x128xi32, #tpu.memory_space<vmem>>
    %dma_wait3A_646 = tpu.memref_squeeze %dma_wait3A_645 : memref<1x128xi32, #tpu.memory_space<vmem>> -> memref<128xi32, #tpu.memory_space<vmem>>
    %dma_wait3A_647 = arith.constant 0 : i32
    %dma_wait3A_648 = arith.constant 0 : i32
    %dma_wait3A_649 = tpu.memref_slice %arg4[%dma_wait3A_647, %dma_wait3A_648] : memref<100000x128xf32, #tpu.memory_space<hbm>> -> memref<100000x128xf32, #tpu.memory_space<hbm>>
    tpu.wait_indirect_dma semaphore(%arg13 : memref<!tpu.dma_semaphore, #tpu.memory_space<semaphore_mem>>) src(%dma_wait3A_649 : memref<100000x128xf32, #tpu.memory_space<hbm>>) dst(%dma_wait3A_643 : memref<128x128xf32, #tpu.memory_space<vmem>>)
    %dma_start3A_650 = arith.constant 11 : i32
    %dma_start3A_651 = arith.constant 1 : i32
    %dma_start3A_652 = arith.constant 0 : i32
    %dma_start3A_653 = arith.constant 0 : i32
    %dma_start3A_654 = tpu.memref_slice %arg8[%dma_start3A_651, %dma_start3A_652, %dma_start3A_653] : memref<2x128x128xf32, #tpu.memory_space<vmem>> -> memref<1x128x128xf32, #tpu.memory_space<vmem>>
    %dma_start3A_655 = tpu.memref_squeeze %dma_start3A_654 : memref<1x128x128xf32, #tpu.memory_space<vmem>> -> memref<128x128xf32, #tpu.memory_space<vmem>>
    %dma_start3A_656 = arith.constant 0 : i32
    %dma_start3A_657 = tpu.memref_slice %arg7[%dma_start3A_650, %dma_start3A_656] : memref<13x128xi32, #tpu.memory_space<vmem>> -> memref<1x128xi32, #tpu.memory_space<vmem>>
    %dma_start3A_658 = tpu.memref_squeeze %dma_start3A_657 : memref<1x128xi32, #tpu.memory_space<vmem>> -> memref<128xi32, #tpu.memory_space<vmem>>
    %dma_start3A_659 = arith.constant 0 : i32
    %dma_start3A_660 = arith.constant 0 : i32
    %dma_start3A_661 = tpu.memref_slice %arg3[%dma_start3A_659, %dma_start3A_660] : memref<100000x128xf32, #tpu.memory_space<hbm>> -> memref<100000x128xf32, #tpu.memory_space<hbm>>
    tpu.enqueue_indirect_dma source(%dma_start3A_661 : memref<100000x128xf32, #tpu.memory_space<hbm>>) target(%dma_start3A_655 : memref<128x128xf32, #tpu.memory_space<vmem>>) offsets(%dma_start3A_658 : memref<128xi32, #tpu.memory_space<vmem>>) semaphore(%arg12 : memref<!tpu.dma_semaphore, #tpu.memory_space<semaphore_mem>>)
    %dma_start3A_662 = arith.constant 11 : i32
    %dma_start3A_663 = arith.constant 1 : i32
    %dma_start3A_664 = arith.constant 0 : i32
    %dma_start3A_665 = arith.constant 0 : i32
    %dma_start3A_666 = tpu.memref_slice %arg9[%dma_start3A_663, %dma_start3A_664, %dma_start3A_665] : memref<2x128x128xf32, #tpu.memory_space<vmem>> -> memref<1x128x128xf32, #tpu.memory_space<vmem>>
    %dma_start3A_667 = tpu.memref_squeeze %dma_start3A_666 : memref<1x128x128xf32, #tpu.memory_space<vmem>> -> memref<128x128xf32, #tpu.memory_space<vmem>>
    %dma_start3A_668 = arith.constant 0 : i32
    %dma_start3A_669 = tpu.memref_slice %arg7[%dma_start3A_662, %dma_start3A_668] : memref<13x128xi32, #tpu.memory_space<vmem>> -> memref<1x128xi32, #tpu.memory_space<vmem>>
    %dma_start3A_670 = tpu.memref_squeeze %dma_start3A_669 : memref<1x128xi32, #tpu.memory_space<vmem>> -> memref<128xi32, #tpu.memory_space<vmem>>
    %dma_start3A_671 = arith.constant 0 : i32
    %dma_start3A_672 = arith.constant 0 : i32
    %dma_start3A_673 = tpu.memref_slice %arg4[%dma_start3A_671, %dma_start3A_672] : memref<100000x128xf32, #tpu.memory_space<hbm>> -> memref<100000x128xf32, #tpu.memory_space<hbm>>
    tpu.enqueue_indirect_dma source(%dma_start3A_673 : memref<100000x128xf32, #tpu.memory_space<hbm>>) target(%dma_start3A_667 : memref<128x128xf32, #tpu.memory_space<vmem>>) offsets(%dma_start3A_670 : memref<128xi32, #tpu.memory_space<vmem>>) semaphore(%arg14 : memref<!tpu.dma_semaphore, #tpu.memory_space<semaphore_mem>>)
    %mul3A_674 = arith.constant 13 : i32
    %mul3A_675 = arith.muli %add3A, %mul3A_674 : i32
    %add3A_676 = arith.constant 10 : i32
    %add3A_677 = arith.addi %mul3A_675, %add3A_676 : i32
    %run_scoped3A_678 = arith.constant 0 : i32
    "tpu.region"() ({
      %run_scoped3A_810 = tpu.sem_alloc : memref<!tpu.dma_semaphore, #tpu.memory_space<semaphore_mem>>
      %dma_start3A_811 = arith.constant 0 : i32
      %dma_start3A_812 = arith.constant 0 : i32
      %dma_start3A_813 = tpu.memref_slice %arg8[%run_scoped3A_678, %dma_start3A_811, %dma_start3A_812] : memref<2x128x128xf32, #tpu.memory_space<vmem>> -> memref<1x128x128xf32, #tpu.memory_space<vmem>>
      %dma_start3A_814 = tpu.memref_squeeze %dma_start3A_813 : memref<1x128x128xf32, #tpu.memory_space<vmem>> -> memref<128x128xf32, #tpu.memory_space<vmem>>
      %dma_start3A_815 = arith.constant 0 : i32
      %dma_start3A_816 = arith.constant 0 : i32
      %dma_start3A_817 = tpu.memref_slice %arg5[%add3A_677, %dma_start3A_815, %dma_start3A_816] : memref<416x128x128xf32, #tpu.memory_space<hbm>> -> memref<1x128x128xf32, #tpu.memory_space<hbm>>
      %dma_start3A_818 = tpu.memref_squeeze %dma_start3A_817 : memref<1x128x128xf32, #tpu.memory_space<hbm>> -> memref<128x128xf32, #tpu.memory_space<hbm>>
      %dma_start3A_819 = arith.constant 0 : i32
      %dma_start3A_820 = arith.constant 0 : i32
      %dma_start3A_821 = tpu.memref_slice %arg5[%add3A_677, %dma_start3A_819, %dma_start3A_820] : memref<416x128x128xf32, #tpu.memory_space<hbm>> -> memref<1x128x128xf32, #tpu.memory_space<hbm>>
      %dma_start3A_822 = tpu.memref_squeeze %dma_start3A_821 : memref<1x128x128xf32, #tpu.memory_space<hbm>> -> memref<128x128xf32, #tpu.memory_space<hbm>>
      %dma_start3A_823 = arith.constant 0 : i32
      %dma_start3A_824 = arith.constant 0 : i32
      %dma_start3A_825 = tpu.memref_slice %arg8[%run_scoped3A_678, %dma_start3A_823, %dma_start3A_824] : memref<2x128x128xf32, #tpu.memory_space<vmem>> -> memref<1x128x128xf32, #tpu.memory_space<vmem>>
      %dma_start3A_826 = tpu.memref_squeeze %dma_start3A_825 : memref<1x128x128xf32, #tpu.memory_space<vmem>> -> memref<128x128xf32, #tpu.memory_space<vmem>>
      tpu.enqueue_dma source(%dma_start3A_826 : memref<128x128xf32, #tpu.memory_space<vmem>>) target(%dma_start3A_822 : memref<128x128xf32, #tpu.memory_space<hbm>>) target_semaphore(%run_scoped3A_810 : memref<!tpu.dma_semaphore, #tpu.memory_space<semaphore_mem>>)
      %dma_wait3A_827 = arith.constant 0 : i32
      %dma_wait3A_828 = arith.constant 0 : i32
      %dma_wait3A_829 = tpu.memref_slice %arg8[%run_scoped3A_678, %dma_wait3A_827, %dma_wait3A_828] : memref<2x128x128xf32, #tpu.memory_space<vmem>> -> memref<1x128x128xf32, #tpu.memory_space<vmem>>
      %dma_wait3A_830 = tpu.memref_squeeze %dma_wait3A_829 : memref<1x128x128xf32, #tpu.memory_space<vmem>> -> memref<128x128xf32, #tpu.memory_space<vmem>>
      %dma_wait3A_831 = arith.constant 0 : i32
      %dma_wait3A_832 = arith.constant 0 : i32
      %dma_wait3A_833 = tpu.memref_slice %arg5[%add3A_677, %dma_wait3A_831, %dma_wait3A_832] : memref<416x128x128xf32, #tpu.memory_space<hbm>> -> memref<1x128x128xf32, #tpu.memory_space<hbm>>
      %dma_wait3A_834 = tpu.memref_squeeze %dma_wait3A_833 : memref<1x128x128xf32, #tpu.memory_space<hbm>> -> memref<128x128xf32, #tpu.memory_space<hbm>>
      %dma_wait3A_835 = arith.constant 0 : i32
      %dma_wait3A_836 = arith.constant 0 : i32
      %dma_wait3A_837 = tpu.memref_slice %arg5[%add3A_677, %dma_wait3A_835, %dma_wait3A_836] : memref<416x128x128xf32, #tpu.memory_space<hbm>> -> memref<1x128x128xf32, #tpu.memory_space<hbm>>
      %dma_wait3A_838 = tpu.memref_squeeze %dma_wait3A_837 : memref<1x128x128xf32, #tpu.memory_space<hbm>> -> memref<128x128xf32, #tpu.memory_space<hbm>>
      %dma_wait3A_839 = arith.constant 0 : i32
      %dma_wait3A_840 = arith.constant 0 : i32
      %dma_wait3A_841 = tpu.memref_slice %arg8[%run_scoped3A_678, %dma_wait3A_839, %dma_wait3A_840] : memref<2x128x128xf32, #tpu.memory_space<vmem>> -> memref<1x128x128xf32, #tpu.memory_space<vmem>>
      %dma_wait3A_842 = tpu.memref_squeeze %dma_wait3A_841 : memref<1x128x128xf32, #tpu.memory_space<vmem>> -> memref<128x128xf32, #tpu.memory_space<vmem>>
      tpu.wait_dma2 semaphore(%run_scoped3A_810 : memref<!tpu.dma_semaphore, #tpu.memory_space<semaphore_mem>>) src(%dma_wait3A_842 : memref<128x128xf32, #tpu.memory_space<vmem>>) dst(%dma_wait3A_838 : memref<128x128xf32, #tpu.memory_space<hbm>>)
      tpu.yield
    }) : () -> ()
    %scan3A_679 = arith.constant 0 : i32
    %scan3A_680 = arith.constant 128 : i32
    %scan3A_681 = arith.addi %scan3A_679, %scan3A_680 : i32
    %scan3A_682 = arith.constant 1 : i32
    %scan3A_683:8 = scf.for %scan3A_810 = %scan3A_679 to %scan3A_681 step %scan3A_682 iter_args(%scan3A_811 = %scan3A_624#0, %scan3A_812 = %scan3A_624#1, %scan3A_813 = %scan3A_624#2, %scan3A_814 = %scan3A_624#3, %scan3A_815 = %scan3A_624#4, %scan3A_816 = %scan3A_624#5, %scan3A_817 = %scan3A_624#6, %scan3A_818 = %scan3A_624#7) -> (vector<16xf32>, vector<16xf32>, vector<16xf32>, vector<16xf32>, vector<16xf32>, vector<16xf32>, vector<16xf32>, vector<16xf32>)  : i32 {
      %get3A = arith.constant 0 : i32
      %get3A_819 = arith.index_cast %get3A : i32 to index
      %get3A_820 = arith.index_cast %scan3A_810 : i32 to index
      %get3A_821 = arith.constant 0 : index
      %get3A_822 = tpu.vector_load %arg9[%get3A_819, %get3A_820, %get3A_821] {strides = array<i32>} : memref<2x128x128xf32, #tpu.memory_space<vmem>>, vector<1x1x16xf32>,
      %get3A_823 = vector.shape_cast %get3A_822 : vector<1x1x16xf32> to vector<16xf32>
      %add3A_824 = arith.addf %scan3A_811, %get3A_823 : vector<16xf32>
      %get3A_825 = arith.constant 0 : i32
      %get3A_826 = arith.index_cast %get3A_825 : i32 to index
      %get3A_827 = arith.index_cast %scan3A_810 : i32 to index
      %get3A_828 = arith.constant 16 : index
      %get3A_829 = tpu.vector_load %arg9[%get3A_826, %get3A_827, %get3A_828] {strides = array<i32>} : memref<2x128x128xf32, #tpu.memory_space<vmem>>, vector<1x1x16xf32>,
      %get3A_830 = vector.shape_cast %get3A_829 : vector<1x1x16xf32> to vector<16xf32>
      %add3A_831 = arith.addf %scan3A_812, %get3A_830 : vector<16xf32>
      %get3A_832 = arith.constant 0 : i32
      %get3A_833 = arith.index_cast %get3A_832 : i32 to index
      %get3A_834 = arith.index_cast %scan3A_810 : i32 to index
      %get3A_835 = arith.constant 32 : index
      %get3A_836 = tpu.vector_load %arg9[%get3A_833, %get3A_834, %get3A_835] {strides = array<i32>} : memref<2x128x128xf32, #tpu.memory_space<vmem>>, vector<1x1x16xf32>,
      %get3A_837 = vector.shape_cast %get3A_836 : vector<1x1x16xf32> to vector<16xf32>
      %add3A_838 = arith.addf %scan3A_813, %get3A_837 : vector<16xf32>
      %get3A_839 = arith.constant 0 : i32
      %get3A_840 = arith.index_cast %get3A_839 : i32 to index
      %get3A_841 = arith.index_cast %scan3A_810 : i32 to index
      %get3A_842 = arith.constant 48 : index
      %get3A_843 = tpu.vector_load %arg9[%get3A_840, %get3A_841, %get3A_842] {strides = array<i32>} : memref<2x128x128xf32, #tpu.memory_space<vmem>>, vector<1x1x16xf32>,
      %get3A_844 = vector.shape_cast %get3A_843 : vector<1x1x16xf32> to vector<16xf32>
      %add3A_845 = arith.addf %scan3A_814, %get3A_844 : vector<16xf32>
      %get3A_846 = arith.constant 0 : i32
      %get3A_847 = arith.index_cast %get3A_846 : i32 to index
      %get3A_848 = arith.index_cast %scan3A_810 : i32 to index
      %get3A_849 = arith.constant 64 : index
      %get3A_850 = tpu.vector_load %arg9[%get3A_847, %get3A_848, %get3A_849] {strides = array<i32>} : memref<2x128x128xf32, #tpu.memory_space<vmem>>, vector<1x1x16xf32>,
      %get3A_851 = vector.shape_cast %get3A_850 : vector<1x1x16xf32> to vector<16xf32>
      %add3A_852 = arith.addf %scan3A_815, %get3A_851 : vector<16xf32>
      %get3A_853 = arith.constant 0 : i32
      %get3A_854 = arith.index_cast %get3A_853 : i32 to index
      %get3A_855 = arith.index_cast %scan3A_810 : i32 to index
      %get3A_856 = arith.constant 80 : index
      %get3A_857 = tpu.vector_load %arg9[%get3A_854, %get3A_855, %get3A_856] {strides = array<i32>} : memref<2x128x128xf32, #tpu.memory_space<vmem>>, vector<1x1x16xf32>,
      %get3A_858 = vector.shape_cast %get3A_857 : vector<1x1x16xf32> to vector<16xf32>
      %add3A_859 = arith.addf %scan3A_816, %get3A_858 : vector<16xf32>
      %get3A_860 = arith.constant 0 : i32
      %get3A_861 = arith.index_cast %get3A_860 : i32 to index
      %get3A_862 = arith.index_cast %scan3A_810 : i32 to index
      %get3A_863 = arith.constant 96 : index
      %get3A_864 = tpu.vector_load %arg9[%get3A_861, %get3A_862, %get3A_863] {strides = array<i32>} : memref<2x128x128xf32, #tpu.memory_space<vmem>>, vector<1x1x16xf32>,
      %get3A_865 = vector.shape_cast %get3A_864 : vector<1x1x16xf32> to vector<16xf32>
      %add3A_866 = arith.addf %scan3A_817, %get3A_865 : vector<16xf32>
      %get3A_867 = arith.constant 0 : i32
      %get3A_868 = arith.index_cast %get3A_867 : i32 to index
      %get3A_869 = arith.index_cast %scan3A_810 : i32 to index
      %get3A_870 = arith.constant 112 : index
      %get3A_871 = tpu.vector_load %arg9[%get3A_868, %get3A_869, %get3A_870] {strides = array<i32>} : memref<2x128x128xf32, #tpu.memory_space<vmem>>, vector<1x1x16xf32>,
      %get3A_872 = vector.shape_cast %get3A_871 : vector<1x1x16xf32> to vector<16xf32>
      %add3A_873 = arith.addf %scan3A_818, %get3A_872 : vector<16xf32>
      scf.yield %add3A_824, %add3A_831, %add3A_838, %add3A_845, %add3A_852, %add3A_859, %add3A_866, %add3A_873 : vector<16xf32>, vector<16xf32>, vector<16xf32>, vector<16xf32>, vector<16xf32>, vector<16xf32>, vector<16xf32>, vector<16xf32>
    }
    %scan3A_684 = arith.constant 128 : i32
    %dma_wait3A_685 = arith.constant 11 : i32
    %dma_wait3A_686 = arith.constant 1 : i32
    %dma_wait3A_687 = arith.constant 0 : i32
    %dma_wait3A_688 = arith.constant 0 : i32
    %dma_wait3A_689 = tpu.memref_slice %arg8[%dma_wait3A_686, %dma_wait3A_687, %dma_wait3A_688] : memref<2x128x128xf32, #tpu.memory_space<vmem>> -> memref<1x128x128xf32, #tpu.memory_space<vmem>>
    %dma_wait3A_690 = tpu.memref_squeeze %dma_wait3A_689 : memref<1x128x128xf32, #tpu.memory_space<vmem>> -> memref<128x128xf32, #tpu.memory_space<vmem>>
    %dma_wait3A_691 = arith.constant 0 : i32
    %dma_wait3A_692 = tpu.memref_slice %arg7[%dma_wait3A_685, %dma_wait3A_691] : memref<13x128xi32, #tpu.memory_space<vmem>> -> memref<1x128xi32, #tpu.memory_space<vmem>>
    %dma_wait3A_693 = tpu.memref_squeeze %dma_wait3A_692 : memref<1x128xi32, #tpu.memory_space<vmem>> -> memref<128xi32, #tpu.memory_space<vmem>>
    %dma_wait3A_694 = arith.constant 0 : i32
    %dma_wait3A_695 = arith.constant 0 : i32
    %dma_wait3A_696 = tpu.memref_slice %arg3[%dma_wait3A_694, %dma_wait3A_695] : memref<100000x128xf32, #tpu.memory_space<hbm>> -> memref<100000x128xf32, #tpu.memory_space<hbm>>
    tpu.wait_indirect_dma semaphore(%arg12 : memref<!tpu.dma_semaphore, #tpu.memory_space<semaphore_mem>>) src(%dma_wait3A_696 : memref<100000x128xf32, #tpu.memory_space<hbm>>) dst(%dma_wait3A_690 : memref<128x128xf32, #tpu.memory_space<vmem>>)
    %dma_wait3A_697 = arith.constant 11 : i32
    %dma_wait3A_698 = arith.constant 1 : i32
    %dma_wait3A_699 = arith.constant 0 : i32
    %dma_wait3A_700 = arith.constant 0 : i32
    %dma_wait3A_701 = tpu.memref_slice %arg9[%dma_wait3A_698, %dma_wait3A_699, %dma_wait3A_700] : memref<2x128x128xf32, #tpu.memory_space<vmem>> -> memref<1x128x128xf32, #tpu.memory_space<vmem>>
    %dma_wait3A_702 = tpu.memref_squeeze %dma_wait3A_701 : memref<1x128x128xf32, #tpu.memory_space<vmem>> -> memref<128x128xf32, #tpu.memory_space<vmem>>
    %dma_wait3A_703 = arith.constant 0 : i32
    %dma_wait3A_704 = tpu.memref_slice %arg7[%dma_wait3A_697, %dma_wait3A_703] : memref<13x128xi32, #tpu.memory_space<vmem>> -> memref<1x128xi32, #tpu.memory_space<vmem>>
    %dma_wait3A_705 = tpu.memref_squeeze %dma_wait3A_704 : memref<1x128xi32, #tpu.memory_space<vmem>> -> memref<128xi32, #tpu.memory_space<vmem>>
    %dma_wait3A_706 = arith.constant 0 : i32
    %dma_wait3A_707 = arith.constant 0 : i32
    %dma_wait3A_708 = tpu.memref_slice %arg4[%dma_wait3A_706, %dma_wait3A_707] : memref<100000x128xf32, #tpu.memory_space<hbm>> -> memref<100000x128xf32, #tpu.memory_space<hbm>>
    tpu.wait_indirect_dma semaphore(%arg14 : memref<!tpu.dma_semaphore, #tpu.memory_space<semaphore_mem>>) src(%dma_wait3A_708 : memref<100000x128xf32, #tpu.memory_space<hbm>>) dst(%dma_wait3A_702 : memref<128x128xf32, #tpu.memory_space<vmem>>)
    %dma_start3A_709 = arith.constant 12 : i32
    %dma_start3A_710 = arith.constant 0 : i32
    %dma_start3A_711 = arith.constant 0 : i32
    %dma_start3A_712 = arith.constant 0 : i32
    %dma_start3A_713 = tpu.memref_slice %arg8[%dma_start3A_710, %dma_start3A_711, %dma_start3A_712] : memref<2x128x128xf32, #tpu.memory_space<vmem>> -> memref<1x128x128xf32, #tpu.memory_space<vmem>>
    %dma_start3A_714 = tpu.memref_squeeze %dma_start3A_713 : memref<1x128x128xf32, #tpu.memory_space<vmem>> -> memref<128x128xf32, #tpu.memory_space<vmem>>
    %dma_start3A_715 = arith.constant 0 : i32
    %dma_start3A_716 = tpu.memref_slice %arg7[%dma_start3A_709, %dma_start3A_715] : memref<13x128xi32, #tpu.memory_space<vmem>> -> memref<1x128xi32, #tpu.memory_space<vmem>>
    %dma_start3A_717 = tpu.memref_squeeze %dma_start3A_716 : memref<1x128xi32, #tpu.memory_space<vmem>> -> memref<128xi32, #tpu.memory_space<vmem>>
    %dma_start3A_718 = arith.constant 0 : i32
    %dma_start3A_719 = arith.constant 0 : i32
    %dma_start3A_720 = tpu.memref_slice %arg3[%dma_start3A_718, %dma_start3A_719] : memref<100000x128xf32, #tpu.memory_space<hbm>> -> memref<100000x128xf32, #tpu.memory_space<hbm>>
    tpu.enqueue_indirect_dma source(%dma_start3A_720 : memref<100000x128xf32, #tpu.memory_space<hbm>>) target(%dma_start3A_714 : memref<128x128xf32, #tpu.memory_space<vmem>>) offsets(%dma_start3A_717 : memref<128xi32, #tpu.memory_space<vmem>>) semaphore(%arg11 : memref<!tpu.dma_semaphore, #tpu.memory_space<semaphore_mem>>)
    %dma_start3A_721 = arith.constant 12 : i32
    %dma_start3A_722 = arith.constant 0 : i32
    %dma_start3A_723 = arith.constant 0 : i32
    %dma_start3A_724 = arith.constant 0 : i32
    %dma_start3A_725 = tpu.memref_slice %arg9[%dma_start3A_722, %dma_start3A_723, %dma_start3A_724] : memref<2x128x128xf32, #tpu.memory_space<vmem>> -> memref<1x128x128xf32, #tpu.memory_space<vmem>>
    %dma_start3A_726 = tpu.memref_squeeze %dma_start3A_725 : memref<1x128x128xf32, #tpu.memory_space<vmem>> -> memref<128x128xf32, #tpu.memory_space<vmem>>
    %dma_start3A_727 = arith.constant 0 : i32
    %dma_start3A_728 = tpu.memref_slice %arg7[%dma_start3A_721, %dma_start3A_727] : memref<13x128xi32, #tpu.memory_space<vmem>> -> memref<1x128xi32, #tpu.memory_space<vmem>>
    %dma_start3A_729 = tpu.memref_squeeze %dma_start3A_728 : memref<1x128xi32, #tpu.memory_space<vmem>> -> memref<128xi32, #tpu.memory_space<vmem>>
    %dma_start3A_730 = arith.constant 0 : i32
    %dma_start3A_731 = arith.constant 0 : i32
    %dma_start3A_732 = tpu.memref_slice %arg4[%dma_start3A_730, %dma_start3A_731] : memref<100000x128xf32, #tpu.memory_space<hbm>> -> memref<100000x128xf32, #tpu.memory_space<hbm>>
    tpu.enqueue_indirect_dma source(%dma_start3A_732 : memref<100000x128xf32, #tpu.memory_space<hbm>>) target(%dma_start3A_726 : memref<128x128xf32, #tpu.memory_space<vmem>>) offsets(%dma_start3A_729 : memref<128xi32, #tpu.memory_space<vmem>>) semaphore(%arg13 : memref<!tpu.dma_semaphore, #tpu.memory_space<semaphore_mem>>)
    %mul3A_733 = arith.constant 13 : i32
    %mul3A_734 = arith.muli %add3A, %mul3A_733 : i32
    %add3A_735 = arith.constant 11 : i32
    %add3A_736 = arith.addi %mul3A_734, %add3A_735 : i32
    %run_scoped3A_737 = arith.constant 1 : i32
    "tpu.region"() ({
      %run_scoped3A_810 = tpu.sem_alloc : memref<!tpu.dma_semaphore, #tpu.memory_space<semaphore_mem>>
      %dma_start3A_811 = arith.constant 0 : i32
      %dma_start3A_812 = arith.constant 0 : i32
      %dma_start3A_813 = tpu.memref_slice %arg8[%run_scoped3A_737, %dma_start3A_811, %dma_start3A_812] : memref<2x128x128xf32, #tpu.memory_space<vmem>> -> memref<1x128x128xf32, #tpu.memory_space<vmem>>
      %dma_start3A_814 = tpu.memref_squeeze %dma_start3A_813 : memref<1x128x128xf32, #tpu.memory_space<vmem>> -> memref<128x128xf32, #tpu.memory_space<vmem>>
      %dma_start3A_815 = arith.constant 0 : i32
      %dma_start3A_816 = arith.constant 0 : i32
      %dma_start3A_817 = tpu.memref_slice %arg5[%add3A_736, %dma_start3A_815, %dma_start3A_816] : memref<416x128x128xf32, #tpu.memory_space<hbm>> -> memref<1x128x128xf32, #tpu.memory_space<hbm>>
      %dma_start3A_818 = tpu.memref_squeeze %dma_start3A_817 : memref<1x128x128xf32, #tpu.memory_space<hbm>> -> memref<128x128xf32, #tpu.memory_space<hbm>>
      %dma_start3A_819 = arith.constant 0 : i32
      %dma_start3A_820 = arith.constant 0 : i32
      %dma_start3A_821 = tpu.memref_slice %arg5[%add3A_736, %dma_start3A_819, %dma_start3A_820] : memref<416x128x128xf32, #tpu.memory_space<hbm>> -> memref<1x128x128xf32, #tpu.memory_space<hbm>>
      %dma_start3A_822 = tpu.memref_squeeze %dma_start3A_821 : memref<1x128x128xf32, #tpu.memory_space<hbm>> -> memref<128x128xf32, #tpu.memory_space<hbm>>
      %dma_start3A_823 = arith.constant 0 : i32
      %dma_start3A_824 = arith.constant 0 : i32
      %dma_start3A_825 = tpu.memref_slice %arg8[%run_scoped3A_737, %dma_start3A_823, %dma_start3A_824] : memref<2x128x128xf32, #tpu.memory_space<vmem>> -> memref<1x128x128xf32, #tpu.memory_space<vmem>>
      %dma_start3A_826 = tpu.memref_squeeze %dma_start3A_825 : memref<1x128x128xf32, #tpu.memory_space<vmem>> -> memref<128x128xf32, #tpu.memory_space<vmem>>
      tpu.enqueue_dma source(%dma_start3A_826 : memref<128x128xf32, #tpu.memory_space<vmem>>) target(%dma_start3A_822 : memref<128x128xf32, #tpu.memory_space<hbm>>) target_semaphore(%run_scoped3A_810 : memref<!tpu.dma_semaphore, #tpu.memory_space<semaphore_mem>>)
      %dma_wait3A_827 = arith.constant 0 : i32
      %dma_wait3A_828 = arith.constant 0 : i32
      %dma_wait3A_829 = tpu.memref_slice %arg8[%run_scoped3A_737, %dma_wait3A_827, %dma_wait3A_828] : memref<2x128x128xf32, #tpu.memory_space<vmem>> -> memref<1x128x128xf32, #tpu.memory_space<vmem>>
      %dma_wait3A_830 = tpu.memref_squeeze %dma_wait3A_829 : memref<1x128x128xf32, #tpu.memory_space<vmem>> -> memref<128x128xf32, #tpu.memory_space<vmem>>
      %dma_wait3A_831 = arith.constant 0 : i32
      %dma_wait3A_832 = arith.constant 0 : i32
      %dma_wait3A_833 = tpu.memref_slice %arg5[%add3A_736, %dma_wait3A_831, %dma_wait3A_832] : memref<416x128x128xf32, #tpu.memory_space<hbm>> -> memref<1x128x128xf32, #tpu.memory_space<hbm>>
      %dma_wait3A_834 = tpu.memref_squeeze %dma_wait3A_833 : memref<1x128x128xf32, #tpu.memory_space<hbm>> -> memref<128x128xf32, #tpu.memory_space<hbm>>
      %dma_wait3A_835 = arith.constant 0 : i32
      %dma_wait3A_836 = arith.constant 0 : i32
      %dma_wait3A_837 = tpu.memref_slice %arg5[%add3A_736, %dma_wait3A_835, %dma_wait3A_836] : memref<416x128x128xf32, #tpu.memory_space<hbm>> -> memref<1x128x128xf32, #tpu.memory_space<hbm>>
      %dma_wait3A_838 = tpu.memref_squeeze %dma_wait3A_837 : memref<1x128x128xf32, #tpu.memory_space<hbm>> -> memref<128x128xf32, #tpu.memory_space<hbm>>
      %dma_wait3A_839 = arith.constant 0 : i32
      %dma_wait3A_840 = arith.constant 0 : i32
      %dma_wait3A_841 = tpu.memref_slice %arg8[%run_scoped3A_737, %dma_wait3A_839, %dma_wait3A_840] : memref<2x128x128xf32, #tpu.memory_space<vmem>> -> memref<1x128x128xf32, #tpu.memory_space<vmem>>
      %dma_wait3A_842 = tpu.memref_squeeze %dma_wait3A_841 : memref<1x128x128xf32, #tpu.memory_space<vmem>> -> memref<128x128xf32, #tpu.memory_space<vmem>>
      tpu.wait_dma2 semaphore(%run_scoped3A_810 : memref<!tpu.dma_semaphore, #tpu.memory_space<semaphore_mem>>) src(%dma_wait3A_842 : memref<128x128xf32, #tpu.memory_space<vmem>>) dst(%dma_wait3A_838 : memref<128x128xf32, #tpu.memory_space<hbm>>)
      tpu.yield
    }) : () -> ()
    %scan3A_738 = arith.constant 0 : i32
    %scan3A_739 = arith.constant 128 : i32
    %scan3A_740 = arith.addi %scan3A_738, %scan3A_739 : i32
    %scan3A_741 = arith.constant 1 : i32
    %scan3A_742:8 = scf.for %scan3A_810 = %scan3A_738 to %scan3A_740 step %scan3A_741 iter_args(%scan3A_811 = %scan3A_683#0, %scan3A_812 = %scan3A_683#1, %scan3A_813 = %scan3A_683#2, %scan3A_814 = %scan3A_683#3, %scan3A_815 = %scan3A_683#4, %scan3A_816 = %scan3A_683#5, %scan3A_817 = %scan3A_683#6, %scan3A_818 = %scan3A_683#7) -> (vector<16xf32>, vector<16xf32>, vector<16xf32>, vector<16xf32>, vector<16xf32>, vector<16xf32>, vector<16xf32>, vector<16xf32>)  : i32 {
      %get3A = arith.constant 1 : i32
      %get3A_819 = arith.index_cast %get3A : i32 to index
      %get3A_820 = arith.index_cast %scan3A_810 : i32 to index
      %get3A_821 = arith.constant 0 : index
      %get3A_822 = tpu.vector_load %arg9[%get3A_819, %get3A_820, %get3A_821] {strides = array<i32>} : memref<2x128x128xf32, #tpu.memory_space<vmem>>, vector<1x1x16xf32>,
      %get3A_823 = vector.shape_cast %get3A_822 : vector<1x1x16xf32> to vector<16xf32>
      %add3A_824 = arith.addf %scan3A_811, %get3A_823 : vector<16xf32>
      %get3A_825 = arith.constant 1 : i32
      %get3A_826 = arith.index_cast %get3A_825 : i32 to index
      %get3A_827 = arith.index_cast %scan3A_810 : i32 to index
      %get3A_828 = arith.constant 16 : index
      %get3A_829 = tpu.vector_load %arg9[%get3A_826, %get3A_827, %get3A_828] {strides = array<i32>} : memref<2x128x128xf32, #tpu.memory_space<vmem>>, vector<1x1x16xf32>,
      %get3A_830 = vector.shape_cast %get3A_829 : vector<1x1x16xf32> to vector<16xf32>
      %add3A_831 = arith.addf %scan3A_812, %get3A_830 : vector<16xf32>
      %get3A_832 = arith.constant 1 : i32
      %get3A_833 = arith.index_cast %get3A_832 : i32 to index
      %get3A_834 = arith.index_cast %scan3A_810 : i32 to index
      %get3A_835 = arith.constant 32 : index
      %get3A_836 = tpu.vector_load %arg9[%get3A_833, %get3A_834, %get3A_835] {strides = array<i32>} : memref<2x128x128xf32, #tpu.memory_space<vmem>>, vector<1x1x16xf32>,
      %get3A_837 = vector.shape_cast %get3A_836 : vector<1x1x16xf32> to vector<16xf32>
      %add3A_838 = arith.addf %scan3A_813, %get3A_837 : vector<16xf32>
      %get3A_839 = arith.constant 1 : i32
      %get3A_840 = arith.index_cast %get3A_839 : i32 to index
      %get3A_841 = arith.index_cast %scan3A_810 : i32 to index
      %get3A_842 = arith.constant 48 : index
      %get3A_843 = tpu.vector_load %arg9[%get3A_840, %get3A_841, %get3A_842] {strides = array<i32>} : memref<2x128x128xf32, #tpu.memory_space<vmem>>, vector<1x1x16xf32>,
      %get3A_844 = vector.shape_cast %get3A_843 : vector<1x1x16xf32> to vector<16xf32>
      %add3A_845 = arith.addf %scan3A_814, %get3A_844 : vector<16xf32>
      %get3A_846 = arith.constant 1 : i32
      %get3A_847 = arith.index_cast %get3A_846 : i32 to index
      %get3A_848 = arith.index_cast %scan3A_810 : i32 to index
      %get3A_849 = arith.constant 64 : index
      %get3A_850 = tpu.vector_load %arg9[%get3A_847, %get3A_848, %get3A_849] {strides = array<i32>} : memref<2x128x128xf32, #tpu.memory_space<vmem>>, vector<1x1x16xf32>,
      %get3A_851 = vector.shape_cast %get3A_850 : vector<1x1x16xf32> to vector<16xf32>
      %add3A_852 = arith.addf %scan3A_815, %get3A_851 : vector<16xf32>
      %get3A_853 = arith.constant 1 : i32
      %get3A_854 = arith.index_cast %get3A_853 : i32 to index
      %get3A_855 = arith.index_cast %scan3A_810 : i32 to index
      %get3A_856 = arith.constant 80 : index
      %get3A_857 = tpu.vector_load %arg9[%get3A_854, %get3A_855, %get3A_856] {strides = array<i32>} : memref<2x128x128xf32, #tpu.memory_space<vmem>>, vector<1x1x16xf32>,
      %get3A_858 = vector.shape_cast %get3A_857 : vector<1x1x16xf32> to vector<16xf32>
      %add3A_859 = arith.addf %scan3A_816, %get3A_858 : vector<16xf32>
      %get3A_860 = arith.constant 1 : i32
      %get3A_861 = arith.index_cast %get3A_860 : i32 to index
      %get3A_862 = arith.index_cast %scan3A_810 : i32 to index
      %get3A_863 = arith.constant 96 : index
      %get3A_864 = tpu.vector_load %arg9[%get3A_861, %get3A_862, %get3A_863] {strides = array<i32>} : memref<2x128x128xf32, #tpu.memory_space<vmem>>, vector<1x1x16xf32>,
      %get3A_865 = vector.shape_cast %get3A_864 : vector<1x1x16xf32> to vector<16xf32>
      %add3A_866 = arith.addf %scan3A_817, %get3A_865 : vector<16xf32>
      %get3A_867 = arith.constant 1 : i32
      %get3A_868 = arith.index_cast %get3A_867 : i32 to index
      %get3A_869 = arith.index_cast %scan3A_810 : i32 to index
      %get3A_870 = arith.constant 112 : index
      %get3A_871 = tpu.vector_load %arg9[%get3A_868, %get3A_869, %get3A_870] {strides = array<i32>} : memref<2x128x128xf32, #tpu.memory_space<vmem>>, vector<1x1x16xf32>,
      %get3A_872 = vector.shape_cast %get3A_871 : vector<1x1x16xf32> to vector<16xf32>
      %add3A_873 = arith.addf %scan3A_818, %get3A_872 : vector<16xf32>
      scf.yield %add3A_824, %add3A_831, %add3A_838, %add3A_845, %add3A_852, %add3A_859, %add3A_866, %add3A_873 : vector<16xf32>, vector<16xf32>, vector<16xf32>, vector<16xf32>, vector<16xf32>, vector<16xf32>, vector<16xf32>, vector<16xf32>
    }
    %scan3A_743 = arith.constant 128 : i32
    %dma_wait3A_744 = arith.constant 12 : i32
    %dma_wait3A_745 = arith.constant 0 : i32
    %dma_wait3A_746 = arith.constant 0 : i32
    %dma_wait3A_747 = arith.constant 0 : i32
    %dma_wait3A_748 = tpu.memref_slice %arg8[%dma_wait3A_745, %dma_wait3A_746, %dma_wait3A_747] : memref<2x128x128xf32, #tpu.memory_space<vmem>> -> memref<1x128x128xf32, #tpu.memory_space<vmem>>
    %dma_wait3A_749 = tpu.memref_squeeze %dma_wait3A_748 : memref<1x128x128xf32, #tpu.memory_space<vmem>> -> memref<128x128xf32, #tpu.memory_space<vmem>>
    %dma_wait3A_750 = arith.constant 0 : i32
    %dma_wait3A_751 = tpu.memref_slice %arg7[%dma_wait3A_744, %dma_wait3A_750] : memref<13x128xi32, #tpu.memory_space<vmem>> -> memref<1x128xi32, #tpu.memory_space<vmem>>
    %dma_wait3A_752 = tpu.memref_squeeze %dma_wait3A_751 : memref<1x128xi32, #tpu.memory_space<vmem>> -> memref<128xi32, #tpu.memory_space<vmem>>
    %dma_wait3A_753 = arith.constant 0 : i32
    %dma_wait3A_754 = arith.constant 0 : i32
    %dma_wait3A_755 = tpu.memref_slice %arg3[%dma_wait3A_753, %dma_wait3A_754] : memref<100000x128xf32, #tpu.memory_space<hbm>> -> memref<100000x128xf32, #tpu.memory_space<hbm>>
    tpu.wait_indirect_dma semaphore(%arg11 : memref<!tpu.dma_semaphore, #tpu.memory_space<semaphore_mem>>) src(%dma_wait3A_755 : memref<100000x128xf32, #tpu.memory_space<hbm>>) dst(%dma_wait3A_749 : memref<128x128xf32, #tpu.memory_space<vmem>>)
    %dma_wait3A_756 = arith.constant 12 : i32
    %dma_wait3A_757 = arith.constant 0 : i32
    %dma_wait3A_758 = arith.constant 0 : i32
    %dma_wait3A_759 = arith.constant 0 : i32
    %dma_wait3A_760 = tpu.memref_slice %arg9[%dma_wait3A_757, %dma_wait3A_758, %dma_wait3A_759] : memref<2x128x128xf32, #tpu.memory_space<vmem>> -> memref<1x128x128xf32, #tpu.memory_space<vmem>>
    %dma_wait3A_761 = tpu.memref_squeeze %dma_wait3A_760 : memref<1x128x128xf32, #tpu.memory_space<vmem>> -> memref<128x128xf32, #tpu.memory_space<vmem>>
    %dma_wait3A_762 = arith.constant 0 : i32
    %dma_wait3A_763 = tpu.memref_slice %arg7[%dma_wait3A_756, %dma_wait3A_762] : memref<13x128xi32, #tpu.memory_space<vmem>> -> memref<1x128xi32, #tpu.memory_space<vmem>>
    %dma_wait3A_764 = tpu.memref_squeeze %dma_wait3A_763 : memref<1x128xi32, #tpu.memory_space<vmem>> -> memref<128xi32, #tpu.memory_space<vmem>>
    %dma_wait3A_765 = arith.constant 0 : i32
    %dma_wait3A_766 = arith.constant 0 : i32
    %dma_wait3A_767 = tpu.memref_slice %arg4[%dma_wait3A_765, %dma_wait3A_766] : memref<100000x128xf32, #tpu.memory_space<hbm>> -> memref<100000x128xf32, #tpu.memory_space<hbm>>
    tpu.wait_indirect_dma semaphore(%arg13 : memref<!tpu.dma_semaphore, #tpu.memory_space<semaphore_mem>>) src(%dma_wait3A_767 : memref<100000x128xf32, #tpu.memory_space<hbm>>) dst(%dma_wait3A_761 : memref<128x128xf32, #tpu.memory_space<vmem>>)
    %mul3A_768 = arith.constant 13 : i32
    %mul3A_769 = arith.muli %add3A, %mul3A_768 : i32
    %add3A_770 = arith.constant 12 : i32
    %add3A_771 = arith.addi %mul3A_769, %add3A_770 : i32
    %run_scoped3A_772 = arith.constant 0 : i32
    "tpu.region"() ({
      %run_scoped3A_810 = tpu.sem_alloc : memref<!tpu.dma_semaphore, #tpu.memory_space<semaphore_mem>>
      %dma_start3A_811 = arith.constant 0 : i32
      %dma_start3A_812 = arith.constant 0 : i32
      %dma_start3A_813 = tpu.memref_slice %arg8[%run_scoped3A_772, %dma_start3A_811, %dma_start3A_812] : memref<2x128x128xf32, #tpu.memory_space<vmem>> -> memref<1x128x128xf32, #tpu.memory_space<vmem>>
      %dma_start3A_814 = tpu.memref_squeeze %dma_start3A_813 : memref<1x128x128xf32, #tpu.memory_space<vmem>> -> memref<128x128xf32, #tpu.memory_space<vmem>>
      %dma_start3A_815 = arith.constant 0 : i32
      %dma_start3A_816 = arith.constant 0 : i32
      %dma_start3A_817 = tpu.memref_slice %arg5[%add3A_771, %dma_start3A_815, %dma_start3A_816] : memref<416x128x128xf32, #tpu.memory_space<hbm>> -> memref<1x128x128xf32, #tpu.memory_space<hbm>>
      %dma_start3A_818 = tpu.memref_squeeze %dma_start3A_817 : memref<1x128x128xf32, #tpu.memory_space<hbm>> -> memref<128x128xf32, #tpu.memory_space<hbm>>
      %dma_start3A_819 = arith.constant 0 : i32
      %dma_start3A_820 = arith.constant 0 : i32
      %dma_start3A_821 = tpu.memref_slice %arg5[%add3A_771, %dma_start3A_819, %dma_start3A_820] : memref<416x128x128xf32, #tpu.memory_space<hbm>> -> memref<1x128x128xf32, #tpu.memory_space<hbm>>
      %dma_start3A_822 = tpu.memref_squeeze %dma_start3A_821 : memref<1x128x128xf32, #tpu.memory_space<hbm>> -> memref<128x128xf32, #tpu.memory_space<hbm>>
      %dma_start3A_823 = arith.constant 0 : i32
      %dma_start3A_824 = arith.constant 0 : i32
      %dma_start3A_825 = tpu.memref_slice %arg8[%run_scoped3A_772, %dma_start3A_823, %dma_start3A_824] : memref<2x128x128xf32, #tpu.memory_space<vmem>> -> memref<1x128x128xf32, #tpu.memory_space<vmem>>
      %dma_start3A_826 = tpu.memref_squeeze %dma_start3A_825 : memref<1x128x128xf32, #tpu.memory_space<vmem>> -> memref<128x128xf32, #tpu.memory_space<vmem>>
      tpu.enqueue_dma source(%dma_start3A_826 : memref<128x128xf32, #tpu.memory_space<vmem>>) target(%dma_start3A_822 : memref<128x128xf32, #tpu.memory_space<hbm>>) target_semaphore(%run_scoped3A_810 : memref<!tpu.dma_semaphore, #tpu.memory_space<semaphore_mem>>)
      %dma_wait3A_827 = arith.constant 0 : i32
      %dma_wait3A_828 = arith.constant 0 : i32
      %dma_wait3A_829 = tpu.memref_slice %arg8[%run_scoped3A_772, %dma_wait3A_827, %dma_wait3A_828] : memref<2x128x128xf32, #tpu.memory_space<vmem>> -> memref<1x128x128xf32, #tpu.memory_space<vmem>>
      %dma_wait3A_830 = tpu.memref_squeeze %dma_wait3A_829 : memref<1x128x128xf32, #tpu.memory_space<vmem>> -> memref<128x128xf32, #tpu.memory_space<vmem>>
      %dma_wait3A_831 = arith.constant 0 : i32
      %dma_wait3A_832 = arith.constant 0 : i32
      %dma_wait3A_833 = tpu.memref_slice %arg5[%add3A_771, %dma_wait3A_831, %dma_wait3A_832] : memref<416x128x128xf32, #tpu.memory_space<hbm>> -> memref<1x128x128xf32, #tpu.memory_space<hbm>>
      %dma_wait3A_834 = tpu.memref_squeeze %dma_wait3A_833 : memref<1x128x128xf32, #tpu.memory_space<hbm>> -> memref<128x128xf32, #tpu.memory_space<hbm>>
      %dma_wait3A_835 = arith.constant 0 : i32
      %dma_wait3A_836 = arith.constant 0 : i32
      %dma_wait3A_837 = tpu.memref_slice %arg5[%add3A_771, %dma_wait3A_835, %dma_wait3A_836] : memref<416x128x128xf32, #tpu.memory_space<hbm>> -> memref<1x128x128xf32, #tpu.memory_space<hbm>>
      %dma_wait3A_838 = tpu.memref_squeeze %dma_wait3A_837 : memref<1x128x128xf32, #tpu.memory_space<hbm>> -> memref<128x128xf32, #tpu.memory_space<hbm>>
      %dma_wait3A_839 = arith.constant 0 : i32
      %dma_wait3A_840 = arith.constant 0 : i32
      %dma_wait3A_841 = tpu.memref_slice %arg8[%run_scoped3A_772, %dma_wait3A_839, %dma_wait3A_840] : memref<2x128x128xf32, #tpu.memory_space<vmem>> -> memref<1x128x128xf32, #tpu.memory_space<vmem>>
      %dma_wait3A_842 = tpu.memref_squeeze %dma_wait3A_841 : memref<1x128x128xf32, #tpu.memory_space<vmem>> -> memref<128x128xf32, #tpu.memory_space<vmem>>
      tpu.wait_dma2 semaphore(%run_scoped3A_810 : memref<!tpu.dma_semaphore, #tpu.memory_space<semaphore_mem>>) src(%dma_wait3A_842 : memref<128x128xf32, #tpu.memory_space<vmem>>) dst(%dma_wait3A_838 : memref<128x128xf32, #tpu.memory_space<hbm>>)
      tpu.yield
    }) : () -> ()
    %scan3A_773 = arith.constant 0 : i32
    %scan3A_774 = arith.constant 128 : i32
    %scan3A_775 = arith.addi %scan3A_773, %scan3A_774 : i32
    %scan3A_776 = arith.constant 1 : i32
    %scan3A_777:8 = scf.for %scan3A_810 = %scan3A_773 to %scan3A_775 step %scan3A_776 iter_args(%scan3A_811 = %scan3A_742#0, %scan3A_812 = %scan3A_742#1, %scan3A_813 = %scan3A_742#2, %scan3A_814 = %scan3A_742#3, %scan3A_815 = %scan3A_742#4, %scan3A_816 = %scan3A_742#5, %scan3A_817 = %scan3A_742#6, %scan3A_818 = %scan3A_742#7) -> (vector<16xf32>, vector<16xf32>, vector<16xf32>, vector<16xf32>, vector<16xf32>, vector<16xf32>, vector<16xf32>, vector<16xf32>)  : i32 {
      %get3A = arith.constant 0 : i32
      %get3A_819 = arith.index_cast %get3A : i32 to index
      %get3A_820 = arith.index_cast %scan3A_810 : i32 to index
      %get3A_821 = arith.constant 0 : index
      %get3A_822 = tpu.vector_load %arg9[%get3A_819, %get3A_820, %get3A_821] {strides = array<i32>} : memref<2x128x128xf32, #tpu.memory_space<vmem>>, vector<1x1x16xf32>,
      %get3A_823 = vector.shape_cast %get3A_822 : vector<1x1x16xf32> to vector<16xf32>
      %add3A_824 = arith.addf %scan3A_811, %get3A_823 : vector<16xf32>
      %get3A_825 = arith.constant 0 : i32
      %get3A_826 = arith.index_cast %get3A_825 : i32 to index
      %get3A_827 = arith.index_cast %scan3A_810 : i32 to index
      %get3A_828 = arith.constant 16 : index
      %get3A_829 = tpu.vector_load %arg9[%get3A_826, %get3A_827, %get3A_828] {strides = array<i32>} : memref<2x128x128xf32, #tpu.memory_space<vmem>>, vector<1x1x16xf32>,
      %get3A_830 = vector.shape_cast %get3A_829 : vector<1x1x16xf32> to vector<16xf32>
      %add3A_831 = arith.addf %scan3A_812, %get3A_830 : vector<16xf32>
      %get3A_832 = arith.constant 0 : i32
      %get3A_833 = arith.index_cast %get3A_832 : i32 to index
      %get3A_834 = arith.index_cast %scan3A_810 : i32 to index
      %get3A_835 = arith.constant 32 : index
      %get3A_836 = tpu.vector_load %arg9[%get3A_833, %get3A_834, %get3A_835] {strides = array<i32>} : memref<2x128x128xf32, #tpu.memory_space<vmem>>, vector<1x1x16xf32>,
      %get3A_837 = vector.shape_cast %get3A_836 : vector<1x1x16xf32> to vector<16xf32>
      %add3A_838 = arith.addf %scan3A_813, %get3A_837 : vector<16xf32>
      %get3A_839 = arith.constant 0 : i32
      %get3A_840 = arith.index_cast %get3A_839 : i32 to index
      %get3A_841 = arith.index_cast %scan3A_810 : i32 to index
      %get3A_842 = arith.constant 48 : index
      %get3A_843 = tpu.vector_load %arg9[%get3A_840, %get3A_841, %get3A_842] {strides = array<i32>} : memref<2x128x128xf32, #tpu.memory_space<vmem>>, vector<1x1x16xf32>,
      %get3A_844 = vector.shape_cast %get3A_843 : vector<1x1x16xf32> to vector<16xf32>
      %add3A_845 = arith.addf %scan3A_814, %get3A_844 : vector<16xf32>
      %get3A_846 = arith.constant 0 : i32
      %get3A_847 = arith.index_cast %get3A_846 : i32 to index
      %get3A_848 = arith.index_cast %scan3A_810 : i32 to index
      %get3A_849 = arith.constant 64 : index
      %get3A_850 = tpu.vector_load %arg9[%get3A_847, %get3A_848, %get3A_849] {strides = array<i32>} : memref<2x128x128xf32, #tpu.memory_space<vmem>>, vector<1x1x16xf32>,
      %get3A_851 = vector.shape_cast %get3A_850 : vector<1x1x16xf32> to vector<16xf32>
      %add3A_852 = arith.addf %scan3A_815, %get3A_851 : vector<16xf32>
      %get3A_853 = arith.constant 0 : i32
      %get3A_854 = arith.index_cast %get3A_853 : i32 to index
      %get3A_855 = arith.index_cast %scan3A_810 : i32 to index
      %get3A_856 = arith.constant 80 : index
      %get3A_857 = tpu.vector_load %arg9[%get3A_854, %get3A_855, %get3A_856] {strides = array<i32>} : memref<2x128x128xf32, #tpu.memory_space<vmem>>, vector<1x1x16xf32>,
      %get3A_858 = vector.shape_cast %get3A_857 : vector<1x1x16xf32> to vector<16xf32>
      %add3A_859 = arith.addf %scan3A_816, %get3A_858 : vector<16xf32>
      %get3A_860 = arith.constant 0 : i32
      %get3A_861 = arith.index_cast %get3A_860 : i32 to index
      %get3A_862 = arith.index_cast %scan3A_810 : i32 to index
      %get3A_863 = arith.constant 96 : index
      %get3A_864 = tpu.vector_load %arg9[%get3A_861, %get3A_862, %get3A_863] {strides = array<i32>} : memref<2x128x128xf32, #tpu.memory_space<vmem>>, vector<1x1x16xf32>,
      %get3A_865 = vector.shape_cast %get3A_864 : vector<1x1x16xf32> to vector<16xf32>
      %add3A_866 = arith.addf %scan3A_817, %get3A_865 : vector<16xf32>
      %get3A_867 = arith.constant 0 : i32
      %get3A_868 = arith.index_cast %get3A_867 : i32 to index
      %get3A_869 = arith.index_cast %scan3A_810 : i32 to index
      %get3A_870 = arith.constant 112 : index
      %get3A_871 = tpu.vector_load %arg9[%get3A_868, %get3A_869, %get3A_870] {strides = array<i32>} : memref<2x128x128xf32, #tpu.memory_space<vmem>>, vector<1x1x16xf32>,
      %get3A_872 = vector.shape_cast %get3A_871 : vector<1x1x16xf32> to vector<16xf32>
      %add3A_873 = arith.addf %scan3A_818, %get3A_872 : vector<16xf32>
      scf.yield %add3A_824, %add3A_831, %add3A_838, %add3A_845, %add3A_852, %add3A_859, %add3A_866, %add3A_873 : vector<16xf32>, vector<16xf32>, vector<16xf32>, vector<16xf32>, vector<16xf32>, vector<16xf32>, vector<16xf32>, vector<16xf32>
    }
    %scan3A_778 = arith.constant 128 : i32
    %swap3A = arith.constant 0 : index
    %swap3A_779 = tpu.vector_load %arg10[%swap3A] {strides = array<i32>} : memref<128xf32, #tpu.memory_space<vmem>>, vector<16xf32>,
    %swap3A_780 = vector.shape_cast %swap3A_779 : vector<16xf32> to vector<16xf32>
    %swap3A_781 = vector.shape_cast %scan3A_777#0 : vector<16xf32> to vector<16xf32>
    tpu.vector_store %arg10[%swap3A], %swap3A_781 {strides = array<i32>} : memref<128xf32, #tpu.memory_space<vmem>>, vector<16xf32>,
    %swap3A_782 = arith.constant 16 : index
    %swap3A_783 = tpu.vector_load %arg10[%swap3A_782] {strides = array<i32>} : memref<128xf32, #tpu.memory_space<vmem>>, vector<16xf32>,
    %swap3A_784 = vector.shape_cast %swap3A_783 : vector<16xf32> to vector<16xf32>
    %swap3A_785 = vector.shape_cast %scan3A_777#1 : vector<16xf32> to vector<16xf32>
    tpu.vector_store %arg10[%swap3A_782], %swap3A_785 {strides = array<i32>} : memref<128xf32, #tpu.memory_space<vmem>>, vector<16xf32>,
    %swap3A_786 = arith.constant 32 : index
    %swap3A_787 = tpu.vector_load %arg10[%swap3A_786] {strides = array<i32>} : memref<128xf32, #tpu.memory_space<vmem>>, vector<16xf32>,
    %swap3A_788 = vector.shape_cast %swap3A_787 : vector<16xf32> to vector<16xf32>
    %swap3A_789 = vector.shape_cast %scan3A_777#2 : vector<16xf32> to vector<16xf32>
    tpu.vector_store %arg10[%swap3A_786], %swap3A_789 {strides = array<i32>} : memref<128xf32, #tpu.memory_space<vmem>>, vector<16xf32>,
    %swap3A_790 = arith.constant 48 : index
    %swap3A_791 = tpu.vector_load %arg10[%swap3A_790] {strides = array<i32>} : memref<128xf32, #tpu.memory_space<vmem>>, vector<16xf32>,
    %swap3A_792 = vector.shape_cast %swap3A_791 : vector<16xf32> to vector<16xf32>
    %swap3A_793 = vector.shape_cast %scan3A_777#3 : vector<16xf32> to vector<16xf32>
    tpu.vector_store %arg10[%swap3A_790], %swap3A_793 {strides = array<i32>} : memref<128xf32, #tpu.memory_space<vmem>>, vector<16xf32>,
    %swap3A_794 = arith.constant 64 : index
    %swap3A_795 = tpu.vector_load %arg10[%swap3A_794] {strides = array<i32>} : memref<128xf32, #tpu.memory_space<vmem>>, vector<16xf32>,
    %swap3A_796 = vector.shape_cast %swap3A_795 : vector<16xf32> to vector<16xf32>
    %swap3A_797 = vector.shape_cast %scan3A_777#4 : vector<16xf32> to vector<16xf32>
    tpu.vector_store %arg10[%swap3A_794], %swap3A_797 {strides = array<i32>} : memref<128xf32, #tpu.memory_space<vmem>>, vector<16xf32>,
    %swap3A_798 = arith.constant 80 : index
    %swap3A_799 = tpu.vector_load %arg10[%swap3A_798] {strides = array<i32>} : memref<128xf32, #tpu.memory_space<vmem>>, vector<16xf32>,
    %swap3A_800 = vector.shape_cast %swap3A_799 : vector<16xf32> to vector<16xf32>
    %swap3A_801 = vector.shape_cast %scan3A_777#5 : vector<16xf32> to vector<16xf32>
    tpu.vector_store %arg10[%swap3A_798], %swap3A_801 {strides = array<i32>} : memref<128xf32, #tpu.memory_space<vmem>>, vector<16xf32>,
    %swap3A_802 = arith.constant 96 : index
    %swap3A_803 = tpu.vector_load %arg10[%swap3A_802] {strides = array<i32>} : memref<128xf32, #tpu.memory_space<vmem>>, vector<16xf32>,
    %swap3A_804 = vector.shape_cast %swap3A_803 : vector<16xf32> to vector<16xf32>
    %swap3A_805 = vector.shape_cast %scan3A_777#6 : vector<16xf32> to vector<16xf32>
    tpu.vector_store %arg10[%swap3A_802], %swap3A_805 {strides = array<i32>} : memref<128xf32, #tpu.memory_space<vmem>>, vector<16xf32>,
    %swap3A_806 = arith.constant 112 : index
    %swap3A_807 = tpu.vector_load %arg10[%swap3A_806] {strides = array<i32>} : memref<128xf32, #tpu.memory_space<vmem>>, vector<16xf32>,
    %swap3A_808 = vector.shape_cast %swap3A_807 : vector<16xf32> to vector<16xf32>
    %swap3A_809 = vector.shape_cast %scan3A_777#7 : vector<16xf32> to vector<16xf32>
    tpu.vector_store %arg10[%swap3A_806], %swap3A_809 {strides = array<i32>} : memref<128xf32, #tpu.memory_space<vmem>>, vector<16xf32>,
    "tpu.region"() ({
      %run_scoped3A_810 = tpu.sem_alloc : memref<!tpu.dma_semaphore, #tpu.memory_space<semaphore_mem>>
      %dma_start3A_811 = arith.constant 0 : i32
      %dma_start3A_812 = tpu.memref_slice %arg6[%add3A, %dma_start3A_811] : memref<32x128xf32, #tpu.memory_space<hbm>> -> memref<1x128xf32, #tpu.memory_space<hbm>>
      %dma_start3A_813 = tpu.memref_squeeze %dma_start3A_812 : memref<1x128xf32, #tpu.memory_space<hbm>> -> memref<128xf32, #tpu.memory_space<hbm>>
      %dma_start3A_814 = arith.constant 0 : i32
      %dma_start3A_815 = tpu.memref_slice %arg6[%add3A, %dma_start3A_814] : memref<32x128xf32, #tpu.memory_space<hbm>> -> memref<1x128xf32, #tpu.memory_space<hbm>>
      %dma_start3A_816 = tpu.memref_squeeze %dma_start3A_815 : memref<1x128xf32, #tpu.memory_space<hbm>> -> memref<128xf32, #tpu.memory_space<hbm>>
      tpu.enqueue_dma source(%arg10 : memref<128xf32, #tpu.memory_space<vmem>>) target(%dma_start3A_816 : memref<128xf32, #tpu.memory_space<hbm>>) target_semaphore(%run_scoped3A_810 : memref<!tpu.dma_semaphore, #tpu.memory_space<semaphore_mem>>)
      %dma_wait3A_817 = arith.constant 0 : i32
      %dma_wait3A_818 = tpu.memref_slice %arg6[%add3A, %dma_wait3A_817] : memref<32x128xf32, #tpu.memory_space<hbm>> -> memref<1x128xf32, #tpu.memory_space<hbm>>
      %dma_wait3A_819 = tpu.memref_squeeze %dma_wait3A_818 : memref<1x128xf32, #tpu.memory_space<hbm>> -> memref<128xf32, #tpu.memory_space<hbm>>
      %dma_wait3A_820 = arith.constant 0 : i32
      %dma_wait3A_821 = tpu.memref_slice %arg6[%add3A, %dma_wait3A_820] : memref<32x128xf32, #tpu.memory_space<hbm>> -> memref<1x128xf32, #tpu.memory_space<hbm>>
      %dma_wait3A_822 = tpu.memref_squeeze %dma_wait3A_821 : memref<1x128xf32, #tpu.memory_space<hbm>> -> memref<128xf32, #tpu.memory_space<hbm>>
      tpu.wait_dma2 semaphore(%run_scoped3A_810 : memref<!tpu.dma_semaphore, #tpu.memory_space<semaphore_mem>>) src(%arg10 : memref<128xf32, #tpu.memory_space<vmem>>) dst(%dma_wait3A_822 : memref<128xf32, #tpu.memory_space<hbm>>)
      tpu.yield
    }) : () -> ()
    return
  }
}

module attributes {stable_mosaic.version = 14 : i64} {
  func.func @_prep_body(%arg0: i32, %arg1: memref<1xi32, #tpu.memory_space<smem>>, %arg2: memref<32x128xf32, #tpu.memory_space<vmem>>, %arg3: memref<1x1x128xf32, #tpu.memory_space<vmem>>, %arg4: memref<1x1x128xf32, #tpu.memory_space<vmem>>, %arg5: memref<1x1x128xf32, #tpu.memory_space<vmem>>, %arg6: memref<128x64xf32, #tpu.memory_space<vmem>>, %arg7: memref<64x128xf32, #tpu.memory_space<vmem>>, %arg8: memref<128x640xf32, #tpu.memory_space<vmem>>, %arg9: memref<1x128xf32, #tpu.memory_space<vmem>>, %arg10: memref<128x512xf32, #tpu.memory_space<vmem>>, %arg11: memref<1x512xf32, #tpu.memory_space<vmem>>, %arg12: memref<512x128xf32, #tpu.memory_space<vmem>>, %arg13: memref<1x128xf32, #tpu.memory_space<vmem>>, %arg14: memref<128x512xf32, #tpu.memory_space<vmem>>, %arg15: memref<128x512xf32, #tpu.memory_space<vmem>>, %arg16: memref<128x512xf32, #tpu.memory_space<vmem>>, %arg17: memref<128x512xf32, #tpu.memory_space<vmem>>, %arg18: memref<1x512xf32, #tpu.memory_space<vmem>>, %arg19: memref<1x128xf32, #tpu.memory_space<vmem>>, %arg20: memref<1x128xf32, #tpu.memory_space<vmem>>, %arg21: memref<1x128xf32, #tpu.memory_space<vmem>>, %arg22: memref<1x512xf32, #tpu.memory_space<vmem>>) attributes {dimension_semantics = [#tpu.dimension_semantics<arbitrary>], iteration_bounds = array<i64: 1>, scalar_prefetch = 1 : i64, scratch_operands = 0 : i64, tpu.core_type = #tpu.core_type<tc>, window_params = [{pipeline_mode = #tpu.pipeline_mode<synchronous>, transform_indices = @transform_0, window_bounds = array<i64: 32, 128>}, {transform_indices = @transform_1, window_bounds = array<i64: 1, 1, 128>}, {transform_indices = @transform_2, window_bounds = array<i64: 1, 1, 128>}, {transform_indices = @transform_3, window_bounds = array<i64: 1, 1, 128>}, {pipeline_mode = #tpu.pipeline_mode<synchronous>, transform_indices = @transform_4, window_bounds = array<i64: 128, 64>}, {pipeline_mode = #tpu.pipeline_mode<synchronous>, transform_indices = @transform_5, window_bounds = array<i64: 64, 128>}, {pipeline_mode = #tpu.pipeline_mode<synchronous>, transform_indices = @transform_6, window_bounds = array<i64: 128, 640>}, {pipeline_mode = #tpu.pipeline_mode<synchronous>, transform_indices = @transform_7, window_bounds = array<i64: 1, 128>}, {pipeline_mode = #tpu.pipeline_mode<synchronous>, transform_indices = @transform_8, window_bounds = array<i64: 128, 512>}, {pipeline_mode = #tpu.pipeline_mode<synchronous>, transform_indices = @transform_9, window_bounds = array<i64: 1, 512>}, {pipeline_mode = #tpu.pipeline_mode<synchronous>, transform_indices = @transform_10, window_bounds = array<i64: 512, 128>}, {pipeline_mode = #tpu.pipeline_mode<synchronous>, transform_indices = @transform_11, window_bounds = array<i64: 1, 128>}, {pipeline_mode = #tpu.pipeline_mode<synchronous>, transform_indices = @transform_12, window_bounds = array<i64: 128, 512>}, {pipeline_mode = #tpu.pipeline_mode<synchronous>, transform_indices = @transform_13, window_bounds = array<i64: 128, 512>}, {pipeline_mode = #tpu.pipeline_mode<synchronous>, transform_indices = @transform_14, window_bounds = array<i64: 128, 512>}, {pipeline_mode = #tpu.pipeline_mode<synchronous>, transform_indices = @transform_15, window_bounds = array<i64: 128, 512>}, {pipeline_mode = #tpu.pipeline_mode<synchronous>, transform_indices = @transform_16, window_bounds = array<i64: 1, 512>}, {pipeline_mode = #tpu.pipeline_mode<synchronous>, transform_indices = @transform_17, window_bounds = array<i64: 1, 128>}, {pipeline_mode = #tpu.pipeline_mode<synchronous>, transform_indices = @transform_18, window_bounds = array<i64: 1, 128>}, {pipeline_mode = #tpu.pipeline_mode<synchronous>, transform_indices = @transform_19, window_bounds = array<i64: 1, 128>}, {pipeline_mode = #tpu.pipeline_mode<synchronous>, transform_indices = @transform_20, window_bounds = array<i64: 1, 512>}]} {
    %get3A = arith.constant 0 : index
    %get3A_0 = arith.constant 0 : index
    %get3A_1 = vector.load %arg2[%get3A, %get3A_0] : memref<32x128xf32, #tpu.memory_space<vmem>>, vector<32x128xf32>
    %reduce_sum3A = arith.constant dense<0.000000e+00> : vector<128xf32>
    %reduce_sum3A_2 = vector.multi_reduction <add>, %get3A_1, %reduce_sum3A [0] : vector<32x128xf32> to vector<128xf32>
    %broadcast_in_dim3A = vector.shape_cast %reduce_sum3A_2 : vector<128xf32> to vector<1x128xf32>
    %get3A_3 = arith.constant 0 : index
    %get3A_4 = arith.constant 0 : index
    %get3A_5 = arith.constant 0 : index
    %get3A_6 = vector.load %arg3[%get3A_3, %get3A_4, %get3A_5] : memref<1x1x128xf32, #tpu.memory_space<vmem>>, vector<1x1x128xf32>
    %get3A_7 = vector.shape_cast %get3A_6 : vector<1x1x128xf32> to vector<1x128xf32>
    %mul3A = arith.constant 3.248000e+03 : f32
    %mul3A_8 = vector.broadcast %mul3A : f32 to vector<1x128xf32>
    %mul3A_9 = arith.mulf %mul3A_8, %get3A_7 : vector<1x128xf32>
    %sub3A = arith.subf %broadcast_in_dim3A, %mul3A_9 : vector<1x128xf32>
    %mul3A_10 = arith.constant 2.000000e-05 : f32
    %mul3A_11 = vector.broadcast %mul3A_10 : f32 to vector<1x128xf32>
    %mul3A_12 = arith.mulf %sub3A, %mul3A_11 : vector<1x128xf32>
    %get3A_13 = arith.constant 0 : index
    %get3A_14 = arith.constant 0 : index
    %get3A_15 = arith.constant 0 : index
    %get3A_16 = vector.load %arg4[%get3A_13, %get3A_14, %get3A_15] : memref<1x1x128xf32, #tpu.memory_space<vmem>>, vector<1x1x128xf32>
    %get3A_17 = vector.shape_cast %get3A_16 : vector<1x1x128xf32> to vector<1x128xf32>
    %get3A_18 = arith.constant 0 : index
    %get3A_19 = arith.constant 0 : index
    %get3A_20 = vector.load %arg6[%get3A_18, %get3A_19] : memref<128x64xf32, #tpu.memory_space<vmem>>, vector<128x64xf32>
    %convert_element_type3A = arith.truncf %get3A_17 : vector<1x128xf32> to vector<1x128xbf16>
    %convert_element_type3A_21 = arith.truncf %get3A_20 : vector<128x64xf32> to vector<128x64xbf16>
    %dot_general3A = arith.constant dense<0.000000e+00> : vector<1x64xf32>
    %dot_general3A_22 = tpu.matmul %convert_element_type3A, %convert_element_type3A_21, %dot_general3A {dimension_numbers = #tpu.dot_dimension_numbers<[1], [0], [0], [1], [0, 0, 1, 1], [], []>, transpose_lhs_hint = false} : vector<1x128xbf16>, vector<128x64xbf16>, vector<1x64xf32> -> vector<1x64xf32>
    %max3A = arith.constant 0.000000e+00 : f32
    %max3A_23 = vector.broadcast %max3A : f32 to vector<1x64xf32>
    %max3A_24 = arith.maximumf %dot_general3A_22, %max3A_23 : vector<1x64xf32>
    %get3A_25 = arith.constant 0 : index
    %get3A_26 = arith.constant 0 : index
    %get3A_27 = vector.load %arg7[%get3A_25, %get3A_26] : memref<64x128xf32, #tpu.memory_space<vmem>>, vector<64x128xf32>
    %convert_element_type3A_28 = arith.truncf %max3A_24 : vector<1x64xf32> to vector<1x64xbf16>
    %convert_element_type3A_29 = arith.truncf %get3A_27 : vector<64x128xf32> to vector<64x128xbf16>
    %dot_general3A_30 = arith.constant dense<0.000000e+00> : vector<1x128xf32>
    %dot_general3A_31 = tpu.matmul %convert_element_type3A_28, %convert_element_type3A_29, %dot_general3A_30 {dimension_numbers = #tpu.dot_dimension_numbers<[1], [0], [0], [1], [0, 0, 1, 1], [], []>, transpose_lhs_hint = false} : vector<1x64xbf16>, vector<64x128xbf16>, vector<1x128xf32> -> vector<1x128xf32>
    %get3A_32 = arith.constant 0 : index
    %get3A_33 = arith.constant 0 : index
    %get3A_34 = vector.load %arg8[%get3A_32, %get3A_33] : memref<128x640xf32, #tpu.memory_space<vmem>>, vector<128x640xf32>
    %get3A_35 = arith.constant 0 : index
    %get3A_36 = arith.constant 0 : index
    %get3A_37 = vector.load %arg9[%get3A_35, %get3A_36] : memref<1x128xf32, #tpu.memory_space<vmem>>, vector<1x128xf32>
    %slice3A = vector.extract_strided_slice %get3A_34 {offsets = [0, 0], sizes = [128, 128], strides = [1, 1]} : vector<128x640xf32> to vector<128x128xf32>
    %transpose3A = tpu.transpose %slice3A, [1, 0] : vector<128x128xf32> -> vector<128x128xf32>
    %convert_element_type3A_38 = arith.truncf %mul3A_12 : vector<1x128xf32> to vector<1x128xbf16>
    %convert_element_type3A_39 = arith.truncf %transpose3A : vector<128x128xf32> to vector<128x128xbf16>
    %dot_general3A_40 = arith.constant dense<0.000000e+00> : vector<1x128xf32>
    %dot_general3A_41 = tpu.matmul %convert_element_type3A_38, %convert_element_type3A_39, %dot_general3A_40 {dimension_numbers = #tpu.dot_dimension_numbers<[1], [0], [0], [1], [0, 0, 1, 1], [], []>, transpose_lhs_hint = false} : vector<1x128xbf16>, vector<128x128xbf16>, vector<1x128xf32> -> vector<1x128xf32>
    %add3A = arith.addf %get3A_37, %dot_general3A_41 : vector<1x128xf32>
    %get3A_42 = arith.constant 0 : index
    %get3A_43 = arith.constant 0 : index
    %get3A_44 = arith.constant 0 : index
    %get3A_45 = vector.load %arg5[%get3A_42, %get3A_43, %get3A_44] : memref<1x1x128xf32, #tpu.memory_space<vmem>>, vector<1x1x128xf32>
    %get3A_46 = vector.shape_cast %get3A_45 : vector<1x1x128xf32> to vector<1x128xf32>
    %slice3A_47 = vector.extract_strided_slice %get3A_34 {offsets = [0, 128], sizes = [128, 128], strides = [1, 1]} : vector<128x640xf32> to vector<128x128xf32>
    %transpose3A_48 = tpu.transpose %slice3A_47, [1, 0] : vector<128x128xf32> -> vector<128x128xf32>
    %convert_element_type3A_49 = arith.truncf %get3A_46 : vector<1x128xf32> to vector<1x128xbf16>
    %convert_element_type3A_50 = arith.truncf %transpose3A_48 : vector<128x128xf32> to vector<128x128xbf16>
    %dot_general3A_51 = arith.constant dense<0.000000e+00> : vector<1x128xf32>
    %dot_general3A_52 = tpu.matmul %convert_element_type3A_49, %convert_element_type3A_50, %dot_general3A_51 {dimension_numbers = #tpu.dot_dimension_numbers<[1], [0], [0], [1], [0, 0, 1, 1], [], []>, transpose_lhs_hint = false} : vector<1x128xbf16>, vector<128x128xbf16>, vector<1x128xf32> -> vector<1x128xf32>
    %add3A_53 = arith.addf %add3A, %dot_general3A_52 : vector<1x128xf32>
    %slice3A_54 = vector.extract_strided_slice %get3A_34 {offsets = [0, 256], sizes = [128, 128], strides = [1, 1]} : vector<128x640xf32> to vector<128x128xf32>
    %transpose3A_55 = tpu.transpose %slice3A_54, [1, 0] : vector<128x128xf32> -> vector<128x128xf32>
    %convert_element_type3A_56 = arith.truncf %dot_general3A_31 : vector<1x128xf32> to vector<1x128xbf16>
    %convert_element_type3A_57 = arith.truncf %transpose3A_55 : vector<128x128xf32> to vector<128x128xbf16>
    %dot_general3A_58 = arith.constant dense<0.000000e+00> : vector<1x128xf32>
    %dot_general3A_59 = tpu.matmul %convert_element_type3A_56, %convert_element_type3A_57, %dot_general3A_58 {dimension_numbers = #tpu.dot_dimension_numbers<[1], [0], [0], [1], [0, 0, 1, 1], [], []>, transpose_lhs_hint = false} : vector<1x128xbf16>, vector<128x128xbf16>, vector<1x128xf32> -> vector<1x128xf32>
    %add3A_60 = arith.addf %add3A_53, %dot_general3A_59 : vector<1x128xf32>
    %get3A_61 = arith.constant 0 : index
    %get3A_62 = arith.constant 0 : index
    %get3A_63 = vector.load %arg19[%get3A_61, %get3A_62] : memref<1x128xf32, #tpu.memory_space<vmem>>, vector<1x128xf32>
    %slice3A_64 = vector.extract_strided_slice %get3A_34 {offsets = [0, 384], sizes = [128, 128], strides = [1, 1]} : vector<128x640xf32> to vector<128x128xf32>
    %transpose3A_65 = tpu.transpose %slice3A_64, [1, 0] : vector<128x128xf32> -> vector<128x128xf32>
    %convert_element_type3A_66 = arith.truncf %get3A_63 : vector<1x128xf32> to vector<1x128xbf16>
    %convert_element_type3A_67 = arith.truncf %transpose3A_65 : vector<128x128xf32> to vector<128x128xbf16>
    %dot_general3A_68 = arith.constant dense<0.000000e+00> : vector<1x128xf32>
    %dot_general3A_69 = tpu.matmul %convert_element_type3A_66, %convert_element_type3A_67, %dot_general3A_68 {dimension_numbers = #tpu.dot_dimension_numbers<[1], [0], [0], [1], [0, 0, 1, 1], [], []>, transpose_lhs_hint = false} : vector<1x128xbf16>, vector<128x128xbf16>, vector<1x128xf32> -> vector<1x128xf32>
    %add3A_70 = arith.addf %add3A_60, %dot_general3A_69 : vector<1x128xf32>
    %get3A_71 = arith.constant 0 : index
    %get3A_72 = arith.constant 0 : index
    %get3A_73 = vector.load %arg20[%get3A_71, %get3A_72] : memref<1x128xf32, #tpu.memory_space<vmem>>, vector<1x128xf32>
    %slice3A_74 = vector.extract_strided_slice %get3A_34 {offsets = [0, 512], sizes = [128, 128], strides = [1, 1]} : vector<128x640xf32> to vector<128x128xf32>
    %transpose3A_75 = tpu.transpose %slice3A_74, [1, 0] : vector<128x128xf32> -> vector<128x128xf32>
    %convert_element_type3A_76 = arith.truncf %get3A_73 : vector<1x128xf32> to vector<1x128xbf16>
    %convert_element_type3A_77 = arith.truncf %transpose3A_75 : vector<128x128xf32> to vector<128x128xbf16>
    %dot_general3A_78 = arith.constant dense<0.000000e+00> : vector<1x128xf32>
    %dot_general3A_79 = tpu.matmul %convert_element_type3A_76, %convert_element_type3A_77, %dot_general3A_78 {dimension_numbers = #tpu.dot_dimension_numbers<[1], [0], [0], [1], [0, 0, 1, 1], [], []>, transpose_lhs_hint = false} : vector<1x128xbf16>, vector<128x128xbf16>, vector<1x128xf32> -> vector<1x128xf32>
    %add3A_80 = arith.addf %add3A_70, %dot_general3A_79 : vector<1x128xf32>
    %ge3A = arith.constant 0.000000e+00 : f32
    %ge3A_81 = vector.broadcast %ge3A : f32 to vector<1x128xf32>
    %ge3A_82 = arith.cmpf oge, %add3A_80, %ge3A_81 : vector<1x128xf32>
    %mul3A_83 = arith.constant 0.00999999977 : f32
    %mul3A_84 = vector.broadcast %mul3A_83 : f32 to vector<1x128xf32>
    %mul3A_85 = arith.mulf %add3A_80, %mul3A_84 : vector<1x128xf32>
    %select_n3A = arith.select %ge3A_82, %add3A_80, %mul3A_85 : vector<1x128xi1>, vector<1x128xf32>
    %get3A_86 = arith.constant 0 : index
    %get3A_87 = arith.constant 0 : index
    %get3A_88 = vector.load %arg10[%get3A_86, %get3A_87] : memref<128x512xf32, #tpu.memory_space<vmem>>, vector<128x512xf32>
    %convert_element_type3A_89 = arith.truncf %select_n3A : vector<1x128xf32> to vector<1x128xbf16>
    %convert_element_type3A_90 = arith.truncf %get3A_88 : vector<128x512xf32> to vector<128x512xbf16>
    %dot_general3A_91 = arith.constant dense<0.000000e+00> : vector<1x512xf32>
    %dot_general3A_92 = tpu.matmul %convert_element_type3A_89, %convert_element_type3A_90, %dot_general3A_91 {dimension_numbers = #tpu.dot_dimension_numbers<[1], [0], [0], [1], [0, 0, 1, 1], [], []>, transpose_lhs_hint = false} : vector<1x128xbf16>, vector<128x512xbf16>, vector<1x512xf32> -> vector<1x512xf32>
    %get3A_93 = arith.constant 0 : index
    %get3A_94 = arith.constant 0 : index
    %get3A_95 = vector.load %arg11[%get3A_93, %get3A_94] : memref<1x512xf32, #tpu.memory_space<vmem>>, vector<1x512xf32>
    %add3A_96 = arith.addf %dot_general3A_92, %get3A_95 : vector<1x512xf32>
    %ge3A_97 = arith.constant 0.000000e+00 : f32
    %ge3A_98 = vector.broadcast %ge3A_97 : f32 to vector<1x512xf32>
    %ge3A_99 = arith.cmpf oge, %add3A_96, %ge3A_98 : vector<1x512xf32>
    %mul3A_100 = arith.constant 0.00999999977 : f32
    %mul3A_101 = vector.broadcast %mul3A_100 : f32 to vector<1x512xf32>
    %mul3A_102 = arith.mulf %add3A_96, %mul3A_101 : vector<1x512xf32>
    %select_n3A_103 = arith.select %ge3A_99, %add3A_96, %mul3A_102 : vector<1x512xi1>, vector<1x512xf32>
    %get3A_104 = arith.constant 0 : index
    %get3A_105 = arith.constant 0 : index
    %get3A_106 = vector.load %arg12[%get3A_104, %get3A_105] : memref<512x128xf32, #tpu.memory_space<vmem>>, vector<512x128xf32>
    %convert_element_type3A_107 = arith.truncf %select_n3A_103 : vector<1x512xf32> to vector<1x512xbf16>
    %convert_element_type3A_108 = arith.truncf %get3A_106 : vector<512x128xf32> to vector<512x128xbf16>
    %dot_general3A_109 = arith.constant dense<0.000000e+00> : vector<1x128xf32>
    %dot_general3A_110 = tpu.matmul %convert_element_type3A_107, %convert_element_type3A_108, %dot_general3A_109 {dimension_numbers = #tpu.dot_dimension_numbers<[1], [0], [0], [1], [0, 0, 1, 1], [], []>, transpose_lhs_hint = false} : vector<1x512xbf16>, vector<512x128xbf16>, vector<1x128xf32> -> vector<1x128xf32>
    %get3A_111 = arith.constant 0 : index
    %get3A_112 = arith.constant 0 : index
    %get3A_113 = vector.load %arg13[%get3A_111, %get3A_112] : memref<1x128xf32, #tpu.memory_space<vmem>>, vector<1x128xf32>
    %add3A_114 = arith.addf %dot_general3A_110, %get3A_113 : vector<1x128xf32>
    %swap3A = arith.constant 0 : index
    %swap3A_115 = arith.constant 0 : index
    %swap3A_116 = vector.load %arg21[%swap3A, %swap3A_115] : memref<1x128xf32, #tpu.memory_space<vmem>>, vector<1x128xf32>
    tpu.vector_store %arg21[%swap3A, %swap3A_115], %add3A_114 {strides = array<i32>} : memref<1x128xf32, #tpu.memory_space<vmem>>, vector<1x128xf32>,
    %logistic3A = arith.negf %add3A_114 : vector<1x128xf32>
    %logistic3A_117 = math.exp %logistic3A : vector<1x128xf32>
    %logistic3A_118 = arith.constant 1.000000e+00 : f32
    %logistic3A_119 = vector.broadcast %logistic3A_118 : f32 to vector<1x128xf32>
    %logistic3A_120 = arith.addf %logistic3A_119, %logistic3A_117 : vector<1x128xf32>
    %logistic3A_121 = arith.divf %logistic3A_119, %logistic3A_120 : vector<1x128xf32>
    %get3A_122 = arith.constant 0 : index
    %get3A_123 = arith.constant 0 : index
    %get3A_124 = vector.load %arg6[%get3A_122, %get3A_123] : memref<128x64xf32, #tpu.memory_space<vmem>>, vector<128x64xf32>
    %convert_element_type3A_125 = arith.truncf %get3A_17 : vector<1x128xf32> to vector<1x128xbf16>
    %convert_element_type3A_126 = arith.truncf %get3A_124 : vector<128x64xf32> to vector<128x64xbf16>
    %dot_general3A_127 = arith.constant dense<0.000000e+00> : vector<1x64xf32>
    %dot_general3A_128 = tpu.matmul %convert_element_type3A_125, %convert_element_type3A_126, %dot_general3A_127 {dimension_numbers = #tpu.dot_dimension_numbers<[1], [0], [0], [1], [0, 0, 1, 1], [], []>, transpose_lhs_hint = false} : vector<1x128xbf16>, vector<128x64xbf16>, vector<1x64xf32> -> vector<1x64xf32>
    %get3A_129 = arith.constant 0 : index
    %get3A_130 = arith.constant 0 : index
    %get3A_131 = vector.load %arg7[%get3A_129, %get3A_130] : memref<64x128xf32, #tpu.memory_space<vmem>>, vector<64x128xf32>
    %convert_element_type3A_132 = arith.truncf %dot_general3A_128 : vector<1x64xf32> to vector<1x64xbf16>
    %convert_element_type3A_133 = arith.truncf %get3A_131 : vector<64x128xf32> to vector<64x128xbf16>
    %dot_general3A_134 = arith.constant dense<0.000000e+00> : vector<1x128xf32>
    %dot_general3A_135 = tpu.matmul %convert_element_type3A_132, %convert_element_type3A_133, %dot_general3A_134 {dimension_numbers = #tpu.dot_dimension_numbers<[1], [0], [0], [1], [0, 0, 1, 1], [], []>, transpose_lhs_hint = false} : vector<1x64xbf16>, vector<64x128xbf16>, vector<1x128xf32> -> vector<1x128xf32>
    %get3A_136 = arith.constant 0 : index
    %get3A_137 = arith.constant 0 : index
    %get3A_138 = vector.load %arg6[%get3A_136, %get3A_137] : memref<128x64xf32, #tpu.memory_space<vmem>>, vector<128x64xf32>
    %convert_element_type3A_139 = arith.truncf %logistic3A_121 : vector<1x128xf32> to vector<1x128xbf16>
    %convert_element_type3A_140 = arith.truncf %get3A_138 : vector<128x64xf32> to vector<128x64xbf16>
    %dot_general3A_141 = arith.constant dense<0.000000e+00> : vector<1x64xf32>
    %dot_general3A_142 = tpu.matmul %convert_element_type3A_139, %convert_element_type3A_140, %dot_general3A_141 {dimension_numbers = #tpu.dot_dimension_numbers<[1], [0], [0], [1], [0, 0, 1, 1], [], []>, transpose_lhs_hint = false} : vector<1x128xbf16>, vector<128x64xbf16>, vector<1x64xf32> -> vector<1x64xf32>
    %get3A_143 = arith.constant 0 : index
    %get3A_144 = arith.constant 0 : index
    %get3A_145 = vector.load %arg7[%get3A_143, %get3A_144] : memref<64x128xf32, #tpu.memory_space<vmem>>, vector<64x128xf32>
    %convert_element_type3A_146 = arith.truncf %dot_general3A_142 : vector<1x64xf32> to vector<1x64xbf16>
    %convert_element_type3A_147 = arith.truncf %get3A_145 : vector<64x128xf32> to vector<64x128xbf16>
    %dot_general3A_148 = arith.constant dense<0.000000e+00> : vector<1x128xf32>
    %dot_general3A_149 = tpu.matmul %convert_element_type3A_146, %convert_element_type3A_147, %dot_general3A_148 {dimension_numbers = #tpu.dot_dimension_numbers<[1], [0], [0], [1], [0, 0, 1, 1], [], []>, transpose_lhs_hint = false} : vector<1x64xbf16>, vector<64x128xbf16>, vector<1x128xf32> -> vector<1x128xf32>
    %get3A_150 = arith.constant 0 : index
    %get3A_151 = arith.constant 0 : index
    %get3A_152 = vector.load %arg18[%get3A_150, %get3A_151] : memref<1x512xf32, #tpu.memory_space<vmem>>, vector<1x512xf32>
    %get3A_153 = arith.constant 0 : index
    %get3A_154 = arith.constant 0 : index
    %get3A_155 = vector.load %arg14[%get3A_153, %get3A_154] : memref<128x512xf32, #tpu.memory_space<vmem>>, vector<128x512xf32>
    %convert_element_type3A_156 = arith.truncf %dot_general3A_135 : vector<1x128xf32> to vector<1x128xbf16>
    %convert_element_type3A_157 = arith.truncf %get3A_155 : vector<128x512xf32> to vector<128x512xbf16>
    %dot_general3A_158 = arith.constant dense<0.000000e+00> : vector<1x512xf32>
    %dot_general3A_159 = tpu.matmul %convert_element_type3A_156, %convert_element_type3A_157, %dot_general3A_158 {dimension_numbers = #tpu.dot_dimension_numbers<[1], [0], [0], [1], [0, 0, 1, 1], [], []>, transpose_lhs_hint = false} : vector<1x128xbf16>, vector<128x512xbf16>, vector<1x512xf32> -> vector<1x512xf32>
    %add3A_160 = arith.addf %get3A_152, %dot_general3A_159 : vector<1x512xf32>
    %get3A_161 = arith.constant 0 : index
    %get3A_162 = arith.constant 0 : index
    %get3A_163 = vector.load %arg15[%get3A_161, %get3A_162] : memref<128x512xf32, #tpu.memory_space<vmem>>, vector<128x512xf32>
    %convert_element_type3A_164 = arith.truncf %dot_general3A_149 : vector<1x128xf32> to vector<1x128xbf16>
    %convert_element_type3A_165 = arith.truncf %get3A_163 : vector<128x512xf32> to vector<128x512xbf16>
    %dot_general3A_166 = arith.constant dense<0.000000e+00> : vector<1x512xf32>
    %dot_general3A_167 = tpu.matmul %convert_element_type3A_164, %convert_element_type3A_165, %dot_general3A_166 {dimension_numbers = #tpu.dot_dimension_numbers<[1], [0], [0], [1], [0, 0, 1, 1], [], []>, transpose_lhs_hint = false} : vector<1x128xbf16>, vector<128x512xbf16>, vector<1x512xf32> -> vector<1x512xf32>
    %add3A_168 = arith.addf %add3A_160, %dot_general3A_167 : vector<1x512xf32>
    %get3A_169 = arith.constant 0 : index
    %get3A_170 = arith.constant 0 : index
    %get3A_171 = vector.load %arg19[%get3A_169, %get3A_170] : memref<1x128xf32, #tpu.memory_space<vmem>>, vector<1x128xf32>
    %get3A_172 = arith.constant 0 : index
    %get3A_173 = arith.constant 0 : index
    %get3A_174 = vector.load %arg16[%get3A_172, %get3A_173] : memref<128x512xf32, #tpu.memory_space<vmem>>, vector<128x512xf32>
    %convert_element_type3A_175 = arith.truncf %get3A_171 : vector<1x128xf32> to vector<1x128xbf16>
    %convert_element_type3A_176 = arith.truncf %get3A_174 : vector<128x512xf32> to vector<128x512xbf16>
    %dot_general3A_177 = arith.constant dense<0.000000e+00> : vector<1x512xf32>
    %dot_general3A_178 = tpu.matmul %convert_element_type3A_175, %convert_element_type3A_176, %dot_general3A_177 {dimension_numbers = #tpu.dot_dimension_numbers<[1], [0], [0], [1], [0, 0, 1, 1], [], []>, transpose_lhs_hint = false} : vector<1x128xbf16>, vector<128x512xbf16>, vector<1x512xf32> -> vector<1x512xf32>
    %add3A_179 = arith.addf %add3A_168, %dot_general3A_178 : vector<1x512xf32>
    %get3A_180 = arith.constant 0 : index
    %get3A_181 = arith.constant 0 : index
    %get3A_182 = vector.load %arg20[%get3A_180, %get3A_181] : memref<1x128xf32, #tpu.memory_space<vmem>>, vector<1x128xf32>
    %get3A_183 = arith.constant 0 : index
    %get3A_184 = arith.constant 0 : index
    %get3A_185 = vector.load %arg17[%get3A_183, %get3A_184] : memref<128x512xf32, #tpu.memory_space<vmem>>, vector<128x512xf32>
    %convert_element_type3A_186 = arith.truncf %get3A_182 : vector<1x128xf32> to vector<1x128xbf16>
    %convert_element_type3A_187 = arith.truncf %get3A_185 : vector<128x512xf32> to vector<128x512xbf16>
    %dot_general3A_188 = arith.constant dense<0.000000e+00> : vector<1x512xf32>
    %dot_general3A_189 = tpu.matmul %convert_element_type3A_186, %convert_element_type3A_187, %dot_general3A_188 {dimension_numbers = #tpu.dot_dimension_numbers<[1], [0], [0], [1], [0, 0, 1, 1], [], []>, transpose_lhs_hint = false} : vector<1x128xbf16>, vector<128x512xbf16>, vector<1x512xf32> -> vector<1x512xf32>
    %add3A_190 = arith.addf %add3A_179, %dot_general3A_189 : vector<1x512xf32>
    %swap3A_191 = arith.constant 0 : index
    %swap3A_192 = arith.constant 0 : index
    %swap3A_193 = vector.load %arg22[%swap3A_191, %swap3A_192] : memref<1x512xf32, #tpu.memory_space<vmem>>, vector<1x512xf32>
    tpu.vector_store %arg22[%swap3A_191, %swap3A_192], %add3A_190 {strides = array<i32>} : memref<1x512xf32, #tpu.memory_space<vmem>>, vector<1x512xf32>,
    return
  }
  func.func @transform_0(%arg0: i32, %arg1: memref<1xi32, #tpu.memory_space<smem>>) -> (i32, i32) {
    %c0_i32 = arith.constant 0 : i32
    %c0_i32_0 = arith.constant 0 : i32
    %c0_i32_1 = arith.constant 0 : i32
    return %c0_i32, %c0_i32_0 : i32, i32
  }
  func.func @transform_1(%arg0: i32, %arg1: memref<1xi32, #tpu.memory_space<smem>>) -> (i32, i32, i32) {
    %c0_i32 = arith.constant 0 : i32
    %c0_i32_0 = arith.constant 0 : i32
    %c0_i32_1 = arith.constant 0 : i32
    %c0_i32_2 = arith.constant 0 : i32
    return %c0_i32, %c0_i32_0, %c0_i32_1 : i32, i32, i32
  }
  func.func @transform_2(%arg0: i32, %arg1: memref<1xi32, #tpu.memory_space<smem>>) -> (i32, i32, i32) {
    %get3A = arith.constant 0 : index
    %get3A_0 = memref.load %arg1[%get3A] : memref<1xi32, #tpu.memory_space<smem>>
    %c0_i32 = arith.constant 0 : i32
    %c0_i32_1 = arith.constant 0 : i32
    %c0_i32_2 = arith.constant 0 : i32
    return %get3A_0, %c0_i32, %c0_i32_1 : i32, i32, i32
  }
  func.func @transform_3(%arg0: i32, %arg1: memref<1xi32, #tpu.memory_space<smem>>) -> (i32, i32, i32) {
    %get3A = arith.constant 0 : index
    %get3A_0 = memref.load %arg1[%get3A] : memref<1xi32, #tpu.memory_space<smem>>
    %c0_i32 = arith.constant 0 : i32
    %c0_i32_1 = arith.constant 0 : i32
    %c0_i32_2 = arith.constant 0 : i32
    return %get3A_0, %c0_i32, %c0_i32_1 : i32, i32, i32
  }
  func.func @transform_4(%arg0: i32, %arg1: memref<1xi32, #tpu.memory_space<smem>>) -> (i32, i32) {
    %c0_i32 = arith.constant 0 : i32
    %c0_i32_0 = arith.constant 0 : i32
    %c0_i32_1 = arith.constant 0 : i32
    return %c0_i32, %c0_i32_0 : i32, i32
  }
  func.func @transform_5(%arg0: i32, %arg1: memref<1xi32, #tpu.memory_space<smem>>) -> (i32, i32) {
    %c0_i32 = arith.constant 0 : i32
    %c0_i32_0 = arith.constant 0 : i32
    %c0_i32_1 = arith.constant 0 : i32
    return %c0_i32, %c0_i32_0 : i32, i32
  }
  func.func @transform_6(%arg0: i32, %arg1: memref<1xi32, #tpu.memory_space<smem>>) -> (i32, i32) {
    %c0_i32 = arith.constant 0 : i32
    %c0_i32_0 = arith.constant 0 : i32
    %c0_i32_1 = arith.constant 0 : i32
    return %c0_i32, %c0_i32_0 : i32, i32
  }
  func.func @transform_7(%arg0: i32, %arg1: memref<1xi32, #tpu.memory_space<smem>>) -> (i32, i32) {
    %c0_i32 = arith.constant 0 : i32
    %c0_i32_0 = arith.constant 0 : i32
    %c0_i32_1 = arith.constant 0 : i32
    return %c0_i32, %c0_i32_0 : i32, i32
  }
  func.func @transform_8(%arg0: i32, %arg1: memref<1xi32, #tpu.memory_space<smem>>) -> (i32, i32) {
    %c0_i32 = arith.constant 0 : i32
    %c0_i32_0 = arith.constant 0 : i32
    %c0_i32_1 = arith.constant 0 : i32
    return %c0_i32, %c0_i32_0 : i32, i32
  }
  func.func @transform_9(%arg0: i32, %arg1: memref<1xi32, #tpu.memory_space<smem>>) -> (i32, i32) {
    %c0_i32 = arith.constant 0 : i32
    %c0_i32_0 = arith.constant 0 : i32
    %c0_i32_1 = arith.constant 0 : i32
    return %c0_i32, %c0_i32_0 : i32, i32
  }
  func.func @transform_10(%arg0: i32, %arg1: memref<1xi32, #tpu.memory_space<smem>>) -> (i32, i32) {
    %c0_i32 = arith.constant 0 : i32
    %c0_i32_0 = arith.constant 0 : i32
    %c0_i32_1 = arith.constant 0 : i32
    return %c0_i32, %c0_i32_0 : i32, i32
  }
  func.func @transform_11(%arg0: i32, %arg1: memref<1xi32, #tpu.memory_space<smem>>) -> (i32, i32) {
    %c0_i32 = arith.constant 0 : i32
    %c0_i32_0 = arith.constant 0 : i32
    %c0_i32_1 = arith.constant 0 : i32
    return %c0_i32, %c0_i32_0 : i32, i32
  }
  func.func @transform_12(%arg0: i32, %arg1: memref<1xi32, #tpu.memory_space<smem>>) -> (i32, i32) {
    %c0_i32 = arith.constant 0 : i32
    %c0_i32_0 = arith.constant 0 : i32
    %c0_i32_1 = arith.constant 0 : i32
    return %c0_i32, %c0_i32_0 : i32, i32
  }
  func.func @transform_13(%arg0: i32, %arg1: memref<1xi32, #tpu.memory_space<smem>>) -> (i32, i32) {
    %c0_i32 = arith.constant 0 : i32
    %c0_i32_0 = arith.constant 0 : i32
    %c0_i32_1 = arith.constant 0 : i32
    return %c0_i32, %c0_i32_0 : i32, i32
  }
  func.func @transform_14(%arg0: i32, %arg1: memref<1xi32, #tpu.memory_space<smem>>) -> (i32, i32) {
    %c0_i32 = arith.constant 0 : i32
    %c0_i32_0 = arith.constant 0 : i32
    %c0_i32_1 = arith.constant 0 : i32
    return %c0_i32, %c0_i32_0 : i32, i32
  }
  func.func @transform_15(%arg0: i32, %arg1: memref<1xi32, #tpu.memory_space<smem>>) -> (i32, i32) {
    %c0_i32 = arith.constant 0 : i32
    %c0_i32_0 = arith.constant 0 : i32
    %c0_i32_1 = arith.constant 0 : i32
    return %c0_i32, %c0_i32_0 : i32, i32
  }
  func.func @transform_16(%arg0: i32, %arg1: memref<1xi32, #tpu.memory_space<smem>>) -> (i32, i32) {
    %c0_i32 = arith.constant 0 : i32
    %c0_i32_0 = arith.constant 0 : i32
    %c0_i32_1 = arith.constant 0 : i32
    return %c0_i32, %c0_i32_0 : i32, i32
  }
  func.func @transform_17(%arg0: i32, %arg1: memref<1xi32, #tpu.memory_space<smem>>) -> (i32, i32) {
    %c0_i32 = arith.constant 0 : i32
    %c0_i32_0 = arith.constant 0 : i32
    %c0_i32_1 = arith.constant 0 : i32
    return %c0_i32, %c0_i32_0 : i32, i32
  }
  func.func @transform_18(%arg0: i32, %arg1: memref<1xi32, #tpu.memory_space<smem>>) -> (i32, i32) {
    %c0_i32 = arith.constant 0 : i32
    %c0_i32_0 = arith.constant 0 : i32
    %c0_i32_1 = arith.constant 0 : i32
    return %c0_i32, %c0_i32_0 : i32, i32
  }
  func.func @transform_19(%arg0: i32, %arg1: memref<1xi32, #tpu.memory_space<smem>>) -> (i32, i32) {
    %c0_i32 = arith.constant 0 : i32
    %c0_i32_0 = arith.constant 0 : i32
    %c0_i32_1 = arith.constant 0 : i32
    return %c0_i32, %c0_i32_0 : i32, i32
  }
  func.func @transform_20(%arg0: i32, %arg1: memref<1xi32, #tpu.memory_space<smem>>) -> (i32, i32) {
    %c0_i32 = arith.constant 0 : i32
    %c0_i32_0 = arith.constant 0 : i32
    %c0_i32_1 = arith.constant 0 : i32
    return %c0_i32, %c0_i32_0 : i32, i32
  }
}

module attributes {stable_mosaic.version = 14 : i64} {
  func.func @_mlp_body(%arg0: i32, %arg1: memref<512x128xf32, #tpu.memory_space<vmem>>, %arg2: memref<512x1xf32, #tpu.memory_space<vmem>>, %arg3: memref<128x64xf32, #tpu.memory_space<vmem>>, %arg4: memref<64x128xf32, #tpu.memory_space<vmem>>, %arg5: memref<128x512xf32, #tpu.memory_space<vmem>>, %arg6: memref<1x512xf32, #tpu.memory_space<vmem>>, %arg7: memref<1x512xf32, #tpu.memory_space<vmem>>, %arg8: memref<512x32xf32, #tpu.memory_space<vmem>>, %arg9: memref<1x32xf32, #tpu.memory_space<vmem>>, %arg10: memref<32x1xf32, #tpu.memory_space<vmem>>, %arg11: memref<1x1xf32, #tpu.memory_space<vmem>>, %arg12: memref<512x1xf32, #tpu.memory_space<vmem>>) attributes {dimension_semantics = [#tpu.dimension_semantics<arbitrary>], iteration_bounds = array<i64: 104>, scalar_prefetch = 0 : i64, scratch_operands = 0 : i64, tpu.core_type = #tpu.core_type<tc>, window_params = [{transform_indices = @transform_0, window_bounds = array<i64: 512, 128>}, {transform_indices = @transform_1, window_bounds = array<i64: 512, 1>}, {pipeline_mode = #tpu.pipeline_mode<synchronous>, transform_indices = @transform_2, window_bounds = array<i64: 128, 64>}, {pipeline_mode = #tpu.pipeline_mode<synchronous>, transform_indices = @transform_3, window_bounds = array<i64: 64, 128>}, {pipeline_mode = #tpu.pipeline_mode<synchronous>, transform_indices = @transform_4, window_bounds = array<i64: 128, 512>}, {pipeline_mode = #tpu.pipeline_mode<synchronous>, transform_indices = @transform_5, window_bounds = array<i64: 1, 512>}, {pipeline_mode = #tpu.pipeline_mode<synchronous>, transform_indices = @transform_6, window_bounds = array<i64: 1, 512>}, {pipeline_mode = #tpu.pipeline_mode<synchronous>, transform_indices = @transform_7, window_bounds = array<i64: 512, 32>}, {pipeline_mode = #tpu.pipeline_mode<synchronous>, transform_indices = @transform_8, window_bounds = array<i64: 1, 32>}, {pipeline_mode = #tpu.pipeline_mode<synchronous>, transform_indices = @transform_9, window_bounds = array<i64: 32, 1>}, {pipeline_mode = #tpu.pipeline_mode<synchronous>, transform_indices = @transform_10, window_bounds = array<i64: 1, 1>}, {transform_indices = @transform_11, window_bounds = array<i64: 512, 1>}]} {
    %get3A = arith.constant 0 : index
    %get3A_0 = arith.constant 0 : index
    %get3A_1 = vector.load %arg1[%get3A, %get3A_0] : memref<512x128xf32, #tpu.memory_space<vmem>>, vector<512x128xf32>
    %get3A_2 = arith.constant 0 : index
    %get3A_3 = arith.constant 0 : index
    %get3A_4 = vector.load %arg3[%get3A_2, %get3A_3] : memref<128x64xf32, #tpu.memory_space<vmem>>, vector<128x64xf32>
    %convert_element_type3A = arith.truncf %get3A_1 : vector<512x128xf32> to vector<512x128xbf16>
    %convert_element_type3A_5 = arith.truncf %get3A_4 : vector<128x64xf32> to vector<128x64xbf16>
    %dot_general3A = arith.constant dense<0.000000e+00> : vector<512x64xf32>
    %dot_general3A_6 = tpu.matmul %convert_element_type3A, %convert_element_type3A_5, %dot_general3A {dimension_numbers = #tpu.dot_dimension_numbers<[1], [0], [0], [1], [0, 0, 1, 1], [], []>, transpose_lhs_hint = false} : vector<512x128xbf16>, vector<128x64xbf16>, vector<512x64xf32> -> vector<512x64xf32>
    %get3A_7 = arith.constant 0 : index
    %get3A_8 = arith.constant 0 : index
    %get3A_9 = vector.load %arg4[%get3A_7, %get3A_8] : memref<64x128xf32, #tpu.memory_space<vmem>>, vector<64x128xf32>
    %convert_element_type3A_10 = arith.truncf %dot_general3A_6 : vector<512x64xf32> to vector<512x64xbf16>
    %convert_element_type3A_11 = arith.truncf %get3A_9 : vector<64x128xf32> to vector<64x128xbf16>
    %dot_general3A_12 = arith.constant dense<0.000000e+00> : vector<512x128xf32>
    %dot_general3A_13 = tpu.matmul %convert_element_type3A_10, %convert_element_type3A_11, %dot_general3A_12 {dimension_numbers = #tpu.dot_dimension_numbers<[1], [0], [0], [1], [0, 0, 1, 1], [], []>, transpose_lhs_hint = false} : vector<512x64xbf16>, vector<64x128xbf16>, vector<512x128xf32> -> vector<512x128xf32>
    %get3A_14 = arith.constant 0 : index
    %get3A_15 = arith.constant 0 : index
    %get3A_16 = vector.load %arg2[%get3A_14, %get3A_15] : memref<512x1xf32, #tpu.memory_space<vmem>>, vector<512x1xf32>
    %convert_element_type3A_17 = arith.truncf %get3A_16 : vector<512x1xf32> to vector<512x1xbf16>
    %convert_element_type3A_18 = arith.extf %convert_element_type3A_17 : vector<512x1xbf16> to vector<512x1xf32>
    %get3A_19 = arith.constant 0 : index
    %get3A_20 = arith.constant 0 : index
    %get3A_21 = vector.load %arg7[%get3A_19, %get3A_20] : memref<1x512xf32, #tpu.memory_space<vmem>>, vector<1x512xf32>
    %convert_element_type3A_22 = arith.truncf %get3A_21 : vector<1x512xf32> to vector<1x512xbf16>
    %convert_element_type3A_23 = arith.extf %convert_element_type3A_22 : vector<1x512xbf16> to vector<1x512xf32>
    %mul3A = vector.broadcast %convert_element_type3A_18 : vector<512x1xf32> to vector<512x512xf32>
    %mul3A_24 = vector.broadcast %convert_element_type3A_23 : vector<1x512xf32> to vector<512x512xf32>
    %mul3A_25 = arith.mulf %mul3A, %mul3A_24 : vector<512x512xf32>
    %get3A_26 = arith.constant 0 : index
    %get3A_27 = arith.constant 0 : index
    %get3A_28 = vector.load %arg5[%get3A_26, %get3A_27] : memref<128x512xf32, #tpu.memory_space<vmem>>, vector<128x512xf32>
    %convert_element_type3A_29 = arith.truncf %dot_general3A_13 : vector<512x128xf32> to vector<512x128xbf16>
    %convert_element_type3A_30 = arith.truncf %get3A_28 : vector<128x512xf32> to vector<128x512xbf16>
    %dot_general3A_31 = arith.constant dense<0.000000e+00> : vector<512x512xf32>
    %dot_general3A_32 = tpu.matmul %convert_element_type3A_29, %convert_element_type3A_30, %dot_general3A_31 {dimension_numbers = #tpu.dot_dimension_numbers<[1], [0], [0], [1], [0, 0, 1, 1], [], []>, transpose_lhs_hint = false} : vector<512x128xbf16>, vector<128x512xbf16>, vector<512x512xf32> -> vector<512x512xf32>
    %add3A = arith.addf %dot_general3A_32, %mul3A_25 : vector<512x512xf32>
    %get3A_33 = arith.constant 0 : index
    %get3A_34 = arith.constant 0 : index
    %get3A_35 = vector.load %arg6[%get3A_33, %get3A_34] : memref<1x512xf32, #tpu.memory_space<vmem>>, vector<1x512xf32>
    %add3A_36 = vector.broadcast %get3A_35 : vector<1x512xf32> to vector<512x512xf32>
    %add3A_37 = arith.addf %add3A, %add3A_36 : vector<512x512xf32>
    %ge3A = arith.constant 0.000000e+00 : f32
    %ge3A_38 = vector.broadcast %ge3A : f32 to vector<512x512xf32>
    %ge3A_39 = arith.cmpf oge, %add3A_37, %ge3A_38 : vector<512x512xf32>
    %mul3A_40 = arith.constant 0.00999999977 : f32
    %mul3A_41 = vector.broadcast %mul3A_40 : f32 to vector<512x512xf32>
    %mul3A_42 = arith.mulf %add3A_37, %mul3A_41 : vector<512x512xf32>
    %select_n3A = arith.select %ge3A_39, %add3A_37, %mul3A_42 : vector<512x512xi1>, vector<512x512xf32>
    %get3A_43 = arith.constant 0 : index
    %get3A_44 = arith.constant 0 : index
    %get3A_45 = vector.load %arg8[%get3A_43, %get3A_44] : memref<512x32xf32, #tpu.memory_space<vmem>>, vector<512x32xf32>
    %convert_element_type3A_46 = arith.truncf %select_n3A : vector<512x512xf32> to vector<512x512xbf16>
    %convert_element_type3A_47 = arith.truncf %get3A_45 : vector<512x32xf32> to vector<512x32xbf16>
    %dot_general3A_48 = arith.constant dense<0.000000e+00> : vector<512x32xf32>
    %dot_general3A_49 = tpu.matmul %convert_element_type3A_46, %convert_element_type3A_47, %dot_general3A_48 {dimension_numbers = #tpu.dot_dimension_numbers<[1], [0], [0], [1], [0, 0, 1, 1], [], []>, transpose_lhs_hint = false} : vector<512x512xbf16>, vector<512x32xbf16>, vector<512x32xf32> -> vector<512x32xf32>
    %get3A_50 = arith.constant 0 : index
    %get3A_51 = arith.constant 0 : index
    %get3A_52 = vector.load %arg9[%get3A_50, %get3A_51] : memref<1x32xf32, #tpu.memory_space<vmem>>, vector<1x32xf32>
    %add3A_53 = vector.broadcast %get3A_52 : vector<1x32xf32> to vector<512x32xf32>
    %add3A_54 = arith.addf %dot_general3A_49, %add3A_53 : vector<512x32xf32>
    %ge3A_55 = arith.constant 0.000000e+00 : f32
    %ge3A_56 = vector.broadcast %ge3A_55 : f32 to vector<512x32xf32>
    %ge3A_57 = arith.cmpf oge, %add3A_54, %ge3A_56 : vector<512x32xf32>
    %mul3A_58 = arith.constant 0.00999999977 : f32
    %mul3A_59 = vector.broadcast %mul3A_58 : f32 to vector<512x32xf32>
    %mul3A_60 = arith.mulf %add3A_54, %mul3A_59 : vector<512x32xf32>
    %select_n3A_61 = arith.select %ge3A_57, %add3A_54, %mul3A_60 : vector<512x32xi1>, vector<512x32xf32>
    %get3A_62 = arith.constant 0 : index
    %get3A_63 = arith.constant 0 : index
    %get3A_64 = vector.load %arg10[%get3A_62, %get3A_63] : memref<32x1xf32, #tpu.memory_space<vmem>>, vector<32x1xf32>
    %convert_element_type3A_65 = arith.truncf %select_n3A_61 : vector<512x32xf32> to vector<512x32xbf16>
    %convert_element_type3A_66 = arith.truncf %get3A_64 : vector<32x1xf32> to vector<32x1xbf16>
    %dot_general3A_67 = arith.constant dense<0.000000e+00> : vector<512x1xf32>
    %dot_general3A_68 = tpu.matmul %convert_element_type3A_65, %convert_element_type3A_66, %dot_general3A_67 {dimension_numbers = #tpu.dot_dimension_numbers<[1], [0], [0], [1], [0, 0, 1, 1], [], []>, transpose_lhs_hint = false} : vector<512x32xbf16>, vector<32x1xbf16>, vector<512x1xf32> -> vector<512x1xf32>
    %get3A_69 = arith.constant 0 : index
    %get3A_70 = arith.constant 0 : index
    %get3A_71 = vector.load %arg11[%get3A_69, %get3A_70] : memref<1x1xf32, #tpu.memory_space<vmem>>, vector<1x1xf32>
    %add3A_72 = vector.broadcast %get3A_71 : vector<1x1xf32> to vector<512x1xf32>
    %add3A_73 = arith.addf %dot_general3A_68, %add3A_72 : vector<512x1xf32>
    %swap3A = arith.constant 0 : index
    %swap3A_74 = arith.constant 0 : index
    %swap3A_75 = vector.load %arg12[%swap3A, %swap3A_74] : memref<512x1xf32, #tpu.memory_space<vmem>>, vector<512x1xf32>
    tpu.vector_store %arg12[%swap3A, %swap3A_74], %add3A_73 {strides = array<i32>} : memref<512x1xf32, #tpu.memory_space<vmem>>, vector<512x1xf32>,
    return
  }
  func.func @transform_0(%arg0: i32) -> (i32, i32) {
    %c0_i32 = arith.constant 0 : i32
    %c0_i32_0 = arith.constant 0 : i32
    return %arg0, %c0_i32 : i32, i32
  }
  func.func @transform_1(%arg0: i32) -> (i32, i32) {
    %c0_i32 = arith.constant 0 : i32
    %c0_i32_0 = arith.constant 0 : i32
    return %arg0, %c0_i32 : i32, i32
  }
  func.func @transform_2(%arg0: i32) -> (i32, i32) {
    %c0_i32 = arith.constant 0 : i32
    %c0_i32_0 = arith.constant 0 : i32
    %c0_i32_1 = arith.constant 0 : i32
    return %c0_i32, %c0_i32_0 : i32, i32
  }
  func.func @transform_3(%arg0: i32) -> (i32, i32) {
    %c0_i32 = arith.constant 0 : i32
    %c0_i32_0 = arith.constant 0 : i32
    %c0_i32_1 = arith.constant 0 : i32
    return %c0_i32, %c0_i32_0 : i32, i32
  }
  func.func @transform_4(%arg0: i32) -> (i32, i32) {
    %c0_i32 = arith.constant 0 : i32
    %c0_i32_0 = arith.constant 0 : i32
    %c0_i32_1 = arith.constant 0 : i32
    return %c0_i32, %c0_i32_0 : i32, i32
  }
  func.func @transform_5(%arg0: i32) -> (i32, i32) {
    %c0_i32 = arith.constant 0 : i32
    %c0_i32_0 = arith.constant 0 : i32
    %c0_i32_1 = arith.constant 0 : i32
    return %c0_i32, %c0_i32_0 : i32, i32
  }
  func.func @transform_6(%arg0: i32) -> (i32, i32) {
    %c0_i32 = arith.constant 0 : i32
    %c0_i32_0 = arith.constant 0 : i32
    %c0_i32_1 = arith.constant 0 : i32
    return %c0_i32, %c0_i32_0 : i32, i32
  }
  func.func @transform_7(%arg0: i32) -> (i32, i32) {
    %c0_i32 = arith.constant 0 : i32
    %c0_i32_0 = arith.constant 0 : i32
    %c0_i32_1 = arith.constant 0 : i32
    return %c0_i32, %c0_i32_0 : i32, i32
  }
  func.func @transform_8(%arg0: i32) -> (i32, i32) {
    %c0_i32 = arith.constant 0 : i32
    %c0_i32_0 = arith.constant 0 : i32
    %c0_i32_1 = arith.constant 0 : i32
    return %c0_i32, %c0_i32_0 : i32, i32
  }
  func.func @transform_9(%arg0: i32) -> (i32, i32) {
    %c0_i32 = arith.constant 0 : i32
    %c0_i32_0 = arith.constant 0 : i32
    %c0_i32_1 = arith.constant 0 : i32
    return %c0_i32, %c0_i32_0 : i32, i32
  }
  func.func @transform_10(%arg0: i32) -> (i32, i32) {
    %c0_i32 = arith.constant 0 : i32
    %c0_i32_0 = arith.constant 0 : i32
    %c0_i32_1 = arith.constant 0 : i32
    return %c0_i32, %c0_i32_0 : i32, i32
  }
  func.func @transform_11(%arg0: i32) -> (i32, i32) {
    %c0_i32 = arith.constant 0 : i32
    %c0_i32_0 = arith.constant 0 : i32
    return %arg0, %c0_i32 : i32, i32
  }
}

module attributes {stable_mosaic.version = 14 : i64} {
  func.func @_select_body(%arg0: memref<416x128xf32, #tpu.memory_space<vmem>>, %arg1: memref<416x128xf32, #tpu.memory_space<vmem>>) attributes {dimension_semantics = [], scalar_prefetch = 0 : i64, scratch_operands = 0 : i64, tpu.core_type = #tpu.core_type<tc>} {
    %iota3A = tpu.iota {dimensions = array<i32: 0>} : vector<416x128xi32>
    %iota3A_0 = tpu.iota {dimensions = array<i32: 1>} : vector<416x128xi32>
    %mul3A = arith.constant 128 : i32
    %mul3A_1 = vector.broadcast %mul3A : i32 to vector<416x128xi32>
    %mul3A_2 = arith.muli %iota3A, %mul3A_1 : vector<416x128xi32>
    %add3A = arith.addi %mul3A_2, %iota3A_0 : vector<416x128xi32>
    %lt3A = arith.constant 50000 : i32
    %lt3A_3 = vector.broadcast %lt3A : i32 to vector<416x128xi32>
    %lt3A_4 = arith.cmpi slt, %add3A, %lt3A_3 : vector<416x128xi32>
    %get3A = arith.constant 0 : index
    %get3A_5 = arith.constant 0 : index
    %get3A_6 = vector.load %arg0[%get3A, %get3A_5] : memref<416x128xf32, #tpu.memory_space<vmem>>, vector<416x128xf32>
    %jit3A = arith.constant -3.000000e+38 : f32
    %broadcast_in_dim3A = vector.broadcast %jit3A : f32 to vector<416x128xf32>
    %select_n3A = arith.select %lt3A_4, %get3A_6, %broadcast_in_dim3A : vector<416x128xi1>, vector<416x128xf32>
    %bitcast_convert_type3A = tpu.bitcast %select_n3A : vector<416x128xf32> -> vector<416x128xi32>
    %ge3A = arith.constant 0 : i32
    %ge3A_7 = vector.broadcast %ge3A : i32 to vector<416x128xi32>
    %ge3A_8 = arith.cmpi sge, %bitcast_convert_type3A, %ge3A_7 : vector<416x128xi32>
    %not3A = arith.constant dense<-1> : vector<416x128xi32>
    %not3A_9 = arith.xori %bitcast_convert_type3A, %not3A : vector<416x128xi32>
    %xor3A = arith.constant -2147483648 : i32
    %xor3A_10 = vector.broadcast %xor3A : i32 to vector<416x128xi32>
    %xor3A_11 = arith.xori %not3A_9, %xor3A_10 : vector<416x128xi32>
    %select_n3A_12 = arith.select %ge3A_8, %bitcast_convert_type3A, %xor3A_11 : vector<416x128xi1>, vector<416x128xi32>
    %scan3A = arith.constant -2147483648 : i32
    %scan3A_13 = arith.constant 0 : i32
    %scan3A_14 = arith.constant 0 : i32
    %scan3A_15 = arith.constant 32 : i32
    %scan3A_16 = arith.addi %scan3A_14, %scan3A_15 : i32
    %scan3A_17 = arith.constant 1 : i32
    %scan3A_18 = scf.for %scan3A_59 = %scan3A_14 to %scan3A_16 step %scan3A_17 iter_args(%scan3A_60 = %scan3A_13) -> (i32)  : i32 {
      %sub3A_61 = arith.constant 31 : i32
      %sub3A_62 = arith.subi %sub3A_61, %scan3A_59 : i32
      %shift_left3A = arith.constant 1 : i32
      %shift_left3A_63 = arith.shli %shift_left3A, %sub3A_62 : i32
      %or3A_64 = arith.ori %scan3A_60, %shift_left3A_63 : i32
      %xor3A_65 = arith.xori %or3A_64, %scan3A : i32
      %ge3A_66 = vector.broadcast %xor3A_65 : i32 to vector<416x128xi32>
      %ge3A_67 = arith.cmpi sge, %select_n3A_12, %ge3A_66 : vector<416x128xi32>
      %convert_element_type3A_68 = arith.extui %ge3A_67 : vector<416x128xi1> to vector<416x128xi32>
      %reduce_sum3A_69 = vector.shape_cast %convert_element_type3A_68 : vector<416x128xi32> to vector<1x416x128xi32>
      %reduce_sum3A_70 = arith.constant dense<0> : vector<1xi32>
      %reduce_sum3A_71 = vector.multi_reduction <add>, %reduce_sum3A_69, %reduce_sum3A_70 [1, 2] : vector<1x416x128xi32> to vector<1xi32>
      %reduce_sum3A_72 = vector.shape_cast %reduce_sum3A_71 : vector<1xi32> to vector<1x1x1xi32>
      %reduce_sum3A_73 = vector.extract %reduce_sum3A_72[0, 0, 0] : i32 from vector<1x1x1xi32>
      %ge3A_74 = arith.constant 128 : i32
      %ge3A_75 = arith.cmpi sge, %reduce_sum3A_73, %ge3A_74 : i32
      %select_n3A_76 = arith.select %ge3A_75, %or3A_64, %scan3A_60 : i32
      scf.yield %select_n3A_76 : i32
    }
    %scan3A_19 = arith.constant 32 : i32
    %xor3A_20 = arith.constant -2147483648 : i32
    %xor3A_21 = arith.xori %scan3A_18, %xor3A_20 : i32
    %gt3A = vector.broadcast %xor3A_21 : i32 to vector<416x128xi32>
    %gt3A_22 = arith.cmpi sgt, %select_n3A_12, %gt3A : vector<416x128xi32>
    %eq3A = vector.broadcast %xor3A_21 : i32 to vector<416x128xi32>
    %eq3A_23 = arith.cmpi eq, %select_n3A_12, %eq3A : vector<416x128xi32>
    %convert_element_type3A = arith.extui %gt3A_22 : vector<416x128xi1> to vector<416x128xi32>
    %reduce_sum3A = vector.shape_cast %convert_element_type3A : vector<416x128xi32> to vector<1x416x128xi32>
    %reduce_sum3A_24 = arith.constant dense<0> : vector<1xi32>
    %reduce_sum3A_25 = vector.multi_reduction <add>, %reduce_sum3A, %reduce_sum3A_24 [1, 2] : vector<1x416x128xi32> to vector<1xi32>
    %reduce_sum3A_26 = vector.shape_cast %reduce_sum3A_25 : vector<1xi32> to vector<1x1x1xi32>
    %reduce_sum3A_27 = vector.extract %reduce_sum3A_26[0, 0, 0] : i32 from vector<1x1x1xi32>
    %convert_element_type3A_28 = arith.sitofp %reduce_sum3A_27 : i32 to f32
    %sub3A = arith.constant 1.280000e+02 : f32
    %sub3A_29 = arith.subf %sub3A, %convert_element_type3A_28 : f32
    %convert_element_type3A_30 = arith.extui %eq3A_23 : vector<416x128xi1> to vector<416x128xi32>
    %convert_element_type3A_31 = arith.sitofp %convert_element_type3A_30 : vector<416x128xi32> to vector<416x128xf32>
    %iota3A_32 = tpu.iota {dimensions = array<i32: 0>} : vector<128x128xi32>
    %iota3A_33 = tpu.iota {dimensions = array<i32: 1>} : vector<128x128xi32>
    %lt3A_34 = arith.cmpi slt, %iota3A_32, %iota3A_33 : vector<128x128xi32>
    %convert_element_type3A_35 = arith.extui %lt3A_34 : vector<128x128xi1> to vector<128x128xi32>
    %convert_element_type3A_36 = arith.sitofp %convert_element_type3A_35 : vector<128x128xi32> to vector<128x128xf32>
    %dot_general3A = arith.constant dense<0.000000e+00> : vector<416x128xf32>
    %dot_general3A_37 = tpu.matmul %convert_element_type3A_31, %convert_element_type3A_36, %dot_general3A {dimension_numbers = #tpu.dot_dimension_numbers<[1], [0], [0], [1], [0, 0, 1, 1], [], []>, transpose_lhs_hint = false} : vector<416x128xf32>, vector<128x128xf32>, vector<416x128xf32> -> vector<416x128xf32>
    %reduce_sum3A_38 = arith.constant dense<0.000000e+00> : vector<416xf32>
    %reduce_sum3A_39 = vector.multi_reduction <add>, %convert_element_type3A_31, %reduce_sum3A_38 [1] : vector<416x128xf32> to vector<416xf32>
    %broadcast_in_dim3A_40 = vector.shape_cast %reduce_sum3A_39 : vector<416xf32> to vector<416x1xf32>
    %iota3A_41 = tpu.iota {dimensions = array<i32: 0>} : vector<416x416xi32>
    %iota3A_42 = tpu.iota {dimensions = array<i32: 1>} : vector<416x416xi32>
    %lt3A_43 = arith.cmpi slt, %iota3A_42, %iota3A_41 : vector<416x416xi32>
    %convert_element_type3A_44 = arith.extui %lt3A_43 : vector<416x416xi1> to vector<416x416xi32>
    %convert_element_type3A_45 = arith.sitofp %convert_element_type3A_44 : vector<416x416xi32> to vector<416x416xf32>
    %dot_general3A_46 = arith.constant dense<0.000000e+00> : vector<416x1xf32>
    %dot_general3A_47 = tpu.matmul %convert_element_type3A_45, %broadcast_in_dim3A_40, %dot_general3A_46 {dimension_numbers = #tpu.dot_dimension_numbers<[1], [0], [0], [1], [0, 0, 1, 1], [], []>, transpose_lhs_hint = false} : vector<416x416xf32>, vector<416x1xf32>, vector<416x1xf32> -> vector<416x1xf32>
    %add3A_48 = vector.broadcast %dot_general3A_47 : vector<416x1xf32> to vector<416x128xf32>
    %add3A_49 = arith.addf %add3A_48, %dot_general3A_37 : vector<416x128xf32>
    %lt3A_50 = vector.broadcast %sub3A_29 : f32 to vector<416x128xf32>
    %lt3A_51 = arith.cmpf olt, %add3A_49, %lt3A_50 : vector<416x128xf32>
    %and3A = arith.andi %eq3A_23, %lt3A_51 : vector<416x128xi1>
    %or3A = arith.ori %gt3A_22, %and3A : vector<416x128xi1>
    %jit3A_52 = arith.constant 1.000000e+00 : f32
    %jit3A_53 = arith.constant 0.000000e+00 : f32
    %broadcast_in_dim3A_54 = vector.broadcast %jit3A_52 : f32 to vector<416x128xf32>
    %broadcast_in_dim3A_55 = vector.broadcast %jit3A_53 : f32 to vector<416x128xf32>
    %select_n3A_56 = arith.select %or3A, %broadcast_in_dim3A_54, %broadcast_in_dim3A_55 : vector<416x128xi1>, vector<416x128xf32>
    %swap3A = arith.constant 0 : index
    %swap3A_57 = arith.constant 0 : index
    %swap3A_58 = vector.load %arg1[%swap3A, %swap3A_57] : memref<416x128xf32, #tpu.memory_space<vmem>>, vector<416x128xf32>
    tpu.vector_store %arg1[%swap3A, %swap3A_57], %select_n3A_56 {strides = array<i32>} : memref<416x128xf32, #tpu.memory_space<vmem>>, vector<416x128xf32>,
    return
  }
}

</mosaic_0001>

<sc_bundles>
// kernel: kernel.6.cloned.1.call-start
scs
__scs_entry_jumppad:
0x0: {  	(pc) =	sbr.rel $0x88, $3  }
0x1: {  	(tag) =	ssettag $0x0;
	lr =	simm.s32 $0x1  }
0x2: {  	[smem:$0x3F8B] =	sst lr;
	_ =	strace $0xD0000000  }
0x3: {  	_ = 	snop  }
0x4: {  	_ = 	snop  }
0x5: {  	_ = 	snop  }
0x6: {  	_ = 	snop  }
0x7: {  	_ = 	snop  }
__scs_overlays_trampoline_lowered:
0x8: {  	[smem:$0x3F9A] =	sst s0  }
0x9: {  	[smem:$0x3F9B] =	sst s1  }
0xa: {  	[smem:$0x3F9C] =	sst s2  }
0xb: {  	[smem:$0x3F9D] =	sst s3  }
0xc: {  	[smem:$0x3F9E] =	sst s4  }
0xd: {  	[smem:$0x3F9F] =	sst s5  }
0xe: {  	[smem:$0x3FA0] =	sst s6  }
0xf: {  	[smem:$0x3FA1] =	sst s7  }
0x10: {  	[smem:$0x3FA2] =	sst s8  }
0x11: {  	[smem:$0x3FA3] =	sst s9;
	s0 =	simm.s32 @!p0 $0x0  }
0x12: {  	s1 =	sld [smem:$0x3F89];
	s0 =	simm.s32 @p0 $0x1  }
0x13: {  	[smem:$0x3FA4] =	sst s0;
	s0 =	simm.s32 @!p1 $0x0  }
0x14: {  	s2 =	sld [smem:$0x3F88];
	s0 =	simm.s32 @p1 $0x1  }
0x15: {  	[smem:$0x3FA5] =	sst s0;
	s0 =	simm.s32 @!p2 $0x0  }
0x16: {  	s3 =	sld [smem:$0x3FDB];
	s0 =	simm.s32 @p2 $0x1  }
0x17: {  	s4 =	simm.s32 $0x1BF5;
	[smem:$0x3FA7] =	sst s0  }
0x18: {  	s0 =	sld [smem:$0x3F8A];
	_ =	swait.ge [sflag:s4], $0x0  }
0x19: {  	s7 =	sld [smem:$0x3F8B]  }
0x1a: {  	s8 =	sadd.s32 $0xFFFFE003, lr  }
0x1b: {  	s9 =	sadd.s32 $0xFFFFFEF7, lr;
	s5 =	simm.s32 $0xFFFFFFFF;
	p2 =	slt.u32 s8, $0xFFFFF086  }
0x1c: {  	p1 =	slt.u32 s9, $0xF7A;
	s5 =	simm.s32 @!p2 $0x0  }
0x1d: {  	s5 =	simm.s32 @p1 $0x1;
	p0 =	seq.s32 s7, s2  }
0x1e: {  	s7 =	smul.u32 @!p0 $0xF7A, s2;
	p2 =	seq.s32 @!p0 s5, $0x0  }
0x1f: {  	s9 =	smul.u32 $0xF7A, s1;
	s8 =	simm.s32 @!p0 $0x1BF5;
	p2 =	por !p2, p0  }
0x20: {  	[sflag:s8] =	ssyncset.s32 @!p0 $0xFFFFF086;
	s6 =	sadd.s32 @!p0 s3, s7;
	s7 =	simm.s32 @!p0 $0x108  }
0x21: {  	s3 =	sadd.s32 s3, s9;
	s6 =	sadd.s32 @!p0 $0x88, s6;
	s7 =	simm.s32 @p2 $0x1082  }
0x22: {  	[simem:s7], [sflag:s8] =	dma.local @!p0 [hbm:s6], $0xF7A  }
0x23: {  	s9 =	sor.u32 $0xD0000000, s2;
	s6 =	simm.s32 $0x108;
	_ =	swait.ge @!p0 [sflag:s8], $0x0  }
0x24: {  	s3 =	sadd.s32 $0x88, s3;
	s6 =	simm.s32 @!p1 $0x1082;
	[sflag:s4] =	ssyncset.s32 $0xFFFFF086  }
0x25: {  	[simem:s6], [sflag:s4] =	dma.local [hbm:s3], $0xF7A  }
0x26: {  	[smem:$0x3F8B] =	sst s1;
	(tag) =	ssettag s2;
	_ =	strace s9  }
0x27: {  	s1 =	sld [smem:$0x3F9B]  }
0x28: {  	s2 =	sld [smem:$0x3F9C]  }
0x29: {  	s4 =	sld [smem:$0x3F9E]  }
0x2a: {  	p0 =	seq.s32 s5, $0x0;
	s5 =	sld [smem:$0x3F9F]  }
0x2b: {  	s6 =	sld [smem:$0x3FA0]  }
0x2c: {  	s7 =	sld [smem:$0x3FA1]  }
0x2d: {  	s3 =	simm.s32 $0x108;
	s8 =	sld [smem:$0x3FA2]  }
0x2e: {  	s3 =	simm.s32 @!p0 $0x1082;
	s9 =	sld [smem:$0x3FA3]  }
0x2f: {  	lr =	sadd.s32 s0, s3;
	s0 =	sld [smem:$0x3F9A]  }
0x30: {  	s3 =	sld [smem:$0x3F9D]  }
0x31: {  	[smem:$0x3FA6] =	sst s10  }
0x32: {  	s10 =	sld [smem:$0x3FA4];
	_ =	sdelay $0x3  }
0x33: {  	p0 =	seq.s32 s10, $0x1;
	s10 =	sld [smem:$0x3FA6];
	_ =	sdelay $0x3  }
0x34: {  	[smem:$0x3FA6] =	sst s10  }
0x35: {  	s10 =	sld [smem:$0x3FA5];
	_ =	sdelay $0x3  }
0x36: {  	p1 =	seq.s32 s10, $0x1;
	s10 =	sld [smem:$0x3FA6];
	_ =	sdelay $0x3  }
0x37: {  	[smem:$0x3FA6] =	sst s10  }
0x38: {  	s10 =	sld [smem:$0x3FA7]  }
0x39: {  	_ = 	snop;
	(pc) =	sbr.ind lr, $3  }
0x3a: {  	_ = 	snop  }
0x3b: {  	_ = 	snop  }
0x3c: {  	p2 =	seq.s32 s10, $0x1;
	s10 =	sld [smem:$0x3FA6]  }
0x3d: {  	_ =	shalt  }
0x3e: {  	_ =	shalt  }
0x3f: {  	_ =	shalt  }
0x40: {  	_ =	shalt  }
0x41: {  	_ =	shalt  }
0x42: {  	_ =	shalt  }
0x43: {  	_ =	shalt  }
0x44: {  	_ =	shalt  }
0x45: {  	_ =	shalt  }
0x46: {  	_ =	shalt  }
0x47: {  	_ =	shalt  }
0x48: {  	_ =	shalt  }
0x49: {  	_ =	shalt  }
0x4a: {  	_ =	shalt  }
0x4b: {  	_ =	shalt  }
0x4c: {  	_ =	shalt  }
0x4d: {  	_ =	shalt  }
0x4e: {  	_ =	shalt  }
0x4f: {  	_ =	shalt  }
0x50: {  	_ =	shalt  }
0x51: {  	_ =	shalt  }
0x52: {  	_ =	shalt  }
0x53: {  	_ =	shalt  }
0x54: {  	_ =	shalt  }
0x55: {  	_ =	shalt  }
0x56: {  	_ =	shalt  }
0x57: {  	_ =	shalt  }
0x58: {  	_ =	shalt  }
0x59: {  	_ =	shalt  }
0x5a: {  	_ =	shalt  }
0x5b: {  	_ =	shalt  }
0x5c: {  	_ =	shalt  }
0x5d: {  	_ =	shalt  }
0x5e: {  	_ =	shalt  }
0x5f: {  	_ =	shalt  }
0x60: {  	_ =	shalt  }
0x61: {  	_ =	shalt  }
0x62: {  	_ =	shalt  }
0x63: {  	_ =	shalt  }
0x64: {  	_ =	shalt  }
0x65: {  	_ =	shalt  }
0x66: {  	_ =	shalt  }
0x67: {  	_ =	shalt  }
0x68: {  	_ =	shalt  }
0x69: {  	_ =	shalt  }
0x6a: {  	_ =	shalt  }
0x6b: {  	_ =	shalt  }
0x6c: {  	_ =	shalt  }
0x6d: {  	_ =	shalt  }
0x6e: {  	_ =	shalt  }
0x6f: {  	_ =	shalt  }
0x70: {  	_ =	shalt  }
0x71: {  	_ =	shalt  }
0x72: {  	_ =	shalt  }
0x73: {  	_ =	shalt  }
0x74: {  	_ =	shalt  }
0x75: {  	_ =	shalt  }
0x76: {  	_ =	shalt  }
0x77: {  	_ =	shalt  }
0x78: {  	_ =	shalt  }
0x79: {  	_ =	shalt  }
0x7a: {  	_ =	shalt  }
0x7b: {  	_ =	shalt  }
0x7c: {  	_ =	shalt  }
0x7d: {  	_ =	shalt  }
0x7e: {  	_ =	shalt  }
0x7f: {  	_ =	shalt  }
0x80: {  	_ =	shalt  }
0x81: {  	_ =	shalt  }
0x82: {  	_ =	shalt  }
0x83: {  	_ =	shalt  }
0x84: {  	_ =	shalt  }
0x85: {  	_ =	shalt  }
0x86: {  	_ =	shalt  }
0x87: {  	_ =	shalt  }
.Lfunc_end0:
.L_simem_size_0:
called_computation_lowered:
.L_overlay_start_0:
0x88: {  	s2 =	sld [smem:$0x3FD9]  }
0x89: {  	s3 =	sld [smem:$0x3FFE];
	_ =	sdelay $0x1  }
0x8a: {  	s1 =	srdreg.scid  }
0x8b: {  	s0 =	sand.u32 $0x1, s1  }
0x8c: {  	s14 =	sshll.u32 s0, $0xA;
	s2 =	sadd.s32 s3, s2  }
0x8d: {  	s2 =	sadd.s32 s2, s14  }
0x8e: {  	[smem:$0x3FB2] =	sst s2  }
0x8f: {  	_ = 	snop  }
0x90: {  	s2 =	sld [smem:$0x3FD0];
	_ =	sdelay $0x1  }
0x91: {  	s15 =	sld [smem:$0x3FC6]  }
0x92: {  	s5 =	simm.s32 $0xA;
	s6 =	simm.s32 $0x10;
	s4 =	sld [smem:$0x3FC4]  }
0x93: {  	[smem:s6], [sflag:s5] =	dma.local [hbm:s2], $0x1  }
0x94: {  	_ =	swait.eq [sflag:s5], $0x1  }
0x95: {  	[sflag:s5] =	ssyncset.done $0x0  }
0x96: {  	[sflag:s5] =	ssyncadd.s32 $0xFFFFFFFF  }
0x97: {  	s16 =	sld [smem:$0x11];
	(tm) =	ssettm $0x1  }
0x98: {  	s17 =	sld [smem:$0x3FFB];
	_ =	sdelay $0x3  }
0x99: {  	_ =	strace s17  }
0x9a: {  	s5 =	sld [smem:$0x3FFC];
	_ =	sdelay $0x3  }
0x9b: {  	_ =	strace s5  }
0x9c: {  	s5 =	sld [smem:$0x3FFD];
	_ =	sdelay $0x3  }
0x9d: {  	_ =	strace s5  }
0x9e: {  	_ =	strace $0x8FFFFFFF  }
0x9f: {  	s18 =	sld [smem:$0x3FDB];
	_ =	sdelay $0x1  }
0xa0: {  	s19 =	simm.s32 $_scs_section_size  }
0xa1: {  	s7 =	simm.s32 $_size__tile_overlayer_lowered;
	s8 =	simm.s32 $_tile_overlayer_lowered  }
0xa2: {  	s22 =	simm.s32 $0x1BFF;
	s21 =	sshll.u32 s8, $0x1;
	s5 =	sadd.s32 s19, s18  }
0xa3: {  	s9 =	simm.s32 $0x0;
	s20 =	sshll.u32 s7, $0x1;
	s7 =	sadd.s32 s21, s5  }
0xa4: {  	[timem:s9], [sflag:s22] =	dma.local [hbm:s7], s20  }
0xa5: {  	_ =	swait.ge [sflag:s22], s20  }
0xa6: {  	s6 =	ssub.s32 $0x0, s20;
	[sflag:s22] =	ssyncset.done $0x0  }
0xa7: {  	[sflag:s22] =	ssyncadd.s32 s6;
	_ =	sdelay $0x1  }
0xa8: {  	s23 =	simm.s32 $0x1B8B  }
0xa9: {  	_ =	swait.ge [sflag:s23], $0x1  }
0xaa: {  	[sflag:s23] =	ssyncset.done $0x0  }
0xab: {  	s25 =	simm.s32 $0x1B8E;
	s24 =	sld [smem:$0x3FFE];
	[sflag:s23] =	ssyncadd.s32 $0xFFFFFFFF  }
0xac: {  	s26 =	simm.s32 $execute0_lowered;
	[smem:$0x3FD2] =	sst s25  }
0xad: {  	s7 =	sshll.u32 s26, $0x1;
	_ =	strace $0x80000046;
	[dreg:$0x1] =	wrdreg $0xFFFFFFFF  }
0xae: {  	s28 =	simm.s32 $_size_execute0_lowered;
	s5 =	sadd.s32 s5, s7;
	[dreg:$0x0] =	wrdreg $0x0  }
0xaf: {  	s7 =	sshll.u32 s28, $0x1;
	[dreg:$0x2] =	wrdreg s5  }
0xb0: {  	[dreg:$0x3] =	wrdreg s7  }
0xb1: {  	[dreg:$0x4] =	wrdreg $0xC0  }
0xb2: {  	_ =	task [dreg:s9], $0x5FFFF  }
0xb3: {  	[dreg:$0x1] =	wrdreg $0xFFFFFFFF  }
0xb4: {  	[dreg:$0x0] =	wrdreg $0x60  }
0xb5: {  	[dreg:$0x2] =	wrdreg s24  }
0xb6: {  	[dreg:$0x3] =	wrdreg s15  }
0xb7: {  	[dreg:$0x4] =	wrdreg s4  }
0xb8: {  	[dreg:$0x5] =	wrdreg s16  }
0xb9: {  	[dreg:$0x6] =	wrdreg $0x9  }
0xba: {  	_ =	task.clear_ibuf [dreg:s9], $0x7FFFF;
	_ =	strace $0x90000046  }
0xbb: {  	s29 =	simm.s32 $0x9;
	_ =	strace $0x80000048  }
0xbc: {  	_ =	swait.ge [sflag:s29], $0x1  }
0xbd: {  	[sflag:s29] =	ssyncadd.s32 $0xFFFFFFFF  }
0xbe: {  	_ =	strace $0x90000048  }
0xbf: {  	_ =	sfence  }
0xc0: {  	s30 =	sld [smem:$0x0];
	_ =	sdelay $0x2  }
0xc1: {  	s31 =	sshll.u32 s1, $0xD;
	s1 =	sshrl.u32 s1, $0x2  }
0xc2: {  	s3 =	sand.u32 $0x4000, s31;
	s1 =	sadd.s32 s1, s30  }
0xc3: {  	s0 =	sor.u32 s3, s0;
	s1 =	sshll.u32 s1, $0x11  }
0xc4: {  	s0 =	sor.u32 s1, s0  }
0xc5: {  	s0 =	sadd.s32 $0x8F2B, s0  }
0xc6: {  	[sflag:s0] =	ssyncadd.remote.s32 $0x1  }
0xc7: {  	_ =	sfence.sel $0xFFFF  }
0xc8: {  	[dreg:$0x0] =	wrdreg $0xFFFFFFFF;
	(pc) =	sbr.abs _section_cstart, $3  }
0xc9: {  	[dreg:$0x1] =	wrdreg $0xFFFFFFFF  }
0xca: {  	_ =	task.clear_ibuf [dreg:s9], $0x2FFFF;
	_ =	strace $0x9FFFFFFF  }
0xcb: {  	(tm) =	ssettm $0x7FFFFFFF  }
tec
execute0_lowered:
.L_overlay_start_1:
0x0: {  	(tag) =	ssettag $0x1  }
0x1: {  	s0 =	rddreg [dreg:$0x0]  }
0x2: {  	s1 =	rddreg [dreg:$0x1]  }
0x3: {  	s3 =	rddreg [dreg:$0x2]  }
0x4: {  	s2 =	rddreg [dreg:$0x3]  }
0x5: {  	s5 =	srdreg.scid;
	s6 =	stileid.u32  }
0x6: {  	s4 =	simm.s32 $0x0;
	s28 =	simm.s32 $0x4800;
	s29 =	simm.s32 $0xC800  }
0x7: {  	s30 =	simm.s32 $0x2;
	s5 =	sand.u32 $0x1, s5;
	s6 =	sshll.u32 s6, $0x1  }
0x8: {  	s31 =	simm.s32 $0x4;
	s11 =	simm.s32 $0x500;
	s6 =	sor.u32 s5, s6  }
0x9: {  	[smem:$0x7FF] =	sst s4;
	s7 =	sshll.u32 s6, $0x8;
	s8 =	smul.u32 $0x34000, s6  }
0xa: {  	_ =	strace $0x80000047;
	s10 =	smul.u32 $0x6800, s6;
	s7 =	sadd.s32 s7, s0  }
0xb: {  	s0 =	sadd.s32 $0x4C00, s0;
	s8 =	sshrl.u32 s8, $0x3;
	s7 =	sadd.s32 $0x2C00, s7  }
0xc: {  	[dreg:$0x5] =	wrdreg s7;
	s15 =	sadd.s32 s0, s8;
	s0 =	sadd.s32 s0, s10  }
0xd: {  	s12 =	simm.s32 $0x580;
	[dreg:$0x6] =	wrdreg s0;
	s16 =	sadd.s32 $0x800, s15  }
0xe: {  	s13 =	simm.s32 $0x600;
	s17 =	sadd.s32 $0x1000, s15;
	[dreg:$0x7] =	wrdreg s16  }
0xf: {  	s14 =	simm.s32 $0x0;
	s18 =	sadd.s32 $0x1800, s15;
	[dreg:$0x8] =	wrdreg s17  }
0x10: {  	s5 =	ssub.s32 $0x2, s5;
	s19 =	sadd.s32 $0x2000, s15;
	[dreg:$0x9] =	wrdreg s18  }
0x11: {  	s9 =	sshrl.u32 s5, $0x1;
	s20 =	sadd.s32 $0x2800, s15;
	[dreg:$0xa] =	wrdreg s19  }
0x12: {  	s26 =	sshll.u32 s6, $0x4;
	s21 =	sadd.s32 $0x3000, s15;
	[dreg:$0xb] =	wrdreg s20  }
0x13: {  	s6 =	simm.s32 $0x280;
	s22 =	sadd.s32 $0x3800, s15;
	[dreg:$0xc] =	wrdreg s21  }
0x14: {  	s5 =	ssub.s32 s5, s9;
	s23 =	sadd.s32 $0x4000, s15;
	[dreg:$0xd] =	wrdreg s22  }
0x15: {  	s9 =	simm.s32 $0x400;
	s24 =	sadd.s32 $0x4800, s15;
	[dreg:$0xe] =	wrdreg s23  }
0x16: {  	s7 =	simm.s32 $0x300;
	s25 =	sadd.s32 $0x5000, s15;
	[dreg:$0xf] =	wrdreg s24  }
0x17: {  	s8 =	simm.s32 $0x380;
	s10 =	simm.s32 $0x480;
	[dreg:$0x10] =	wrdreg s25  }
0x18: {  	s17 =	sadd.s32 $0x5800, s15;
	s18 =	sadd.s32 $0x6000, s15;
	s19 =	sadd.s32 s2, s26  }
0x19: {  	s20 =	smax.u32 s5, $0x1;
	s21 =	simm.s32 $0x5;
	s22 =	simm.s32 $0x80  }
0x1a: {  	s23 =	simm.s32 $0x800;
	s24 =	simm.s32 $0x8800;
	s25 =	simm.s32 $0x1  }
0x1b: {  	s26 =	simm.s32 $0x3;
	s2 =	simm.s32 $0x180;
	s5 =	simm.s32 $0x200  }
.LBB2_1:
0x1c: {  	s0 =	rddreg [dreg:$0x5]  }
0x1d: {  	[tilespmem:s4], [sflag:$0x5] =	stream.linear.gather [hbm4b:s0+s4], $0x680, $0x38;
	[tilespmem:$0x10880] =	vst v63  }
0x1e: {  	_ =	swait.ge [sflag:s21], $0x680  }
0x1f: {  	[sflag:s21] =	ssyncset.done $0x0  }
0x20: {  	[sflag:s21] =	ssyncadd.s32 $0xFFFFF980  }
0x21: {  	[tilespmem:s23], [sflag:$0x1] =	stream.indirect.gather [hbm4b:s1+s22], $0x80, s4, s22, $0xb8;
	[tilespmem:$0x10880] =	vst v63  }
0x22: {  	_ = 	snop  }
0x23: {  	[tilespmem:s24], [sflag:$0x3] =	stream.indirect.gather [hbm4b:s3+s22], $0x80, s4, s22, $0xb8;
	[tilespmem:$0x10880] =	vst v63  }
0x24: {  	_ =	swait.ge [sflag:s25], $0x4000  }
0x25: {  	[sflag:s25] =	ssyncset.done $0x0  }
0x26: {  	[sflag:s25] =	ssyncadd.s32 $0xFFFFC000  }
0x27: {  	_ =	swait.ge [sflag:s26], $0x4000  }
0x28: {  	[sflag:s26] =	ssyncset.done $0x0  }
0x29: {  	[sflag:s26] =	ssyncadd.s32 $0xFFFFC000  }
0x2a: {  	[tilespmem:s28], [sflag:$0x2] =	stream.indirect.gather [hbm4b:s1+s22], $0x80, s22, s22, $0xb8;
	[tilespmem:$0x10880] =	vst v63  }
0x2b: {  	_ = 	snop  }
0x2c: {  	[tilespmem:s29], [sflag:$0x4] =	stream.indirect.gather [hbm4b:s3+s22], $0x80, s22, s22, $0xb8;
	[tilespmem:$0x10880] =	vst v63  }
0x2d: {  	s16 =	rddreg [dreg:$0x6]  }
0x2e: {  	[hbm4b:s16+s4] =	stream.linear.scatter [tilespmem:s23], [sflag:$0x5], $0x4000, $0x38;
	[tilespmem:$0x10880] =	vst v63  }
0x2f: {  	_ =	swait.ge [sflag:s21], $0x4000  }
0x30: {  	[sflag:s21] =	ssyncset.done $0x0  }
0x31: {  	s16 =	simm.s32 $0x0;
	[sflag:s21] =	ssyncadd.s32 $0xFFFFC000  }
0x32: {  	v0 =	vld [tilespmem:s16+$0x8870]  }
0x33: {  	v2 =	vld [tilespmem:s16+$0x8800]  }
0x34: {  	v4 =	vld [tilespmem:s16+$0x8810]  }
0x35: {  	v5 =	vld [tilespmem:s16+$0x8820]  }
0x36: {  	v8 =	vld [tilespmem:s16+$0x8830]  }
0x37: {  	v3 =	vimm.f32 $0.0e+00;
	v9 =	vimm.f32 $0.0e+00;
	v6 =	vld [tilespmem:s16+$0x8840]  }
0x38: {  	v10 =	vimm.f32 $0.0e+00;
	v7 =	vimm.f32 $0.0e+00;
	v11 =	vld [tilespmem:s16+$0x8850];
	v1 =	vadd.f32 v0, v3  }
0x39: {  	s15 =	simm.s32 $0x80;
	s0 =	simm.s32 $0x400;
	v12 =	vld [tilespmem:s16+$0x8860];
	v0 =	vadd.f32 v2, v3;
	v2 =	vadd.f32 v4, v3;
	v4 =	vimm.f32 $0.0e+00  }
.LBB2_2:
0x3a: {  	p0 =	sne.s32 s0, $0xFE00;
	v13 =	vld [tilespmem:s15+$0x8870];
	v3 =	vadd.f32 v5, v3  }
0x3b: {  	v14 =	vld [tilespmem:s15+$0x8800];
	v4 =	vadd.f32 v8, v4  }
0x3c: {  	v15 =	vld [tilespmem:s15+$0x8810];
	v9 =	vadd.f32 v6, v9  }
.Ltmp0:
0x3d: {  	v5 =	vld [tilespmem:s15+$0x8820];
	v10 =	vadd.f32 v11, v10;
	(pc) =	sbr.rel @p0 .LBB2_2-.Ltmp0, $4  }
0x3e: {  	v8 =	vld [tilespmem:s15+$0x8830];
	v7 =	vadd.f32 v12, v7  }
0x3f: {  	v6 =	vld [tilespmem:s15+$0x8840];
	v1 =	vadd.f32 v13, v1  }
0x40: {  	v0 =	vadd.f32 v14, v0;
	v11 =	vld [tilespmem:s15+$0x8850]  }
0x41: {  	v2 =	vadd.f32 v15, v2;
	v12 =	vld [tilespmem:s15+$0x8860];
	s15 =	sshra.s32 s0, $0x2;
	s0 =	sadd.s32 $0x200, s0  }
0x42: {  	v13 =	vld [tilespmem:s15+$0x8870]  }
0x43: {  	v14 =	vld [tilespmem:s15+$0x8800]  }
0x44: {  	v15 =	vld [tilespmem:s15+$0x8810]  }
0x45: {  	v16 =	vld [tilespmem:s15+$0x8820]  }
0x46: {  	v17 =	vld [tilespmem:s15+$0x8830]  }
0x47: {  	v18 =	vld [tilespmem:s15+$0x8840]  }
0x48: {  	v19 =	vld [tilespmem:s15+$0x8850]  }
0x49: {  	v20 =	vld [tilespmem:s15+$0x8860];
	_ =	swait.ge [sflag:s30], $0x4000  }
0x4a: {  	[sflag:s30] =	ssyncset.done $0x0  }
0x4b: {  	[sflag:s30] =	ssyncadd.s32 $0xFFFFC000  }
0x4c: {  	_ =	swait.ge [sflag:s31], $0x4000  }
0x4d: {  	[sflag:s31] =	ssyncset.done $0x0  }
0x4e: {  	s0 =	simm.s32 $0x100;
	[sflag:s31] =	ssyncadd.s32 $0xFFFFC000  }
0x4f: {  	[tilespmem:s23], [sflag:$0x1] =	stream.indirect.gather [hbm4b:s1+s22], $0x80, s0, s22, $0xb8;
	[tilespmem:$0x10880] =	vst v63  }
0x50: {  	_ = 	snop  }
0x51: {  	[tilespmem:s24], [sflag:$0x3] =	stream.indirect.gather [hbm4b:s3+s22], $0x80, s0, s22, $0xb8;
	[tilespmem:$0x10880] =	vst v63  }
0x52: {  	s15 =	simm.s32 $0x0;
	s16 =	rddreg [dreg:$0x7]  }
0x53: {  	[hbm4b:s16+s15] =	stream.linear.scatter [tilespmem:s28], [sflag:$0x5], $0x4000, $0x38;
	[tilespmem:$0x10880] =	vst v63  }
0x54: {  	_ =	swait.ge [sflag:s21], $0x4000  }
0x55: {  	[sflag:s21] =	ssyncset.done $0x0  }
0x56: {  	s16 =	simm.s32 $0x0;
	[sflag:s21] =	ssyncadd.s32 $0xFFFFC000  }
0x57: {  	v3 =	vadd.f32 v5, v3;
	v4 =	vadd.f32 v8, v4;
	v5 =	vld [tilespmem:s16+$0xC870]  }
0x58: {  	v6 =	vadd.f32 v6, v9;
	v10 =	vadd.f32 v11, v10;
	v21 =	vld [tilespmem:s16+$0xC800]  }
0x59: {  	v7 =	vadd.f32 v12, v7;
	v11 =	vadd.f32 v13, v1;
	v12 =	vld [tilespmem:s16+$0xC810]  }
0x5a: {  	v13 =	vadd.f32 v14, v0;
	v14 =	vadd.f32 v15, v2;
	v8 =	vld [tilespmem:s16+$0xC820]  }
0x5b: {  	v0 =	vadd.f32 v16, v3;
	v1 =	vadd.f32 v17, v4;
	v9 =	vld [tilespmem:s16+$0xC830]  }
0x5c: {  	v2 =	vadd.f32 v18, v6;
	v3 =	vadd.f32 v19, v10;
	v10 =	vld [tilespmem:s16+$0xC840]  }
0x5d: {  	v4 =	vadd.f32 v20, v7;
	v5 =	vadd.f32 v5, v11;
	v11 =	vld [tilespmem:s16+$0xC850]  }
0x5e: {  	s0 =	simm.s32 $0x400;
	s15 =	simm.s32 $0x80;
	v6 =	vadd.f32 v21, v13;
	v7 =	vadd.f32 v12, v14;
	v12 =	vld [tilespmem:s16+$0xC860]  }
.LBB2_4:
0x5f: {  	p0 =	sne.s32 s0, $0xFE00;
	v13 =	vld [tilespmem:s15+$0xC870];
	v0 =	vadd.f32 v8, v0  }
0x60: {  	v14 =	vld [tilespmem:s15+$0xC800];
	v1 =	vadd.f32 v9, v1  }
0x61: {  	v15 =	vld [tilespmem:s15+$0xC810];
	v2 =	vadd.f32 v10, v2  }
.Ltmp1:
0x62: {  	v8 =	vld [tilespmem:s15+$0xC820];
	v3 =	vadd.f32 v11, v3;
	(pc) =	sbr.rel @p0 .LBB2_4-.Ltmp1, $4  }
0x63: {  	v9 =	vld [tilespmem:s15+$0xC830];
	v4 =	vadd.f32 v12, v4  }
0x64: {  	v10 =	vld [tilespmem:s15+$0xC840];
	v5 =	vadd.f32 v13, v5  }
0x65: {  	v6 =	vadd.f32 v14, v6;
	v11 =	vld [tilespmem:s15+$0xC850]  }
0x66: {  	v7 =	vadd.f32 v15, v7;
	v12 =	vld [tilespmem:s15+$0xC860];
	s15 =	sshra.s32 s0, $0x2;
	s0 =	sadd.s32 $0x200, s0  }
0x67: {  	v13 =	vld [tilespmem:s15+$0xC870]  }
0x68: {  	v14 =	vld [tilespmem:s15+$0xC800]  }
0x69: {  	v15 =	vld [tilespmem:s15+$0xC810]  }
0x6a: {  	v16 =	vld [tilespmem:s15+$0xC820]  }
0x6b: {  	v17 =	vld [tilespmem:s15+$0xC830]  }
0x6c: {  	v18 =	vld [tilespmem:s15+$0xC840]  }
0x6d: {  	v19 =	vld [tilespmem:s15+$0xC850]  }
0x6e: {  	v20 =	vld [tilespmem:s15+$0xC860];
	_ =	swait.ge [sflag:s25], $0x4000  }
0x6f: {  	[sflag:s25] =	ssyncset.done $0x0  }
0x70: {  	[sflag:s25] =	ssyncadd.s32 $0xFFFFC000  }
0x71: {  	_ =	swait.ge [sflag:s26], $0x4000  }
0x72: {  	[sflag:s26] =	ssyncset.done $0x0  }
0x73: {  	[sflag:s26] =	ssyncadd.s32 $0xFFFFC000  }
0x74: {  	[tilespmem:s28], [sflag:$0x2] =	stream.indirect.gather [hbm4b:s1+s22], $0x80, s2, s22, $0xb8;
	[tilespmem:$0x10880] =	vst v63  }
0x75: {  	_ = 	snop  }
0x76: {  	[tilespmem:s29], [sflag:$0x4] =	stream.indirect.gather [hbm4b:s3+s22], $0x80, s2, s22, $0xb8;
	[tilespmem:$0x10880] =	vst v63  }
0x77: {  	s0 =	simm.s32 $0x0;
	s16 =	rddreg [dreg:$0x8]  }
0x78: {  	[hbm4b:s16+s0] =	stream.linear.scatter [tilespmem:s23], [sflag:$0x5], $0x4000, $0x38;
	[tilespmem:$0x10880] =	vst v63  }
0x79: {  	_ =	swait.ge [sflag:s21], $0x4000  }
0x7a: {  	[sflag:s21] =	ssyncset.done $0x0  }
0x7b: {  	s16 =	simm.s32 $0x0;
	[sflag:s21] =	ssyncadd.s32 $0xFFFFC000  }
0x7c: {  	v0 =	vadd.f32 v8, v0;
	v1 =	vadd.f32 v9, v1;
	v21 =	vld [tilespmem:s16+$0x8870]  }
0x7d: {  	v2 =	vadd.f32 v10, v2;
	v3 =	vadd.f32 v11, v3;
	v22 =	vld [tilespmem:s16+$0x8800]  }
0x7e: {  	v4 =	vadd.f32 v12, v4;
	v5 =	vadd.f32 v13, v5;
	v12 =	vld [tilespmem:s16+$0x8810]  }
0x7f: {  	v6 =	vadd.f32 v14, v6;
	v7 =	vadd.f32 v15, v7;
	v8 =	vld [tilespmem:s16+$0x8820]  }
0x80: {  	v0 =	vadd.f32 v16, v0;
	v1 =	vadd.f32 v17, v1;
	v9 =	vld [tilespmem:s16+$0x8830]  }
0x81: {  	v2 =	vadd.f32 v18, v2;
	v3 =	vadd.f32 v19, v3;
	v10 =	vld [tilespmem:s16+$0x8840]  }
0x82: {  	v4 =	vadd.f32 v20, v4;
	v11 =	vld [tilespmem:s16+$0x8850];
	v5 =	vadd.f32 v21, v5  }
0x83: {  	s15 =	simm.s32 $0x80;
	s0 =	simm.s32 $0x400;
	v6 =	vadd.f32 v22, v6;
	v7 =	vadd.f32 v12, v7;
	v12 =	vld [tilespmem:s16+$0x8860]  }
.LBB2_6:
0x84: {  	p0 =	sne.s32 s0, $0xFE00;
	v13 =	vld [tilespmem:s15+$0x8870];
	v0 =	vadd.f32 v8, v0  }
0x85: {  	v14 =	vld [tilespmem:s15+$0x8800];
	v1 =	vadd.f32 v9, v1  }
0x86: {  	v15 =	vld [tilespmem:s15+$0x8810];
	v2 =	vadd.f32 v10, v2  }
.Ltmp2:
0x87: {  	v8 =	vld [tilespmem:s15+$0x8820];
	v3 =	vadd.f32 v11, v3;
	(pc) =	sbr.rel @p0 .LBB2_6-.Ltmp2, $4  }
0x88: {  	v9 =	vld [tilespmem:s15+$0x8830];
	v4 =	vadd.f32 v12, v4  }
0x89: {  	v10 =	vld [tilespmem:s15+$0x8840];
	v5 =	vadd.f32 v13, v5  }
0x8a: {  	v6 =	vadd.f32 v14, v6;
	v11 =	vld [tilespmem:s15+$0x8850]  }
0x8b: {  	v7 =	vadd.f32 v15, v7;
	v12 =	vld [tilespmem:s15+$0x8860];
	s15 =	sshra.s32 s0, $0x2;
	s0 =	sadd.s32 $0x200, s0  }
0x8c: {  	v13 =	vld [tilespmem:s15+$0x8870]  }
0x8d: {  	v14 =	vld [tilespmem:s15+$0x8800]  }
0x8e: {  	v15 =	vld [tilespmem:s15+$0x8810]  }
0x8f: {  	v16 =	vld [tilespmem:s15+$0x8820]  }
0x90: {  	v17 =	vld [tilespmem:s15+$0x8830]  }
0x91: {  	v18 =	vld [tilespmem:s15+$0x8840]  }
0x92: {  	v19 =	vld [tilespmem:s15+$0x8850]  }
0x93: {  	v20 =	vld [tilespmem:s15+$0x8860];
	_ =	swait.ge [sflag:s30], $0x4000  }
0x94: {  	[sflag:s30] =	ssyncset.done $0x0  }
0x95: {  	[sflag:s30] =	ssyncadd.s32 $0xFFFFC000  }
0x96: {  	_ =	swait.ge [sflag:s31], $0x4000  }
0x97: {  	[sflag:s31] =	ssyncset.done $0x0  }
0x98: {  	[sflag:s31] =	ssyncadd.s32 $0xFFFFC000  }
0x99: {  	[tilespmem:s23], [sflag:$0x1] =	stream.indirect.gather [hbm4b:s1+s22], $0x80, s5, s22, $0xb8;
	[tilespmem:$0x10880] =	vst v63  }
0x9a: {  	_ = 	snop  }
0x9b: {  	[tilespmem:s24], [sflag:$0x3] =	stream.indirect.gather [hbm4b:s3+s22], $0x80, s5, s22, $0xb8;
	[tilespmem:$0x10880] =	vst v63  }
0x9c: {  	s0 =	simm.s32 $0x0;
	s16 =	rddreg [dreg:$0x9]  }
0x9d: {  	[hbm4b:s16+s0] =	stream.linear.scatter [tilespmem:s28], [sflag:$0x5], $0x4000, $0x38;
	[tilespmem:$0x10880] =	vst v63  }
0x9e: {  	_ =	swait.ge [sflag:s21], $0x4000  }
0x9f: {  	[sflag:s21] =	ssyncset.done $0x0  }
0xa0: {  	s16 =	simm.s32 $0x0;
	[sflag:s21] =	ssyncadd.s32 $0xFFFFC000  }
0xa1: {  	v0 =	vadd.f32 v8, v0;
	v1 =	vadd.f32 v9, v1;
	v21 =	vld [tilespmem:s16+$0xC870]  }
0xa2: {  	v2 =	vadd.f32 v10, v2;
	v3 =	vadd.f32 v11, v3;
	v22 =	vld [tilespmem:s16+$0xC800]  }
0xa3: {  	v4 =	vadd.f32 v12, v4;
	v5 =	vadd.f32 v13, v5;
	v12 =	vld [tilespmem:s16+$0xC810]  }
0xa4: {  	v6 =	vadd.f32 v14, v6;
	v7 =	vadd.f32 v15, v7;
	v8 =	vld [tilespmem:s16+$0xC820]  }
0xa5: {  	v0 =	vadd.f32 v16, v0;
	v1 =	vadd.f32 v17, v1;
	v9 =	vld [tilespmem:s16+$0xC830]  }
0xa6: {  	v2 =	vadd.f32 v18, v2;
	v3 =	vadd.f32 v19, v3;
	v10 =	vld [tilespmem:s16+$0xC840]  }
0xa7: {  	v4 =	vadd.f32 v20, v4;
	v11 =	vld [tilespmem:s16+$0xC850];
	v5 =	vadd.f32 v21, v5  }
0xa8: {  	s15 =	simm.s32 $0x80;
	s0 =	simm.s32 $0x400;
	v6 =	vadd.f32 v22, v6;
	v7 =	vadd.f32 v12, v7;
	v12 =	vld [tilespmem:s16+$0xC860]  }
.LBB2_8:
0xa9: {  	p0 =	sne.s32 s0, $0xFE00;
	v13 =	vld [tilespmem:s15+$0xC870];
	v0 =	vadd.f32 v8, v0  }
0xaa: {  	v14 =	vld [tilespmem:s15+$0xC800];
	v1 =	vadd.f32 v9, v1  }
0xab: {  	v15 =	vld [tilespmem:s15+$0xC810];
	v2 =	vadd.f32 v10, v2  }
.Ltmp3:
0xac: {  	v8 =	vld [tilespmem:s15+$0xC820];
	v3 =	vadd.f32 v11, v3;
	(pc) =	sbr.rel @p0 .LBB2_8-.Ltmp3, $4  }
0xad: {  	v9 =	vld [tilespmem:s15+$0xC830];
	v4 =	vadd.f32 v12, v4  }
0xae: {  	v10 =	vld [tilespmem:s15+$0xC840];
	v5 =	vadd.f32 v13, v5  }
0xaf: {  	v6 =	vadd.f32 v14, v6;
	v11 =	vld [tilespmem:s15+$0xC850]  }
0xb0: {  	v7 =	vadd.f32 v15, v7;
	v12 =	vld [tilespmem:s15+$0xC860];
	s15 =	sshra.s32 s0, $0x2;
	s0 =	sadd.s32 $0x200, s0  }
0xb1: {  	v13 =	vld [tilespmem:s15+$0xC870]  }
0xb2: {  	v14 =	vld [tilespmem:s15+$0xC800]  }
0xb3: {  	v15 =	vld [tilespmem:s15+$0xC810]  }
0xb4: {  	v16 =	vld [tilespmem:s15+$0xC820]  }
0xb5: {  	v17 =	vld [tilespmem:s15+$0xC830]  }
0xb6: {  	v18 =	vld [tilespmem:s15+$0xC840]  }
0xb7: {  	v19 =	vld [tilespmem:s15+$0xC850]  }
0xb8: {  	v20 =	vld [tilespmem:s15+$0xC860];
	_ =	swait.ge [sflag:s25], $0x4000  }
0xb9: {  	[sflag:s25] =	ssyncset.done $0x0  }
0xba: {  	[sflag:s25] =	ssyncadd.s32 $0xFFFFC000  }
0xbb: {  	_ =	swait.ge [sflag:s26], $0x4000  }
0xbc: {  	[sflag:s26] =	ssyncset.done $0x0  }
0xbd: {  	[sflag:s26] =	ssyncadd.s32 $0xFFFFC000  }
0xbe: {  	[tilespmem:s28], [sflag:$0x2] =	stream.indirect.gather [hbm4b:s1+s22], $0x80, s6, s22, $0xb8;
	[tilespmem:$0x10880] =	vst v63  }
0xbf: {  	_ = 	snop  }
0xc0: {  	[tilespmem:s29], [sflag:$0x4] =	stream.indirect.gather [hbm4b:s3+s22], $0x80, s6, s22, $0xb8;
	[tilespmem:$0x10880] =	vst v63  }
0xc1: {  	s0 =	simm.s32 $0x0;
	s16 =	rddreg [dreg:$0xa]  }
0xc2: {  	[hbm4b:s16+s0] =	stream.linear.scatter [tilespmem:s23], [sflag:$0x5], $0x4000, $0x38;
	[tilespmem:$0x10880] =	vst v63  }
0xc3: {  	_ =	swait.ge [sflag:s21], $0x4000  }
0xc4: {  	[sflag:s21] =	ssyncset.done $0x0  }
0xc5: {  	s16 =	simm.s32 $0x0;
	[sflag:s21] =	ssyncadd.s32 $0xFFFFC000  }
0xc6: {  	v0 =	vadd.f32 v8, v0;
	v1 =	vadd.f32 v9, v1;
	v21 =	vld [tilespmem:s16+$0x8870]  }
0xc7: {  	v2 =	vadd.f32 v10, v2;
	v3 =	vadd.f32 v11, v3;
	v22 =	vld [tilespmem:s16+$0x8800]  }
0xc8: {  	v4 =	vadd.f32 v12, v4;
	v5 =	vadd.f32 v13, v5;
	v12 =	vld [tilespmem:s16+$0x8810]  }
0xc9: {  	v6 =	vadd.f32 v14, v6;
	v7 =	vadd.f32 v15, v7;
	v8 =	vld [tilespmem:s16+$0x8820]  }
0xca: {  	v0 =	vadd.f32 v16, v0;
	v1 =	vadd.f32 v17, v1;
	v9 =	vld [tilespmem:s16+$0x8830]  }
0xcb: {  	v2 =	vadd.f32 v18, v2;
	v3 =	vadd.f32 v19, v3;
	v10 =	vld [tilespmem:s16+$0x8840]  }
0xcc: {  	v4 =	vadd.f32 v20, v4;
	v11 =	vld [tilespmem:s16+$0x8850];
	v5 =	vadd.f32 v21, v5  }
0xcd: {  	s15 =	simm.s32 $0x80;
	s0 =	simm.s32 $0x400;
	v6 =	vadd.f32 v22, v6;
	v7 =	vadd.f32 v12, v7;
	v12 =	vld [tilespmem:s16+$0x8860]  }
.LBB2_10:
0xce: {  	p0 =	sne.s32 s0, $0xFE00;
	v13 =	vld [tilespmem:s15+$0x8870];
	v0 =	vadd.f32 v8, v0  }
0xcf: {  	v14 =	vld [tilespmem:s15+$0x8800];
	v1 =	vadd.f32 v9, v1  }
0xd0: {  	v15 =	vld [tilespmem:s15+$0x8810];
	v2 =	vadd.f32 v10, v2  }
.Ltmp4:
0xd1: {  	v8 =	vld [tilespmem:s15+$0x8820];
	v3 =	vadd.f32 v11, v3;
	(pc) =	sbr.rel @p0 .LBB2_10-.Ltmp4, $4  }
0xd2: {  	v9 =	vld [tilespmem:s15+$0x8830];
	v4 =	vadd.f32 v12, v4  }
0xd3: {  	v10 =	vld [tilespmem:s15+$0x8840];
	v5 =	vadd.f32 v13, v5  }
0xd4: {  	v6 =	vadd.f32 v14, v6;
	v11 =	vld [tilespmem:s15+$0x8850]  }
0xd5: {  	v7 =	vadd.f32 v15, v7;
	v12 =	vld [tilespmem:s15+$0x8860];
	s15 =	sshra.s32 s0, $0x2;
	s0 =	sadd.s32 $0x200, s0  }
0xd6: {  	v13 =	vld [tilespmem:s15+$0x8870]  }
0xd7: {  	v14 =	vld [tilespmem:s15+$0x8800]  }
0xd8: {  	v15 =	vld [tilespmem:s15+$0x8810]  }
0xd9: {  	v16 =	vld [tilespmem:s15+$0x8820]  }
0xda: {  	v17 =	vld [tilespmem:s15+$0x8830]  }
0xdb: {  	v18 =	vld [tilespmem:s15+$0x8840]  }
0xdc: {  	v19 =	vld [tilespmem:s15+$0x8850]  }
0xdd: {  	v20 =	vld [tilespmem:s15+$0x8860];
	_ =	swait.ge [sflag:s30], $0x4000  }
0xde: {  	[sflag:s30] =	ssyncset.done $0x0  }
0xdf: {  	[sflag:s30] =	ssyncadd.s32 $0xFFFFC000  }
0xe0: {  	_ =	swait.ge [sflag:s31], $0x4000  }
0xe1: {  	[sflag:s31] =	ssyncset.done $0x0  }
0xe2: {  	[sflag:s31] =	ssyncadd.s32 $0xFFFFC000  }
0xe3: {  	[tilespmem:s23], [sflag:$0x1] =	stream.indirect.gather [hbm4b:s1+s22], $0x80, s7, s22, $0xb8;
	[tilespmem:$0x10880] =	vst v63  }
0xe4: {  	_ = 	snop  }
0xe5: {  	[tilespmem:s24], [sflag:$0x3] =	stream.indirect.gather [hbm4b:s3+s22], $0x80, s7, s22, $0xb8;
	[tilespmem:$0x10880] =	vst v63  }
0xe6: {  	s0 =	simm.s32 $0x0;
	s16 =	rddreg [dreg:$0xb]  }
0xe7: {  	[hbm4b:s16+s0] =	stream.linear.scatter [tilespmem:s28], [sflag:$0x5], $0x4000, $0x38;
	[tilespmem:$0x10880] =	vst v63  }
0xe8: {  	_ =	swait.ge [sflag:s21], $0x4000  }
0xe9: {  	[sflag:s21] =	ssyncset.done $0x0  }
0xea: {  	s16 =	simm.s32 $0x0;
	[sflag:s21] =	ssyncadd.s32 $0xFFFFC000  }
0xeb: {  	v0 =	vadd.f32 v8, v0;
	v1 =	vadd.f32 v9, v1;
	v21 =	vld [tilespmem:s16+$0xC870]  }
0xec: {  	v2 =	vadd.f32 v10, v2;
	v3 =	vadd.f32 v11, v3;
	v22 =	vld [tilespmem:s16+$0xC800]  }
0xed: {  	v4 =	vadd.f32 v12, v4;
	v5 =	vadd.f32 v13, v5;
	v12 =	vld [tilespmem:s16+$0xC810]  }
0xee: {  	v6 =	vadd.f32 v14, v6;
	v7 =	vadd.f32 v15, v7;
	v8 =	vld [tilespmem:s16+$0xC820]  }
0xef: {  	v0 =	vadd.f32 v16, v0;
	v1 =	vadd.f32 v17, v1;
	v9 =	vld [tilespmem:s16+$0xC830]  }
0xf0: {  	v2 =	vadd.f32 v18, v2;
	v3 =	vadd.f32 v19, v3;
	v10 =	vld [tilespmem:s16+$0xC840]  }
0xf1: {  	v4 =	vadd.f32 v20, v4;
	v11 =	vld [tilespmem:s16+$0xC850];
	v5 =	vadd.f32 v21, v5  }
0xf2: {  	s15 =	simm.s32 $0x80;
	s0 =	simm.s32 $0x400;
	v6 =	vadd.f32 v22, v6;
	v7 =	vadd.f32 v12, v7;
	v12 =	vld [tilespmem:s16+$0xC860]  }
.LBB2_12:
0xf3: {  	p0 =	sne.s32 s0, $0xFE00;
	v13 =	vld [tilespmem:s15+$0xC870];
	v0 =	vadd.f32 v8, v0  }
0xf4: {  	v14 =	vld [tilespmem:s15+$0xC800];
	v1 =	vadd.f32 v9, v1  }
0xf5: {  	v15 =	vld [tilespmem:s15+$0xC810];
	v2 =	vadd.f32 v10, v2  }
.Ltmp5:
0xf6: {  	v8 =	vld [tilespmem:s15+$0xC820];
	v3 =	vadd.f32 v11, v3;
	(pc) =	sbr.rel @p0 .LBB2_12-.Ltmp5, $4  }
0xf7: {  	v9 =	vld [tilespmem:s15+$0xC830];
	v4 =	vadd.f32 v12, v4  }
0xf8: {  	v10 =	vld [tilespmem:s15+$0xC840];
	v5 =	vadd.f32 v13, v5  }
0xf9: {  	v6 =	vadd.f32 v14, v6;
	v11 =	vld [tilespmem:s15+$0xC850]  }
0xfa: {  	v7 =	vadd.f32 v15, v7;
	v12 =	vld [tilespmem:s15+$0xC860];
	s15 =	sshra.s32 s0, $0x2;
	s0 =	sadd.s32 $0x200, s0  }
0xfb: {  	v13 =	vld [tilespmem:s15+$0xC870]  }
0xfc: {  	v14 =	vld [tilespmem:s15+$0xC800]  }
0xfd: {  	v15 =	vld [tilespmem:s15+$0xC810]  }
0xfe: {  	v16 =	vld [tilespmem:s15+$0xC820]  }
0xff: {  	v17 =	vld [tilespmem:s15+$0xC830]  }
0x100: {  	v18 =	vld [tilespmem:s15+$0xC840]  }
0x101: {  	v19 =	vld [tilespmem:s15+$0xC850]  }
0x102: {  	v20 =	vld [tilespmem:s15+$0xC860];
	_ =	swait.ge [sflag:s25], $0x4000  }
0x103: {  	[sflag:s25] =	ssyncset.done $0x0  }
0x104: {  	[sflag:s25] =	ssyncadd.s32 $0xFFFFC000  }
0x105: {  	_ =	swait.ge [sflag:s26], $0x4000  }
0x106: {  	[sflag:s26] =	ssyncset.done $0x0  }
0x107: {  	[sflag:s26] =	ssyncadd.s32 $0xFFFFC000  }
0x108: {  	[tilespmem:s28], [sflag:$0x2] =	stream.indirect.gather [hbm4b:s1+s22], $0x80, s8, s22, $0xb8;
	[tilespmem:$0x10880] =	vst v63  }
0x109: {  	_ = 	snop  }
0x10a: {  	[tilespmem:s29], [sflag:$0x4] =	stream.indirect.gather [hbm4b:s3+s22], $0x80, s8, s22, $0xb8;
	[tilespmem:$0x10880] =	vst v63  }
0x10b: {  	s0 =	simm.s32 $0x0;
	s16 =	rddreg [dreg:$0xc]  }
0x10c: {  	[hbm4b:s16+s0] =	stream.linear.scatter [tilespmem:s23], [sflag:$0x5], $0x4000, $0x38;
	[tilespmem:$0x10880] =	vst v63  }
0x10d: {  	_ =	swait.ge [sflag:s21], $0x4000  }
0x10e: {  	[sflag:s21] =	ssyncset.done $0x0  }
0x10f: {  	s16 =	simm.s32 $0x0;
	[sflag:s21] =	ssyncadd.s32 $0xFFFFC000  }
0x110: {  	v0 =	vadd.f32 v8, v0;
	v1 =	vadd.f32 v9, v1;
	v21 =	vld [tilespmem:s16+$0x8870]  }
0x111: {  	v2 =	vadd.f32 v10, v2;
	v3 =	vadd.f32 v11, v3;
	v22 =	vld [tilespmem:s16+$0x8800]  }
0x112: {  	v4 =	vadd.f32 v12, v4;
	v5 =	vadd.f32 v13, v5;
	v12 =	vld [tilespmem:s16+$0x8810]  }
0x113: {  	v6 =	vadd.f32 v14, v6;
	v7 =	vadd.f32 v15, v7;
	v8 =	vld [tilespmem:s16+$0x8820]  }
0x114: {  	v0 =	vadd.f32 v16, v0;
	v1 =	vadd.f32 v17, v1;
	v9 =	vld [tilespmem:s16+$0x8830]  }
0x115: {  	v2 =	vadd.f32 v18, v2;
	v3 =	vadd.f32 v19, v3;
	v10 =	vld [tilespmem:s16+$0x8840]  }
0x116: {  	v4 =	vadd.f32 v20, v4;
	v11 =	vld [tilespmem:s16+$0x8850];
	v5 =	vadd.f32 v21, v5  }
0x117: {  	s15 =	simm.s32 $0x80;
	s0 =	simm.s32 $0x400;
	v6 =	vadd.f32 v22, v6;
	v7 =	vadd.f32 v12, v7;
	v12 =	vld [tilespmem:s16+$0x8860]  }
.LBB2_14:
0x118: {  	p0 =	sne.s32 s0, $0xFE00;
	v13 =	vld [tilespmem:s15+$0x8870];
	v0 =	vadd.f32 v8, v0  }
0x119: {  	v14 =	vld [tilespmem:s15+$0x8800];
	v1 =	vadd.f32 v9, v1  }
0x11a: {  	v15 =	vld [tilespmem:s15+$0x8810];
	v2 =	vadd.f32 v10, v2  }
.Ltmp6:
0x11b: {  	v8 =	vld [tilespmem:s15+$0x8820];
	v3 =	vadd.f32 v11, v3;
	(pc) =	sbr.rel @p0 .LBB2_14-.Ltmp6, $4  }
0x11c: {  	v9 =	vld [tilespmem:s15+$0x8830];
	v4 =	vadd.f32 v12, v4  }
0x11d: {  	v10 =	vld [tilespmem:s15+$0x8840];
	v5 =	vadd.f32 v13, v5  }
0x11e: {  	v6 =	vadd.f32 v14, v6;
	v11 =	vld [tilespmem:s15+$0x8850]  }
0x11f: {  	v7 =	vadd.f32 v15, v7;
	v12 =	vld [tilespmem:s15+$0x8860];
	s15 =	sshra.s32 s0, $0x2;
	s0 =	sadd.s32 $0x200, s0  }
0x120: {  	v13 =	vld [tilespmem:s15+$0x8870]  }
0x121: {  	v14 =	vld [tilespmem:s15+$0x8800]  }
0x122: {  	v15 =	vld [tilespmem:s15+$0x8810]  }
0x123: {  	v16 =	vld [tilespmem:s15+$0x8820]  }
0x124: {  	v17 =	vld [tilespmem:s15+$0x8830]  }
0x125: {  	v18 =	vld [tilespmem:s15+$0x8840]  }
0x126: {  	v19 =	vld [tilespmem:s15+$0x8850]  }
0x127: {  	v20 =	vld [tilespmem:s15+$0x8860];
	_ =	swait.ge [sflag:s30], $0x4000  }
0x128: {  	[sflag:s30] =	ssyncset.done $0x0  }
0x129: {  	[sflag:s30] =	ssyncadd.s32 $0xFFFFC000  }
0x12a: {  	_ =	swait.ge [sflag:s31], $0x4000  }
0x12b: {  	[sflag:s31] =	ssyncset.done $0x0  }
0x12c: {  	[sflag:s31] =	ssyncadd.s32 $0xFFFFC000  }
0x12d: {  	[tilespmem:s23], [sflag:$0x1] =	stream.indirect.gather [hbm4b:s1+s22], $0x80, s9, s22, $0xb8;
	[tilespmem:$0x10880] =	vst v63  }
0x12e: {  	_ = 	snop  }
0x12f: {  	[tilespmem:s24], [sflag:$0x3] =	stream.indirect.gather [hbm4b:s3+s22], $0x80, s9, s22, $0xb8;
	[tilespmem:$0x10880] =	vst v63  }
0x130: {  	s0 =	simm.s32 $0x0;
	s16 =	rddreg [dreg:$0xd]  }
0x131: {  	[hbm4b:s16+s0] =	stream.linear.scatter [tilespmem:s28], [sflag:$0x5], $0x4000, $0x38;
	[tilespmem:$0x10880] =	vst v63  }
0x132: {  	_ =	swait.ge [sflag:s21], $0x4000  }
0x133: {  	[sflag:s21] =	ssyncset.done $0x0  }
0x134: {  	s16 =	simm.s32 $0x0;
	[sflag:s21] =	ssyncadd.s32 $0xFFFFC000  }
0x135: {  	v0 =	vadd.f32 v8, v0;
	v1 =	vadd.f32 v9, v1;
	v21 =	vld [tilespmem:s16+$0xC870]  }
0x136: {  	v2 =	vadd.f32 v10, v2;
	v3 =	vadd.f32 v11, v3;
	v22 =	vld [tilespmem:s16+$0xC800]  }
0x137: {  	v4 =	vadd.f32 v12, v4;
	v5 =	vadd.f32 v13, v5;
	v12 =	vld [tilespmem:s16+$0xC810]  }
0x138: {  	v6 =	vadd.f32 v14, v6;
	v7 =	vadd.f32 v15, v7;
	v8 =	vld [tilespmem:s16+$0xC820]  }
0x139: {  	v0 =	vadd.f32 v16, v0;
	v1 =	vadd.f32 v17, v1;
	v9 =	vld [tilespmem:s16+$0xC830]  }
0x13a: {  	v2 =	vadd.f32 v18, v2;
	v3 =	vadd.f32 v19, v3;
	v10 =	vld [tilespmem:s16+$0xC840]  }
0x13b: {  	v4 =	vadd.f32 v20, v4;
	v11 =	vld [tilespmem:s16+$0xC850];
	v5 =	vadd.f32 v21, v5  }
0x13c: {  	s15 =	simm.s32 $0x80;
	s0 =	simm.s32 $0x400;
	v6 =	vadd.f32 v22, v6;
	v7 =	vadd.f32 v12, v7;
	v12 =	vld [tilespmem:s16+$0xC860]  }
.LBB2_16:
0x13d: {  	p0 =	sne.s32 s0, $0xFE00;
	v13 =	vld [tilespmem:s15+$0xC870];
	v0 =	vadd.f32 v8, v0  }
0x13e: {  	v14 =	vld [tilespmem:s15+$0xC800];
	v1 =	vadd.f32 v9, v1  }
0x13f: {  	v15 =	vld [tilespmem:s15+$0xC810];
	v2 =	vadd.f32 v10, v2  }
.Ltmp7:
0x140: {  	v8 =	vld [tilespmem:s15+$0xC820];
	v3 =	vadd.f32 v11, v3;
	(pc) =	sbr.rel @p0 .LBB2_16-.Ltmp7, $4  }
0x141: {  	v9 =	vld [tilespmem:s15+$0xC830];
	v4 =	vadd.f32 v12, v4  }
0x142: {  	v10 =	vld [tilespmem:s15+$0xC840];
	v5 =	vadd.f32 v13, v5  }
0x143: {  	v6 =	vadd.f32 v14, v6;
	v11 =	vld [tilespmem:s15+$0xC850]  }
0x144: {  	v7 =	vadd.f32 v15, v7;
	v12 =	vld [tilespmem:s15+$0xC860];
	s15 =	sshra.s32 s0, $0x2;
	s0 =	sadd.s32 $0x200, s0  }
0x145: {  	v13 =	vld [tilespmem:s15+$0xC870]  }
0x146: {  	v14 =	vld [tilespmem:s15+$0xC800]  }
0x147: {  	v15 =	vld [tilespmem:s15+$0xC810]  }
0x148: {  	v16 =	vld [tilespmem:s15+$0xC820]  }
0x149: {  	v17 =	vld [tilespmem:s15+$0xC830]  }
0x14a: {  	v18 =	vld [tilespmem:s15+$0xC840]  }
0x14b: {  	v19 =	vld [tilespmem:s15+$0xC850]  }
0x14c: {  	v20 =	vld [tilespmem:s15+$0xC860];
	_ =	swait.ge [sflag:s25], $0x4000  }
0x14d: {  	[sflag:s25] =	ssyncset.done $0x0  }
0x14e: {  	[sflag:s25] =	ssyncadd.s32 $0xFFFFC000  }
0x14f: {  	_ =	swait.ge [sflag:s26], $0x4000  }
0x150: {  	[sflag:s26] =	ssyncset.done $0x0  }
0x151: {  	[sflag:s26] =	ssyncadd.s32 $0xFFFFC000  }
0x152: {  	[tilespmem:s28], [sflag:$0x2] =	stream.indirect.gather [hbm4b:s1+s22], $0x80, s10, s22, $0xb8;
	[tilespmem:$0x10880] =	vst v63  }
0x153: {  	_ = 	snop  }
0x154: {  	[tilespmem:s29], [sflag:$0x4] =	stream.indirect.gather [hbm4b:s3+s22], $0x80, s10, s22, $0xb8;
	[tilespmem:$0x10880] =	vst v63  }
0x155: {  	s0 =	simm.s32 $0x0;
	s16 =	rddreg [dreg:$0xe]  }
0x156: {  	[hbm4b:s16+s0] =	stream.linear.scatter [tilespmem:s23], [sflag:$0x5], $0x4000, $0x38;
	[tilespmem:$0x10880] =	vst v63  }
0x157: {  	_ =	swait.ge [sflag:s21], $0x4000  }
0x158: {  	[sflag:s21] =	ssyncset.done $0x0  }
0x159: {  	s16 =	simm.s32 $0x0;
	[sflag:s21] =	ssyncadd.s32 $0xFFFFC000  }
0x15a: {  	v0 =	vadd.f32 v8, v0;
	v1 =	vadd.f32 v9, v1;
	v21 =	vld [tilespmem:s16+$0x8870]  }
0x15b: {  	v2 =	vadd.f32 v10, v2;
	v3 =	vadd.f32 v11, v3;
	v22 =	vld [tilespmem:s16+$0x8800]  }
0x15c: {  	v4 =	vadd.f32 v12, v4;
	v5 =	vadd.f32 v13, v5;
	v12 =	vld [tilespmem:s16+$0x8810]  }
0x15d: {  	v6 =	vadd.f32 v14, v6;
	v7 =	vadd.f32 v15, v7;
	v8 =	vld [tilespmem:s16+$0x8820]  }
0x15e: {  	v0 =	vadd.f32 v16, v0;
	v1 =	vadd.f32 v17, v1;
	v9 =	vld [tilespmem:s16+$0x8830]  }
0x15f: {  	v2 =	vadd.f32 v18, v2;
	v3 =	vadd.f32 v19, v3;
	v10 =	vld [tilespmem:s16+$0x8840]  }
0x160: {  	v4 =	vadd.f32 v20, v4;
	v11 =	vld [tilespmem:s16+$0x8850];
	v5 =	vadd.f32 v21, v5  }
0x161: {  	s15 =	simm.s32 $0x80;
	s0 =	simm.s32 $0x400;
	v6 =	vadd.f32 v22, v6;
	v7 =	vadd.f32 v12, v7;
	v12 =	vld [tilespmem:s16+$0x8860]  }
.LBB2_18:
0x162: {  	p0 =	sne.s32 s0, $0xFE00;
	v13 =	vld [tilespmem:s15+$0x8870];
	v0 =	vadd.f32 v8, v0  }
0x163: {  	v14 =	vld [tilespmem:s15+$0x8800];
	v1 =	vadd.f32 v9, v1  }
0x164: {  	v15 =	vld [tilespmem:s15+$0x8810];
	v2 =	vadd.f32 v10, v2  }
.Ltmp8:
0x165: {  	v8 =	vld [tilespmem:s15+$0x8820];
	v3 =	vadd.f32 v11, v3;
	(pc) =	sbr.rel @p0 .LBB2_18-.Ltmp8, $4  }
0x166: {  	v9 =	vld [tilespmem:s15+$0x8830];
	v4 =	vadd.f32 v12, v4  }
0x167: {  	v10 =	vld [tilespmem:s15+$0x8840];
	v5 =	vadd.f32 v13, v5  }
0x168: {  	v6 =	vadd.f32 v14, v6;
	v11 =	vld [tilespmem:s15+$0x8850]  }
0x169: {  	v7 =	vadd.f32 v15, v7;
	v12 =	vld [tilespmem:s15+$0x8860];
	s15 =	sshra.s32 s0, $0x2;
	s0 =	sadd.s32 $0x200, s0  }
0x16a: {  	v13 =	vld [tilespmem:s15+$0x8870]  }
0x16b: {  	v14 =	vld [tilespmem:s15+$0x8800]  }
0x16c: {  	v15 =	vld [tilespmem:s15+$0x8810]  }
0x16d: {  	v16 =	vld [tilespmem:s15+$0x8820]  }
0x16e: {  	v17 =	vld [tilespmem:s15+$0x8830]  }
0x16f: {  	v18 =	vld [tilespmem:s15+$0x8840]  }
0x170: {  	v19 =	vld [tilespmem:s15+$0x8850]  }
0x171: {  	v20 =	vld [tilespmem:s15+$0x8860];
	_ =	swait.ge [sflag:s30], $0x4000  }
0x172: {  	[sflag:s30] =	ssyncset.done $0x0  }
0x173: {  	[sflag:s30] =	ssyncadd.s32 $0xFFFFC000  }
0x174: {  	_ =	swait.ge [sflag:s31], $0x4000  }
0x175: {  	[sflag:s31] =	ssyncset.done $0x0  }
0x176: {  	[sflag:s31] =	ssyncadd.s32 $0xFFFFC000  }
0x177: {  	[tilespmem:s23], [sflag:$0x1] =	stream.indirect.gather [hbm4b:s1+s22], $0x80, s11, s22, $0xb8;
	[tilespmem:$0x10880] =	vst v63  }
0x178: {  	_ = 	snop  }
0x179: {  	[tilespmem:s24], [sflag:$0x3] =	stream.indirect.gather [hbm4b:s3+s22], $0x80, s11, s22, $0xb8;
	[tilespmem:$0x10880] =	vst v63  }
0x17a: {  	s0 =	simm.s32 $0x0;
	s16 =	rddreg [dreg:$0xf]  }
0x17b: {  	[hbm4b:s16+s0] =	stream.linear.scatter [tilespmem:s28], [sflag:$0x5], $0x4000, $0x38;
	[tilespmem:$0x10880] =	vst v63  }
0x17c: {  	_ =	swait.ge [sflag:s21], $0x4000  }
0x17d: {  	[sflag:s21] =	ssyncset.done $0x0  }
0x17e: {  	s16 =	simm.s32 $0x0;
	[sflag:s21] =	ssyncadd.s32 $0xFFFFC000  }
0x17f: {  	v0 =	vadd.f32 v8, v0;
	v1 =	vadd.f32 v9, v1;
	v21 =	vld [tilespmem:s16+$0xC870]  }
0x180: {  	v2 =	vadd.f32 v10, v2;
	v3 =	vadd.f32 v11, v3;
	v22 =	vld [tilespmem:s16+$0xC800]  }
0x181: {  	v4 =	vadd.f32 v12, v4;
	v5 =	vadd.f32 v13, v5;
	v12 =	vld [tilespmem:s16+$0xC810]  }
0x182: {  	v6 =	vadd.f32 v14, v6;
	v7 =	vadd.f32 v15, v7;
	v8 =	vld [tilespmem:s16+$0xC820]  }
0x183: {  	v0 =	vadd.f32 v16, v0;
	v1 =	vadd.f32 v17, v1;
	v9 =	vld [tilespmem:s16+$0xC830]  }
0x184: {  	v2 =	vadd.f32 v18, v2;
	v3 =	vadd.f32 v19, v3;
	v10 =	vld [tilespmem:s16+$0xC840]  }
0x185: {  	v4 =	vadd.f32 v20, v4;
	v11 =	vld [tilespmem:s16+$0xC850];
	v5 =	vadd.f32 v21, v5  }
0x186: {  	s15 =	simm.s32 $0x80;
	s0 =	simm.s32 $0x400;
	v6 =	vadd.f32 v22, v6;
	v7 =	vadd.f32 v12, v7;
	v12 =	vld [tilespmem:s16+$0xC860]  }
.LBB2_20:
0x187: {  	p0 =	sne.s32 s0, $0xFE00;
	v13 =	vld [tilespmem:s15+$0xC870];
	v0 =	vadd.f32 v8, v0  }
0x188: {  	v14 =	vld [tilespmem:s15+$0xC800];
	v1 =	vadd.f32 v9, v1  }
0x189: {  	v15 =	vld [tilespmem:s15+$0xC810];
	v2 =	vadd.f32 v10, v2  }
.Ltmp9:
0x18a: {  	v8 =	vld [tilespmem:s15+$0xC820];
	v3 =	vadd.f32 v11, v3;
	(pc) =	sbr.rel @p0 .LBB2_20-.Ltmp9, $4  }
0x18b: {  	v9 =	vld [tilespmem:s15+$0xC830];
	v4 =	vadd.f32 v12, v4  }
0x18c: {  	v10 =	vld [tilespmem:s15+$0xC840];
	v5 =	vadd.f32 v13, v5  }
0x18d: {  	v6 =	vadd.f32 v14, v6;
	v11 =	vld [tilespmem:s15+$0xC850]  }
0x18e: {  	v7 =	vadd.f32 v15, v7;
	v12 =	vld [tilespmem:s15+$0xC860];
	s15 =	sshra.s32 s0, $0x2;
	s0 =	sadd.s32 $0x200, s0  }
0x18f: {  	v13 =	vld [tilespmem:s15+$0xC870]  }
0x190: {  	v14 =	vld [tilespmem:s15+$0xC800]  }
0x191: {  	v15 =	vld [tilespmem:s15+$0xC810]  }
0x192: {  	v16 =	vld [tilespmem:s15+$0xC820]  }
0x193: {  	v17 =	vld [tilespmem:s15+$0xC830]  }
0x194: {  	v18 =	vld [tilespmem:s15+$0xC840]  }
0x195: {  	v19 =	vld [tilespmem:s15+$0xC850]  }
0x196: {  	v20 =	vld [tilespmem:s15+$0xC860];
	_ =	swait.ge [sflag:s25], $0x4000  }
0x197: {  	[sflag:s25] =	ssyncset.done $0x0  }
0x198: {  	[sflag:s25] =	ssyncadd.s32 $0xFFFFC000  }
0x199: {  	_ =	swait.ge [sflag:s26], $0x4000  }
0x19a: {  	[sflag:s26] =	ssyncset.done $0x0  }
0x19b: {  	[sflag:s26] =	ssyncadd.s32 $0xFFFFC000  }
0x19c: {  	[tilespmem:s28], [sflag:$0x2] =	stream.indirect.gather [hbm4b:s1+s22], $0x80, s12, s22, $0xb8;
	[tilespmem:$0x10880] =	vst v63  }
0x19d: {  	_ = 	snop  }
0x19e: {  	[tilespmem:s29], [sflag:$0x4] =	stream.indirect.gather [hbm4b:s3+s22], $0x80, s12, s22, $0xb8;
	[tilespmem:$0x10880] =	vst v63  }
0x19f: {  	s0 =	simm.s32 $0x0;
	s16 =	rddreg [dreg:$0x10]  }
0x1a0: {  	[hbm4b:s16+s0] =	stream.linear.scatter [tilespmem:s23], [sflag:$0x5], $0x4000, $0x38;
	[tilespmem:$0x10880] =	vst v63  }
0x1a1: {  	_ =	swait.ge [sflag:s21], $0x4000  }
0x1a2: {  	[sflag:s21] =	ssyncset.done $0x0  }
0x1a3: {  	s16 =	simm.s32 $0x0;
	[sflag:s21] =	ssyncadd.s32 $0xFFFFC000  }
0x1a4: {  	v0 =	vadd.f32 v8, v0;
	v1 =	vadd.f32 v9, v1;
	v21 =	vld [tilespmem:s16+$0x8870]  }
0x1a5: {  	v2 =	vadd.f32 v10, v2;
	v3 =	vadd.f32 v11, v3;
	v22 =	vld [tilespmem:s16+$0x8800]  }
0x1a6: {  	v4 =	vadd.f32 v12, v4;
	v5 =	vadd.f32 v13, v5;
	v12 =	vld [tilespmem:s16+$0x8810]  }
0x1a7: {  	v6 =	vadd.f32 v14, v6;
	v7 =	vadd.f32 v15, v7;
	v8 =	vld [tilespmem:s16+$0x8820]  }
0x1a8: {  	v0 =	vadd.f32 v16, v0;
	v1 =	vadd.f32 v17, v1;
	v9 =	vld [tilespmem:s16+$0x8830]  }
0x1a9: {  	v2 =	vadd.f32 v18, v2;
	v3 =	vadd.f32 v19, v3;
	v10 =	vld [tilespmem:s16+$0x8840]  }
0x1aa: {  	v4 =	vadd.f32 v20, v4;
	v11 =	vld [tilespmem:s16+$0x8850];
	v5 =	vadd.f32 v21, v5  }
0x1ab: {  	s15 =	simm.s32 $0x80;
	s0 =	simm.s32 $0x400;
	v6 =	vadd.f32 v22, v6;
	v7 =	vadd.f32 v12, v7;
	v12 =	vld [tilespmem:s16+$0x8860]  }
.LBB2_22:
0x1ac: {  	p0 =	sne.s32 s0, $0xFE00;
	v13 =	vld [tilespmem:s15+$0x8870];
	v0 =	vadd.f32 v8, v0  }
0x1ad: {  	v14 =	vld [tilespmem:s15+$0x8800];
	v1 =	vadd.f32 v9, v1  }
0x1ae: {  	v15 =	vld [tilespmem:s15+$0x8810];
	v2 =	vadd.f32 v10, v2  }
.Ltmp10:
0x1af: {  	v8 =	vld [tilespmem:s15+$0x8820];
	v3 =	vadd.f32 v11, v3;
	(pc) =	sbr.rel @p0 .LBB2_22-.Ltmp10, $4  }
0x1b0: {  	v9 =	vld [tilespmem:s15+$0x8830];
	v4 =	vadd.f32 v12, v4  }
0x1b1: {  	v10 =	vld [tilespmem:s15+$0x8840];
	v5 =	vadd.f32 v13, v5  }
0x1b2: {  	v6 =	vadd.f32 v14, v6;
	v11 =	vld [tilespmem:s15+$0x8850]  }
0x1b3: {  	v7 =	vadd.f32 v15, v7;
	v12 =	vld [tilespmem:s15+$0x8860];
	s15 =	sshra.s32 s0, $0x2;
	s0 =	sadd.s32 $0x200, s0  }
0x1b4: {  	v13 =	vld [tilespmem:s15+$0x8870]  }
0x1b5: {  	v14 =	vld [tilespmem:s15+$0x8800]  }
0x1b6: {  	v15 =	vld [tilespmem:s15+$0x8810]  }
0x1b7: {  	v16 =	vld [tilespmem:s15+$0x8820]  }
0x1b8: {  	v17 =	vld [tilespmem:s15+$0x8830]  }
0x1b9: {  	v18 =	vld [tilespmem:s15+$0x8840]  }
0x1ba: {  	v19 =	vld [tilespmem:s15+$0x8850]  }
0x1bb: {  	v20 =	vld [tilespmem:s15+$0x8860];
	_ =	swait.ge [sflag:s30], $0x4000  }
0x1bc: {  	[sflag:s30] =	ssyncset.done $0x0  }
0x1bd: {  	[sflag:s30] =	ssyncadd.s32 $0xFFFFC000  }
0x1be: {  	_ =	swait.ge [sflag:s31], $0x4000  }
0x1bf: {  	[sflag:s31] =	ssyncset.done $0x0  }
0x1c0: {  	[sflag:s31] =	ssyncadd.s32 $0xFFFFC000  }
0x1c1: {  	[tilespmem:s23], [sflag:$0x1] =	stream.indirect.gather [hbm4b:s1+s22], $0x80, s13, s22, $0xb8;
	[tilespmem:$0x10880] =	vst v63  }
0x1c2: {  	_ = 	snop  }
0x1c3: {  	[tilespmem:s24], [sflag:$0x3] =	stream.indirect.gather [hbm4b:s3+s22], $0x80, s13, s22, $0xb8;
	[tilespmem:$0x10880] =	vst v63  }
0x1c4: {  	s0 =	simm.s32 $0x0  }
0x1c5: {  	[hbm4b:s17+s0] =	stream.linear.scatter [tilespmem:s28], [sflag:$0x5], $0x4000, $0x38;
	[tilespmem:$0x10880] =	vst v63  }
0x1c6: {  	_ =	swait.ge [sflag:s21], $0x4000  }
0x1c7: {  	[sflag:s21] =	ssyncset.done $0x0  }
0x1c8: {  	s16 =	simm.s32 $0x0;
	[sflag:s21] =	ssyncadd.s32 $0xFFFFC000  }
0x1c9: {  	v0 =	vadd.f32 v8, v0;
	v1 =	vadd.f32 v9, v1;
	v21 =	vld [tilespmem:s16+$0xC870]  }
0x1ca: {  	v2 =	vadd.f32 v10, v2;
	v3 =	vadd.f32 v11, v3;
	v22 =	vld [tilespmem:s16+$0xC800]  }
0x1cb: {  	v4 =	vadd.f32 v12, v4;
	v5 =	vadd.f32 v13, v5;
	v12 =	vld [tilespmem:s16+$0xC810]  }
0x1cc: {  	v6 =	vadd.f32 v14, v6;
	v7 =	vadd.f32 v15, v7;
	v8 =	vld [tilespmem:s16+$0xC820]  }
0x1cd: {  	v0 =	vadd.f32 v16, v0;
	v1 =	vadd.f32 v17, v1;
	v9 =	vld [tilespmem:s16+$0xC830]  }
0x1ce: {  	v2 =	vadd.f32 v18, v2;
	v3 =	vadd.f32 v19, v3;
	v10 =	vld [tilespmem:s16+$0xC840]  }
0x1cf: {  	v4 =	vadd.f32 v20, v4;
	v11 =	vld [tilespmem:s16+$0xC850];
	v5 =	vadd.f32 v21, v5  }
0x1d0: {  	s15 =	simm.s32 $0x80;
	s0 =	simm.s32 $0x400;
	v6 =	vadd.f32 v22, v6;
	v7 =	vadd.f32 v12, v7;
	v12 =	vld [tilespmem:s16+$0xC860]  }
.LBB2_24:
0x1d1: {  	p0 =	sne.s32 s0, $0xFE00;
	v13 =	vld [tilespmem:s15+$0xC870];
	v0 =	vadd.f32 v8, v0  }
0x1d2: {  	v14 =	vld [tilespmem:s15+$0xC800];
	v1 =	vadd.f32 v9, v1  }
0x1d3: {  	v15 =	vld [tilespmem:s15+$0xC810];
	v2 =	vadd.f32 v10, v2  }
.Ltmp11:
0x1d4: {  	v8 =	vld [tilespmem:s15+$0xC820];
	v3 =	vadd.f32 v11, v3;
	(pc) =	sbr.rel @p0 .LBB2_24-.Ltmp11, $4  }
0x1d5: {  	v9 =	vld [tilespmem:s15+$0xC830];
	v4 =	vadd.f32 v12, v4  }
0x1d6: {  	v10 =	vld [tilespmem:s15+$0xC840];
	v5 =	vadd.f32 v13, v5  }
0x1d7: {  	v6 =	vadd.f32 v14, v6;
	v11 =	vld [tilespmem:s15+$0xC850]  }
0x1d8: {  	v7 =	vadd.f32 v15, v7;
	v12 =	vld [tilespmem:s15+$0xC860];
	s15 =	sshra.s32 s0, $0x2;
	s0 =	sadd.s32 $0x200, s0  }
0x1d9: {  	v13 =	vld [tilespmem:s15+$0xC870]  }
0x1da: {  	v14 =	vld [tilespmem:s15+$0xC800]  }
0x1db: {  	v15 =	vld [tilespmem:s15+$0xC810]  }
0x1dc: {  	v16 =	vld [tilespmem:s15+$0xC820]  }
0x1dd: {  	v17 =	vld [tilespmem:s15+$0xC830]  }
0x1de: {  	v18 =	vld [tilespmem:s15+$0xC840]  }
0x1df: {  	v19 =	vld [tilespmem:s15+$0xC850]  }
0x1e0: {  	v20 =	vld [tilespmem:s15+$0xC860];
	_ =	swait.ge [sflag:s25], $0x4000  }
0x1e1: {  	[sflag:s25] =	ssyncset.done $0x0  }
0x1e2: {  	[sflag:s25] =	ssyncadd.s32 $0xFFFFC000  }
0x1e3: {  	_ =	swait.ge [sflag:s26], $0x4000  }
0x1e4: {  	[sflag:s26] =	ssyncset.done $0x0  }
0x1e5: {  	s0 =	simm.s32 $0x0;
	[sflag:s26] =	ssyncadd.s32 $0xFFFFC000  }
0x1e6: {  	[hbm4b:s18+s0] =	stream.linear.scatter [tilespmem:s23], [sflag:$0x5], $0x4000, $0x38;
	[tilespmem:$0x10880] =	vst v63  }
0x1e7: {  	_ =	swait.ge [sflag:s21], $0x4000  }
0x1e8: {  	[sflag:s21] =	ssyncset.done $0x0  }
0x1e9: {  	s16 =	simm.s32 $0x0;
	[sflag:s21] =	ssyncadd.s32 $0xFFFFC000  }
0x1ea: {  	v0 =	vadd.f32 v8, v0;
	v1 =	vadd.f32 v9, v1;
	v9 =	vld [tilespmem:s16+$0x8870]  }
0x1eb: {  	v2 =	vadd.f32 v10, v2;
	v8 =	vadd.f32 v11, v3;
	v10 =	vld [tilespmem:s16+$0x8800]  }
0x1ec: {  	v11 =	vadd.f32 v12, v4;
	v12 =	vadd.f32 v13, v5;
	v13 =	vld [tilespmem:s16+$0x8810]  }
0x1ed: {  	v14 =	vadd.f32 v14, v6;
	v15 =	vadd.f32 v15, v7;
	v6 =	vld [tilespmem:s16+$0x8820]  }
0x1ee: {  	v5 =	vadd.f32 v16, v0;
	v4 =	vadd.f32 v17, v1;
	v7 =	vld [tilespmem:s16+$0x8830]  }
0x1ef: {  	v3 =	vadd.f32 v18, v2;
	v2 =	vadd.f32 v19, v8;
	v8 =	vld [tilespmem:s16+$0x8840]  }
0x1f0: {  	v1 =	vadd.f32 v20, v11;
	v0 =	vadd.f32 v9, v12;
	v9 =	vld [tilespmem:s16+$0x8850]  }
0x1f1: {  	s15 =	simm.s32 $0x80;
	s0 =	simm.s32 $0x400;
	v10 =	vadd.f32 v10, v14;
	v11 =	vadd.f32 v13, v15;
	v12 =	vld [tilespmem:s16+$0x8860]  }
.LBB2_26:
0x1f2: {  	p0 =	sne.s32 s0, $0xFE00;
	v13 =	vld [tilespmem:s15+$0x8870];
	v5 =	vadd.f32 v6, v5  }
0x1f3: {  	v14 =	vld [tilespmem:s15+$0x8800];
	v4 =	vadd.f32 v7, v4  }
0x1f4: {  	v15 =	vld [tilespmem:s15+$0x8810];
	v3 =	vadd.f32 v8, v3  }
.Ltmp12:
0x1f5: {  	v6 =	vld [tilespmem:s15+$0x8820];
	v2 =	vadd.f32 v9, v2;
	(pc) =	sbr.rel @p0 .LBB2_26-.Ltmp12, $4  }
0x1f6: {  	v7 =	vld [tilespmem:s15+$0x8830];
	v1 =	vadd.f32 v12, v1  }
0x1f7: {  	v8 =	vld [tilespmem:s15+$0x8840];
	v0 =	vadd.f32 v13, v0  }
0x1f8: {  	v10 =	vadd.f32 v14, v10;
	v9 =	vld [tilespmem:s15+$0x8850]  }
0x1f9: {  	v11 =	vadd.f32 v15, v11;
	v12 =	vld [tilespmem:s15+$0x8860];
	s15 =	sshra.s32 s0, $0x2;
	s0 =	sadd.s32 $0x200, s0  }
0x1fa: {  	v14 =	vld [tilespmem:s15+$0x8800]  }
0x1fb: {  	v15 =	vld [tilespmem:s15+$0x8810]  }
0x1fc: {  	v16 =	vld [tilespmem:s15+$0x8820]  }
0x1fd: {  	v17 =	vld [tilespmem:s15+$0x8830]  }
0x1fe: {  	v18 =	vld [tilespmem:s15+$0x8840]  }
0x1ff: {  	v5 =	vadd.f32 v6, v5;
	v61 =	vld [tilespmem:s15+$0x8850];
	v60 =	vadd.f32 v14, v10  }
0x200: {  	v13 =	vld [tilespmem:s15+$0x8870];
	v4 =	vadd.f32 v7, v4;
	v62 =	vadd.f32 v15, v11  }
0x201: {  	v63 =	vld [tilespmem:s15+$0x8860];
	v3 =	vadd.f32 v8, v3;
	v5 =	vadd.f32 v16, v5;
	[tilespmem:$0x10800] =	vst v60  }
0x202: {  	v2 =	vadd.f32 v9, v2;
	v4 =	vadd.f32 v17, v4;
	[tilespmem:$0x10810] =	vst v62  }
0x203: {  	v3 =	vadd.f32 v18, v3;
	[tilespmem:$0x10820] =	vst v5  }
0x204: {  	v1 =	vadd.f32 v12, v1;
	v2 =	vadd.f32 v61, v2;
	[tilespmem:$0x10830] =	vst v4  }
0x205: {  	v0 =	vadd.f32 v13, v0;
	[tilespmem:$0x10840] =	vst v3  }
0x206: {  	s14 =	sadd.s32 $0x1, s14;
	v1 =	vadd.f32 v63, v1;
	[tilespmem:$0x10850] =	vst v2  }
0x207: {  	p0 =	sne.s32 s14, s20;
	[tilespmem:$0x10870] =	vst v0  }
.Ltmp13:
0x208: {  	s0 =	simm.s32 $0x10800;
	[tilespmem:$0x10860] =	vst v1;
	(pc) =	sbr.rel @p0 .LBB2_1-.Ltmp13, $4  }
0x209: {  	[hbm4b:s19+s4] =	stream.linear.scatter [tilespmem:s0], [sflag:$0x5], $0x80, $0x38;
	[tilespmem:$0x10880] =	vst v63  }
0x20a: {  	_ =	swait.ge [sflag:s21], $0x80  }
0x20b: {  	[sflag:s21] =	ssyncset.done $0x0  }
0x20c: {  	[sflag:s21] =	ssyncadd.s32 $0xFFFFFF80  }
0x20d: {  	_ =	sfence.sel $0x180000  }
0x20e: {  	[bflag:$0x0] =	sbarrier.arrive $0xFFFF  }
0x20f: {  	_ =	strace $0x90000047  }
0x210: {  	s0 =	stileid.u32;
	[bflag:$0x2] =	sbarrier.arrive $0xFFFF  }
0x211: {  	p0 =	sne.s32 s0, $0x0;
	s0 =	rddreg [dreg:$0x4]  }
0x212: {  	s0 =	sadd.s32 @!p0 $0x100000, s0  }
0x213: {  	[sflag:s0] =	ssyncadd.tile.s32 @!p0 $0x1;
	_ =	shalt  }
.Lfunc_end2:
_tile_overlayer_lowered:
.L_overlay_start_2:
0x214: {  	(tag) =	ssettag $0x2  }
0x215: {  	s0 =	rddreg [dreg:$0x0];
	s2 =	stileid.u32  }
0x216: {  	s1 =	rddreg [dreg:$0x1];
	p0 =	sne.s32 s2, $0x0  }
0x217: {  	s3 =	rddreg [dreg:$0x2];
	[bflag:$0x3] =	sbarrier.arrive $0xFFFF;
	s2 =	simm.s32 @!p0 $0x1C05  }
0x218: {  	[timem:s3], [sflag:s2] =	dma.local @!p0 [hbm:s0], s1  }
0x219: {  	s0 =	simm.s32 @!p0 $0x5  }
0x21a: {  	_ =	swait.ge @!p0 [sflag:s0], s1  }
0x21b: {  	s1 =	ssub.s32 @!p0 $0x0, s1;
	[sflag:s0] =	ssyncset.done @!p0 $0x0  }
0x21c: {  	[sflag:s0] =	ssyncadd.s32 @!p0 s1  }
0x21d: {  	[bflag:$0x3] =	sbarrier.arrive $0xFFFF  }
0x21e: {  	_ =	shalt  }

</sc_bundles>
